<compile_context>
chip_gen: v7x
topology: tpu7x:2x2x1
jax: 0.10.2.dev20260603
libtpu: 0.0.44.dev20260713+nightly
codegen_flags: <defaults>
</compile_context>

<pallas_src>
import jax
import jax.numpy as jnp
import numpy as np
from jax import lax
from jax.experimental import pallas as pl
from jax.experimental.pallas import tpu as pltpu
from jax.experimental.pallas import tpu_sc as plsc

BATCH = 1024
SEQ = 200
D = 128
NUM_CLASS = 4
NUM_SNV = 5
NUM_CHROM = 25
MAX_LEN = 5000
TOKENS = BATCH * SEQ

NUM_CORES = 2
NUM_SUBCORES = 16
NW = NUM_CORES * NUM_SUBCORES
PER_W = TOKENS // NW
CHUNK = 128
NCHUNK = PER_W // CHUNK
NB = 3

FUSED_ROWS = 512
ROWS_PER_SUB = FUSED_ROWS // NUM_SUBCORES


def _pos_table() -> jnp.ndarray:
    pos = np.arange(MAX_LEN, dtype=np.float32).reshape(-1, 1)
    denoms = np.power(10000.0, np.arange(0, D, 2, dtype=np.float32) / D)
    x = pos / denoms
    p = np.zeros((MAX_LEN, D), dtype=np.float32)
    p[:, 0::2] = np.sin(x)
    p[:, 1::2] = np.cos(x)
    return jnp.asarray(p)


def _sc_body(p_hbm, snv_hbm, chr_hbm, idx_hbm, out_hbm,
             pos2, fused2, tabrows, p_sp, tab_sp, *rest):
    wid = lax.axis_index("s") * NUM_CORES + lax.axis_index("c")
    sid = lax.axis_index("s")
    base0 = wid * PER_W

    bufs = rest[0:NB]
    psems = rest[NB:2 * NB]
    tsems = rest[2 * NB:3 * NB]
    osems = rest[3 * NB:4 * NB]

    @pl.when(sid == 0)
    def _():
        pltpu.sync_copy(p_hbm, p_sp)

    def build_tab(snv_v, chr_v):
        pltpu.sync_copy(snv_hbm, snv_v)
        pltpu.sync_copy(chr_hbm, chr_v)
        r0 = sid * ROWS_PER_SUB

        def brow(i, c):
            r = r0 + i
            c_id = r // 125
            s_id = (r // 25) % 5
            ch_id = r % 25
            for j in range(D // 16):
                sl = pl.ds(j * 16, 16)
                v = snv_v[s_id, sl] + chr_v[ch_id, sl]
                if j == 0:
                    one = jnp.where(lax.iota(jnp.int32, 16) == c_id, 1.0, 0.0)
                    v = v + one.astype(jnp.float32)
                tabrows[i, sl] = v
            return c

        lax.fori_loop(0, ROWS_PER_SUB, brow, 0)
        pltpu.sync_copy(tabrows, tab_sp.at[pl.ds(sid * ROWS_PER_SUB,
                                                 ROWS_PER_SUB)])

    pl.run_scoped(
        build_tab,
        pltpu.VMEM((8, D), jnp.float32),
        pltpu.VMEM((32, D), jnp.float32),
    )

    pltpu.sync_copy(idx_hbm.at[0, wid], pos2)

    def prolog(cls_t, snv_t, chr_t):
        pltpu.sync_copy(idx_hbm.at[1, wid], cls_t)
        pltpu.sync_copy(idx_hbm.at[2, wid], snv_t)
        pltpu.sync_copy(idx_hbm.at[3, wid], chr_t)

        def frow(g, c):
            for i in range(CHUNK // 16):
                sl = pl.ds(i * 16, 16)
                fused2[g, sl] = cls_t[g, sl] * 125 + snv_t[g, sl] * 25 + chr_t[g, sl]
            return c

        lax.fori_loop(0, NCHUNK, frow, 0)

    pl.run_scoped(
        prolog,
        pltpu.VMEM((NCHUNK, CHUNK), jnp.int32),
        pltpu.VMEM((NCHUNK, CHUNK), jnp.int32),
        pltpu.VMEM((NCHUNK, CHUNK), jnp.int32),
    )

    plsc.subcore_barrier()

    pcp = [None] * NCHUNK
    tcp = [None] * NCHUNK
    scp = [None] * NCHUNK
    for step in range(NCHUNK + 2):
        g = step
        if g < NCHUNK:
            b = g % NB
            if g >= NB:
                scp[g - NB].wait()
            p_src = p_hbm if g % 4 == 3 else p_sp
            pcp[g] = pltpu.async_copy(p_src.at[pos2.at[g]], bufs[b], psems[b])
        ga = step - 1
        if 0 <= ga < NCHUNK:
            b = ga % NB
            pcp[ga].wait()
            tcp[ga] = pltpu.async_copy(tab_sp.at[fused2.at[ga]], bufs[b],
                                       tsems[b], add=True)
        gs = step - 2
        if 0 <= gs < NCHUNK:
            b = gs % NB
            tcp[gs].wait()
            scp[gs] = pltpu.async_copy(
                bufs[b], out_hbm.at[pl.ds(base0 + gs * CHUNK, CHUNK)], osems[b])

    for g in range(NCHUNK - NB, NCHUNK):
        scp[g].wait()


@jax.jit
def _run(p, snv_pad, chrom_pad, idx4):
    mesh = plsc.VectorSubcoreMesh(core_axis_name="c", subcore_axis_name="s")
    f = pl.kernel(
        _sc_body,
        mesh=mesh,
        out_type=jax.ShapeDtypeStruct((TOKENS, D), jnp.float32),
        scratch_types=[
            pltpu.VMEM((NCHUNK, CHUNK), jnp.int32),
            pltpu.VMEM((NCHUNK, CHUNK), jnp.int32),
            pltpu.VMEM((ROWS_PER_SUB, D), jnp.float32),
            pltpu.VMEM_SHARED((MAX_LEN, D), jnp.float32),
            pltpu.VMEM_SHARED((FUSED_ROWS, D), jnp.float32),
        ] + [pltpu.VMEM((CHUNK, D), jnp.float32)] * NB
          + [pltpu.SemaphoreType.DMA] * (3 * NB),
    )
    return f(p, snv_pad, chrom_pad, idx4)


def kernel(snvs, chromosomes, positions, class_ids, snv_table, chrom_table):
    snv_pad = jnp.zeros((8, D), jnp.float32).at[0:NUM_SNV, 4:124].set(
        snv_table.astype(jnp.float32))
    chrom_pad = jnp.zeros((32, D), jnp.float32).at[0:NUM_CHROM, 124:128].set(
        chrom_table.astype(jnp.float32))
    p = _pos_table()
    idx4 = jnp.stack([positions.astype(jnp.int32), class_ids.astype(jnp.int32),
                      snvs.astype(jnp.int32), chromosomes.astype(jnp.int32)]
                     ).reshape(4, NW, NCHUNK, CHUNK)
    out = _run(p, snv_pad, chrom_pad, idx4)
    return out.reshape(BATCH, SEQ, D)

# --- scband reference (transcript-rebuilt; emitter-appended) ---
"""Pipeline reference for scband-vectorizer-81389630259505 (READ-ONLY COPY).

The authoritative reference and input builder live on the scoring server;
editing this copy changes nothing except your own understanding.
"""

import jax, jax.numpy as jnp
import numpy as np

BATCH = 1024
SEQ = 200
EMBED_DIM = 128
NUM_CLASS_TYPES = 4   # len(InputTypes): pad, snv, pheno, class_tok
CHROM_EMBED = 4
NUM_SNV = 5
NUM_CHROM = 25
GENE_EMBED = 0
SNV_EMBED = EMBED_DIM - NUM_CLASS_TYPES - CHROM_EMBED - GENE_EMBED  # 120, pos_combine='add'
MAX_LEN = 5000


def make_pos_table():
    # ExplicitPositionalEncoding buffer P[max_len, d_model]
    pos = np.arange(MAX_LEN, dtype=np.float32).reshape(-1, 1)
    denoms = np.power(10000.0, np.arange(0, EMBED_DIM, 2, dtype=np.float32) / EMBED_DIM)
    X = pos / denoms
    P = np.zeros((MAX_LEN, EMBED_DIM), dtype=np.float32)
    P[:, 0::2] = np.sin(X)
    P[:, 1::2] = np.cos(X)
    return jnp.asarray(P)


def setup_inputs(seed: int = 0) -> dict:
    key = jax.random.key(seed)
    k1, k2, k3, k4, k5, k6 = jax.random.split(key, 6)
    snvs = jax.random.randint(k1, (BATCH, SEQ), 0, NUM_SNV, dtype=jnp.int64 if jax.config.jax_enable_x64 else jnp.int32)
    chromosomes = jax.random.randint(k2, (BATCH, SEQ), 0, NUM_CHROM, dtype=jnp.int32)
    positions = jax.random.randint(k3, (BATCH, SEQ), 0, MAX_LEN, dtype=jnp.int32)
    class_ids = jax.random.randint(k4, (BATCH, SEQ), 0, NUM_CLASS_TYPES, dtype=jnp.int32)
    snv_table = jax.random.normal(k5, (NUM_SNV, SNV_EMBED), dtype=jnp.float32)
    chrom_table = jax.random.normal(k6, (NUM_CHROM, CHROM_EMBED), dtype=jnp.float32)
    return {
        "snvs": snvs,
        "chromosomes": chromosomes,
        "positions": positions,
        "class_ids": class_ids,
        "snv_table": snv_table,
        "chrom_table": chrom_table,
    }


def reference(snvs, chromosomes, positions, class_ids, snv_table, chrom_table):
    P = make_pos_table()
    # class-type one-hot encoding (class_embed_size = len(InputTypes))
    class_emb = jax.nn.one_hot(class_ids, NUM_CLASS_TYPES, dtype=jnp.float32)
    # SNV embedding lookup
    snv_emb = jnp.take(snv_table, snvs, axis=0)
    # chromosome embedding lookup
    chrom_emb = jnp.take(chrom_table, chromosomes, axis=0)
    # concatenate token features to total_embed_dim
    emb = jnp.concatenate([class_emb, snv_emb, chrom_emb], axis=-1)  # [B, S, EMBED_DIM]
    # fixed positional encoding gathered by position, pos_combine='add'
    pos_enc = jnp.take(P, positions, axis=0)  # [B, S, EMBED_DIM]
    out = emb + pos_enc
    return out

if __name__ == "__main__":
    import jax
    _d = setup_inputs()
    print(jax.jit(kernel)(*tuple(_d.values())))

</pallas_src>

<mosaic_0001>
#map = affine_map<(d0, d1) -> (0, 0)>
#map1 = affine_map<(d0, d1) -> (0, 0, 0, 0)>
module attributes {stable_mosaic.version = 14 : i64} {
  func.func @_sc_body(%arg0: i32, %arg1: i32, %arg2: memref<5000x128xf32, #tpu.memory_space<hbm>>, %arg3: memref<8x128xf32, #tpu.memory_space<hbm>>, %arg4: memref<32x128xf32, #tpu.memory_space<hbm>>, %arg5: memref<4x32x50x128xi32, #tpu.memory_space<hbm>>, %arg6: memref<204800x128xf32, #tpu.memory_space<hbm>>, %arg7: memref<50x128xi32, #tpu.memory_space<vmem>>, %arg8: memref<50x128xi32, #tpu.memory_space<vmem>>, %arg9: memref<32x128xf32, #tpu.memory_space<vmem>>, %arg10: memref<5000x128xf32, #tpu.memory_space<vmem_shared>>, %arg11: memref<512x128xf32, #tpu.memory_space<vmem_shared>>, %arg12: memref<128x128xf32, #tpu.memory_space<vmem>>, %arg13: memref<128x128xf32, #tpu.memory_space<vmem>>, %arg14: memref<128x128xf32, #tpu.memory_space<vmem>>, %arg15: memref<!tpu.dma_semaphore, #tpu.memory_space<semaphore_mem>>, %arg16: memref<!tpu.dma_semaphore, #tpu.memory_space<semaphore_mem>>, %arg17: memref<!tpu.dma_semaphore, #tpu.memory_space<semaphore_mem>>, %arg18: memref<!tpu.dma_semaphore, #tpu.memory_space<semaphore_mem>>, %arg19: memref<!tpu.dma_semaphore, #tpu.memory_space<semaphore_mem>>, %arg20: memref<!tpu.dma_semaphore, #tpu.memory_space<semaphore_mem>>, %arg21: memref<!tpu.dma_semaphore, #tpu.memory_space<semaphore_mem>>, %arg22: memref<!tpu.dma_semaphore, #tpu.memory_space<semaphore_mem>>, %arg23: memref<!tpu.dma_semaphore, #tpu.memory_space<semaphore_mem>>) attributes {dimension_semantics = [#tpu.dimension_semantics<core_parallel>, #tpu.dimension_semantics<subcore_parallel>], iteration_bounds = array<i64: 2, 16>, scalar_prefetch = 0 : i64, scratch_operands = 17 : i64, tpu.core_type = #tpu.core_type<sc_vector_subcore>, window_params = [{transform_indices = #map}, {transform_indices = #map}, {transform_indices = #map}, {transform_indices = #map1}, {transform_indices = #map}]} {
    %mul3A = arith.constant 2 : i32
    %mul3A_0 = arith.muli %arg1, %mul3A : i32
    %add3A = arith.addi %mul3A_0, %arg0 : i32
    %mul3A_1 = arith.constant 6400 : i32
    %mul3A_2 = arith.muli %add3A, %mul3A_1 : i32
    %eq3A = arith.constant 0 : i32
    %eq3A_3 = arith.cmpi eq, %arg1, %eq3A : i32
    %convert_element_type3A = arith.extui %eq3A_3 : i1 to i32
    %cond3A = arith.constant 0 : i32
    %cond3A_4 = arith.cmpi ne, %convert_element_type3A, %cond3A : i32
    scf.if %cond3A_4 {
      "tpu.region"() ({
        %run_scoped3A_1903 = tpu.sem_alloc : memref<!tpu.dma_semaphore, #tpu.memory_space<semaphore_mem>>
        tpu.enqueue_dma source(%arg2 : memref<5000x128xf32, #tpu.memory_space<hbm>>) target(%arg10 : memref<5000x128xf32, #tpu.memory_space<vmem_shared>>) target_semaphore(%run_scoped3A_1903 : memref<!tpu.dma_semaphore, #tpu.memory_space<semaphore_mem>>)
        tpu.wait_dma2 semaphore(%run_scoped3A_1903 : memref<!tpu.dma_semaphore, #tpu.memory_space<semaphore_mem>>) src(%arg2 : memref<5000x128xf32, #tpu.memory_space<hbm>>) dst(%arg10 : memref<5000x128xf32, #tpu.memory_space<vmem_shared>>)
        tpu.yield
      }) : () -> ()
    } else {
    }
    "tpu.region"() ({
      %run_scoped3A_1903 = memref.alloca() : memref<8x128xf32, #tpu.memory_space<vmem>>
      %run_scoped3A_1904 = memref.alloca() : memref<32x128xf32, #tpu.memory_space<vmem>>
      "tpu.region"() ({
        %run_scoped3A_1914 = tpu.sem_alloc : memref<!tpu.dma_semaphore, #tpu.memory_space<semaphore_mem>>
        tpu.enqueue_dma source(%arg3 : memref<8x128xf32, #tpu.memory_space<hbm>>) target(%run_scoped3A_1903 : memref<8x128xf32, #tpu.memory_space<vmem>>) target_semaphore(%run_scoped3A_1914 : memref<!tpu.dma_semaphore, #tpu.memory_space<semaphore_mem>>)
        tpu.wait_dma2 semaphore(%run_scoped3A_1914 : memref<!tpu.dma_semaphore, #tpu.memory_space<semaphore_mem>>) src(%arg3 : memref<8x128xf32, #tpu.memory_space<hbm>>) dst(%run_scoped3A_1903 : memref<8x128xf32, #tpu.memory_space<vmem>>)
        tpu.yield
      }) : () -> ()
      "tpu.region"() ({
        %run_scoped3A_1914 = tpu.sem_alloc : memref<!tpu.dma_semaphore, #tpu.memory_space<semaphore_mem>>
        tpu.enqueue_dma source(%arg4 : memref<32x128xf32, #tpu.memory_space<hbm>>) target(%run_scoped3A_1904 : memref<32x128xf32, #tpu.memory_space<vmem>>) target_semaphore(%run_scoped3A_1914 : memref<!tpu.dma_semaphore, #tpu.memory_space<semaphore_mem>>)
        tpu.wait_dma2 semaphore(%run_scoped3A_1914 : memref<!tpu.dma_semaphore, #tpu.memory_space<semaphore_mem>>) src(%arg4 : memref<32x128xf32, #tpu.memory_space<hbm>>) dst(%run_scoped3A_1904 : memref<32x128xf32, #tpu.memory_space<vmem>>)
        tpu.yield
      }) : () -> ()
      %mul3A_1905 = arith.constant 32 : i32
      %mul3A_1906 = arith.muli %arg1, %mul3A_1905 : i32
      %scan3A = arith.constant 0 : i32
      %scan3A_1907 = arith.constant 0 : i32
      %scan3A_1908 = arith.constant 32 : i32
      %scan3A_1909 = arith.addi %scan3A_1907, %scan3A_1908 : i32
      %scan3A_1910 = arith.constant 1 : i32
      scf.for %scan3A_1914 = %scan3A_1907 to %scan3A_1909 step %scan3A_1910  : i32 {
        %add3A_1915 = arith.addi %mul3A_1906, %scan3A_1914 : i32
        %jit3A = arith.constant 125 : i32
        %div3A = arith.divsi %add3A_1915, %jit3A : i32
        %sign3A = arith.constant 0 : i32
        %sign3A_1916 = arith.cmpi sgt, %add3A_1915, %sign3A : i32
        %sign3A_1917 = arith.extui %sign3A_1916 : i1 to i32
        %sign3A_1918 = arith.constant 0 : i32
        %sign3A_1919 = arith.cmpi slt, %add3A_1915, %sign3A_1918 : i32
        %sign3A_1920 = arith.extui %sign3A_1919 : i1 to i32
        %sign3A_1921 = arith.subi %sign3A_1917, %sign3A_1920 : i32
        %sign3A_1922 = arith.constant 0 : i32
        %sign3A_1923 = arith.cmpi sgt, %jit3A, %sign3A_1922 : i32
        %sign3A_1924 = arith.extui %sign3A_1923 : i1 to i32
        %sign3A_1925 = arith.constant 0 : i32
        %sign3A_1926 = arith.cmpi slt, %jit3A, %sign3A_1925 : i32
        %sign3A_1927 = arith.extui %sign3A_1926 : i1 to i32
        %sign3A_1928 = arith.subi %sign3A_1924, %sign3A_1927 : i32
        %ne3A = arith.cmpi ne, %sign3A_1921, %sign3A_1928 : i32
        %rem3A = arith.remsi %add3A_1915, %jit3A : i32
        %ne3A_1929 = arith.constant 0 : i32
        %ne3A_1930 = arith.cmpi ne, %rem3A, %ne3A_1929 : i32
        %and3A = arith.andi %ne3A, %ne3A_1930 : i1
        %sub3A = arith.constant 1 : i32
        %sub3A_1931 = arith.subi %div3A, %sub3A : i32
        %select_n3A = arith.select %and3A, %sub3A_1931, %div3A : i32
        %jit3A_1932 = arith.constant 25 : i32
        %div3A_1933 = arith.divsi %add3A_1915, %jit3A_1932 : i32
        %sign3A_1934 = arith.constant 0 : i32
        %sign3A_1935 = arith.cmpi sgt, %add3A_1915, %sign3A_1934 : i32
        %sign3A_1936 = arith.extui %sign3A_1935 : i1 to i32
        %sign3A_1937 = arith.constant 0 : i32
        %sign3A_1938 = arith.cmpi slt, %add3A_1915, %sign3A_1937 : i32
        %sign3A_1939 = arith.extui %sign3A_1938 : i1 to i32
        %sign3A_1940 = arith.subi %sign3A_1936, %sign3A_1939 : i32
        %sign3A_1941 = arith.constant 0 : i32
        %sign3A_1942 = arith.cmpi sgt, %jit3A_1932, %sign3A_1941 : i32
        %sign3A_1943 = arith.extui %sign3A_1942 : i1 to i32
        %sign3A_1944 = arith.constant 0 : i32
        %sign3A_1945 = arith.cmpi slt, %jit3A_1932, %sign3A_1944 : i32
        %sign3A_1946 = arith.extui %sign3A_1945 : i1 to i32
        %sign3A_1947 = arith.subi %sign3A_1943, %sign3A_1946 : i32
        %ne3A_1948 = arith.cmpi ne, %sign3A_1940, %sign3A_1947 : i32
        %rem3A_1949 = arith.remsi %add3A_1915, %jit3A_1932 : i32
        %ne3A_1950 = arith.constant 0 : i32
        %ne3A_1951 = arith.cmpi ne, %rem3A_1949, %ne3A_1950 : i32
        %and3A_1952 = arith.andi %ne3A_1948, %ne3A_1951 : i1
        %sub3A_1953 = arith.constant 1 : i32
        %sub3A_1954 = arith.subi %div3A_1933, %sub3A_1953 : i32
        %select_n3A_1955 = arith.select %and3A_1952, %sub3A_1954, %div3A_1933 : i32
        %jit3A_1956 = arith.constant 5 : i32
        %eq3A_1957 = arith.constant 0 : i32
        %eq3A_1958 = arith.cmpi eq, %jit3A_1956, %eq3A_1957 : i32
        %jit3A_1959 = arith.constant 1 : i32
        %select_n3A_1960 = arith.select %eq3A_1958, %jit3A_1959, %jit3A_1956 : i32
        %rem3A_1961 = arith.remsi %select_n3A_1955, %select_n3A_1960 : i32
        %ne3A_1962 = arith.constant 0 : i32
        %ne3A_1963 = arith.cmpi ne, %rem3A_1961, %ne3A_1962 : i32
        %lt3A = arith.constant 0 : i32
        %lt3A_1964 = arith.cmpi slt, %rem3A_1961, %lt3A : i32
        %lt3A_1965 = arith.constant 0 : i32
        %lt3A_1966 = arith.cmpi slt, %select_n3A_1960, %lt3A_1965 : i32
        %ne3A_1967 = arith.xori %lt3A_1964, %lt3A_1966 : i1
        %and3A_1968 = arith.andi %ne3A_1967, %ne3A_1963 : i1
        %add3A_1969 = arith.addi %rem3A_1961, %select_n3A_1960 : i32
        %select_n3A_1970 = arith.select %and3A_1968, %add3A_1969, %rem3A_1961 : i32
        %jit3A_1971 = arith.constant 25 : i32
        %eq3A_1972 = arith.constant 0 : i32
        %eq3A_1973 = arith.cmpi eq, %jit3A_1971, %eq3A_1972 : i32
        %jit3A_1974 = arith.constant 1 : i32
        %select_n3A_1975 = arith.select %eq3A_1973, %jit3A_1974, %jit3A_1971 : i32
        %rem3A_1976 = arith.remsi %add3A_1915, %select_n3A_1975 : i32
        %ne3A_1977 = arith.constant 0 : i32
        %ne3A_1978 = arith.cmpi ne, %rem3A_1976, %ne3A_1977 : i32
        %lt3A_1979 = arith.constant 0 : i32
        %lt3A_1980 = arith.cmpi slt, %rem3A_1976, %lt3A_1979 : i32
        %lt3A_1981 = arith.constant 0 : i32
        %lt3A_1982 = arith.cmpi slt, %select_n3A_1975, %lt3A_1981 : i32
        %ne3A_1983 = arith.xori %lt3A_1980, %lt3A_1982 : i1
        %and3A_1984 = arith.andi %ne3A_1983, %ne3A_1978 : i1
        %add3A_1985 = arith.addi %rem3A_1976, %select_n3A_1975 : i32
        %select_n3A_1986 = arith.select %and3A_1984, %add3A_1985, %rem3A_1976 : i32
        %get3A = arith.index_cast %select_n3A_1970 : i32 to index
        %get3A_1987 = arith.constant 0 : index
        %get3A_1988 = tpu.vector_load %run_scoped3A_1903[%get3A, %get3A_1987] {strides = array<i32>} : memref<8x128xf32, #tpu.memory_space<vmem>>, vector<1x16xf32>,
        %get3A_1989 = vector.shape_cast %get3A_1988 : vector<1x16xf32> to vector<16xf32>
        %get3A_1990 = arith.index_cast %select_n3A_1986 : i32 to index
        %get3A_1991 = arith.constant 0 : index
        %get3A_1992 = tpu.vector_load %run_scoped3A_1904[%get3A_1990, %get3A_1991] {strides = array<i32>} : memref<32x128xf32, #tpu.memory_space<vmem>>, vector<1x16xf32>,
        %get3A_1993 = vector.shape_cast %get3A_1992 : vector<1x16xf32> to vector<16xf32>
        %add3A_1994 = arith.addf %get3A_1989, %get3A_1993 : vector<16xf32>
        %iota3A = tpu.iota {dimensions = array<i32: 0>} : vector<16xi32>
        %eq3A_1995 = vector.broadcast %select_n3A : i32 to vector<16xi32>
        %eq3A_1996 = arith.cmpi eq, %iota3A, %eq3A_1995 : vector<16xi32>
        %jit3A_1997 = arith.constant 1.000000e+00 : f32
        %jit3A_1998 = arith.constant 0.000000e+00 : f32
        %broadcast_in_dim3A = vector.broadcast %jit3A_1997 : f32 to vector<16xf32>
        %broadcast_in_dim3A_1999 = vector.broadcast %jit3A_1998 : f32 to vector<16xf32>
        %select_n3A_2000 = arith.select %eq3A_1996, %broadcast_in_dim3A, %broadcast_in_dim3A_1999 : vector<16xi1>, vector<16xf32>
        %add3A_2001 = arith.addf %add3A_1994, %select_n3A_2000 : vector<16xf32>
        %swap3A = arith.index_cast %scan3A_1914 : i32 to index
        %swap3A_2002 = arith.constant 0 : index
        %swap3A_2003 = tpu.vector_load %arg9[%swap3A, %swap3A_2002] {strides = array<i32>} : memref<32x128xf32, #tpu.memory_space<vmem>>, vector<1x16xf32>,
        %swap3A_2004 = vector.shape_cast %swap3A_2003 : vector<1x16xf32> to vector<16xf32>
        %swap3A_2005 = vector.shape_cast %add3A_2001 : vector<16xf32> to vector<1x16xf32>
        tpu.vector_store %arg9[%swap3A, %swap3A_2002], %swap3A_2005 {strides = array<i32>} : memref<32x128xf32, #tpu.memory_space<vmem>>, vector<1x16xf32>,
        %get3A_2006 = arith.index_cast %select_n3A_1970 : i32 to index
        %get3A_2007 = arith.constant 16 : index
        %get3A_2008 = tpu.vector_load %run_scoped3A_1903[%get3A_2006, %get3A_2007] {strides = array<i32>} : memref<8x128xf32, #tpu.memory_space<vmem>>, vector<1x16xf32>,
        %get3A_2009 = vector.shape_cast %get3A_2008 : vector<1x16xf32> to vector<16xf32>
        %get3A_2010 = arith.index_cast %select_n3A_1986 : i32 to index
        %get3A_2011 = arith.constant 16 : index
        %get3A_2012 = tpu.vector_load %run_scoped3A_1904[%get3A_2010, %get3A_2011] {strides = array<i32>} : memref<32x128xf32, #tpu.memory_space<vmem>>, vector<1x16xf32>,
        %get3A_2013 = vector.shape_cast %get3A_2012 : vector<1x16xf32> to vector<16xf32>
        %add3A_2014 = arith.addf %get3A_2009, %get3A_2013 : vector<16xf32>
        %swap3A_2015 = arith.index_cast %scan3A_1914 : i32 to index
        %swap3A_2016 = arith.constant 16 : index
        %swap3A_2017 = tpu.vector_load %arg9[%swap3A_2015, %swap3A_2016] {strides = array<i32>} : memref<32x128xf32, #tpu.memory_space<vmem>>, vector<1x16xf32>,
        %swap3A_2018 = vector.shape_cast %swap3A_2017 : vector<1x16xf32> to vector<16xf32>
        %swap3A_2019 = vector.shape_cast %add3A_2014 : vector<16xf32> to vector<1x16xf32>
        tpu.vector_store %arg9[%swap3A_2015, %swap3A_2016], %swap3A_2019 {strides = array<i32>} : memref<32x128xf32, #tpu.memory_space<vmem>>, vector<1x16xf32>,
        %get3A_2020 = arith.index_cast %select_n3A_1970 : i32 to index
        %get3A_2021 = arith.constant 32 : index
        %get3A_2022 = tpu.vector_load %run_scoped3A_1903[%get3A_2020, %get3A_2021] {strides = array<i32>} : memref<8x128xf32, #tpu.memory_space<vmem>>, vector<1x16xf32>,
        %get3A_2023 = vector.shape_cast %get3A_2022 : vector<1x16xf32> to vector<16xf32>
        %get3A_2024 = arith.index_cast %select_n3A_1986 : i32 to index
        %get3A_2025 = arith.constant 32 : index
        %get3A_2026 = tpu.vector_load %run_scoped3A_1904[%get3A_2024, %get3A_2025] {strides = array<i32>} : memref<32x128xf32, #tpu.memory_space<vmem>>, vector<1x16xf32>,
        %get3A_2027 = vector.shape_cast %get3A_2026 : vector<1x16xf32> to vector<16xf32>
        %add3A_2028 = arith.addf %get3A_2023, %get3A_2027 : vector<16xf32>
        %swap3A_2029 = arith.index_cast %scan3A_1914 : i32 to index
        %swap3A_2030 = arith.constant 32 : index
        %swap3A_2031 = tpu.vector_load %arg9[%swap3A_2029, %swap3A_2030] {strides = array<i32>} : memref<32x128xf32, #tpu.memory_space<vmem>>, vector<1x16xf32>,
        %swap3A_2032 = vector.shape_cast %swap3A_2031 : vector<1x16xf32> to vector<16xf32>
        %swap3A_2033 = vector.shape_cast %add3A_2028 : vector<16xf32> to vector<1x16xf32>
        tpu.vector_store %arg9[%swap3A_2029, %swap3A_2030], %swap3A_2033 {strides = array<i32>} : memref<32x128xf32, #tpu.memory_space<vmem>>, vector<1x16xf32>,
        %get3A_2034 = arith.index_cast %select_n3A_1970 : i32 to index
        %get3A_2035 = arith.constant 48 : index
        %get3A_2036 = tpu.vector_load %run_scoped3A_1903[%get3A_2034, %get3A_2035] {strides = array<i32>} : memref<8x128xf32, #tpu.memory_space<vmem>>, vector<1x16xf32>,
        %get3A_2037 = vector.shape_cast %get3A_2036 : vector<1x16xf32> to vector<16xf32>
        %get3A_2038 = arith.index_cast %select_n3A_1986 : i32 to index
        %get3A_2039 = arith.constant 48 : index
        %get3A_2040 = tpu.vector_load %run_scoped3A_1904[%get3A_2038, %get3A_2039] {strides = array<i32>} : memref<32x128xf32, #tpu.memory_space<vmem>>, vector<1x16xf32>,
        %get3A_2041 = vector.shape_cast %get3A_2040 : vector<1x16xf32> to vector<16xf32>
        %add3A_2042 = arith.addf %get3A_2037, %get3A_2041 : vector<16xf32>
        %swap3A_2043 = arith.index_cast %scan3A_1914 : i32 to index
        %swap3A_2044 = arith.constant 48 : index
        %swap3A_2045 = tpu.vector_load %arg9[%swap3A_2043, %swap3A_2044] {strides = array<i32>} : memref<32x128xf32, #tpu.memory_space<vmem>>, vector<1x16xf32>,
        %swap3A_2046 = vector.shape_cast %swap3A_2045 : vector<1x16xf32> to vector<16xf32>
        %swap3A_2047 = vector.shape_cast %add3A_2042 : vector<16xf32> to vector<1x16xf32>
        tpu.vector_store %arg9[%swap3A_2043, %swap3A_2044], %swap3A_2047 {strides = array<i32>} : memref<32x128xf32, #tpu.memory_space<vmem>>, vector<1x16xf32>,
        %get3A_2048 = arith.index_cast %select_n3A_1970 : i32 to index
        %get3A_2049 = arith.constant 64 : index
        %get3A_2050 = tpu.vector_load %run_scoped3A_1903[%get3A_2048, %get3A_2049] {strides = array<i32>} : memref<8x128xf32, #tpu.memory_space<vmem>>, vector<1x16xf32>,
        %get3A_2051 = vector.shape_cast %get3A_2050 : vector<1x16xf32> to vector<16xf32>
        %get3A_2052 = arith.index_cast %select_n3A_1986 : i32 to index
        %get3A_2053 = arith.constant 64 : index
        %get3A_2054 = tpu.vector_load %run_scoped3A_1904[%get3A_2052, %get3A_2053] {strides = array<i32>} : memref<32x128xf32, #tpu.memory_space<vmem>>, vector<1x16xf32>,
        %get3A_2055 = vector.shape_cast %get3A_2054 : vector<1x16xf32> to vector<16xf32>
        %add3A_2056 = arith.addf %get3A_2051, %get3A_2055 : vector<16xf32>
        %swap3A_2057 = arith.index_cast %scan3A_1914 : i32 to index
        %swap3A_2058 = arith.constant 64 : index
        %swap3A_2059 = tpu.vector_load %arg9[%swap3A_2057, %swap3A_2058] {strides = array<i32>} : memref<32x128xf32, #tpu.memory_space<vmem>>, vector<1x16xf32>,
        %swap3A_2060 = vector.shape_cast %swap3A_2059 : vector<1x16xf32> to vector<16xf32>
        %swap3A_2061 = vector.shape_cast %add3A_2056 : vector<16xf32> to vector<1x16xf32>
        tpu.vector_store %arg9[%swap3A_2057, %swap3A_2058], %swap3A_2061 {strides = array<i32>} : memref<32x128xf32, #tpu.memory_space<vmem>>, vector<1x16xf32>,
        %get3A_2062 = arith.index_cast %select_n3A_1970 : i32 to index
        %get3A_2063 = arith.constant 80 : index
        %get3A_2064 = tpu.vector_load %run_scoped3A_1903[%get3A_2062, %get3A_2063] {strides = array<i32>} : memref<8x128xf32, #tpu.memory_space<vmem>>, vector<1x16xf32>,
        %get3A_2065 = vector.shape_cast %get3A_2064 : vector<1x16xf32> to vector<16xf32>
        %get3A_2066 = arith.index_cast %select_n3A_1986 : i32 to index
        %get3A_2067 = arith.constant 80 : index
        %get3A_2068 = tpu.vector_load %run_scoped3A_1904[%get3A_2066, %get3A_2067] {strides = array<i32>} : memref<32x128xf32, #tpu.memory_space<vmem>>, vector<1x16xf32>,
        %get3A_2069 = vector.shape_cast %get3A_2068 : vector<1x16xf32> to vector<16xf32>
        %add3A_2070 = arith.addf %get3A_2065, %get3A_2069 : vector<16xf32>
        %swap3A_2071 = arith.index_cast %scan3A_1914 : i32 to index
        %swap3A_2072 = arith.constant 80 : index
        %swap3A_2073 = tpu.vector_load %arg9[%swap3A_2071, %swap3A_2072] {strides = array<i32>} : memref<32x128xf32, #tpu.memory_space<vmem>>, vector<1x16xf32>,
        %swap3A_2074 = vector.shape_cast %swap3A_2073 : vector<1x16xf32> to vector<16xf32>
        %swap3A_2075 = vector.shape_cast %add3A_2070 : vector<16xf32> to vector<1x16xf32>
        tpu.vector_store %arg9[%swap3A_2071, %swap3A_2072], %swap3A_2075 {strides = array<i32>} : memref<32x128xf32, #tpu.memory_space<vmem>>, vector<1x16xf32>,
        %get3A_2076 = arith.index_cast %select_n3A_1970 : i32 to index
        %get3A_2077 = arith.constant 96 : index
        %get3A_2078 = tpu.vector_load %run_scoped3A_1903[%get3A_2076, %get3A_2077] {strides = array<i32>} : memref<8x128xf32, #tpu.memory_space<vmem>>, vector<1x16xf32>,
        %get3A_2079 = vector.shape_cast %get3A_2078 : vector<1x16xf32> to vector<16xf32>
        %get3A_2080 = arith.index_cast %select_n3A_1986 : i32 to index
        %get3A_2081 = arith.constant 96 : index
        %get3A_2082 = tpu.vector_load %run_scoped3A_1904[%get3A_2080, %get3A_2081] {strides = array<i32>} : memref<32x128xf32, #tpu.memory_space<vmem>>, vector<1x16xf32>,
        %get3A_2083 = vector.shape_cast %get3A_2082 : vector<1x16xf32> to vector<16xf32>
        %add3A_2084 = arith.addf %get3A_2079, %get3A_2083 : vector<16xf32>
        %swap3A_2085 = arith.index_cast %scan3A_1914 : i32 to index
        %swap3A_2086 = arith.constant 96 : index
        %swap3A_2087 = tpu.vector_load %arg9[%swap3A_2085, %swap3A_2086] {strides = array<i32>} : memref<32x128xf32, #tpu.memory_space<vmem>>, vector<1x16xf32>,
        %swap3A_2088 = vector.shape_cast %swap3A_2087 : vector<1x16xf32> to vector<16xf32>
        %swap3A_2089 = vector.shape_cast %add3A_2084 : vector<16xf32> to vector<1x16xf32>
        tpu.vector_store %arg9[%swap3A_2085, %swap3A_2086], %swap3A_2089 {strides = array<i32>} : memref<32x128xf32, #tpu.memory_space<vmem>>, vector<1x16xf32>,
        %get3A_2090 = arith.index_cast %select_n3A_1970 : i32 to index
        %get3A_2091 = arith.constant 112 : index
        %get3A_2092 = tpu.vector_load %run_scoped3A_1903[%get3A_2090, %get3A_2091] {strides = array<i32>} : memref<8x128xf32, #tpu.memory_space<vmem>>, vector<1x16xf32>,
        %get3A_2093 = vector.shape_cast %get3A_2092 : vector<1x16xf32> to vector<16xf32>
        %get3A_2094 = arith.index_cast %select_n3A_1986 : i32 to index
        %get3A_2095 = arith.constant 112 : index
        %get3A_2096 = tpu.vector_load %run_scoped3A_1904[%get3A_2094, %get3A_2095] {strides = array<i32>} : memref<32x128xf32, #tpu.memory_space<vmem>>, vector<1x16xf32>,
        %get3A_2097 = vector.shape_cast %get3A_2096 : vector<1x16xf32> to vector<16xf32>
        %add3A_2098 = arith.addf %get3A_2093, %get3A_2097 : vector<16xf32>
        %swap3A_2099 = arith.index_cast %scan3A_1914 : i32 to index
        %swap3A_2100 = arith.constant 112 : index
        %swap3A_2101 = tpu.vector_load %arg9[%swap3A_2099, %swap3A_2100] {strides = array<i32>} : memref<32x128xf32, #tpu.memory_space<vmem>>, vector<1x16xf32>,
        %swap3A_2102 = vector.shape_cast %swap3A_2101 : vector<1x16xf32> to vector<16xf32>
        %swap3A_2103 = vector.shape_cast %add3A_2098 : vector<16xf32> to vector<1x16xf32>
        tpu.vector_store %arg9[%swap3A_2099, %swap3A_2100], %swap3A_2103 {strides = array<i32>} : memref<32x128xf32, #tpu.memory_space<vmem>>, vector<1x16xf32>,
      }
      %scan3A_1911 = arith.constant 32 : i32
      %mul3A_1912 = arith.constant 32 : i32
      %mul3A_1913 = arith.muli %arg1, %mul3A_1912 : i32
      "tpu.region"() ({
        %run_scoped3A_1914 = tpu.sem_alloc : memref<!tpu.dma_semaphore, #tpu.memory_space<semaphore_mem>>
        %dma_start3A_1915 = arith.constant 0 : i32
        %dma_start3A_1916 = tpu.memref_slice %arg11[%mul3A_1913, %dma_start3A_1915] : memref<512x128xf32, #tpu.memory_space<vmem_shared>> -> memref<32x128xf32, #tpu.memory_space<vmem_shared>>
        %dma_start3A_1917 = arith.constant 0 : i32
        %dma_start3A_1918 = tpu.memref_slice %arg11[%mul3A_1913, %dma_start3A_1917] : memref<512x128xf32, #tpu.memory_space<vmem_shared>> -> memref<32x128xf32, #tpu.memory_space<vmem_shared>>
        tpu.enqueue_dma source(%arg9 : memref<32x128xf32, #tpu.memory_space<vmem>>) target(%dma_start3A_1918 : memref<32x128xf32, #tpu.memory_space<vmem_shared>>) target_semaphore(%run_scoped3A_1914 : memref<!tpu.dma_semaphore, #tpu.memory_space<semaphore_mem>>)
        %dma_wait3A_1919 = arith.constant 0 : i32
        %dma_wait3A_1920 = tpu.memref_slice %arg11[%mul3A_1913, %dma_wait3A_1919] : memref<512x128xf32, #tpu.memory_space<vmem_shared>> -> memref<32x128xf32, #tpu.memory_space<vmem_shared>>
        %dma_wait3A_1921 = arith.constant 0 : i32
        %dma_wait3A_1922 = tpu.memref_slice %arg11[%mul3A_1913, %dma_wait3A_1921] : memref<512x128xf32, #tpu.memory_space<vmem_shared>> -> memref<32x128xf32, #tpu.memory_space<vmem_shared>>
        tpu.wait_dma2 semaphore(%run_scoped3A_1914 : memref<!tpu.dma_semaphore, #tpu.memory_space<semaphore_mem>>) src(%arg9 : memref<32x128xf32, #tpu.memory_space<vmem>>) dst(%dma_wait3A_1922 : memref<32x128xf32, #tpu.memory_space<vmem_shared>>)
        tpu.yield
      }) : () -> ()
      tpu.yield
    }) : () -> ()
    %run_scoped3A = arith.constant 0 : i32
    "tpu.region"() ({
      %run_scoped3A_1903 = tpu.sem_alloc : memref<!tpu.dma_semaphore, #tpu.memory_space<semaphore_mem>>
      %dma_start3A_1904 = arith.constant 0 : i32
      %dma_start3A_1905 = arith.constant 0 : i32
      %dma_start3A_1906 = tpu.memref_slice %arg5[%run_scoped3A, %add3A, %dma_start3A_1904, %dma_start3A_1905] : memref<4x32x50x128xi32, #tpu.memory_space<hbm>> -> memref<1x1x50x128xi32, #tpu.memory_space<hbm>>
      %dma_start3A_1907 = tpu.memref_squeeze %dma_start3A_1906 : memref<1x1x50x128xi32, #tpu.memory_space<hbm>> -> memref<50x128xi32, #tpu.memory_space<hbm>>
      %dma_start3A_1908 = arith.constant 0 : i32
      %dma_start3A_1909 = arith.constant 0 : i32
      %dma_start3A_1910 = tpu.memref_slice %arg5[%run_scoped3A, %add3A, %dma_start3A_1908, %dma_start3A_1909] : memref<4x32x50x128xi32, #tpu.memory_space<hbm>> -> memref<1x1x50x128xi32, #tpu.memory_space<hbm>>
      %dma_start3A_1911 = tpu.memref_squeeze %dma_start3A_1910 : memref<1x1x50x128xi32, #tpu.memory_space<hbm>> -> memref<50x128xi32, #tpu.memory_space<hbm>>
      tpu.enqueue_dma source(%dma_start3A_1911 : memref<50x128xi32, #tpu.memory_space<hbm>>) target(%arg7 : memref<50x128xi32, #tpu.memory_space<vmem>>) target_semaphore(%run_scoped3A_1903 : memref<!tpu.dma_semaphore, #tpu.memory_space<semaphore_mem>>)
      %dma_wait3A_1912 = arith.constant 0 : i32
      %dma_wait3A_1913 = arith.constant 0 : i32
      %dma_wait3A_1914 = tpu.memref_slice %arg5[%run_scoped3A, %add3A, %dma_wait3A_1912, %dma_wait3A_1913] : memref<4x32x50x128xi32, #tpu.memory_space<hbm>> -> memref<1x1x50x128xi32, #tpu.memory_space<hbm>>
      %dma_wait3A_1915 = tpu.memref_squeeze %dma_wait3A_1914 : memref<1x1x50x128xi32, #tpu.memory_space<hbm>> -> memref<50x128xi32, #tpu.memory_space<hbm>>
      %dma_wait3A_1916 = arith.constant 0 : i32
      %dma_wait3A_1917 = arith.constant 0 : i32
      %dma_wait3A_1918 = tpu.memref_slice %arg5[%run_scoped3A, %add3A, %dma_wait3A_1916, %dma_wait3A_1917] : memref<4x32x50x128xi32, #tpu.memory_space<hbm>> -> memref<1x1x50x128xi32, #tpu.memory_space<hbm>>
      %dma_wait3A_1919 = tpu.memref_squeeze %dma_wait3A_1918 : memref<1x1x50x128xi32, #tpu.memory_space<hbm>> -> memref<50x128xi32, #tpu.memory_space<hbm>>
      tpu.wait_dma2 semaphore(%run_scoped3A_1903 : memref<!tpu.dma_semaphore, #tpu.memory_space<semaphore_mem>>) src(%dma_wait3A_1919 : memref<50x128xi32, #tpu.memory_space<hbm>>) dst(%arg7 : memref<50x128xi32, #tpu.memory_space<vmem>>)
      tpu.yield
    }) : () -> ()
    "tpu.region"() ({
      %run_scoped3A_1903 = memref.alloca() : memref<50x128xi32, #tpu.memory_space<vmem>>
      %run_scoped3A_1904 = memref.alloca() : memref<50x128xi32, #tpu.memory_space<vmem>>
      %run_scoped3A_1905 = memref.alloca() : memref<50x128xi32, #tpu.memory_space<vmem>>
      %run_scoped3A_1906 = arith.constant 1 : i32
      "tpu.region"() ({
        %run_scoped3A_1914 = tpu.sem_alloc : memref<!tpu.dma_semaphore, #tpu.memory_space<semaphore_mem>>
        %dma_start3A_1915 = arith.constant 0 : i32
        %dma_start3A_1916 = arith.constant 0 : i32
        %dma_start3A_1917 = tpu.memref_slice %arg5[%run_scoped3A_1906, %add3A, %dma_start3A_1915, %dma_start3A_1916] : memref<4x32x50x128xi32, #tpu.memory_space<hbm>> -> memref<1x1x50x128xi32, #tpu.memory_space<hbm>>
        %dma_start3A_1918 = tpu.memref_squeeze %dma_start3A_1917 : memref<1x1x50x128xi32, #tpu.memory_space<hbm>> -> memref<50x128xi32, #tpu.memory_space<hbm>>
        %dma_start3A_1919 = arith.constant 0 : i32
        %dma_start3A_1920 = arith.constant 0 : i32
        %dma_start3A_1921 = tpu.memref_slice %arg5[%run_scoped3A_1906, %add3A, %dma_start3A_1919, %dma_start3A_1920] : memref<4x32x50x128xi32, #tpu.memory_space<hbm>> -> memref<1x1x50x128xi32, #tpu.memory_space<hbm>>
        %dma_start3A_1922 = tpu.memref_squeeze %dma_start3A_1921 : memref<1x1x50x128xi32, #tpu.memory_space<hbm>> -> memref<50x128xi32, #tpu.memory_space<hbm>>
        tpu.enqueue_dma source(%dma_start3A_1922 : memref<50x128xi32, #tpu.memory_space<hbm>>) target(%run_scoped3A_1903 : memref<50x128xi32, #tpu.memory_space<vmem>>) target_semaphore(%run_scoped3A_1914 : memref<!tpu.dma_semaphore, #tpu.memory_space<semaphore_mem>>)
        %dma_wait3A_1923 = arith.constant 0 : i32
        %dma_wait3A_1924 = arith.constant 0 : i32
        %dma_wait3A_1925 = tpu.memref_slice %arg5[%run_scoped3A_1906, %add3A, %dma_wait3A_1923, %dma_wait3A_1924] : memref<4x32x50x128xi32, #tpu.memory_space<hbm>> -> memref<1x1x50x128xi32, #tpu.memory_space<hbm>>
        %dma_wait3A_1926 = tpu.memref_squeeze %dma_wait3A_1925 : memref<1x1x50x128xi32, #tpu.memory_space<hbm>> -> memref<50x128xi32, #tpu.memory_space<hbm>>
        %dma_wait3A_1927 = arith.constant 0 : i32
        %dma_wait3A_1928 = arith.constant 0 : i32
        %dma_wait3A_1929 = tpu.memref_slice %arg5[%run_scoped3A_1906, %add3A, %dma_wait3A_1927, %dma_wait3A_1928] : memref<4x32x50x128xi32, #tpu.memory_space<hbm>> -> memref<1x1x50x128xi32, #tpu.memory_space<hbm>>
        %dma_wait3A_1930 = tpu.memref_squeeze %dma_wait3A_1929 : memref<1x1x50x128xi32, #tpu.memory_space<hbm>> -> memref<50x128xi32, #tpu.memory_space<hbm>>
        tpu.wait_dma2 semaphore(%run_scoped3A_1914 : memref<!tpu.dma_semaphore, #tpu.memory_space<semaphore_mem>>) src(%dma_wait3A_1930 : memref<50x128xi32, #tpu.memory_space<hbm>>) dst(%run_scoped3A_1903 : memref<50x128xi32, #tpu.memory_space<vmem>>)
        tpu.yield
      }) : () -> ()
      %run_scoped3A_1907 = arith.constant 2 : i32
      "tpu.region"() ({
        %run_scoped3A_1914 = tpu.sem_alloc : memref<!tpu.dma_semaphore, #tpu.memory_space<semaphore_mem>>
        %dma_start3A_1915 = arith.constant 0 : i32
        %dma_start3A_1916 = arith.constant 0 : i32
        %dma_start3A_1917 = tpu.memref_slice %arg5[%run_scoped3A_1907, %add3A, %dma_start3A_1915, %dma_start3A_1916] : memref<4x32x50x128xi32, #tpu.memory_space<hbm>> -> memref<1x1x50x128xi32, #tpu.memory_space<hbm>>
        %dma_start3A_1918 = tpu.memref_squeeze %dma_start3A_1917 : memref<1x1x50x128xi32, #tpu.memory_space<hbm>> -> memref<50x128xi32, #tpu.memory_space<hbm>>
        %dma_start3A_1919 = arith.constant 0 : i32
        %dma_start3A_1920 = arith.constant 0 : i32
        %dma_start3A_1921 = tpu.memref_slice %arg5[%run_scoped3A_1907, %add3A, %dma_start3A_1919, %dma_start3A_1920] : memref<4x32x50x128xi32, #tpu.memory_space<hbm>> -> memref<1x1x50x128xi32, #tpu.memory_space<hbm>>
        %dma_start3A_1922 = tpu.memref_squeeze %dma_start3A_1921 : memref<1x1x50x128xi32, #tpu.memory_space<hbm>> -> memref<50x128xi32, #tpu.memory_space<hbm>>
        tpu.enqueue_dma source(%dma_start3A_1922 : memref<50x128xi32, #tpu.memory_space<hbm>>) target(%run_scoped3A_1904 : memref<50x128xi32, #tpu.memory_space<vmem>>) target_semaphore(%run_scoped3A_1914 : memref<!tpu.dma_semaphore, #tpu.memory_space<semaphore_mem>>)
        %dma_wait3A_1923 = arith.constant 0 : i32
        %dma_wait3A_1924 = arith.constant 0 : i32
        %dma_wait3A_1925 = tpu.memref_slice %arg5[%run_scoped3A_1907, %add3A, %dma_wait3A_1923, %dma_wait3A_1924] : memref<4x32x50x128xi32, #tpu.memory_space<hbm>> -> memref<1x1x50x128xi32, #tpu.memory_space<hbm>>
        %dma_wait3A_1926 = tpu.memref_squeeze %dma_wait3A_1925 : memref<1x1x50x128xi32, #tpu.memory_space<hbm>> -> memref<50x128xi32, #tpu.memory_space<hbm>>
        %dma_wait3A_1927 = arith.constant 0 : i32
        %dma_wait3A_1928 = arith.constant 0 : i32
        %dma_wait3A_1929 = tpu.memref_slice %arg5[%run_scoped3A_1907, %add3A, %dma_wait3A_1927, %dma_wait3A_1928] : memref<4x32x50x128xi32, #tpu.memory_space<hbm>> -> memref<1x1x50x128xi32, #tpu.memory_space<hbm>>
        %dma_wait3A_1930 = tpu.memref_squeeze %dma_wait3A_1929 : memref<1x1x50x128xi32, #tpu.memory_space<hbm>> -> memref<50x128xi32, #tpu.memory_space<hbm>>
        tpu.wait_dma2 semaphore(%run_scoped3A_1914 : memref<!tpu.dma_semaphore, #tpu.memory_space<semaphore_mem>>) src(%dma_wait3A_1930 : memref<50x128xi32, #tpu.memory_space<hbm>>) dst(%run_scoped3A_1904 : memref<50x128xi32, #tpu.memory_space<vmem>>)
        tpu.yield
      }) : () -> ()
      %run_scoped3A_1908 = arith.constant 3 : i32
      "tpu.region"() ({
        %run_scoped3A_1914 = tpu.sem_alloc : memref<!tpu.dma_semaphore, #tpu.memory_space<semaphore_mem>>
        %dma_start3A_1915 = arith.constant 0 : i32
        %dma_start3A_1916 = arith.constant 0 : i32
        %dma_start3A_1917 = tpu.memref_slice %arg5[%run_scoped3A_1908, %add3A, %dma_start3A_1915, %dma_start3A_1916] : memref<4x32x50x128xi32, #tpu.memory_space<hbm>> -> memref<1x1x50x128xi32, #tpu.memory_space<hbm>>
        %dma_start3A_1918 = tpu.memref_squeeze %dma_start3A_1917 : memref<1x1x50x128xi32, #tpu.memory_space<hbm>> -> memref<50x128xi32, #tpu.memory_space<hbm>>
        %dma_start3A_1919 = arith.constant 0 : i32
        %dma_start3A_1920 = arith.constant 0 : i32
        %dma_start3A_1921 = tpu.memref_slice %arg5[%run_scoped3A_1908, %add3A, %dma_start3A_1919, %dma_start3A_1920] : memref<4x32x50x128xi32, #tpu.memory_space<hbm>> -> memref<1x1x50x128xi32, #tpu.memory_space<hbm>>
        %dma_start3A_1922 = tpu.memref_squeeze %dma_start3A_1921 : memref<1x1x50x128xi32, #tpu.memory_space<hbm>> -> memref<50x128xi32, #tpu.memory_space<hbm>>
        tpu.enqueue_dma source(%dma_start3A_1922 : memref<50x128xi32, #tpu.memory_space<hbm>>) target(%run_scoped3A_1905 : memref<50x128xi32, #tpu.memory_space<vmem>>) target_semaphore(%run_scoped3A_1914 : memref<!tpu.dma_semaphore, #tpu.memory_space<semaphore_mem>>)
        %dma_wait3A_1923 = arith.constant 0 : i32
        %dma_wait3A_1924 = arith.constant 0 : i32
        %dma_wait3A_1925 = tpu.memref_slice %arg5[%run_scoped3A_1908, %add3A, %dma_wait3A_1923, %dma_wait3A_1924] : memref<4x32x50x128xi32, #tpu.memory_space<hbm>> -> memref<1x1x50x128xi32, #tpu.memory_space<hbm>>
        %dma_wait3A_1926 = tpu.memref_squeeze %dma_wait3A_1925 : memref<1x1x50x128xi32, #tpu.memory_space<hbm>> -> memref<50x128xi32, #tpu.memory_space<hbm>>
        %dma_wait3A_1927 = arith.constant 0 : i32
        %dma_wait3A_1928 = arith.constant 0 : i32
        %dma_wait3A_1929 = tpu.memref_slice %arg5[%run_scoped3A_1908, %add3A, %dma_wait3A_1927, %dma_wait3A_1928] : memref<4x32x50x128xi32, #tpu.memory_space<hbm>> -> memref<1x1x50x128xi32, #tpu.memory_space<hbm>>
        %dma_wait3A_1930 = tpu.memref_squeeze %dma_wait3A_1929 : memref<1x1x50x128xi32, #tpu.memory_space<hbm>> -> memref<50x128xi32, #tpu.memory_space<hbm>>
        tpu.wait_dma2 semaphore(%run_scoped3A_1914 : memref<!tpu.dma_semaphore, #tpu.memory_space<semaphore_mem>>) src(%dma_wait3A_1930 : memref<50x128xi32, #tpu.memory_space<hbm>>) dst(%run_scoped3A_1905 : memref<50x128xi32, #tpu.memory_space<vmem>>)
        tpu.yield
      }) : () -> ()
      %scan3A = arith.constant 0 : i32
      %scan3A_1909 = arith.constant 0 : i32
      %scan3A_1910 = arith.constant 50 : i32
      %scan3A_1911 = arith.addi %scan3A_1909, %scan3A_1910 : i32
      %scan3A_1912 = arith.constant 1 : i32
      scf.for %scan3A_1914 = %scan3A_1909 to %scan3A_1911 step %scan3A_1912  : i32 {
        %get3A = arith.index_cast %scan3A_1914 : i32 to index
        %get3A_1915 = arith.constant 0 : index
        %get3A_1916 = tpu.vector_load %run_scoped3A_1903[%get3A, %get3A_1915] {strides = array<i32>} : memref<50x128xi32, #tpu.memory_space<vmem>>, vector<1x16xi32>,
        %get3A_1917 = vector.shape_cast %get3A_1916 : vector<1x16xi32> to vector<16xi32>
        %mul3A_1918 = arith.constant 125 : i32
        %mul3A_1919 = vector.broadcast %mul3A_1918 : i32 to vector<16xi32>
        %mul3A_1920 = arith.muli %get3A_1917, %mul3A_1919 : vector<16xi32>
        %get3A_1921 = arith.index_cast %scan3A_1914 : i32 to index
        %get3A_1922 = arith.constant 0 : index
        %get3A_1923 = tpu.vector_load %run_scoped3A_1904[%get3A_1921, %get3A_1922] {strides = array<i32>} : memref<50x128xi32, #tpu.memory_space<vmem>>, vector<1x16xi32>,
        %get3A_1924 = vector.shape_cast %get3A_1923 : vector<1x16xi32> to vector<16xi32>
        %mul3A_1925 = arith.constant 25 : i32
        %mul3A_1926 = vector.broadcast %mul3A_1925 : i32 to vector<16xi32>
        %mul3A_1927 = arith.muli %get3A_1924, %mul3A_1926 : vector<16xi32>
        %add3A_1928 = arith.addi %mul3A_1920, %mul3A_1927 : vector<16xi32>
        %get3A_1929 = arith.index_cast %scan3A_1914 : i32 to index
        %get3A_1930 = arith.constant 0 : index
        %get3A_1931 = tpu.vector_load %run_scoped3A_1905[%get3A_1929, %get3A_1930] {strides = array<i32>} : memref<50x128xi32, #tpu.memory_space<vmem>>, vector<1x16xi32>,
        %get3A_1932 = vector.shape_cast %get3A_1931 : vector<1x16xi32> to vector<16xi32>
        %add3A_1933 = arith.addi %add3A_1928, %get3A_1932 : vector<16xi32>
        %swap3A = arith.index_cast %scan3A_1914 : i32 to index
        %swap3A_1934 = arith.constant 0 : index
        %swap3A_1935 = tpu.vector_load %arg8[%swap3A, %swap3A_1934] {strides = array<i32>} : memref<50x128xi32, #tpu.memory_space<vmem>>, vector<1x16xi32>,
        %swap3A_1936 = vector.shape_cast %swap3A_1935 : vector<1x16xi32> to vector<16xi32>
        %swap3A_1937 = vector.shape_cast %add3A_1933 : vector<16xi32> to vector<1x16xi32>
        tpu.vector_store %arg8[%swap3A, %swap3A_1934], %swap3A_1937 {strides = array<i32>} : memref<50x128xi32, #tpu.memory_space<vmem>>, vector<1x16xi32>,
        %get3A_1938 = arith.index_cast %scan3A_1914 : i32 to index
        %get3A_1939 = arith.constant 16 : index
        %get3A_1940 = tpu.vector_load %run_scoped3A_1903[%get3A_1938, %get3A_1939] {strides = array<i32>} : memref<50x128xi32, #tpu.memory_space<vmem>>, vector<1x16xi32>,
        %get3A_1941 = vector.shape_cast %get3A_1940 : vector<1x16xi32> to vector<16xi32>
        %mul3A_1942 = arith.constant 125 : i32
        %mul3A_1943 = vector.broadcast %mul3A_1942 : i32 to vector<16xi32>
        %mul3A_1944 = arith.muli %get3A_1941, %mul3A_1943 : vector<16xi32>
        %get3A_1945 = arith.index_cast %scan3A_1914 : i32 to index
        %get3A_1946 = arith.constant 16 : index
        %get3A_1947 = tpu.vector_load %run_scoped3A_1904[%get3A_1945, %get3A_1946] {strides = array<i32>} : memref<50x128xi32, #tpu.memory_space<vmem>>, vector<1x16xi32>,
        %get3A_1948 = vector.shape_cast %get3A_1947 : vector<1x16xi32> to vector<16xi32>
        %mul3A_1949 = arith.constant 25 : i32
        %mul3A_1950 = vector.broadcast %mul3A_1949 : i32 to vector<16xi32>
        %mul3A_1951 = arith.muli %get3A_1948, %mul3A_1950 : vector<16xi32>
        %add3A_1952 = arith.addi %mul3A_1944, %mul3A_1951 : vector<16xi32>
        %get3A_1953 = arith.index_cast %scan3A_1914 : i32 to index
        %get3A_1954 = arith.constant 16 : index
        %get3A_1955 = tpu.vector_load %run_scoped3A_1905[%get3A_1953, %get3A_1954] {strides = array<i32>} : memref<50x128xi32, #tpu.memory_space<vmem>>, vector<1x16xi32>,
        %get3A_1956 = vector.shape_cast %get3A_1955 : vector<1x16xi32> to vector<16xi32>
        %add3A_1957 = arith.addi %add3A_1952, %get3A_1956 : vector<16xi32>
        %swap3A_1958 = arith.index_cast %scan3A_1914 : i32 to index
        %swap3A_1959 = arith.constant 16 : index
        %swap3A_1960 = tpu.vector_load %arg8[%swap3A_1958, %swap3A_1959] {strides = array<i32>} : memref<50x128xi32, #tpu.memory_space<vmem>>, vector<1x16xi32>,
        %swap3A_1961 = vector.shape_cast %swap3A_1960 : vector<1x16xi32> to vector<16xi32>
        %swap3A_1962 = vector.shape_cast %add3A_1957 : vector<16xi32> to vector<1x16xi32>
        tpu.vector_store %arg8[%swap3A_1958, %swap3A_1959], %swap3A_1962 {strides = array<i32>} : memref<50x128xi32, #tpu.memory_space<vmem>>, vector<1x16xi32>,
        %get3A_1963 = arith.index_cast %scan3A_1914 : i32 to index
        %get3A_1964 = arith.constant 32 : index
        %get3A_1965 = tpu.vector_load %run_scoped3A_1903[%get3A_1963, %get3A_1964] {strides = array<i32>} : memref<50x128xi32, #tpu.memory_space<vmem>>, vector<1x16xi32>,
        %get3A_1966 = vector.shape_cast %get3A_1965 : vector<1x16xi32> to vector<16xi32>
        %mul3A_1967 = arith.constant 125 : i32
        %mul3A_1968 = vector.broadcast %mul3A_1967 : i32 to vector<16xi32>
        %mul3A_1969 = arith.muli %get3A_1966, %mul3A_1968 : vector<16xi32>
        %get3A_1970 = arith.index_cast %scan3A_1914 : i32 to index
        %get3A_1971 = arith.constant 32 : index
        %get3A_1972 = tpu.vector_load %run_scoped3A_1904[%get3A_1970, %get3A_1971] {strides = array<i32>} : memref<50x128xi32, #tpu.memory_space<vmem>>, vector<1x16xi32>,
        %get3A_1973 = vector.shape_cast %get3A_1972 : vector<1x16xi32> to vector<16xi32>
        %mul3A_1974 = arith.constant 25 : i32
        %mul3A_1975 = vector.broadcast %mul3A_1974 : i32 to vector<16xi32>
        %mul3A_1976 = arith.muli %get3A_1973, %mul3A_1975 : vector<16xi32>
        %add3A_1977 = arith.addi %mul3A_1969, %mul3A_1976 : vector<16xi32>
        %get3A_1978 = arith.index_cast %scan3A_1914 : i32 to index
        %get3A_1979 = arith.constant 32 : index
        %get3A_1980 = tpu.vector_load %run_scoped3A_1905[%get3A_1978, %get3A_1979] {strides = array<i32>} : memref<50x128xi32, #tpu.memory_space<vmem>>, vector<1x16xi32>,
        %get3A_1981 = vector.shape_cast %get3A_1980 : vector<1x16xi32> to vector<16xi32>
        %add3A_1982 = arith.addi %add3A_1977, %get3A_1981 : vector<16xi32>
        %swap3A_1983 = arith.index_cast %scan3A_1914 : i32 to index
        %swap3A_1984 = arith.constant 32 : index
        %swap3A_1985 = tpu.vector_load %arg8[%swap3A_1983, %swap3A_1984] {strides = array<i32>} : memref<50x128xi32, #tpu.memory_space<vmem>>, vector<1x16xi32>,
        %swap3A_1986 = vector.shape_cast %swap3A_1985 : vector<1x16xi32> to vector<16xi32>
        %swap3A_1987 = vector.shape_cast %add3A_1982 : vector<16xi32> to vector<1x16xi32>
        tpu.vector_store %arg8[%swap3A_1983, %swap3A_1984], %swap3A_1987 {strides = array<i32>} : memref<50x128xi32, #tpu.memory_space<vmem>>, vector<1x16xi32>,
        %get3A_1988 = arith.index_cast %scan3A_1914 : i32 to index
        %get3A_1989 = arith.constant 48 : index
        %get3A_1990 = tpu.vector_load %run_scoped3A_1903[%get3A_1988, %get3A_1989] {strides = array<i32>} : memref<50x128xi32, #tpu.memory_space<vmem>>, vector<1x16xi32>,
        %get3A_1991 = vector.shape_cast %get3A_1990 : vector<1x16xi32> to vector<16xi32>
        %mul3A_1992 = arith.constant 125 : i32
        %mul3A_1993 = vector.broadcast %mul3A_1992 : i32 to vector<16xi32>
        %mul3A_1994 = arith.muli %get3A_1991, %mul3A_1993 : vector<16xi32>
        %get3A_1995 = arith.index_cast %scan3A_1914 : i32 to index
        %get3A_1996 = arith.constant 48 : index
        %get3A_1997 = tpu.vector_load %run_scoped3A_1904[%get3A_1995, %get3A_1996] {strides = array<i32>} : memref<50x128xi32, #tpu.memory_space<vmem>>, vector<1x16xi32>,
        %get3A_1998 = vector.shape_cast %get3A_1997 : vector<1x16xi32> to vector<16xi32>
        %mul3A_1999 = arith.constant 25 : i32
        %mul3A_2000 = vector.broadcast %mul3A_1999 : i32 to vector<16xi32>
        %mul3A_2001 = arith.muli %get3A_1998, %mul3A_2000 : vector<16xi32>
        %add3A_2002 = arith.addi %mul3A_1994, %mul3A_2001 : vector<16xi32>
        %get3A_2003 = arith.index_cast %scan3A_1914 : i32 to index
        %get3A_2004 = arith.constant 48 : index
        %get3A_2005 = tpu.vector_load %run_scoped3A_1905[%get3A_2003, %get3A_2004] {strides = array<i32>} : memref<50x128xi32, #tpu.memory_space<vmem>>, vector<1x16xi32>,
        %get3A_2006 = vector.shape_cast %get3A_2005 : vector<1x16xi32> to vector<16xi32>
        %add3A_2007 = arith.addi %add3A_2002, %get3A_2006 : vector<16xi32>
        %swap3A_2008 = arith.index_cast %scan3A_1914 : i32 to index
        %swap3A_2009 = arith.constant 48 : index
        %swap3A_2010 = tpu.vector_load %arg8[%swap3A_2008, %swap3A_2009] {strides = array<i32>} : memref<50x128xi32, #tpu.memory_space<vmem>>, vector<1x16xi32>,
        %swap3A_2011 = vector.shape_cast %swap3A_2010 : vector<1x16xi32> to vector<16xi32>
        %swap3A_2012 = vector.shape_cast %add3A_2007 : vector<16xi32> to vector<1x16xi32>
        tpu.vector_store %arg8[%swap3A_2008, %swap3A_2009], %swap3A_2012 {strides = array<i32>} : memref<50x128xi32, #tpu.memory_space<vmem>>, vector<1x16xi32>,
        %get3A_2013 = arith.index_cast %scan3A_1914 : i32 to index
        %get3A_2014 = arith.constant 64 : index
        %get3A_2015 = tpu.vector_load %run_scoped3A_1903[%get3A_2013, %get3A_2014] {strides = array<i32>} : memref<50x128xi32, #tpu.memory_space<vmem>>, vector<1x16xi32>,
        %get3A_2016 = vector.shape_cast %get3A_2015 : vector<1x16xi32> to vector<16xi32>
        %mul3A_2017 = arith.constant 125 : i32
        %mul3A_2018 = vector.broadcast %mul3A_2017 : i32 to vector<16xi32>
        %mul3A_2019 = arith.muli %get3A_2016, %mul3A_2018 : vector<16xi32>
        %get3A_2020 = arith.index_cast %scan3A_1914 : i32 to index
        %get3A_2021 = arith.constant 64 : index
        %get3A_2022 = tpu.vector_load %run_scoped3A_1904[%get3A_2020, %get3A_2021] {strides = array<i32>} : memref<50x128xi32, #tpu.memory_space<vmem>>, vector<1x16xi32>,
        %get3A_2023 = vector.shape_cast %get3A_2022 : vector<1x16xi32> to vector<16xi32>
        %mul3A_2024 = arith.constant 25 : i32
        %mul3A_2025 = vector.broadcast %mul3A_2024 : i32 to vector<16xi32>
        %mul3A_2026 = arith.muli %get3A_2023, %mul3A_2025 : vector<16xi32>
        %add3A_2027 = arith.addi %mul3A_2019, %mul3A_2026 : vector<16xi32>
        %get3A_2028 = arith.index_cast %scan3A_1914 : i32 to index
        %get3A_2029 = arith.constant 64 : index
        %get3A_2030 = tpu.vector_load %run_scoped3A_1905[%get3A_2028, %get3A_2029] {strides = array<i32>} : memref<50x128xi32, #tpu.memory_space<vmem>>, vector<1x16xi32>,
        %get3A_2031 = vector.shape_cast %get3A_2030 : vector<1x16xi32> to vector<16xi32>
        %add3A_2032 = arith.addi %add3A_2027, %get3A_2031 : vector<16xi32>
        %swap3A_2033 = arith.index_cast %scan3A_1914 : i32 to index
        %swap3A_2034 = arith.constant 64 : index
        %swap3A_2035 = tpu.vector_load %arg8[%swap3A_2033, %swap3A_2034] {strides = array<i32>} : memref<50x128xi32, #tpu.memory_space<vmem>>, vector<1x16xi32>,
        %swap3A_2036 = vector.shape_cast %swap3A_2035 : vector<1x16xi32> to vector<16xi32>
        %swap3A_2037 = vector.shape_cast %add3A_2032 : vector<16xi32> to vector<1x16xi32>
        tpu.vector_store %arg8[%swap3A_2033, %swap3A_2034], %swap3A_2037 {strides = array<i32>} : memref<50x128xi32, #tpu.memory_space<vmem>>, vector<1x16xi32>,
        %get3A_2038 = arith.index_cast %scan3A_1914 : i32 to index
        %get3A_2039 = arith.constant 80 : index
        %get3A_2040 = tpu.vector_load %run_scoped3A_1903[%get3A_2038, %get3A_2039] {strides = array<i32>} : memref<50x128xi32, #tpu.memory_space<vmem>>, vector<1x16xi32>,
        %get3A_2041 = vector.shape_cast %get3A_2040 : vector<1x16xi32> to vector<16xi32>
        %mul3A_2042 = arith.constant 125 : i32
        %mul3A_2043 = vector.broadcast %mul3A_2042 : i32 to vector<16xi32>
        %mul3A_2044 = arith.muli %get3A_2041, %mul3A_2043 : vector<16xi32>
        %get3A_2045 = arith.index_cast %scan3A_1914 : i32 to index
        %get3A_2046 = arith.constant 80 : index
        %get3A_2047 = tpu.vector_load %run_scoped3A_1904[%get3A_2045, %get3A_2046] {strides = array<i32>} : memref<50x128xi32, #tpu.memory_space<vmem>>, vector<1x16xi32>,
        %get3A_2048 = vector.shape_cast %get3A_2047 : vector<1x16xi32> to vector<16xi32>
        %mul3A_2049 = arith.constant 25 : i32
        %mul3A_2050 = vector.broadcast %mul3A_2049 : i32 to vector<16xi32>
        %mul3A_2051 = arith.muli %get3A_2048, %mul3A_2050 : vector<16xi32>
        %add3A_2052 = arith.addi %mul3A_2044, %mul3A_2051 : vector<16xi32>
        %get3A_2053 = arith.index_cast %scan3A_1914 : i32 to index
        %get3A_2054 = arith.constant 80 : index
        %get3A_2055 = tpu.vector_load %run_scoped3A_1905[%get3A_2053, %get3A_2054] {strides = array<i32>} : memref<50x128xi32, #tpu.memory_space<vmem>>, vector<1x16xi32>,
        %get3A_2056 = vector.shape_cast %get3A_2055 : vector<1x16xi32> to vector<16xi32>
        %add3A_2057 = arith.addi %add3A_2052, %get3A_2056 : vector<16xi32>
        %swap3A_2058 = arith.index_cast %scan3A_1914 : i32 to index
        %swap3A_2059 = arith.constant 80 : index
        %swap3A_2060 = tpu.vector_load %arg8[%swap3A_2058, %swap3A_2059] {strides = array<i32>} : memref<50x128xi32, #tpu.memory_space<vmem>>, vector<1x16xi32>,
        %swap3A_2061 = vector.shape_cast %swap3A_2060 : vector<1x16xi32> to vector<16xi32>
        %swap3A_2062 = vector.shape_cast %add3A_2057 : vector<16xi32> to vector<1x16xi32>
        tpu.vector_store %arg8[%swap3A_2058, %swap3A_2059], %swap3A_2062 {strides = array<i32>} : memref<50x128xi32, #tpu.memory_space<vmem>>, vector<1x16xi32>,
        %get3A_2063 = arith.index_cast %scan3A_1914 : i32 to index
        %get3A_2064 = arith.constant 96 : index
        %get3A_2065 = tpu.vector_load %run_scoped3A_1903[%get3A_2063, %get3A_2064] {strides = array<i32>} : memref<50x128xi32, #tpu.memory_space<vmem>>, vector<1x16xi32>,
        %get3A_2066 = vector.shape_cast %get3A_2065 : vector<1x16xi32> to vector<16xi32>
        %mul3A_2067 = arith.constant 125 : i32
        %mul3A_2068 = vector.broadcast %mul3A_2067 : i32 to vector<16xi32>
        %mul3A_2069 = arith.muli %get3A_2066, %mul3A_2068 : vector<16xi32>
        %get3A_2070 = arith.index_cast %scan3A_1914 : i32 to index
        %get3A_2071 = arith.constant 96 : index
        %get3A_2072 = tpu.vector_load %run_scoped3A_1904[%get3A_2070, %get3A_2071] {strides = array<i32>} : memref<50x128xi32, #tpu.memory_space<vmem>>, vector<1x16xi32>,
        %get3A_2073 = vector.shape_cast %get3A_2072 : vector<1x16xi32> to vector<16xi32>
        %mul3A_2074 = arith.constant 25 : i32
        %mul3A_2075 = vector.broadcast %mul3A_2074 : i32 to vector<16xi32>
        %mul3A_2076 = arith.muli %get3A_2073, %mul3A_2075 : vector<16xi32>
        %add3A_2077 = arith.addi %mul3A_2069, %mul3A_2076 : vector<16xi32>
        %get3A_2078 = arith.index_cast %scan3A_1914 : i32 to index
        %get3A_2079 = arith.constant 96 : index
        %get3A_2080 = tpu.vector_load %run_scoped3A_1905[%get3A_2078, %get3A_2079] {strides = array<i32>} : memref<50x128xi32, #tpu.memory_space<vmem>>, vector<1x16xi32>,
        %get3A_2081 = vector.shape_cast %get3A_2080 : vector<1x16xi32> to vector<16xi32>
        %add3A_2082 = arith.addi %add3A_2077, %get3A_2081 : vector<16xi32>
        %swap3A_2083 = arith.index_cast %scan3A_1914 : i32 to index
        %swap3A_2084 = arith.constant 96 : index
        %swap3A_2085 = tpu.vector_load %arg8[%swap3A_2083, %swap3A_2084] {strides = array<i32>} : memref<50x128xi32, #tpu.memory_space<vmem>>, vector<1x16xi32>,
        %swap3A_2086 = vector.shape_cast %swap3A_2085 : vector<1x16xi32> to vector<16xi32>
        %swap3A_2087 = vector.shape_cast %add3A_2082 : vector<16xi32> to vector<1x16xi32>
        tpu.vector_store %arg8[%swap3A_2083, %swap3A_2084], %swap3A_2087 {strides = array<i32>} : memref<50x128xi32, #tpu.memory_space<vmem>>, vector<1x16xi32>,
        %get3A_2088 = arith.index_cast %scan3A_1914 : i32 to index
        %get3A_2089 = arith.constant 112 : index
        %get3A_2090 = tpu.vector_load %run_scoped3A_1903[%get3A_2088, %get3A_2089] {strides = array<i32>} : memref<50x128xi32, #tpu.memory_space<vmem>>, vector<1x16xi32>,
        %get3A_2091 = vector.shape_cast %get3A_2090 : vector<1x16xi32> to vector<16xi32>
        %mul3A_2092 = arith.constant 125 : i32
        %mul3A_2093 = vector.broadcast %mul3A_2092 : i32 to vector<16xi32>
        %mul3A_2094 = arith.muli %get3A_2091, %mul3A_2093 : vector<16xi32>
        %get3A_2095 = arith.index_cast %scan3A_1914 : i32 to index
        %get3A_2096 = arith.constant 112 : index
        %get3A_2097 = tpu.vector_load %run_scoped3A_1904[%get3A_2095, %get3A_2096] {strides = array<i32>} : memref<50x128xi32, #tpu.memory_space<vmem>>, vector<1x16xi32>,
        %get3A_2098 = vector.shape_cast %get3A_2097 : vector<1x16xi32> to vector<16xi32>
        %mul3A_2099 = arith.constant 25 : i32
        %mul3A_2100 = vector.broadcast %mul3A_2099 : i32 to vector<16xi32>
        %mul3A_2101 = arith.muli %get3A_2098, %mul3A_2100 : vector<16xi32>
        %add3A_2102 = arith.addi %mul3A_2094, %mul3A_2101 : vector<16xi32>
        %get3A_2103 = arith.index_cast %scan3A_1914 : i32 to index
        %get3A_2104 = arith.constant 112 : index
        %get3A_2105 = tpu.vector_load %run_scoped3A_1905[%get3A_2103, %get3A_2104] {strides = array<i32>} : memref<50x128xi32, #tpu.memory_space<vmem>>, vector<1x16xi32>,
        %get3A_2106 = vector.shape_cast %get3A_2105 : vector<1x16xi32> to vector<16xi32>
        %add3A_2107 = arith.addi %add3A_2102, %get3A_2106 : vector<16xi32>
        %swap3A_2108 = arith.index_cast %scan3A_1914 : i32 to index
        %swap3A_2109 = arith.constant 112 : index
        %swap3A_2110 = tpu.vector_load %arg8[%swap3A_2108, %swap3A_2109] {strides = array<i32>} : memref<50x128xi32, #tpu.memory_space<vmem>>, vector<1x16xi32>,
        %swap3A_2111 = vector.shape_cast %swap3A_2110 : vector<1x16xi32> to vector<16xi32>
        %swap3A_2112 = vector.shape_cast %add3A_2107 : vector<16xi32> to vector<1x16xi32>
        tpu.vector_store %arg8[%swap3A_2108, %swap3A_2109], %swap3A_2112 {strides = array<i32>} : memref<50x128xi32, #tpu.memory_space<vmem>>, vector<1x16xi32>,
      }
      %scan3A_1913 = arith.constant 50 : i32
      tpu.yield
    }) : () -> ()
    %barrier3A = arith.constant 0 : index
    tpu.barrier barrier_id(%barrier3A)
    %dma_start3A = arith.constant 0 : i32
    %dma_start3A_5 = arith.constant 0 : i32
    %dma_start3A_6 = tpu.memref_slice %arg7[%dma_start3A, %dma_start3A_5] : memref<50x128xi32, #tpu.memory_space<vmem>> -> memref<1x128xi32, #tpu.memory_space<vmem>>
    %dma_start3A_7 = tpu.memref_squeeze %dma_start3A_6 : memref<1x128xi32, #tpu.memory_space<vmem>> -> memref<128xi32, #tpu.memory_space<vmem>>
    %dma_start3A_8 = arith.constant 0 : i32
    %dma_start3A_9 = arith.constant 0 : i32
    %dma_start3A_10 = tpu.memref_slice %arg10[%dma_start3A_8, %dma_start3A_9] : memref<5000x128xf32, #tpu.memory_space<vmem_shared>> -> memref<5000x128xf32, #tpu.memory_space<vmem_shared>>
    tpu.enqueue_indirect_dma source(%dma_start3A_10 : memref<5000x128xf32, #tpu.memory_space<vmem_shared>>) target(%arg12 : memref<128x128xf32, #tpu.memory_space<vmem>>) offsets(%dma_start3A_7 : memref<128xi32, #tpu.memory_space<vmem>>) semaphore(%arg15 : memref<!tpu.dma_semaphore, #tpu.memory_space<semaphore_mem>>)
    %dma_start3A_11 = arith.constant 1 : i32
    %dma_start3A_12 = arith.constant 0 : i32
    %dma_start3A_13 = tpu.memref_slice %arg7[%dma_start3A_11, %dma_start3A_12] : memref<50x128xi32, #tpu.memory_space<vmem>> -> memref<1x128xi32, #tpu.memory_space<vmem>>
    %dma_start3A_14 = tpu.memref_squeeze %dma_start3A_13 : memref<1x128xi32, #tpu.memory_space<vmem>> -> memref<128xi32, #tpu.memory_space<vmem>>
    %dma_start3A_15 = arith.constant 0 : i32
    %dma_start3A_16 = arith.constant 0 : i32
    %dma_start3A_17 = tpu.memref_slice %arg10[%dma_start3A_15, %dma_start3A_16] : memref<5000x128xf32, #tpu.memory_space<vmem_shared>> -> memref<5000x128xf32, #tpu.memory_space<vmem_shared>>
    tpu.enqueue_indirect_dma source(%dma_start3A_17 : memref<5000x128xf32, #tpu.memory_space<vmem_shared>>) target(%arg13 : memref<128x128xf32, #tpu.memory_space<vmem>>) offsets(%dma_start3A_14 : memref<128xi32, #tpu.memory_space<vmem>>) semaphore(%arg16 : memref<!tpu.dma_semaphore, #tpu.memory_space<semaphore_mem>>)
    %dma_wait3A = arith.constant 0 : i32
    %dma_wait3A_18 = arith.constant 0 : i32
    %dma_wait3A_19 = tpu.memref_slice %arg7[%dma_wait3A, %dma_wait3A_18] : memref<50x128xi32, #tpu.memory_space<vmem>> -> memref<1x128xi32, #tpu.memory_space<vmem>>
    %dma_wait3A_20 = tpu.memref_squeeze %dma_wait3A_19 : memref<1x128xi32, #tpu.memory_space<vmem>> -> memref<128xi32, #tpu.memory_space<vmem>>
    %dma_wait3A_21 = arith.constant 0 : i32
    %dma_wait3A_22 = arith.constant 0 : i32
    %dma_wait3A_23 = tpu.memref_slice %arg10[%dma_wait3A_21, %dma_wait3A_22] : memref<5000x128xf32, #tpu.memory_space<vmem_shared>> -> memref<5000x128xf32, #tpu.memory_space<vmem_shared>>
    tpu.wait_indirect_dma semaphore(%arg15 : memref<!tpu.dma_semaphore, #tpu.memory_space<semaphore_mem>>) src(%dma_wait3A_23 : memref<5000x128xf32, #tpu.memory_space<vmem_shared>>) dst(%arg12 : memref<128x128xf32, #tpu.memory_space<vmem>>)
    %dma_start3A_24 = arith.constant 0 : i32
    %dma_start3A_25 = arith.constant 0 : i32
    %dma_start3A_26 = tpu.memref_slice %arg8[%dma_start3A_24, %dma_start3A_25] : memref<50x128xi32, #tpu.memory_space<vmem>> -> memref<1x128xi32, #tpu.memory_space<vmem>>
    %dma_start3A_27 = tpu.memref_squeeze %dma_start3A_26 : memref<1x128xi32, #tpu.memory_space<vmem>> -> memref<128xi32, #tpu.memory_space<vmem>>
    %dma_start3A_28 = arith.constant 0 : i32
    %dma_start3A_29 = arith.constant 0 : i32
    %dma_start3A_30 = tpu.memref_slice %arg11[%dma_start3A_28, %dma_start3A_29] : memref<512x128xf32, #tpu.memory_space<vmem_shared>> -> memref<512x128xf32, #tpu.memory_space<vmem_shared>>
    tpu.enqueue_indirect_dma source(%dma_start3A_30 : memref<512x128xf32, #tpu.memory_space<vmem_shared>>) target(%arg12 : memref<128x128xf32, #tpu.memory_space<vmem>>) offsets(%dma_start3A_27 : memref<128xi32, #tpu.memory_space<vmem>>) semaphore(%arg18 : memref<!tpu.dma_semaphore, #tpu.memory_space<semaphore_mem>>) {add = true}
    %dma_start3A_31 = arith.constant 2 : i32
    %dma_start3A_32 = arith.constant 0 : i32
    %dma_start3A_33 = tpu.memref_slice %arg7[%dma_start3A_31, %dma_start3A_32] : memref<50x128xi32, #tpu.memory_space<vmem>> -> memref<1x128xi32, #tpu.memory_space<vmem>>
    %dma_start3A_34 = tpu.memref_squeeze %dma_start3A_33 : memref<1x128xi32, #tpu.memory_space<vmem>> -> memref<128xi32, #tpu.memory_space<vmem>>
    %dma_start3A_35 = arith.constant 0 : i32
    %dma_start3A_36 = arith.constant 0 : i32
    %dma_start3A_37 = tpu.memref_slice %arg10[%dma_start3A_35, %dma_start3A_36] : memref<5000x128xf32, #tpu.memory_space<vmem_shared>> -> memref<5000x128xf32, #tpu.memory_space<vmem_shared>>
    tpu.enqueue_indirect_dma source(%dma_start3A_37 : memref<5000x128xf32, #tpu.memory_space<vmem_shared>>) target(%arg14 : memref<128x128xf32, #tpu.memory_space<vmem>>) offsets(%dma_start3A_34 : memref<128xi32, #tpu.memory_space<vmem>>) semaphore(%arg17 : memref<!tpu.dma_semaphore, #tpu.memory_space<semaphore_mem>>)
    %dma_wait3A_38 = arith.constant 1 : i32
    %dma_wait3A_39 = arith.constant 0 : i32
    %dma_wait3A_40 = tpu.memref_slice %arg7[%dma_wait3A_38, %dma_wait3A_39] : memref<50x128xi32, #tpu.memory_space<vmem>> -> memref<1x128xi32, #tpu.memory_space<vmem>>
    %dma_wait3A_41 = tpu.memref_squeeze %dma_wait3A_40 : memref<1x128xi32, #tpu.memory_space<vmem>> -> memref<128xi32, #tpu.memory_space<vmem>>
    %dma_wait3A_42 = arith.constant 0 : i32
    %dma_wait3A_43 = arith.constant 0 : i32
    %dma_wait3A_44 = tpu.memref_slice %arg10[%dma_wait3A_42, %dma_wait3A_43] : memref<5000x128xf32, #tpu.memory_space<vmem_shared>> -> memref<5000x128xf32, #tpu.memory_space<vmem_shared>>
    tpu.wait_indirect_dma semaphore(%arg16 : memref<!tpu.dma_semaphore, #tpu.memory_space<semaphore_mem>>) src(%dma_wait3A_44 : memref<5000x128xf32, #tpu.memory_space<vmem_shared>>) dst(%arg13 : memref<128x128xf32, #tpu.memory_space<vmem>>)
    %dma_start3A_45 = arith.constant 1 : i32
    %dma_start3A_46 = arith.constant 0 : i32
    %dma_start3A_47 = tpu.memref_slice %arg8[%dma_start3A_45, %dma_start3A_46] : memref<50x128xi32, #tpu.memory_space<vmem>> -> memref<1x128xi32, #tpu.memory_space<vmem>>
    %dma_start3A_48 = tpu.memref_squeeze %dma_start3A_47 : memref<1x128xi32, #tpu.memory_space<vmem>> -> memref<128xi32, #tpu.memory_space<vmem>>
    %dma_start3A_49 = arith.constant 0 : i32
    %dma_start3A_50 = arith.constant 0 : i32
    %dma_start3A_51 = tpu.memref_slice %arg11[%dma_start3A_49, %dma_start3A_50] : memref<512x128xf32, #tpu.memory_space<vmem_shared>> -> memref<512x128xf32, #tpu.memory_space<vmem_shared>>
    tpu.enqueue_indirect_dma source(%dma_start3A_51 : memref<512x128xf32, #tpu.memory_space<vmem_shared>>) target(%arg13 : memref<128x128xf32, #tpu.memory_space<vmem>>) offsets(%dma_start3A_48 : memref<128xi32, #tpu.memory_space<vmem>>) semaphore(%arg19 : memref<!tpu.dma_semaphore, #tpu.memory_space<semaphore_mem>>) {add = true}
    %dma_wait3A_52 = arith.constant 0 : i32
    %dma_wait3A_53 = arith.constant 0 : i32
    %dma_wait3A_54 = tpu.memref_slice %arg8[%dma_wait3A_52, %dma_wait3A_53] : memref<50x128xi32, #tpu.memory_space<vmem>> -> memref<1x128xi32, #tpu.memory_space<vmem>>
    %dma_wait3A_55 = tpu.memref_squeeze %dma_wait3A_54 : memref<1x128xi32, #tpu.memory_space<vmem>> -> memref<128xi32, #tpu.memory_space<vmem>>
    %dma_wait3A_56 = arith.constant 0 : i32
    %dma_wait3A_57 = arith.constant 0 : i32
    %dma_wait3A_58 = tpu.memref_slice %arg11[%dma_wait3A_56, %dma_wait3A_57] : memref<512x128xf32, #tpu.memory_space<vmem_shared>> -> memref<512x128xf32, #tpu.memory_space<vmem_shared>>
    tpu.wait_indirect_dma semaphore(%arg18 : memref<!tpu.dma_semaphore, #tpu.memory_space<semaphore_mem>>) src(%dma_wait3A_58 : memref<512x128xf32, #tpu.memory_space<vmem_shared>>) dst(%arg12 : memref<128x128xf32, #tpu.memory_space<vmem>>)
    %add3A_59 = arith.constant 0 : i32
    %add3A_60 = arith.addi %mul3A_2, %add3A_59 : i32
    %dma_start3A_61 = arith.constant 0 : i32
    %dma_start3A_62 = tpu.memref_slice %arg6[%add3A_60, %dma_start3A_61] : memref<204800x128xf32, #tpu.memory_space<hbm>> -> memref<128x128xf32, #tpu.memory_space<hbm>>
    %dma_start3A_63 = arith.constant 0 : i32
    %dma_start3A_64 = tpu.memref_slice %arg6[%add3A_60, %dma_start3A_63] : memref<204800x128xf32, #tpu.memory_space<hbm>> -> memref<128x128xf32, #tpu.memory_space<hbm>>
    tpu.enqueue_dma source(%arg12 : memref<128x128xf32, #tpu.memory_space<vmem>>) target(%dma_start3A_64 : memref<128x128xf32, #tpu.memory_space<hbm>>) target_semaphore(%arg21 : memref<!tpu.dma_semaphore, #tpu.memory_space<semaphore_mem>>)
    %dma_wait3A_65 = arith.constant 0 : i32
    %dma_wait3A_66 = tpu.memref_slice %arg6[%add3A_60, %dma_wait3A_65] : memref<204800x128xf32, #tpu.memory_space<hbm>> -> memref<128x128xf32, #tpu.memory_space<hbm>>
    %dma_wait3A_67 = arith.constant 0 : i32
    %dma_wait3A_68 = tpu.memref_slice %arg6[%add3A_60, %dma_wait3A_67] : memref<204800x128xf32, #tpu.memory_space<hbm>> -> memref<128x128xf32, #tpu.memory_space<hbm>>
    tpu.wait_dma2 semaphore(%arg21 : memref<!tpu.dma_semaphore, #tpu.memory_space<semaphore_mem>>) src(%arg12 : memref<128x128xf32, #tpu.memory_space<vmem>>) dst(%dma_wait3A_68 : memref<128x128xf32, #tpu.memory_space<hbm>>)
    %dma_start3A_69 = arith.constant 3 : i32
    %dma_start3A_70 = arith.constant 0 : i32
    %dma_start3A_71 = tpu.memref_slice %arg7[%dma_start3A_69, %dma_start3A_70] : memref<50x128xi32, #tpu.memory_space<vmem>> -> memref<1x128xi32, #tpu.memory_space<vmem>>
    %dma_start3A_72 = tpu.memref_squeeze %dma_start3A_71 : memref<1x128xi32, #tpu.memory_space<vmem>> -> memref<128xi32, #tpu.memory_space<vmem>>
    %dma_start3A_73 = arith.constant 0 : i32
    %dma_start3A_74 = arith.constant 0 : i32
    %dma_start3A_75 = tpu.memref_slice %arg2[%dma_start3A_73, %dma_start3A_74] : memref<5000x128xf32, #tpu.memory_space<hbm>> -> memref<5000x128xf32, #tpu.memory_space<hbm>>
    tpu.enqueue_indirect_dma source(%dma_start3A_75 : memref<5000x128xf32, #tpu.memory_space<hbm>>) target(%arg12 : memref<128x128xf32, #tpu.memory_space<vmem>>) offsets(%dma_start3A_72 : memref<128xi32, #tpu.memory_space<vmem>>) semaphore(%arg15 : memref<!tpu.dma_semaphore, #tpu.memory_space<semaphore_mem>>)
    %dma_wait3A_76 = arith.constant 2 : i32
    %dma_wait3A_77 = arith.constant 0 : i32
    %dma_wait3A_78 = tpu.memref_slice %arg7[%dma_wait3A_76, %dma_wait3A_77] : memref<50x128xi32, #tpu.memory_space<vmem>> -> memref<1x128xi32, #tpu.memory_space<vmem>>
    %dma_wait3A_79 = tpu.memref_squeeze %dma_wait3A_78 : memref<1x128xi32, #tpu.memory_space<vmem>> -> memref<128xi32, #tpu.memory_space<vmem>>
    %dma_wait3A_80 = arith.constant 0 : i32
    %dma_wait3A_81 = arith.constant 0 : i32
    %dma_wait3A_82 = tpu.memref_slice %arg10[%dma_wait3A_80, %dma_wait3A_81] : memref<5000x128xf32, #tpu.memory_space<vmem_shared>> -> memref<5000x128xf32, #tpu.memory_space<vmem_shared>>
    tpu.wait_indirect_dma semaphore(%arg17 : memref<!tpu.dma_semaphore, #tpu.memory_space<semaphore_mem>>) src(%dma_wait3A_82 : memref<5000x128xf32, #tpu.memory_space<vmem_shared>>) dst(%arg14 : memref<128x128xf32, #tpu.memory_space<vmem>>)
    %dma_start3A_83 = arith.constant 2 : i32
    %dma_start3A_84 = arith.constant 0 : i32
    %dma_start3A_85 = tpu.memref_slice %arg8[%dma_start3A_83, %dma_start3A_84] : memref<50x128xi32, #tpu.memory_space<vmem>> -> memref<1x128xi32, #tpu.memory_space<vmem>>
    %dma_start3A_86 = tpu.memref_squeeze %dma_start3A_85 : memref<1x128xi32, #tpu.memory_space<vmem>> -> memref<128xi32, #tpu.memory_space<vmem>>
    %dma_start3A_87 = arith.constant 0 : i32
    %dma_start3A_88 = arith.constant 0 : i32
    %dma_start3A_89 = tpu.memref_slice %arg11[%dma_start3A_87, %dma_start3A_88] : memref<512x128xf32, #tpu.memory_space<vmem_shared>> -> memref<512x128xf32, #tpu.memory_space<vmem_shared>>
    tpu.enqueue_indirect_dma source(%dma_start3A_89 : memref<512x128xf32, #tpu.memory_space<vmem_shared>>) target(%arg14 : memref<128x128xf32, #tpu.memory_space<vmem>>) offsets(%dma_start3A_86 : memref<128xi32, #tpu.memory_space<vmem>>) semaphore(%arg20 : memref<!tpu.dma_semaphore, #tpu.memory_space<semaphore_mem>>) {add = true}
    %dma_wait3A_90 = arith.constant 1 : i32
    %dma_wait3A_91 = arith.constant 0 : i32
    %dma_wait3A_92 = tpu.memref_slice %arg8[%dma_wait3A_90, %dma_wait3A_91] : memref<50x128xi32, #tpu.memory_space<vmem>> -> memref<1x128xi32, #tpu.memory_space<vmem>>
    %dma_wait3A_93 = tpu.memref_squeeze %dma_wait3A_92 : memref<1x128xi32, #tpu.memory_space<vmem>> -> memref<128xi32, #tpu.memory_space<vmem>>
    %dma_wait3A_94 = arith.constant 0 : i32
    %dma_wait3A_95 = arith.constant 0 : i32
    %dma_wait3A_96 = tpu.memref_slice %arg11[%dma_wait3A_94, %dma_wait3A_95] : memref<512x128xf32, #tpu.memory_space<vmem_shared>> -> memref<512x128xf32, #tpu.memory_space<vmem_shared>>
    tpu.wait_indirect_dma semaphore(%arg19 : memref<!tpu.dma_semaphore, #tpu.memory_space<semaphore_mem>>) src(%dma_wait3A_96 : memref<512x128xf32, #tpu.memory_space<vmem_shared>>) dst(%arg13 : memref<128x128xf32, #tpu.memory_space<vmem>>)
    %add3A_97 = arith.constant 128 : i32
    %add3A_98 = arith.addi %mul3A_2, %add3A_97 : i32
    %dma_start3A_99 = arith.constant 0 : i32
    %dma_start3A_100 = tpu.memref_slice %arg6[%add3A_98, %dma_start3A_99] : memref<204800x128xf32, #tpu.memory_space<hbm>> -> memref<128x128xf32, #tpu.memory_space<hbm>>
    %dma_start3A_101 = arith.constant 0 : i32
    %dma_start3A_102 = tpu.memref_slice %arg6[%add3A_98, %dma_start3A_101] : memref<204800x128xf32, #tpu.memory_space<hbm>> -> memref<128x128xf32, #tpu.memory_space<hbm>>
    tpu.enqueue_dma source(%arg13 : memref<128x128xf32, #tpu.memory_space<vmem>>) target(%dma_start3A_102 : memref<128x128xf32, #tpu.memory_space<hbm>>) target_semaphore(%arg22 : memref<!tpu.dma_semaphore, #tpu.memory_space<semaphore_mem>>)
    %dma_wait3A_103 = arith.constant 0 : i32
    %dma_wait3A_104 = tpu.memref_slice %arg6[%add3A_98, %dma_wait3A_103] : memref<204800x128xf32, #tpu.memory_space<hbm>> -> memref<128x128xf32, #tpu.memory_space<hbm>>
    %dma_wait3A_105 = arith.constant 0 : i32
    %dma_wait3A_106 = tpu.memref_slice %arg6[%add3A_98, %dma_wait3A_105] : memref<204800x128xf32, #tpu.memory_space<hbm>> -> memref<128x128xf32, #tpu.memory_space<hbm>>
    tpu.wait_dma2 semaphore(%arg22 : memref<!tpu.dma_semaphore, #tpu.memory_space<semaphore_mem>>) src(%arg13 : memref<128x128xf32, #tpu.memory_space<vmem>>) dst(%dma_wait3A_106 : memref<128x128xf32, #tpu.memory_space<hbm>>)
    %dma_start3A_107 = arith.constant 4 : i32
    %dma_start3A_108 = arith.constant 0 : i32
    %dma_start3A_109 = tpu.memref_slice %arg7[%dma_start3A_107, %dma_start3A_108] : memref<50x128xi32, #tpu.memory_space<vmem>> -> memref<1x128xi32, #tpu.memory_space<vmem>>
    %dma_start3A_110 = tpu.memref_squeeze %dma_start3A_109 : memref<1x128xi32, #tpu.memory_space<vmem>> -> memref<128xi32, #tpu.memory_space<vmem>>
    %dma_start3A_111 = arith.constant 0 : i32
    %dma_start3A_112 = arith.constant 0 : i32
    %dma_start3A_113 = tpu.memref_slice %arg10[%dma_start3A_111, %dma_start3A_112] : memref<5000x128xf32, #tpu.memory_space<vmem_shared>> -> memref<5000x128xf32, #tpu.memory_space<vmem_shared>>
    tpu.enqueue_indirect_dma source(%dma_start3A_113 : memref<5000x128xf32, #tpu.memory_space<vmem_shared>>) target(%arg13 : memref<128x128xf32, #tpu.memory_space<vmem>>) offsets(%dma_start3A_110 : memref<128xi32, #tpu.memory_space<vmem>>) semaphore(%arg16 : memref<!tpu.dma_semaphore, #tpu.memory_space<semaphore_mem>>)
    %dma_wait3A_114 = arith.constant 3 : i32
    %dma_wait3A_115 = arith.constant 0 : i32
    %dma_wait3A_116 = tpu.memref_slice %arg7[%dma_wait3A_114, %dma_wait3A_115] : memref<50x128xi32, #tpu.memory_space<vmem>> -> memref<1x128xi32, #tpu.memory_space<vmem>>
    %dma_wait3A_117 = tpu.memref_squeeze %dma_wait3A_116 : memref<1x128xi32, #tpu.memory_space<vmem>> -> memref<128xi32, #tpu.memory_space<vmem>>
    %dma_wait3A_118 = arith.constant 0 : i32
    %dma_wait3A_119 = arith.constant 0 : i32
    %dma_wait3A_120 = tpu.memref_slice %arg2[%dma_wait3A_118, %dma_wait3A_119] : memref<5000x128xf32, #tpu.memory_space<hbm>> -> memref<5000x128xf32, #tpu.memory_space<hbm>>
    tpu.wait_indirect_dma semaphore(%arg15 : memref<!tpu.dma_semaphore, #tpu.memory_space<semaphore_mem>>) src(%dma_wait3A_120 : memref<5000x128xf32, #tpu.memory_space<hbm>>) dst(%arg12 : memref<128x128xf32, #tpu.memory_space<vmem>>)
    %dma_start3A_121 = arith.constant 3 : i32
    %dma_start3A_122 = arith.constant 0 : i32
    %dma_start3A_123 = tpu.memref_slice %arg8[%dma_start3A_121, %dma_start3A_122] : memref<50x128xi32, #tpu.memory_space<vmem>> -> memref<1x128xi32, #tpu.memory_space<vmem>>
    %dma_start3A_124 = tpu.memref_squeeze %dma_start3A_123 : memref<1x128xi32, #tpu.memory_space<vmem>> -> memref<128xi32, #tpu.memory_space<vmem>>
    %dma_start3A_125 = arith.constant 0 : i32
    %dma_start3A_126 = arith.constant 0 : i32
    %dma_start3A_127 = tpu.memref_slice %arg11[%dma_start3A_125, %dma_start3A_126] : memref<512x128xf32, #tpu.memory_space<vmem_shared>> -> memref<512x128xf32, #tpu.memory_space<vmem_shared>>
    tpu.enqueue_indirect_dma source(%dma_start3A_127 : memref<512x128xf32, #tpu.memory_space<vmem_shared>>) target(%arg12 : memref<128x128xf32, #tpu.memory_space<vmem>>) offsets(%dma_start3A_124 : memref<128xi32, #tpu.memory_space<vmem>>) semaphore(%arg18 : memref<!tpu.dma_semaphore, #tpu.memory_space<semaphore_mem>>) {add = true}
    %dma_wait3A_128 = arith.constant 2 : i32
    %dma_wait3A_129 = arith.constant 0 : i32
    %dma_wait3A_130 = tpu.memref_slice %arg8[%dma_wait3A_128, %dma_wait3A_129] : memref<50x128xi32, #tpu.memory_space<vmem>> -> memref<1x128xi32, #tpu.memory_space<vmem>>
    %dma_wait3A_131 = tpu.memref_squeeze %dma_wait3A_130 : memref<1x128xi32, #tpu.memory_space<vmem>> -> memref<128xi32, #tpu.memory_space<vmem>>
    %dma_wait3A_132 = arith.constant 0 : i32
    %dma_wait3A_133 = arith.constant 0 : i32
    %dma_wait3A_134 = tpu.memref_slice %arg11[%dma_wait3A_132, %dma_wait3A_133] : memref<512x128xf32, #tpu.memory_space<vmem_shared>> -> memref<512x128xf32, #tpu.memory_space<vmem_shared>>
    tpu.wait_indirect_dma semaphore(%arg20 : memref<!tpu.dma_semaphore, #tpu.memory_space<semaphore_mem>>) src(%dma_wait3A_134 : memref<512x128xf32, #tpu.memory_space<vmem_shared>>) dst(%arg14 : memref<128x128xf32, #tpu.memory_space<vmem>>)
    %add3A_135 = arith.constant 256 : i32
    %add3A_136 = arith.addi %mul3A_2, %add3A_135 : i32
    %dma_start3A_137 = arith.constant 0 : i32
    %dma_start3A_138 = tpu.memref_slice %arg6[%add3A_136, %dma_start3A_137] : memref<204800x128xf32, #tpu.memory_space<hbm>> -> memref<128x128xf32, #tpu.memory_space<hbm>>
    %dma_start3A_139 = arith.constant 0 : i32
    %dma_start3A_140 = tpu.memref_slice %arg6[%add3A_136, %dma_start3A_139] : memref<204800x128xf32, #tpu.memory_space<hbm>> -> memref<128x128xf32, #tpu.memory_space<hbm>>
    tpu.enqueue_dma source(%arg14 : memref<128x128xf32, #tpu.memory_space<vmem>>) target(%dma_start3A_140 : memref<128x128xf32, #tpu.memory_space<hbm>>) target_semaphore(%arg23 : memref<!tpu.dma_semaphore, #tpu.memory_space<semaphore_mem>>)
    %dma_wait3A_141 = arith.constant 0 : i32
    %dma_wait3A_142 = tpu.memref_slice %arg6[%add3A_136, %dma_wait3A_141] : memref<204800x128xf32, #tpu.memory_space<hbm>> -> memref<128x128xf32, #tpu.memory_space<hbm>>
    %dma_wait3A_143 = arith.constant 0 : i32
    %dma_wait3A_144 = tpu.memref_slice %arg6[%add3A_136, %dma_wait3A_143] : memref<204800x128xf32, #tpu.memory_space<hbm>> -> memref<128x128xf32, #tpu.memory_space<hbm>>
    tpu.wait_dma2 semaphore(%arg23 : memref<!tpu.dma_semaphore, #tpu.memory_space<semaphore_mem>>) src(%arg14 : memref<128x128xf32, #tpu.memory_space<vmem>>) dst(%dma_wait3A_144 : memref<128x128xf32, #tpu.memory_space<hbm>>)
    %dma_start3A_145 = arith.constant 5 : i32
    %dma_start3A_146 = arith.constant 0 : i32
    %dma_start3A_147 = tpu.memref_slice %arg7[%dma_start3A_145, %dma_start3A_146] : memref<50x128xi32, #tpu.memory_space<vmem>> -> memref<1x128xi32, #tpu.memory_space<vmem>>
    %dma_start3A_148 = tpu.memref_squeeze %dma_start3A_147 : memref<1x128xi32, #tpu.memory_space<vmem>> -> memref<128xi32, #tpu.memory_space<vmem>>
    %dma_start3A_149 = arith.constant 0 : i32
    %dma_start3A_150 = arith.constant 0 : i32
    %dma_start3A_151 = tpu.memref_slice %arg10[%dma_start3A_149, %dma_start3A_150] : memref<5000x128xf32, #tpu.memory_space<vmem_shared>> -> memref<5000x128xf32, #tpu.memory_space<vmem_shared>>
    tpu.enqueue_indirect_dma source(%dma_start3A_151 : memref<5000x128xf32, #tpu.memory_space<vmem_shared>>) target(%arg14 : memref<128x128xf32, #tpu.memory_space<vmem>>) offsets(%dma_start3A_148 : memref<128xi32, #tpu.memory_space<vmem>>) semaphore(%arg17 : memref<!tpu.dma_semaphore, #tpu.memory_space<semaphore_mem>>)
    %dma_wait3A_152 = arith.constant 4 : i32
    %dma_wait3A_153 = arith.constant 0 : i32
    %dma_wait3A_154 = tpu.memref_slice %arg7[%dma_wait3A_152, %dma_wait3A_153] : memref<50x128xi32, #tpu.memory_space<vmem>> -> memref<1x128xi32, #tpu.memory_space<vmem>>
    %dma_wait3A_155 = tpu.memref_squeeze %dma_wait3A_154 : memref<1x128xi32, #tpu.memory_space<vmem>> -> memref<128xi32, #tpu.memory_space<vmem>>
    %dma_wait3A_156 = arith.constant 0 : i32
    %dma_wait3A_157 = arith.constant 0 : i32
    %dma_wait3A_158 = tpu.memref_slice %arg10[%dma_wait3A_156, %dma_wait3A_157] : memref<5000x128xf32, #tpu.memory_space<vmem_shared>> -> memref<5000x128xf32, #tpu.memory_space<vmem_shared>>
    tpu.wait_indirect_dma semaphore(%arg16 : memref<!tpu.dma_semaphore, #tpu.memory_space<semaphore_mem>>) src(%dma_wait3A_158 : memref<5000x128xf32, #tpu.memory_space<vmem_shared>>) dst(%arg13 : memref<128x128xf32, #tpu.memory_space<vmem>>)
    %dma_start3A_159 = arith.constant 4 : i32
    %dma_start3A_160 = arith.constant 0 : i32
    %dma_start3A_161 = tpu.memref_slice %arg8[%dma_start3A_159, %dma_start3A_160] : memref<50x128xi32, #tpu.memory_space<vmem>> -> memref<1x128xi32, #tpu.memory_space<vmem>>
    %dma_start3A_162 = tpu.memref_squeeze %dma_start3A_161 : memref<1x128xi32, #tpu.memory_space<vmem>> -> memref<128xi32, #tpu.memory_space<vmem>>
    %dma_start3A_163 = arith.constant 0 : i32
    %dma_start3A_164 = arith.constant 0 : i32
    %dma_start3A_165 = tpu.memref_slice %arg11[%dma_start3A_163, %dma_start3A_164] : memref<512x128xf32, #tpu.memory_space<vmem_shared>> -> memref<512x128xf32, #tpu.memory_space<vmem_shared>>
    tpu.enqueue_indirect_dma source(%dma_start3A_165 : memref<512x128xf32, #tpu.memory_space<vmem_shared>>) target(%arg13 : memref<128x128xf32, #tpu.memory_space<vmem>>) offsets(%dma_start3A_162 : memref<128xi32, #tpu.memory_space<vmem>>) semaphore(%arg19 : memref<!tpu.dma_semaphore, #tpu.memory_space<semaphore_mem>>) {add = true}
    %dma_wait3A_166 = arith.constant 3 : i32
    %dma_wait3A_167 = arith.constant 0 : i32
    %dma_wait3A_168 = tpu.memref_slice %arg8[%dma_wait3A_166, %dma_wait3A_167] : memref<50x128xi32, #tpu.memory_space<vmem>> -> memref<1x128xi32, #tpu.memory_space<vmem>>
    %dma_wait3A_169 = tpu.memref_squeeze %dma_wait3A_168 : memref<1x128xi32, #tpu.memory_space<vmem>> -> memref<128xi32, #tpu.memory_space<vmem>>
    %dma_wait3A_170 = arith.constant 0 : i32
    %dma_wait3A_171 = arith.constant 0 : i32
    %dma_wait3A_172 = tpu.memref_slice %arg11[%dma_wait3A_170, %dma_wait3A_171] : memref<512x128xf32, #tpu.memory_space<vmem_shared>> -> memref<512x128xf32, #tpu.memory_space<vmem_shared>>
    tpu.wait_indirect_dma semaphore(%arg18 : memref<!tpu.dma_semaphore, #tpu.memory_space<semaphore_mem>>) src(%dma_wait3A_172 : memref<512x128xf32, #tpu.memory_space<vmem_shared>>) dst(%arg12 : memref<128x128xf32, #tpu.memory_space<vmem>>)
    %add3A_173 = arith.constant 384 : i32
    %add3A_174 = arith.addi %mul3A_2, %add3A_173 : i32
    %dma_start3A_175 = arith.constant 0 : i32
    %dma_start3A_176 = tpu.memref_slice %arg6[%add3A_174, %dma_start3A_175] : memref<204800x128xf32, #tpu.memory_space<hbm>> -> memref<128x128xf32, #tpu.memory_space<hbm>>
    %dma_start3A_177 = arith.constant 0 : i32
    %dma_start3A_178 = tpu.memref_slice %arg6[%add3A_174, %dma_start3A_177] : memref<204800x128xf32, #tpu.memory_space<hbm>> -> memref<128x128xf32, #tpu.memory_space<hbm>>
    tpu.enqueue_dma source(%arg12 : memref<128x128xf32, #tpu.memory_space<vmem>>) target(%dma_start3A_178 : memref<128x128xf32, #tpu.memory_space<hbm>>) target_semaphore(%arg21 : memref<!tpu.dma_semaphore, #tpu.memory_space<semaphore_mem>>)
    %dma_wait3A_179 = arith.constant 0 : i32
    %dma_wait3A_180 = tpu.memref_slice %arg6[%add3A_174, %dma_wait3A_179] : memref<204800x128xf32, #tpu.memory_space<hbm>> -> memref<128x128xf32, #tpu.memory_space<hbm>>
    %dma_wait3A_181 = arith.constant 0 : i32
    %dma_wait3A_182 = tpu.memref_slice %arg6[%add3A_174, %dma_wait3A_181] : memref<204800x128xf32, #tpu.memory_space<hbm>> -> memref<128x128xf32, #tpu.memory_space<hbm>>
    tpu.wait_dma2 semaphore(%arg21 : memref<!tpu.dma_semaphore, #tpu.memory_space<semaphore_mem>>) src(%arg12 : memref<128x128xf32, #tpu.memory_space<vmem>>) dst(%dma_wait3A_182 : memref<128x128xf32, #tpu.memory_space<hbm>>)
    %dma_start3A_183 = arith.constant 6 : i32
    %dma_start3A_184 = arith.constant 0 : i32
    %dma_start3A_185 = tpu.memref_slice %arg7[%dma_start3A_183, %dma_start3A_184] : memref<50x128xi32, #tpu.memory_space<vmem>> -> memref<1x128xi32, #tpu.memory_space<vmem>>
    %dma_start3A_186 = tpu.memref_squeeze %dma_start3A_185 : memref<1x128xi32, #tpu.memory_space<vmem>> -> memref<128xi32, #tpu.memory_space<vmem>>
    %dma_start3A_187 = arith.constant 0 : i32
    %dma_start3A_188 = arith.constant 0 : i32
    %dma_start3A_189 = tpu.memref_slice %arg10[%dma_start3A_187, %dma_start3A_188] : memref<5000x128xf32, #tpu.memory_space<vmem_shared>> -> memref<5000x128xf32, #tpu.memory_space<vmem_shared>>
    tpu.enqueue_indirect_dma source(%dma_start3A_189 : memref<5000x128xf32, #tpu.memory_space<vmem_shared>>) target(%arg12 : memref<128x128xf32, #tpu.memory_space<vmem>>) offsets(%dma_start3A_186 : memref<128xi32, #tpu.memory_space<vmem>>) semaphore(%arg15 : memref<!tpu.dma_semaphore, #tpu.memory_space<semaphore_mem>>)
    %dma_wait3A_190 = arith.constant 5 : i32
    %dma_wait3A_191 = arith.constant 0 : i32
    %dma_wait3A_192 = tpu.memref_slice %arg7[%dma_wait3A_190, %dma_wait3A_191] : memref<50x128xi32, #tpu.memory_space<vmem>> -> memref<1x128xi32, #tpu.memory_space<vmem>>
    %dma_wait3A_193 = tpu.memref_squeeze %dma_wait3A_192 : memref<1x128xi32, #tpu.memory_space<vmem>> -> memref<128xi32, #tpu.memory_space<vmem>>
    %dma_wait3A_194 = arith.constant 0 : i32
    %dma_wait3A_195 = arith.constant 0 : i32
    %dma_wait3A_196 = tpu.memref_slice %arg10[%dma_wait3A_194, %dma_wait3A_195] : memref<5000x128xf32, #tpu.memory_space<vmem_shared>> -> memref<5000x128xf32, #tpu.memory_space<vmem_shared>>
    tpu.wait_indirect_dma semaphore(%arg17 : memref<!tpu.dma_semaphore, #tpu.memory_space<semaphore_mem>>) src(%dma_wait3A_196 : memref<5000x128xf32, #tpu.memory_space<vmem_shared>>) dst(%arg14 : memref<128x128xf32, #tpu.memory_space<vmem>>)
    %dma_start3A_197 = arith.constant 5 : i32
    %dma_start3A_198 = arith.constant 0 : i32
    %dma_start3A_199 = tpu.memref_slice %arg8[%dma_start3A_197, %dma_start3A_198] : memref<50x128xi32, #tpu.memory_space<vmem>> -> memref<1x128xi32, #tpu.memory_space<vmem>>
    %dma_start3A_200 = tpu.memref_squeeze %dma_start3A_199 : memref<1x128xi32, #tpu.memory_space<vmem>> -> memref<128xi32, #tpu.memory_space<vmem>>
    %dma_start3A_201 = arith.constant 0 : i32
    %dma_start3A_202 = arith.constant 0 : i32
    %dma_start3A_203 = tpu.memref_slice %arg11[%dma_start3A_201, %dma_start3A_202] : memref<512x128xf32, #tpu.memory_space<vmem_shared>> -> memref<512x128xf32, #tpu.memory_space<vmem_shared>>
    tpu.enqueue_indirect_dma source(%dma_start3A_203 : memref<512x128xf32, #tpu.memory_space<vmem_shared>>) target(%arg14 : memref<128x128xf32, #tpu.memory_space<vmem>>) offsets(%dma_start3A_200 : memref<128xi32, #tpu.memory_space<vmem>>) semaphore(%arg20 : memref<!tpu.dma_semaphore, #tpu.memory_space<semaphore_mem>>) {add = true}
    %dma_wait3A_204 = arith.constant 4 : i32
    %dma_wait3A_205 = arith.constant 0 : i32
    %dma_wait3A_206 = tpu.memref_slice %arg8[%dma_wait3A_204, %dma_wait3A_205] : memref<50x128xi32, #tpu.memory_space<vmem>> -> memref<1x128xi32, #tpu.memory_space<vmem>>
    %dma_wait3A_207 = tpu.memref_squeeze %dma_wait3A_206 : memref<1x128xi32, #tpu.memory_space<vmem>> -> memref<128xi32, #tpu.memory_space<vmem>>
    %dma_wait3A_208 = arith.constant 0 : i32
    %dma_wait3A_209 = arith.constant 0 : i32
    %dma_wait3A_210 = tpu.memref_slice %arg11[%dma_wait3A_208, %dma_wait3A_209] : memref<512x128xf32, #tpu.memory_space<vmem_shared>> -> memref<512x128xf32, #tpu.memory_space<vmem_shared>>
    tpu.wait_indirect_dma semaphore(%arg19 : memref<!tpu.dma_semaphore, #tpu.memory_space<semaphore_mem>>) src(%dma_wait3A_210 : memref<512x128xf32, #tpu.memory_space<vmem_shared>>) dst(%arg13 : memref<128x128xf32, #tpu.memory_space<vmem>>)
    %add3A_211 = arith.constant 512 : i32
    %add3A_212 = arith.addi %mul3A_2, %add3A_211 : i32
    %dma_start3A_213 = arith.constant 0 : i32
    %dma_start3A_214 = tpu.memref_slice %arg6[%add3A_212, %dma_start3A_213] : memref<204800x128xf32, #tpu.memory_space<hbm>> -> memref<128x128xf32, #tpu.memory_space<hbm>>
    %dma_start3A_215 = arith.constant 0 : i32
    %dma_start3A_216 = tpu.memref_slice %arg6[%add3A_212, %dma_start3A_215] : memref<204800x128xf32, #tpu.memory_space<hbm>> -> memref<128x128xf32, #tpu.memory_space<hbm>>
    tpu.enqueue_dma source(%arg13 : memref<128x128xf32, #tpu.memory_space<vmem>>) target(%dma_start3A_216 : memref<128x128xf32, #tpu.memory_space<hbm>>) target_semaphore(%arg22 : memref<!tpu.dma_semaphore, #tpu.memory_space<semaphore_mem>>)
    %dma_wait3A_217 = arith.constant 0 : i32
    %dma_wait3A_218 = tpu.memref_slice %arg6[%add3A_212, %dma_wait3A_217] : memref<204800x128xf32, #tpu.memory_space<hbm>> -> memref<128x128xf32, #tpu.memory_space<hbm>>
    %dma_wait3A_219 = arith.constant 0 : i32
    %dma_wait3A_220 = tpu.memref_slice %arg6[%add3A_212, %dma_wait3A_219] : memref<204800x128xf32, #tpu.memory_space<hbm>> -> memref<128x128xf32, #tpu.memory_space<hbm>>
    tpu.wait_dma2 semaphore(%arg22 : memref<!tpu.dma_semaphore, #tpu.memory_space<semaphore_mem>>) src(%arg13 : memref<128x128xf32, #tpu.memory_space<vmem>>) dst(%dma_wait3A_220 : memref<128x128xf32, #tpu.memory_space<hbm>>)
    %dma_start3A_221 = arith.constant 7 : i32
    %dma_start3A_222 = arith.constant 0 : i32
    %dma_start3A_223 = tpu.memref_slice %arg7[%dma_start3A_221, %dma_start3A_222] : memref<50x128xi32, #tpu.memory_space<vmem>> -> memref<1x128xi32, #tpu.memory_space<vmem>>
    %dma_start3A_224 = tpu.memref_squeeze %dma_start3A_223 : memref<1x128xi32, #tpu.memory_space<vmem>> -> memref<128xi32, #tpu.memory_space<vmem>>
    %dma_start3A_225 = arith.constant 0 : i32
    %dma_start3A_226 = arith.constant 0 : i32
    %dma_start3A_227 = tpu.memref_slice %arg2[%dma_start3A_225, %dma_start3A_226] : memref<5000x128xf32, #tpu.memory_space<hbm>> -> memref<5000x128xf32, #tpu.memory_space<hbm>>
    tpu.enqueue_indirect_dma source(%dma_start3A_227 : memref<5000x128xf32, #tpu.memory_space<hbm>>) target(%arg13 : memref<128x128xf32, #tpu.memory_space<vmem>>) offsets(%dma_start3A_224 : memref<128xi32, #tpu.memory_space<vmem>>) semaphore(%arg16 : memref<!tpu.dma_semaphore, #tpu.memory_space<semaphore_mem>>)
    %dma_wait3A_228 = arith.constant 6 : i32
    %dma_wait3A_229 = arith.constant 0 : i32
    %dma_wait3A_230 = tpu.memref_slice %arg7[%dma_wait3A_228, %dma_wait3A_229] : memref<50x128xi32, #tpu.memory_space<vmem>> -> memref<1x128xi32, #tpu.memory_space<vmem>>
    %dma_wait3A_231 = tpu.memref_squeeze %dma_wait3A_230 : memref<1x128xi32, #tpu.memory_space<vmem>> -> memref<128xi32, #tpu.memory_space<vmem>>
    %dma_wait3A_232 = arith.constant 0 : i32
    %dma_wait3A_233 = arith.constant 0 : i32
    %dma_wait3A_234 = tpu.memref_slice %arg10[%dma_wait3A_232, %dma_wait3A_233] : memref<5000x128xf32, #tpu.memory_space<vmem_shared>> -> memref<5000x128xf32, #tpu.memory_space<vmem_shared>>
    tpu.wait_indirect_dma semaphore(%arg15 : memref<!tpu.dma_semaphore, #tpu.memory_space<semaphore_mem>>) src(%dma_wait3A_234 : memref<5000x128xf32, #tpu.memory_space<vmem_shared>>) dst(%arg12 : memref<128x128xf32, #tpu.memory_space<vmem>>)
    %dma_start3A_235 = arith.constant 6 : i32
    %dma_start3A_236 = arith.constant 0 : i32
    %dma_start3A_237 = tpu.memref_slice %arg8[%dma_start3A_235, %dma_start3A_236] : memref<50x128xi32, #tpu.memory_space<vmem>> -> memref<1x128xi32, #tpu.memory_space<vmem>>
    %dma_start3A_238 = tpu.memref_squeeze %dma_start3A_237 : memref<1x128xi32, #tpu.memory_space<vmem>> -> memref<128xi32, #tpu.memory_space<vmem>>
    %dma_start3A_239 = arith.constant 0 : i32
    %dma_start3A_240 = arith.constant 0 : i32
    %dma_start3A_241 = tpu.memref_slice %arg11[%dma_start3A_239, %dma_start3A_240] : memref<512x128xf32, #tpu.memory_space<vmem_shared>> -> memref<512x128xf32, #tpu.memory_space<vmem_shared>>
    tpu.enqueue_indirect_dma source(%dma_start3A_241 : memref<512x128xf32, #tpu.memory_space<vmem_shared>>) target(%arg12 : memref<128x128xf32, #tpu.memory_space<vmem>>) offsets(%dma_start3A_238 : memref<128xi32, #tpu.memory_space<vmem>>) semaphore(%arg18 : memref<!tpu.dma_semaphore, #tpu.memory_space<semaphore_mem>>) {add = true}
    %dma_wait3A_242 = arith.constant 5 : i32
    %dma_wait3A_243 = arith.constant 0 : i32
    %dma_wait3A_244 = tpu.memref_slice %arg8[%dma_wait3A_242, %dma_wait3A_243] : memref<50x128xi32, #tpu.memory_space<vmem>> -> memref<1x128xi32, #tpu.memory_space<vmem>>
    %dma_wait3A_245 = tpu.memref_squeeze %dma_wait3A_244 : memref<1x128xi32, #tpu.memory_space<vmem>> -> memref<128xi32, #tpu.memory_space<vmem>>
    %dma_wait3A_246 = arith.constant 0 : i32
    %dma_wait3A_247 = arith.constant 0 : i32
    %dma_wait3A_248 = tpu.memref_slice %arg11[%dma_wait3A_246, %dma_wait3A_247] : memref<512x128xf32, #tpu.memory_space<vmem_shared>> -> memref<512x128xf32, #tpu.memory_space<vmem_shared>>
    tpu.wait_indirect_dma semaphore(%arg20 : memref<!tpu.dma_semaphore, #tpu.memory_space<semaphore_mem>>) src(%dma_wait3A_248 : memref<512x128xf32, #tpu.memory_space<vmem_shared>>) dst(%arg14 : memref<128x128xf32, #tpu.memory_space<vmem>>)
    %add3A_249 = arith.constant 640 : i32
    %add3A_250 = arith.addi %mul3A_2, %add3A_249 : i32
    %dma_start3A_251 = arith.constant 0 : i32
    %dma_start3A_252 = tpu.memref_slice %arg6[%add3A_250, %dma_start3A_251] : memref<204800x128xf32, #tpu.memory_space<hbm>> -> memref<128x128xf32, #tpu.memory_space<hbm>>
    %dma_start3A_253 = arith.constant 0 : i32
    %dma_start3A_254 = tpu.memref_slice %arg6[%add3A_250, %dma_start3A_253] : memref<204800x128xf32, #tpu.memory_space<hbm>> -> memref<128x128xf32, #tpu.memory_space<hbm>>
    tpu.enqueue_dma source(%arg14 : memref<128x128xf32, #tpu.memory_space<vmem>>) target(%dma_start3A_254 : memref<128x128xf32, #tpu.memory_space<hbm>>) target_semaphore(%arg23 : memref<!tpu.dma_semaphore, #tpu.memory_space<semaphore_mem>>)
    %dma_wait3A_255 = arith.constant 0 : i32
    %dma_wait3A_256 = tpu.memref_slice %arg6[%add3A_250, %dma_wait3A_255] : memref<204800x128xf32, #tpu.memory_space<hbm>> -> memref<128x128xf32, #tpu.memory_space<hbm>>
    %dma_wait3A_257 = arith.constant 0 : i32
    %dma_wait3A_258 = tpu.memref_slice %arg6[%add3A_250, %dma_wait3A_257] : memref<204800x128xf32, #tpu.memory_space<hbm>> -> memref<128x128xf32, #tpu.memory_space<hbm>>
    tpu.wait_dma2 semaphore(%arg23 : memref<!tpu.dma_semaphore, #tpu.memory_space<semaphore_mem>>) src(%arg14 : memref<128x128xf32, #tpu.memory_space<vmem>>) dst(%dma_wait3A_258 : memref<128x128xf32, #tpu.memory_space<hbm>>)
    %dma_start3A_259 = arith.constant 8 : i32
    %dma_start3A_260 = arith.constant 0 : i32
    %dma_start3A_261 = tpu.memref_slice %arg7[%dma_start3A_259, %dma_start3A_260] : memref<50x128xi32, #tpu.memory_space<vmem>> -> memref<1x128xi32, #tpu.memory_space<vmem>>
    %dma_start3A_262 = tpu.memref_squeeze %dma_start3A_261 : memref<1x128xi32, #tpu.memory_space<vmem>> -> memref<128xi32, #tpu.memory_space<vmem>>
    %dma_start3A_263 = arith.constant 0 : i32
    %dma_start3A_264 = arith.constant 0 : i32
    %dma_start3A_265 = tpu.memref_slice %arg10[%dma_start3A_263, %dma_start3A_264] : memref<5000x128xf32, #tpu.memory_space<vmem_shared>> -> memref<5000x128xf32, #tpu.memory_space<vmem_shared>>
    tpu.enqueue_indirect_dma source(%dma_start3A_265 : memref<5000x128xf32, #tpu.memory_space<vmem_shared>>) target(%arg14 : memref<128x128xf32, #tpu.memory_space<vmem>>) offsets(%dma_start3A_262 : memref<128xi32, #tpu.memory_space<vmem>>) semaphore(%arg17 : memref<!tpu.dma_semaphore, #tpu.memory_space<semaphore_mem>>)
    %dma_wait3A_266 = arith.constant 7 : i32
    %dma_wait3A_267 = arith.constant 0 : i32
    %dma_wait3A_268 = tpu.memref_slice %arg7[%dma_wait3A_266, %dma_wait3A_267] : memref<50x128xi32, #tpu.memory_space<vmem>> -> memref<1x128xi32, #tpu.memory_space<vmem>>
    %dma_wait3A_269 = tpu.memref_squeeze %dma_wait3A_268 : memref<1x128xi32, #tpu.memory_space<vmem>> -> memref<128xi32, #tpu.memory_space<vmem>>
    %dma_wait3A_270 = arith.constant 0 : i32
    %dma_wait3A_271 = arith.constant 0 : i32
    %dma_wait3A_272 = tpu.memref_slice %arg2[%dma_wait3A_270, %dma_wait3A_271] : memref<5000x128xf32, #tpu.memory_space<hbm>> -> memref<5000x128xf32, #tpu.memory_space<hbm>>
    tpu.wait_indirect_dma semaphore(%arg16 : memref<!tpu.dma_semaphore, #tpu.memory_space<semaphore_mem>>) src(%dma_wait3A_272 : memref<5000x128xf32, #tpu.memory_space<hbm>>) dst(%arg13 : memref<128x128xf32, #tpu.memory_space<vmem>>)
    %dma_start3A_273 = arith.constant 7 : i32
    %dma_start3A_274 = arith.constant 0 : i32
    %dma_start3A_275 = tpu.memref_slice %arg8[%dma_start3A_273, %dma_start3A_274] : memref<50x128xi32, #tpu.memory_space<vmem>> -> memref<1x128xi32, #tpu.memory_space<vmem>>
    %dma_start3A_276 = tpu.memref_squeeze %dma_start3A_275 : memref<1x128xi32, #tpu.memory_space<vmem>> -> memref<128xi32, #tpu.memory_space<vmem>>
    %dma_start3A_277 = arith.constant 0 : i32
    %dma_start3A_278 = arith.constant 0 : i32
    %dma_start3A_279 = tpu.memref_slice %arg11[%dma_start3A_277, %dma_start3A_278] : memref<512x128xf32, #tpu.memory_space<vmem_shared>> -> memref<512x128xf32, #tpu.memory_space<vmem_shared>>
    tpu.enqueue_indirect_dma source(%dma_start3A_279 : memref<512x128xf32, #tpu.memory_space<vmem_shared>>) target(%arg13 : memref<128x128xf32, #tpu.memory_space<vmem>>) offsets(%dma_start3A_276 : memref<128xi32, #tpu.memory_space<vmem>>) semaphore(%arg19 : memref<!tpu.dma_semaphore, #tpu.memory_space<semaphore_mem>>) {add = true}
    %dma_wait3A_280 = arith.constant 6 : i32
    %dma_wait3A_281 = arith.constant 0 : i32
    %dma_wait3A_282 = tpu.memref_slice %arg8[%dma_wait3A_280, %dma_wait3A_281] : memref<50x128xi32, #tpu.memory_space<vmem>> -> memref<1x128xi32, #tpu.memory_space<vmem>>
    %dma_wait3A_283 = tpu.memref_squeeze %dma_wait3A_282 : memref<1x128xi32, #tpu.memory_space<vmem>> -> memref<128xi32, #tpu.memory_space<vmem>>
    %dma_wait3A_284 = arith.constant 0 : i32
    %dma_wait3A_285 = arith.constant 0 : i32
    %dma_wait3A_286 = tpu.memref_slice %arg11[%dma_wait3A_284, %dma_wait3A_285] : memref<512x128xf32, #tpu.memory_space<vmem_shared>> -> memref<512x128xf32, #tpu.memory_space<vmem_shared>>
    tpu.wait_indirect_dma semaphore(%arg18 : memref<!tpu.dma_semaphore, #tpu.memory_space<semaphore_mem>>) src(%dma_wait3A_286 : memref<512x128xf32, #tpu.memory_space<vmem_shared>>) dst(%arg12 : memref<128x128xf32, #tpu.memory_space<vmem>>)
    %add3A_287 = arith.constant 768 : i32
    %add3A_288 = arith.addi %mul3A_2, %add3A_287 : i32
    %dma_start3A_289 = arith.constant 0 : i32
    %dma_start3A_290 = tpu.memref_slice %arg6[%add3A_288, %dma_start3A_289] : memref<204800x128xf32, #tpu.memory_space<hbm>> -> memref<128x128xf32, #tpu.memory_space<hbm>>
    %dma_start3A_291 = arith.constant 0 : i32
    %dma_start3A_292 = tpu.memref_slice %arg6[%add3A_288, %dma_start3A_291] : memref<204800x128xf32, #tpu.memory_space<hbm>> -> memref<128x128xf32, #tpu.memory_space<hbm>>
    tpu.enqueue_dma source(%arg12 : memref<128x128xf32, #tpu.memory_space<vmem>>) target(%dma_start3A_292 : memref<128x128xf32, #tpu.memory_space<hbm>>) target_semaphore(%arg21 : memref<!tpu.dma_semaphore, #tpu.memory_space<semaphore_mem>>)
    %dma_wait3A_293 = arith.constant 0 : i32
    %dma_wait3A_294 = tpu.memref_slice %arg6[%add3A_288, %dma_wait3A_293] : memref<204800x128xf32, #tpu.memory_space<hbm>> -> memref<128x128xf32, #tpu.memory_space<hbm>>
    %dma_wait3A_295 = arith.constant 0 : i32
    %dma_wait3A_296 = tpu.memref_slice %arg6[%add3A_288, %dma_wait3A_295] : memref<204800x128xf32, #tpu.memory_space<hbm>> -> memref<128x128xf32, #tpu.memory_space<hbm>>
    tpu.wait_dma2 semaphore(%arg21 : memref<!tpu.dma_semaphore, #tpu.memory_space<semaphore_mem>>) src(%arg12 : memref<128x128xf32, #tpu.memory_space<vmem>>) dst(%dma_wait3A_296 : memref<128x128xf32, #tpu.memory_space<hbm>>)
    %dma_start3A_297 = arith.constant 9 : i32
    %dma_start3A_298 = arith.constant 0 : i32
    %dma_start3A_299 = tpu.memref_slice %arg7[%dma_start3A_297, %dma_start3A_298] : memref<50x128xi32, #tpu.memory_space<vmem>> -> memref<1x128xi32, #tpu.memory_space<vmem>>
    %dma_start3A_300 = tpu.memref_squeeze %dma_start3A_299 : memref<1x128xi32, #tpu.memory_space<vmem>> -> memref<128xi32, #tpu.memory_space<vmem>>
    %dma_start3A_301 = arith.constant 0 : i32
    %dma_start3A_302 = arith.constant 0 : i32
    %dma_start3A_303 = tpu.memref_slice %arg10[%dma_start3A_301, %dma_start3A_302] : memref<5000x128xf32, #tpu.memory_space<vmem_shared>> -> memref<5000x128xf32, #tpu.memory_space<vmem_shared>>
    tpu.enqueue_indirect_dma source(%dma_start3A_303 : memref<5000x128xf32, #tpu.memory_space<vmem_shared>>) target(%arg12 : memref<128x128xf32, #tpu.memory_space<vmem>>) offsets(%dma_start3A_300 : memref<128xi32, #tpu.memory_space<vmem>>) semaphore(%arg15 : memref<!tpu.dma_semaphore, #tpu.memory_space<semaphore_mem>>)
    %dma_wait3A_304 = arith.constant 8 : i32
    %dma_wait3A_305 = arith.constant 0 : i32
    %dma_wait3A_306 = tpu.memref_slice %arg7[%dma_wait3A_304, %dma_wait3A_305] : memref<50x128xi32, #tpu.memory_space<vmem>> -> memref<1x128xi32, #tpu.memory_space<vmem>>
    %dma_wait3A_307 = tpu.memref_squeeze %dma_wait3A_306 : memref<1x128xi32, #tpu.memory_space<vmem>> -> memref<128xi32, #tpu.memory_space<vmem>>
    %dma_wait3A_308 = arith.constant 0 : i32
    %dma_wait3A_309 = arith.constant 0 : i32
    %dma_wait3A_310 = tpu.memref_slice %arg10[%dma_wait3A_308, %dma_wait3A_309] : memref<5000x128xf32, #tpu.memory_space<vmem_shared>> -> memref<5000x128xf32, #tpu.memory_space<vmem_shared>>
    tpu.wait_indirect_dma semaphore(%arg17 : memref<!tpu.dma_semaphore, #tpu.memory_space<semaphore_mem>>) src(%dma_wait3A_310 : memref<5000x128xf32, #tpu.memory_space<vmem_shared>>) dst(%arg14 : memref<128x128xf32, #tpu.memory_space<vmem>>)
    %dma_start3A_311 = arith.constant 8 : i32
    %dma_start3A_312 = arith.constant 0 : i32
    %dma_start3A_313 = tpu.memref_slice %arg8[%dma_start3A_311, %dma_start3A_312] : memref<50x128xi32, #tpu.memory_space<vmem>> -> memref<1x128xi32, #tpu.memory_space<vmem>>
    %dma_start3A_314 = tpu.memref_squeeze %dma_start3A_313 : memref<1x128xi32, #tpu.memory_space<vmem>> -> memref<128xi32, #tpu.memory_space<vmem>>
    %dma_start3A_315 = arith.constant 0 : i32
    %dma_start3A_316 = arith.constant 0 : i32
    %dma_start3A_317 = tpu.memref_slice %arg11[%dma_start3A_315, %dma_start3A_316] : memref<512x128xf32, #tpu.memory_space<vmem_shared>> -> memref<512x128xf32, #tpu.memory_space<vmem_shared>>
    tpu.enqueue_indirect_dma source(%dma_start3A_317 : memref<512x128xf32, #tpu.memory_space<vmem_shared>>) target(%arg14 : memref<128x128xf32, #tpu.memory_space<vmem>>) offsets(%dma_start3A_314 : memref<128xi32, #tpu.memory_space<vmem>>) semaphore(%arg20 : memref<!tpu.dma_semaphore, #tpu.memory_space<semaphore_mem>>) {add = true}
    %dma_wait3A_318 = arith.constant 7 : i32
    %dma_wait3A_319 = arith.constant 0 : i32
    %dma_wait3A_320 = tpu.memref_slice %arg8[%dma_wait3A_318, %dma_wait3A_319] : memref<50x128xi32, #tpu.memory_space<vmem>> -> memref<1x128xi32, #tpu.memory_space<vmem>>
    %dma_wait3A_321 = tpu.memref_squeeze %dma_wait3A_320 : memref<1x128xi32, #tpu.memory_space<vmem>> -> memref<128xi32, #tpu.memory_space<vmem>>
    %dma_wait3A_322 = arith.constant 0 : i32
    %dma_wait3A_323 = arith.constant 0 : i32
    %dma_wait3A_324 = tpu.memref_slice %arg11[%dma_wait3A_322, %dma_wait3A_323] : memref<512x128xf32, #tpu.memory_space<vmem_shared>> -> memref<512x128xf32, #tpu.memory_space<vmem_shared>>
    tpu.wait_indirect_dma semaphore(%arg19 : memref<!tpu.dma_semaphore, #tpu.memory_space<semaphore_mem>>) src(%dma_wait3A_324 : memref<512x128xf32, #tpu.memory_space<vmem_shared>>) dst(%arg13 : memref<128x128xf32, #tpu.memory_space<vmem>>)
    %add3A_325 = arith.constant 896 : i32
    %add3A_326 = arith.addi %mul3A_2, %add3A_325 : i32
    %dma_start3A_327 = arith.constant 0 : i32
    %dma_start3A_328 = tpu.memref_slice %arg6[%add3A_326, %dma_start3A_327] : memref<204800x128xf32, #tpu.memory_space<hbm>> -> memref<128x128xf32, #tpu.memory_space<hbm>>
    %dma_start3A_329 = arith.constant 0 : i32
    %dma_start3A_330 = tpu.memref_slice %arg6[%add3A_326, %dma_start3A_329] : memref<204800x128xf32, #tpu.memory_space<hbm>> -> memref<128x128xf32, #tpu.memory_space<hbm>>
    tpu.enqueue_dma source(%arg13 : memref<128x128xf32, #tpu.memory_space<vmem>>) target(%dma_start3A_330 : memref<128x128xf32, #tpu.memory_space<hbm>>) target_semaphore(%arg22 : memref<!tpu.dma_semaphore, #tpu.memory_space<semaphore_mem>>)
    %dma_wait3A_331 = arith.constant 0 : i32
    %dma_wait3A_332 = tpu.memref_slice %arg6[%add3A_326, %dma_wait3A_331] : memref<204800x128xf32, #tpu.memory_space<hbm>> -> memref<128x128xf32, #tpu.memory_space<hbm>>
    %dma_wait3A_333 = arith.constant 0 : i32
    %dma_wait3A_334 = tpu.memref_slice %arg6[%add3A_326, %dma_wait3A_333] : memref<204800x128xf32, #tpu.memory_space<hbm>> -> memref<128x128xf32, #tpu.memory_space<hbm>>
    tpu.wait_dma2 semaphore(%arg22 : memref<!tpu.dma_semaphore, #tpu.memory_space<semaphore_mem>>) src(%arg13 : memref<128x128xf32, #tpu.memory_space<vmem>>) dst(%dma_wait3A_334 : memref<128x128xf32, #tpu.memory_space<hbm>>)
    %dma_start3A_335 = arith.constant 10 : i32
    %dma_start3A_336 = arith.constant 0 : i32
    %dma_start3A_337 = tpu.memref_slice %arg7[%dma_start3A_335, %dma_start3A_336] : memref<50x128xi32, #tpu.memory_space<vmem>> -> memref<1x128xi32, #tpu.memory_space<vmem>>
    %dma_start3A_338 = tpu.memref_squeeze %dma_start3A_337 : memref<1x128xi32, #tpu.memory_space<vmem>> -> memref<128xi32, #tpu.memory_space<vmem>>
    %dma_start3A_339 = arith.constant 0 : i32
    %dma_start3A_340 = arith.constant 0 : i32
    %dma_start3A_341 = tpu.memref_slice %arg10[%dma_start3A_339, %dma_start3A_340] : memref<5000x128xf32, #tpu.memory_space<vmem_shared>> -> memref<5000x128xf32, #tpu.memory_space<vmem_shared>>
    tpu.enqueue_indirect_dma source(%dma_start3A_341 : memref<5000x128xf32, #tpu.memory_space<vmem_shared>>) target(%arg13 : memref<128x128xf32, #tpu.memory_space<vmem>>) offsets(%dma_start3A_338 : memref<128xi32, #tpu.memory_space<vmem>>) semaphore(%arg16 : memref<!tpu.dma_semaphore, #tpu.memory_space<semaphore_mem>>)
    %dma_wait3A_342 = arith.constant 9 : i32
    %dma_wait3A_343 = arith.constant 0 : i32
    %dma_wait3A_344 = tpu.memref_slice %arg7[%dma_wait3A_342, %dma_wait3A_343] : memref<50x128xi32, #tpu.memory_space<vmem>> -> memref<1x128xi32, #tpu.memory_space<vmem>>
    %dma_wait3A_345 = tpu.memref_squeeze %dma_wait3A_344 : memref<1x128xi32, #tpu.memory_space<vmem>> -> memref<128xi32, #tpu.memory_space<vmem>>
    %dma_wait3A_346 = arith.constant 0 : i32
    %dma_wait3A_347 = arith.constant 0 : i32
    %dma_wait3A_348 = tpu.memref_slice %arg10[%dma_wait3A_346, %dma_wait3A_347] : memref<5000x128xf32, #tpu.memory_space<vmem_shared>> -> memref<5000x128xf32, #tpu.memory_space<vmem_shared>>
    tpu.wait_indirect_dma semaphore(%arg15 : memref<!tpu.dma_semaphore, #tpu.memory_space<semaphore_mem>>) src(%dma_wait3A_348 : memref<5000x128xf32, #tpu.memory_space<vmem_shared>>) dst(%arg12 : memref<128x128xf32, #tpu.memory_space<vmem>>)
    %dma_start3A_349 = arith.constant 9 : i32
    %dma_start3A_350 = arith.constant 0 : i32
    %dma_start3A_351 = tpu.memref_slice %arg8[%dma_start3A_349, %dma_start3A_350] : memref<50x128xi32, #tpu.memory_space<vmem>> -> memref<1x128xi32, #tpu.memory_space<vmem>>
    %dma_start3A_352 = tpu.memref_squeeze %dma_start3A_351 : memref<1x128xi32, #tpu.memory_space<vmem>> -> memref<128xi32, #tpu.memory_space<vmem>>
    %dma_start3A_353 = arith.constant 0 : i32
    %dma_start3A_354 = arith.constant 0 : i32
    %dma_start3A_355 = tpu.memref_slice %arg11[%dma_start3A_353, %dma_start3A_354] : memref<512x128xf32, #tpu.memory_space<vmem_shared>> -> memref<512x128xf32, #tpu.memory_space<vmem_shared>>
    tpu.enqueue_indirect_dma source(%dma_start3A_355 : memref<512x128xf32, #tpu.memory_space<vmem_shared>>) target(%arg12 : memref<128x128xf32, #tpu.memory_space<vmem>>) offsets(%dma_start3A_352 : memref<128xi32, #tpu.memory_space<vmem>>) semaphore(%arg18 : memref<!tpu.dma_semaphore, #tpu.memory_space<semaphore_mem>>) {add = true}
    %dma_wait3A_356 = arith.constant 8 : i32
    %dma_wait3A_357 = arith.constant 0 : i32
    %dma_wait3A_358 = tpu.memref_slice %arg8[%dma_wait3A_356, %dma_wait3A_357] : memref<50x128xi32, #tpu.memory_space<vmem>> -> memref<1x128xi32, #tpu.memory_space<vmem>>
    %dma_wait3A_359 = tpu.memref_squeeze %dma_wait3A_358 : memref<1x128xi32, #tpu.memory_space<vmem>> -> memref<128xi32, #tpu.memory_space<vmem>>
    %dma_wait3A_360 = arith.constant 0 : i32
    %dma_wait3A_361 = arith.constant 0 : i32
    %dma_wait3A_362 = tpu.memref_slice %arg11[%dma_wait3A_360, %dma_wait3A_361] : memref<512x128xf32, #tpu.memory_space<vmem_shared>> -> memref<512x128xf32, #tpu.memory_space<vmem_shared>>
    tpu.wait_indirect_dma semaphore(%arg20 : memref<!tpu.dma_semaphore, #tpu.memory_space<semaphore_mem>>) src(%dma_wait3A_362 : memref<512x128xf32, #tpu.memory_space<vmem_shared>>) dst(%arg14 : memref<128x128xf32, #tpu.memory_space<vmem>>)
    %add3A_363 = arith.constant 1024 : i32
    %add3A_364 = arith.addi %mul3A_2, %add3A_363 : i32
    %dma_start3A_365 = arith.constant 0 : i32
    %dma_start3A_366 = tpu.memref_slice %arg6[%add3A_364, %dma_start3A_365] : memref<204800x128xf32, #tpu.memory_space<hbm>> -> memref<128x128xf32, #tpu.memory_space<hbm>>
    %dma_start3A_367 = arith.constant 0 : i32
    %dma_start3A_368 = tpu.memref_slice %arg6[%add3A_364, %dma_start3A_367] : memref<204800x128xf32, #tpu.memory_space<hbm>> -> memref<128x128xf32, #tpu.memory_space<hbm>>
    tpu.enqueue_dma source(%arg14 : memref<128x128xf32, #tpu.memory_space<vmem>>) target(%dma_start3A_368 : memref<128x128xf32, #tpu.memory_space<hbm>>) target_semaphore(%arg23 : memref<!tpu.dma_semaphore, #tpu.memory_space<semaphore_mem>>)
    %dma_wait3A_369 = arith.constant 0 : i32
    %dma_wait3A_370 = tpu.memref_slice %arg6[%add3A_364, %dma_wait3A_369] : memref<204800x128xf32, #tpu.memory_space<hbm>> -> memref<128x128xf32, #tpu.memory_space<hbm>>
    %dma_wait3A_371 = arith.constant 0 : i32
    %dma_wait3A_372 = tpu.memref_slice %arg6[%add3A_364, %dma_wait3A_371] : memref<204800x128xf32, #tpu.memory_space<hbm>> -> memref<128x128xf32, #tpu.memory_space<hbm>>
    tpu.wait_dma2 semaphore(%arg23 : memref<!tpu.dma_semaphore, #tpu.memory_space<semaphore_mem>>) src(%arg14 : memref<128x128xf32, #tpu.memory_space<vmem>>) dst(%dma_wait3A_372 : memref<128x128xf32, #tpu.memory_space<hbm>>)
    %dma_start3A_373 = arith.constant 11 : i32
    %dma_start3A_374 = arith.constant 0 : i32
    %dma_start3A_375 = tpu.memref_slice %arg7[%dma_start3A_373, %dma_start3A_374] : memref<50x128xi32, #tpu.memory_space<vmem>> -> memref<1x128xi32, #tpu.memory_space<vmem>>
    %dma_start3A_376 = tpu.memref_squeeze %dma_start3A_375 : memref<1x128xi32, #tpu.memory_space<vmem>> -> memref<128xi32, #tpu.memory_space<vmem>>
    %dma_start3A_377 = arith.constant 0 : i32
    %dma_start3A_378 = arith.constant 0 : i32
    %dma_start3A_379 = tpu.memref_slice %arg2[%dma_start3A_377, %dma_start3A_378] : memref<5000x128xf32, #tpu.memory_space<hbm>> -> memref<5000x128xf32, #tpu.memory_space<hbm>>
    tpu.enqueue_indirect_dma source(%dma_start3A_379 : memref<5000x128xf32, #tpu.memory_space<hbm>>) target(%arg14 : memref<128x128xf32, #tpu.memory_space<vmem>>) offsets(%dma_start3A_376 : memref<128xi32, #tpu.memory_space<vmem>>) semaphore(%arg17 : memref<!tpu.dma_semaphore, #tpu.memory_space<semaphore_mem>>)
    %dma_wait3A_380 = arith.constant 10 : i32
    %dma_wait3A_381 = arith.constant 0 : i32
    %dma_wait3A_382 = tpu.memref_slice %arg7[%dma_wait3A_380, %dma_wait3A_381] : memref<50x128xi32, #tpu.memory_space<vmem>> -> memref<1x128xi32, #tpu.memory_space<vmem>>
    %dma_wait3A_383 = tpu.memref_squeeze %dma_wait3A_382 : memref<1x128xi32, #tpu.memory_space<vmem>> -> memref<128xi32, #tpu.memory_space<vmem>>
    %dma_wait3A_384 = arith.constant 0 : i32
    %dma_wait3A_385 = arith.constant 0 : i32
    %dma_wait3A_386 = tpu.memref_slice %arg10[%dma_wait3A_384, %dma_wait3A_385] : memref<5000x128xf32, #tpu.memory_space<vmem_shared>> -> memref<5000x128xf32, #tpu.memory_space<vmem_shared>>
    tpu.wait_indirect_dma semaphore(%arg16 : memref<!tpu.dma_semaphore, #tpu.memory_space<semaphore_mem>>) src(%dma_wait3A_386 : memref<5000x128xf32, #tpu.memory_space<vmem_shared>>) dst(%arg13 : memref<128x128xf32, #tpu.memory_space<vmem>>)
    %dma_start3A_387 = arith.constant 10 : i32
    %dma_start3A_388 = arith.constant 0 : i32
    %dma_start3A_389 = tpu.memref_slice %arg8[%dma_start3A_387, %dma_start3A_388] : memref<50x128xi32, #tpu.memory_space<vmem>> -> memref<1x128xi32, #tpu.memory_space<vmem>>
    %dma_start3A_390 = tpu.memref_squeeze %dma_start3A_389 : memref<1x128xi32, #tpu.memory_space<vmem>> -> memref<128xi32, #tpu.memory_space<vmem>>
    %dma_start3A_391 = arith.constant 0 : i32
    %dma_start3A_392 = arith.constant 0 : i32
    %dma_start3A_393 = tpu.memref_slice %arg11[%dma_start3A_391, %dma_start3A_392] : memref<512x128xf32, #tpu.memory_space<vmem_shared>> -> memref<512x128xf32, #tpu.memory_space<vmem_shared>>
    tpu.enqueue_indirect_dma source(%dma_start3A_393 : memref<512x128xf32, #tpu.memory_space<vmem_shared>>) target(%arg13 : memref<128x128xf32, #tpu.memory_space<vmem>>) offsets(%dma_start3A_390 : memref<128xi32, #tpu.memory_space<vmem>>) semaphore(%arg19 : memref<!tpu.dma_semaphore, #tpu.memory_space<semaphore_mem>>) {add = true}
    %dma_wait3A_394 = arith.constant 9 : i32
    %dma_wait3A_395 = arith.constant 0 : i32
    %dma_wait3A_396 = tpu.memref_slice %arg8[%dma_wait3A_394, %dma_wait3A_395] : memref<50x128xi32, #tpu.memory_space<vmem>> -> memref<1x128xi32, #tpu.memory_space<vmem>>
    %dma_wait3A_397 = tpu.memref_squeeze %dma_wait3A_396 : memref<1x128xi32, #tpu.memory_space<vmem>> -> memref<128xi32, #tpu.memory_space<vmem>>
    %dma_wait3A_398 = arith.constant 0 : i32
    %dma_wait3A_399 = arith.constant 0 : i32
    %dma_wait3A_400 = tpu.memref_slice %arg11[%dma_wait3A_398, %dma_wait3A_399] : memref<512x128xf32, #tpu.memory_space<vmem_shared>> -> memref<512x128xf32, #tpu.memory_space<vmem_shared>>
    tpu.wait_indirect_dma semaphore(%arg18 : memref<!tpu.dma_semaphore, #tpu.memory_space<semaphore_mem>>) src(%dma_wait3A_400 : memref<512x128xf32, #tpu.memory_space<vmem_shared>>) dst(%arg12 : memref<128x128xf32, #tpu.memory_space<vmem>>)
    %add3A_401 = arith.constant 1152 : i32
    %add3A_402 = arith.addi %mul3A_2, %add3A_401 : i32
    %dma_start3A_403 = arith.constant 0 : i32
    %dma_start3A_404 = tpu.memref_slice %arg6[%add3A_402, %dma_start3A_403] : memref<204800x128xf32, #tpu.memory_space<hbm>> -> memref<128x128xf32, #tpu.memory_space<hbm>>
    %dma_start3A_405 = arith.constant 0 : i32
    %dma_start3A_406 = tpu.memref_slice %arg6[%add3A_402, %dma_start3A_405] : memref<204800x128xf32, #tpu.memory_space<hbm>> -> memref<128x128xf32, #tpu.memory_space<hbm>>
    tpu.enqueue_dma source(%arg12 : memref<128x128xf32, #tpu.memory_space<vmem>>) target(%dma_start3A_406 : memref<128x128xf32, #tpu.memory_space<hbm>>) target_semaphore(%arg21 : memref<!tpu.dma_semaphore, #tpu.memory_space<semaphore_mem>>)
    %dma_wait3A_407 = arith.constant 0 : i32
    %dma_wait3A_408 = tpu.memref_slice %arg6[%add3A_402, %dma_wait3A_407] : memref<204800x128xf32, #tpu.memory_space<hbm>> -> memref<128x128xf32, #tpu.memory_space<hbm>>
    %dma_wait3A_409 = arith.constant 0 : i32
    %dma_wait3A_410 = tpu.memref_slice %arg6[%add3A_402, %dma_wait3A_409] : memref<204800x128xf32, #tpu.memory_space<hbm>> -> memref<128x128xf32, #tpu.memory_space<hbm>>
    tpu.wait_dma2 semaphore(%arg21 : memref<!tpu.dma_semaphore, #tpu.memory_space<semaphore_mem>>) src(%arg12 : memref<128x128xf32, #tpu.memory_space<vmem>>) dst(%dma_wait3A_410 : memref<128x128xf32, #tpu.memory_space<hbm>>)
    %dma_start3A_411 = arith.constant 12 : i32
    %dma_start3A_412 = arith.constant 0 : i32
    %dma_start3A_413 = tpu.memref_slice %arg7[%dma_start3A_411, %dma_start3A_412] : memref<50x128xi32, #tpu.memory_space<vmem>> -> memref<1x128xi32, #tpu.memory_space<vmem>>
    %dma_start3A_414 = tpu.memref_squeeze %dma_start3A_413 : memref<1x128xi32, #tpu.memory_space<vmem>> -> memref<128xi32, #tpu.memory_space<vmem>>
    %dma_start3A_415 = arith.constant 0 : i32
    %dma_start3A_416 = arith.constant 0 : i32
    %dma_start3A_417 = tpu.memref_slice %arg10[%dma_start3A_415, %dma_start3A_416] : memref<5000x128xf32, #tpu.memory_space<vmem_shared>> -> memref<5000x128xf32, #tpu.memory_space<vmem_shared>>
    tpu.enqueue_indirect_dma source(%dma_start3A_417 : memref<5000x128xf32, #tpu.memory_space<vmem_shared>>) target(%arg12 : memref<128x128xf32, #tpu.memory_space<vmem>>) offsets(%dma_start3A_414 : memref<128xi32, #tpu.memory_space<vmem>>) semaphore(%arg15 : memref<!tpu.dma_semaphore, #tpu.memory_space<semaphore_mem>>)
    %dma_wait3A_418 = arith.constant 11 : i32
    %dma_wait3A_419 = arith.constant 0 : i32
    %dma_wait3A_420 = tpu.memref_slice %arg7[%dma_wait3A_418, %dma_wait3A_419] : memref<50x128xi32, #tpu.memory_space<vmem>> -> memref<1x128xi32, #tpu.memory_space<vmem>>
    %dma_wait3A_421 = tpu.memref_squeeze %dma_wait3A_420 : memref<1x128xi32, #tpu.memory_space<vmem>> -> memref<128xi32, #tpu.memory_space<vmem>>
    %dma_wait3A_422 = arith.constant 0 : i32
    %dma_wait3A_423 = arith.constant 0 : i32
    %dma_wait3A_424 = tpu.memref_slice %arg2[%dma_wait3A_422, %dma_wait3A_423] : memref<5000x128xf32, #tpu.memory_space<hbm>> -> memref<5000x128xf32, #tpu.memory_space<hbm>>
    tpu.wait_indirect_dma semaphore(%arg17 : memref<!tpu.dma_semaphore, #tpu.memory_space<semaphore_mem>>) src(%dma_wait3A_424 : memref<5000x128xf32, #tpu.memory_space<hbm>>) dst(%arg14 : memref<128x128xf32, #tpu.memory_space<vmem>>)
    %dma_start3A_425 = arith.constant 11 : i32
    %dma_start3A_426 = arith.constant 0 : i32
    %dma_start3A_427 = tpu.memref_slice %arg8[%dma_start3A_425, %dma_start3A_426] : memref<50x128xi32, #tpu.memory_space<vmem>> -> memref<1x128xi32, #tpu.memory_space<vmem>>
    %dma_start3A_428 = tpu.memref_squeeze %dma_start3A_427 : memref<1x128xi32, #tpu.memory_space<vmem>> -> memref<128xi32, #tpu.memory_space<vmem>>
    %dma_start3A_429 = arith.constant 0 : i32
    %dma_start3A_430 = arith.constant 0 : i32
    %dma_start3A_431 = tpu.memref_slice %arg11[%dma_start3A_429, %dma_start3A_430] : memref<512x128xf32, #tpu.memory_space<vmem_shared>> -> memref<512x128xf32, #tpu.memory_space<vmem_shared>>
    tpu.enqueue_indirect_dma source(%dma_start3A_431 : memref<512x128xf32, #tpu.memory_space<vmem_shared>>) target(%arg14 : memref<128x128xf32, #tpu.memory_space<vmem>>) offsets(%dma_start3A_428 : memref<128xi32, #tpu.memory_space<vmem>>) semaphore(%arg20 : memref<!tpu.dma_semaphore, #tpu.memory_space<semaphore_mem>>) {add = true}
    %dma_wait3A_432 = arith.constant 10 : i32
    %dma_wait3A_433 = arith.constant 0 : i32
    %dma_wait3A_434 = tpu.memref_slice %arg8[%dma_wait3A_432, %dma_wait3A_433] : memref<50x128xi32, #tpu.memory_space<vmem>> -> memref<1x128xi32, #tpu.memory_space<vmem>>
    %dma_wait3A_435 = tpu.memref_squeeze %dma_wait3A_434 : memref<1x128xi32, #tpu.memory_space<vmem>> -> memref<128xi32, #tpu.memory_space<vmem>>
    %dma_wait3A_436 = arith.constant 0 : i32
    %dma_wait3A_437 = arith.constant 0 : i32
    %dma_wait3A_438 = tpu.memref_slice %arg11[%dma_wait3A_436, %dma_wait3A_437] : memref<512x128xf32, #tpu.memory_space<vmem_shared>> -> memref<512x128xf32, #tpu.memory_space<vmem_shared>>
    tpu.wait_indirect_dma semaphore(%arg19 : memref<!tpu.dma_semaphore, #tpu.memory_space<semaphore_mem>>) src(%dma_wait3A_438 : memref<512x128xf32, #tpu.memory_space<vmem_shared>>) dst(%arg13 : memref<128x128xf32, #tpu.memory_space<vmem>>)
    %add3A_439 = arith.constant 1280 : i32
    %add3A_440 = arith.addi %mul3A_2, %add3A_439 : i32
    %dma_start3A_441 = arith.constant 0 : i32
    %dma_start3A_442 = tpu.memref_slice %arg6[%add3A_440, %dma_start3A_441] : memref<204800x128xf32, #tpu.memory_space<hbm>> -> memref<128x128xf32, #tpu.memory_space<hbm>>
    %dma_start3A_443 = arith.constant 0 : i32
    %dma_start3A_444 = tpu.memref_slice %arg6[%add3A_440, %dma_start3A_443] : memref<204800x128xf32, #tpu.memory_space<hbm>> -> memref<128x128xf32, #tpu.memory_space<hbm>>
    tpu.enqueue_dma source(%arg13 : memref<128x128xf32, #tpu.memory_space<vmem>>) target(%dma_start3A_444 : memref<128x128xf32, #tpu.memory_space<hbm>>) target_semaphore(%arg22 : memref<!tpu.dma_semaphore, #tpu.memory_space<semaphore_mem>>)
    %dma_wait3A_445 = arith.constant 0 : i32
    %dma_wait3A_446 = tpu.memref_slice %arg6[%add3A_440, %dma_wait3A_445] : memref<204800x128xf32, #tpu.memory_space<hbm>> -> memref<128x128xf32, #tpu.memory_space<hbm>>
    %dma_wait3A_447 = arith.constant 0 : i32
    %dma_wait3A_448 = tpu.memref_slice %arg6[%add3A_440, %dma_wait3A_447] : memref<204800x128xf32, #tpu.memory_space<hbm>> -> memref<128x128xf32, #tpu.memory_space<hbm>>
    tpu.wait_dma2 semaphore(%arg22 : memref<!tpu.dma_semaphore, #tpu.memory_space<semaphore_mem>>) src(%arg13 : memref<128x128xf32, #tpu.memory_space<vmem>>) dst(%dma_wait3A_448 : memref<128x128xf32, #tpu.memory_space<hbm>>)
    %dma_start3A_449 = arith.constant 13 : i32
    %dma_start3A_450 = arith.constant 0 : i32
    %dma_start3A_451 = tpu.memref_slice %arg7[%dma_start3A_449, %dma_start3A_450] : memref<50x128xi32, #tpu.memory_space<vmem>> -> memref<1x128xi32, #tpu.memory_space<vmem>>
    %dma_start3A_452 = tpu.memref_squeeze %dma_start3A_451 : memref<1x128xi32, #tpu.memory_space<vmem>> -> memref<128xi32, #tpu.memory_space<vmem>>
    %dma_start3A_453 = arith.constant 0 : i32
    %dma_start3A_454 = arith.constant 0 : i32
    %dma_start3A_455 = tpu.memref_slice %arg10[%dma_start3A_453, %dma_start3A_454] : memref<5000x128xf32, #tpu.memory_space<vmem_shared>> -> memref<5000x128xf32, #tpu.memory_space<vmem_shared>>
    tpu.enqueue_indirect_dma source(%dma_start3A_455 : memref<5000x128xf32, #tpu.memory_space<vmem_shared>>) target(%arg13 : memref<128x128xf32, #tpu.memory_space<vmem>>) offsets(%dma_start3A_452 : memref<128xi32, #tpu.memory_space<vmem>>) semaphore(%arg16 : memref<!tpu.dma_semaphore, #tpu.memory_space<semaphore_mem>>)
    %dma_wait3A_456 = arith.constant 12 : i32
    %dma_wait3A_457 = arith.constant 0 : i32
    %dma_wait3A_458 = tpu.memref_slice %arg7[%dma_wait3A_456, %dma_wait3A_457] : memref<50x128xi32, #tpu.memory_space<vmem>> -> memref<1x128xi32, #tpu.memory_space<vmem>>
    %dma_wait3A_459 = tpu.memref_squeeze %dma_wait3A_458 : memref<1x128xi32, #tpu.memory_space<vmem>> -> memref<128xi32, #tpu.memory_space<vmem>>
    %dma_wait3A_460 = arith.constant 0 : i32
    %dma_wait3A_461 = arith.constant 0 : i32
    %dma_wait3A_462 = tpu.memref_slice %arg10[%dma_wait3A_460, %dma_wait3A_461] : memref<5000x128xf32, #tpu.memory_space<vmem_shared>> -> memref<5000x128xf32, #tpu.memory_space<vmem_shared>>
    tpu.wait_indirect_dma semaphore(%arg15 : memref<!tpu.dma_semaphore, #tpu.memory_space<semaphore_mem>>) src(%dma_wait3A_462 : memref<5000x128xf32, #tpu.memory_space<vmem_shared>>) dst(%arg12 : memref<128x128xf32, #tpu.memory_space<vmem>>)
    %dma_start3A_463 = arith.constant 12 : i32
    %dma_start3A_464 = arith.constant 0 : i32
    %dma_start3A_465 = tpu.memref_slice %arg8[%dma_start3A_463, %dma_start3A_464] : memref<50x128xi32, #tpu.memory_space<vmem>> -> memref<1x128xi32, #tpu.memory_space<vmem>>
    %dma_start3A_466 = tpu.memref_squeeze %dma_start3A_465 : memref<1x128xi32, #tpu.memory_space<vmem>> -> memref<128xi32, #tpu.memory_space<vmem>>
    %dma_start3A_467 = arith.constant 0 : i32
    %dma_start3A_468 = arith.constant 0 : i32
    %dma_start3A_469 = tpu.memref_slice %arg11[%dma_start3A_467, %dma_start3A_468] : memref<512x128xf32, #tpu.memory_space<vmem_shared>> -> memref<512x128xf32, #tpu.memory_space<vmem_shared>>
    tpu.enqueue_indirect_dma source(%dma_start3A_469 : memref<512x128xf32, #tpu.memory_space<vmem_shared>>) target(%arg12 : memref<128x128xf32, #tpu.memory_space<vmem>>) offsets(%dma_start3A_466 : memref<128xi32, #tpu.memory_space<vmem>>) semaphore(%arg18 : memref<!tpu.dma_semaphore, #tpu.memory_space<semaphore_mem>>) {add = true}
    %dma_wait3A_470 = arith.constant 11 : i32
    %dma_wait3A_471 = arith.constant 0 : i32
    %dma_wait3A_472 = tpu.memref_slice %arg8[%dma_wait3A_470, %dma_wait3A_471] : memref<50x128xi32, #tpu.memory_space<vmem>> -> memref<1x128xi32, #tpu.memory_space<vmem>>
    %dma_wait3A_473 = tpu.memref_squeeze %dma_wait3A_472 : memref<1x128xi32, #tpu.memory_space<vmem>> -> memref<128xi32, #tpu.memory_space<vmem>>
    %dma_wait3A_474 = arith.constant 0 : i32
    %dma_wait3A_475 = arith.constant 0 : i32
    %dma_wait3A_476 = tpu.memref_slice %arg11[%dma_wait3A_474, %dma_wait3A_475] : memref<512x128xf32, #tpu.memory_space<vmem_shared>> -> memref<512x128xf32, #tpu.memory_space<vmem_shared>>
    tpu.wait_indirect_dma semaphore(%arg20 : memref<!tpu.dma_semaphore, #tpu.memory_space<semaphore_mem>>) src(%dma_wait3A_476 : memref<512x128xf32, #tpu.memory_space<vmem_shared>>) dst(%arg14 : memref<128x128xf32, #tpu.memory_space<vmem>>)
    %add3A_477 = arith.constant 1408 : i32
    %add3A_478 = arith.addi %mul3A_2, %add3A_477 : i32
    %dma_start3A_479 = arith.constant 0 : i32
    %dma_start3A_480 = tpu.memref_slice %arg6[%add3A_478, %dma_start3A_479] : memref<204800x128xf32, #tpu.memory_space<hbm>> -> memref<128x128xf32, #tpu.memory_space<hbm>>
    %dma_start3A_481 = arith.constant 0 : i32
    %dma_start3A_482 = tpu.memref_slice %arg6[%add3A_478, %dma_start3A_481] : memref<204800x128xf32, #tpu.memory_space<hbm>> -> memref<128x128xf32, #tpu.memory_space<hbm>>
    tpu.enqueue_dma source(%arg14 : memref<128x128xf32, #tpu.memory_space<vmem>>) target(%dma_start3A_482 : memref<128x128xf32, #tpu.memory_space<hbm>>) target_semaphore(%arg23 : memref<!tpu.dma_semaphore, #tpu.memory_space<semaphore_mem>>)
    %dma_wait3A_483 = arith.constant 0 : i32
    %dma_wait3A_484 = tpu.memref_slice %arg6[%add3A_478, %dma_wait3A_483] : memref<204800x128xf32, #tpu.memory_space<hbm>> -> memref<128x128xf32, #tpu.memory_space<hbm>>
    %dma_wait3A_485 = arith.constant 0 : i32
    %dma_wait3A_486 = tpu.memref_slice %arg6[%add3A_478, %dma_wait3A_485] : memref<204800x128xf32, #tpu.memory_space<hbm>> -> memref<128x128xf32, #tpu.memory_space<hbm>>
    tpu.wait_dma2 semaphore(%arg23 : memref<!tpu.dma_semaphore, #tpu.memory_space<semaphore_mem>>) src(%arg14 : memref<128x128xf32, #tpu.memory_space<vmem>>) dst(%dma_wait3A_486 : memref<128x128xf32, #tpu.memory_space<hbm>>)
    %dma_start3A_487 = arith.constant 14 : i32
    %dma_start3A_488 = arith.constant 0 : i32
    %dma_start3A_489 = tpu.memref_slice %arg7[%dma_start3A_487, %dma_start3A_488] : memref<50x128xi32, #tpu.memory_space<vmem>> -> memref<1x128xi32, #tpu.memory_space<vmem>>
    %dma_start3A_490 = tpu.memref_squeeze %dma_start3A_489 : memref<1x128xi32, #tpu.memory_space<vmem>> -> memref<128xi32, #tpu.memory_space<vmem>>
    %dma_start3A_491 = arith.constant 0 : i32
    %dma_start3A_492 = arith.constant 0 : i32
    %dma_start3A_493 = tpu.memref_slice %arg10[%dma_start3A_491, %dma_start3A_492] : memref<5000x128xf32, #tpu.memory_space<vmem_shared>> -> memref<5000x128xf32, #tpu.memory_space<vmem_shared>>
    tpu.enqueue_indirect_dma source(%dma_start3A_493 : memref<5000x128xf32, #tpu.memory_space<vmem_shared>>) target(%arg14 : memref<128x128xf32, #tpu.memory_space<vmem>>) offsets(%dma_start3A_490 : memref<128xi32, #tpu.memory_space<vmem>>) semaphore(%arg17 : memref<!tpu.dma_semaphore, #tpu.memory_space<semaphore_mem>>)
    %dma_wait3A_494 = arith.constant 13 : i32
    %dma_wait3A_495 = arith.constant 0 : i32
    %dma_wait3A_496 = tpu.memref_slice %arg7[%dma_wait3A_494, %dma_wait3A_495] : memref<50x128xi32, #tpu.memory_space<vmem>> -> memref<1x128xi32, #tpu.memory_space<vmem>>
    %dma_wait3A_497 = tpu.memref_squeeze %dma_wait3A_496 : memref<1x128xi32, #tpu.memory_space<vmem>> -> memref<128xi32, #tpu.memory_space<vmem>>
    %dma_wait3A_498 = arith.constant 0 : i32
    %dma_wait3A_499 = arith.constant 0 : i32
    %dma_wait3A_500 = tpu.memref_slice %arg10[%dma_wait3A_498, %dma_wait3A_499] : memref<5000x128xf32, #tpu.memory_space<vmem_shared>> -> memref<5000x128xf32, #tpu.memory_space<vmem_shared>>
    tpu.wait_indirect_dma semaphore(%arg16 : memref<!tpu.dma_semaphore, #tpu.memory_space<semaphore_mem>>) src(%dma_wait3A_500 : memref<5000x128xf32, #tpu.memory_space<vmem_shared>>) dst(%arg13 : memref<128x128xf32, #tpu.memory_space<vmem>>)
    %dma_start3A_501 = arith.constant 13 : i32
    %dma_start3A_502 = arith.constant 0 : i32
    %dma_start3A_503 = tpu.memref_slice %arg8[%dma_start3A_501, %dma_start3A_502] : memref<50x128xi32, #tpu.memory_space<vmem>> -> memref<1x128xi32, #tpu.memory_space<vmem>>
    %dma_start3A_504 = tpu.memref_squeeze %dma_start3A_503 : memref<1x128xi32, #tpu.memory_space<vmem>> -> memref<128xi32, #tpu.memory_space<vmem>>
    %dma_start3A_505 = arith.constant 0 : i32
    %dma_start3A_506 = arith.constant 0 : i32
    %dma_start3A_507 = tpu.memref_slice %arg11[%dma_start3A_505, %dma_start3A_506] : memref<512x128xf32, #tpu.memory_space<vmem_shared>> -> memref<512x128xf32, #tpu.memory_space<vmem_shared>>
    tpu.enqueue_indirect_dma source(%dma_start3A_507 : memref<512x128xf32, #tpu.memory_space<vmem_shared>>) target(%arg13 : memref<128x128xf32, #tpu.memory_space<vmem>>) offsets(%dma_start3A_504 : memref<128xi32, #tpu.memory_space<vmem>>) semaphore(%arg19 : memref<!tpu.dma_semaphore, #tpu.memory_space<semaphore_mem>>) {add = true}
    %dma_wait3A_508 = arith.constant 12 : i32
    %dma_wait3A_509 = arith.constant 0 : i32
    %dma_wait3A_510 = tpu.memref_slice %arg8[%dma_wait3A_508, %dma_wait3A_509] : memref<50x128xi32, #tpu.memory_space<vmem>> -> memref<1x128xi32, #tpu.memory_space<vmem>>
    %dma_wait3A_511 = tpu.memref_squeeze %dma_wait3A_510 : memref<1x128xi32, #tpu.memory_space<vmem>> -> memref<128xi32, #tpu.memory_space<vmem>>
    %dma_wait3A_512 = arith.constant 0 : i32
    %dma_wait3A_513 = arith.constant 0 : i32
    %dma_wait3A_514 = tpu.memref_slice %arg11[%dma_wait3A_512, %dma_wait3A_513] : memref<512x128xf32, #tpu.memory_space<vmem_shared>> -> memref<512x128xf32, #tpu.memory_space<vmem_shared>>
    tpu.wait_indirect_dma semaphore(%arg18 : memref<!tpu.dma_semaphore, #tpu.memory_space<semaphore_mem>>) src(%dma_wait3A_514 : memref<512x128xf32, #tpu.memory_space<vmem_shared>>) dst(%arg12 : memref<128x128xf32, #tpu.memory_space<vmem>>)
    %add3A_515 = arith.constant 1536 : i32
    %add3A_516 = arith.addi %mul3A_2, %add3A_515 : i32
    %dma_start3A_517 = arith.constant 0 : i32
    %dma_start3A_518 = tpu.memref_slice %arg6[%add3A_516, %dma_start3A_517] : memref<204800x128xf32, #tpu.memory_space<hbm>> -> memref<128x128xf32, #tpu.memory_space<hbm>>
    %dma_start3A_519 = arith.constant 0 : i32
    %dma_start3A_520 = tpu.memref_slice %arg6[%add3A_516, %dma_start3A_519] : memref<204800x128xf32, #tpu.memory_space<hbm>> -> memref<128x128xf32, #tpu.memory_space<hbm>>
    tpu.enqueue_dma source(%arg12 : memref<128x128xf32, #tpu.memory_space<vmem>>) target(%dma_start3A_520 : memref<128x128xf32, #tpu.memory_space<hbm>>) target_semaphore(%arg21 : memref<!tpu.dma_semaphore, #tpu.memory_space<semaphore_mem>>)
    %dma_wait3A_521 = arith.constant 0 : i32
    %dma_wait3A_522 = tpu.memref_slice %arg6[%add3A_516, %dma_wait3A_521] : memref<204800x128xf32, #tpu.memory_space<hbm>> -> memref<128x128xf32, #tpu.memory_space<hbm>>
    %dma_wait3A_523 = arith.constant 0 : i32
    %dma_wait3A_524 = tpu.memref_slice %arg6[%add3A_516, %dma_wait3A_523] : memref<204800x128xf32, #tpu.memory_space<hbm>> -> memref<128x128xf32, #tpu.memory_space<hbm>>
    tpu.wait_dma2 semaphore(%arg21 : memref<!tpu.dma_semaphore, #tpu.memory_space<semaphore_mem>>) src(%arg12 : memref<128x128xf32, #tpu.memory_space<vmem>>) dst(%dma_wait3A_524 : memref<128x128xf32, #tpu.memory_space<hbm>>)
    %dma_start3A_525 = arith.constant 15 : i32
    %dma_start3A_526 = arith.constant 0 : i32
    %dma_start3A_527 = tpu.memref_slice %arg7[%dma_start3A_525, %dma_start3A_526] : memref<50x128xi32, #tpu.memory_space<vmem>> -> memref<1x128xi32, #tpu.memory_space<vmem>>
    %dma_start3A_528 = tpu.memref_squeeze %dma_start3A_527 : memref<1x128xi32, #tpu.memory_space<vmem>> -> memref<128xi32, #tpu.memory_space<vmem>>
    %dma_start3A_529 = arith.constant 0 : i32
    %dma_start3A_530 = arith.constant 0 : i32
    %dma_start3A_531 = tpu.memref_slice %arg2[%dma_start3A_529, %dma_start3A_530] : memref<5000x128xf32, #tpu.memory_space<hbm>> -> memref<5000x128xf32, #tpu.memory_space<hbm>>
    tpu.enqueue_indirect_dma source(%dma_start3A_531 : memref<5000x128xf32, #tpu.memory_space<hbm>>) target(%arg12 : memref<128x128xf32, #tpu.memory_space<vmem>>) offsets(%dma_start3A_528 : memref<128xi32, #tpu.memory_space<vmem>>) semaphore(%arg15 : memref<!tpu.dma_semaphore, #tpu.memory_space<semaphore_mem>>)
    %dma_wait3A_532 = arith.constant 14 : i32
    %dma_wait3A_533 = arith.constant 0 : i32
    %dma_wait3A_534 = tpu.memref_slice %arg7[%dma_wait3A_532, %dma_wait3A_533] : memref<50x128xi32, #tpu.memory_space<vmem>> -> memref<1x128xi32, #tpu.memory_space<vmem>>
    %dma_wait3A_535 = tpu.memref_squeeze %dma_wait3A_534 : memref<1x128xi32, #tpu.memory_space<vmem>> -> memref<128xi32, #tpu.memory_space<vmem>>
    %dma_wait3A_536 = arith.constant 0 : i32
    %dma_wait3A_537 = arith.constant 0 : i32
    %dma_wait3A_538 = tpu.memref_slice %arg10[%dma_wait3A_536, %dma_wait3A_537] : memref<5000x128xf32, #tpu.memory_space<vmem_shared>> -> memref<5000x128xf32, #tpu.memory_space<vmem_shared>>
    tpu.wait_indirect_dma semaphore(%arg17 : memref<!tpu.dma_semaphore, #tpu.memory_space<semaphore_mem>>) src(%dma_wait3A_538 : memref<5000x128xf32, #tpu.memory_space<vmem_shared>>) dst(%arg14 : memref<128x128xf32, #tpu.memory_space<vmem>>)
    %dma_start3A_539 = arith.constant 14 : i32
    %dma_start3A_540 = arith.constant 0 : i32
    %dma_start3A_541 = tpu.memref_slice %arg8[%dma_start3A_539, %dma_start3A_540] : memref<50x128xi32, #tpu.memory_space<vmem>> -> memref<1x128xi32, #tpu.memory_space<vmem>>
    %dma_start3A_542 = tpu.memref_squeeze %dma_start3A_541 : memref<1x128xi32, #tpu.memory_space<vmem>> -> memref<128xi32, #tpu.memory_space<vmem>>
    %dma_start3A_543 = arith.constant 0 : i32
    %dma_start3A_544 = arith.constant 0 : i32
    %dma_start3A_545 = tpu.memref_slice %arg11[%dma_start3A_543, %dma_start3A_544] : memref<512x128xf32, #tpu.memory_space<vmem_shared>> -> memref<512x128xf32, #tpu.memory_space<vmem_shared>>
    tpu.enqueue_indirect_dma source(%dma_start3A_545 : memref<512x128xf32, #tpu.memory_space<vmem_shared>>) target(%arg14 : memref<128x128xf32, #tpu.memory_space<vmem>>) offsets(%dma_start3A_542 : memref<128xi32, #tpu.memory_space<vmem>>) semaphore(%arg20 : memref<!tpu.dma_semaphore, #tpu.memory_space<semaphore_mem>>) {add = true}
    %dma_wait3A_546 = arith.constant 13 : i32
    %dma_wait3A_547 = arith.constant 0 : i32
    %dma_wait3A_548 = tpu.memref_slice %arg8[%dma_wait3A_546, %dma_wait3A_547] : memref<50x128xi32, #tpu.memory_space<vmem>> -> memref<1x128xi32, #tpu.memory_space<vmem>>
    %dma_wait3A_549 = tpu.memref_squeeze %dma_wait3A_548 : memref<1x128xi32, #tpu.memory_space<vmem>> -> memref<128xi32, #tpu.memory_space<vmem>>
    %dma_wait3A_550 = arith.constant 0 : i32
    %dma_wait3A_551 = arith.constant 0 : i32
    %dma_wait3A_552 = tpu.memref_slice %arg11[%dma_wait3A_550, %dma_wait3A_551] : memref<512x128xf32, #tpu.memory_space<vmem_shared>> -> memref<512x128xf32, #tpu.memory_space<vmem_shared>>
    tpu.wait_indirect_dma semaphore(%arg19 : memref<!tpu.dma_semaphore, #tpu.memory_space<semaphore_mem>>) src(%dma_wait3A_552 : memref<512x128xf32, #tpu.memory_space<vmem_shared>>) dst(%arg13 : memref<128x128xf32, #tpu.memory_space<vmem>>)
    %add3A_553 = arith.constant 1664 : i32
    %add3A_554 = arith.addi %mul3A_2, %add3A_553 : i32
    %dma_start3A_555 = arith.constant 0 : i32
    %dma_start3A_556 = tpu.memref_slice %arg6[%add3A_554, %dma_start3A_555] : memref<204800x128xf32, #tpu.memory_space<hbm>> -> memref<128x128xf32, #tpu.memory_space<hbm>>
    %dma_start3A_557 = arith.constant 0 : i32
    %dma_start3A_558 = tpu.memref_slice %arg6[%add3A_554, %dma_start3A_557] : memref<204800x128xf32, #tpu.memory_space<hbm>> -> memref<128x128xf32, #tpu.memory_space<hbm>>
    tpu.enqueue_dma source(%arg13 : memref<128x128xf32, #tpu.memory_space<vmem>>) target(%dma_start3A_558 : memref<128x128xf32, #tpu.memory_space<hbm>>) target_semaphore(%arg22 : memref<!tpu.dma_semaphore, #tpu.memory_space<semaphore_mem>>)
    %dma_wait3A_559 = arith.constant 0 : i32
    %dma_wait3A_560 = tpu.memref_slice %arg6[%add3A_554, %dma_wait3A_559] : memref<204800x128xf32, #tpu.memory_space<hbm>> -> memref<128x128xf32, #tpu.memory_space<hbm>>
    %dma_wait3A_561 = arith.constant 0 : i32
    %dma_wait3A_562 = tpu.memref_slice %arg6[%add3A_554, %dma_wait3A_561] : memref<204800x128xf32, #tpu.memory_space<hbm>> -> memref<128x128xf32, #tpu.memory_space<hbm>>
    tpu.wait_dma2 semaphore(%arg22 : memref<!tpu.dma_semaphore, #tpu.memory_space<semaphore_mem>>) src(%arg13 : memref<128x128xf32, #tpu.memory_space<vmem>>) dst(%dma_wait3A_562 : memref<128x128xf32, #tpu.memory_space<hbm>>)
    %dma_start3A_563 = arith.constant 16 : i32
    %dma_start3A_564 = arith.constant 0 : i32
    %dma_start3A_565 = tpu.memref_slice %arg7[%dma_start3A_563, %dma_start3A_564] : memref<50x128xi32, #tpu.memory_space<vmem>> -> memref<1x128xi32, #tpu.memory_space<vmem>>
    %dma_start3A_566 = tpu.memref_squeeze %dma_start3A_565 : memref<1x128xi32, #tpu.memory_space<vmem>> -> memref<128xi32, #tpu.memory_space<vmem>>
    %dma_start3A_567 = arith.constant 0 : i32
    %dma_start3A_568 = arith.constant 0 : i32
    %dma_start3A_569 = tpu.memref_slice %arg10[%dma_start3A_567, %dma_start3A_568] : memref<5000x128xf32, #tpu.memory_space<vmem_shared>> -> memref<5000x128xf32, #tpu.memory_space<vmem_shared>>
    tpu.enqueue_indirect_dma source(%dma_start3A_569 : memref<5000x128xf32, #tpu.memory_space<vmem_shared>>) target(%arg13 : memref<128x128xf32, #tpu.memory_space<vmem>>) offsets(%dma_start3A_566 : memref<128xi32, #tpu.memory_space<vmem>>) semaphore(%arg16 : memref<!tpu.dma_semaphore, #tpu.memory_space<semaphore_mem>>)
    %dma_wait3A_570 = arith.constant 15 : i32
    %dma_wait3A_571 = arith.constant 0 : i32
    %dma_wait3A_572 = tpu.memref_slice %arg7[%dma_wait3A_570, %dma_wait3A_571] : memref<50x128xi32, #tpu.memory_space<vmem>> -> memref<1x128xi32, #tpu.memory_space<vmem>>
    %dma_wait3A_573 = tpu.memref_squeeze %dma_wait3A_572 : memref<1x128xi32, #tpu.memory_space<vmem>> -> memref<128xi32, #tpu.memory_space<vmem>>
    %dma_wait3A_574 = arith.constant 0 : i32
    %dma_wait3A_575 = arith.constant 0 : i32
    %dma_wait3A_576 = tpu.memref_slice %arg2[%dma_wait3A_574, %dma_wait3A_575] : memref<5000x128xf32, #tpu.memory_space<hbm>> -> memref<5000x128xf32, #tpu.memory_space<hbm>>
    tpu.wait_indirect_dma semaphore(%arg15 : memref<!tpu.dma_semaphore, #tpu.memory_space<semaphore_mem>>) src(%dma_wait3A_576 : memref<5000x128xf32, #tpu.memory_space<hbm>>) dst(%arg12 : memref<128x128xf32, #tpu.memory_space<vmem>>)
    %dma_start3A_577 = arith.constant 15 : i32
    %dma_start3A_578 = arith.constant 0 : i32
    %dma_start3A_579 = tpu.memref_slice %arg8[%dma_start3A_577, %dma_start3A_578] : memref<50x128xi32, #tpu.memory_space<vmem>> -> memref<1x128xi32, #tpu.memory_space<vmem>>
    %dma_start3A_580 = tpu.memref_squeeze %dma_start3A_579 : memref<1x128xi32, #tpu.memory_space<vmem>> -> memref<128xi32, #tpu.memory_space<vmem>>
    %dma_start3A_581 = arith.constant 0 : i32
    %dma_start3A_582 = arith.constant 0 : i32
    %dma_start3A_583 = tpu.memref_slice %arg11[%dma_start3A_581, %dma_start3A_582] : memref<512x128xf32, #tpu.memory_space<vmem_shared>> -> memref<512x128xf32, #tpu.memory_space<vmem_shared>>
    tpu.enqueue_indirect_dma source(%dma_start3A_583 : memref<512x128xf32, #tpu.memory_space<vmem_shared>>) target(%arg12 : memref<128x128xf32, #tpu.memory_space<vmem>>) offsets(%dma_start3A_580 : memref<128xi32, #tpu.memory_space<vmem>>) semaphore(%arg18 : memref<!tpu.dma_semaphore, #tpu.memory_space<semaphore_mem>>) {add = true}
    %dma_wait3A_584 = arith.constant 14 : i32
    %dma_wait3A_585 = arith.constant 0 : i32
    %dma_wait3A_586 = tpu.memref_slice %arg8[%dma_wait3A_584, %dma_wait3A_585] : memref<50x128xi32, #tpu.memory_space<vmem>> -> memref<1x128xi32, #tpu.memory_space<vmem>>
    %dma_wait3A_587 = tpu.memref_squeeze %dma_wait3A_586 : memref<1x128xi32, #tpu.memory_space<vmem>> -> memref<128xi32, #tpu.memory_space<vmem>>
    %dma_wait3A_588 = arith.constant 0 : i32
    %dma_wait3A_589 = arith.constant 0 : i32
    %dma_wait3A_590 = tpu.memref_slice %arg11[%dma_wait3A_588, %dma_wait3A_589] : memref<512x128xf32, #tpu.memory_space<vmem_shared>> -> memref<512x128xf32, #tpu.memory_space<vmem_shared>>
    tpu.wait_indirect_dma semaphore(%arg20 : memref<!tpu.dma_semaphore, #tpu.memory_space<semaphore_mem>>) src(%dma_wait3A_590 : memref<512x128xf32, #tpu.memory_space<vmem_shared>>) dst(%arg14 : memref<128x128xf32, #tpu.memory_space<vmem>>)
    %add3A_591 = arith.constant 1792 : i32
    %add3A_592 = arith.addi %mul3A_2, %add3A_591 : i32
    %dma_start3A_593 = arith.constant 0 : i32
    %dma_start3A_594 = tpu.memref_slice %arg6[%add3A_592, %dma_start3A_593] : memref<204800x128xf32, #tpu.memory_space<hbm>> -> memref<128x128xf32, #tpu.memory_space<hbm>>
    %dma_start3A_595 = arith.constant 0 : i32
    %dma_start3A_596 = tpu.memref_slice %arg6[%add3A_592, %dma_start3A_595] : memref<204800x128xf32, #tpu.memory_space<hbm>> -> memref<128x128xf32, #tpu.memory_space<hbm>>
    tpu.enqueue_dma source(%arg14 : memref<128x128xf32, #tpu.memory_space<vmem>>) target(%dma_start3A_596 : memref<128x128xf32, #tpu.memory_space<hbm>>) target_semaphore(%arg23 : memref<!tpu.dma_semaphore, #tpu.memory_space<semaphore_mem>>)
    %dma_wait3A_597 = arith.constant 0 : i32
    %dma_wait3A_598 = tpu.memref_slice %arg6[%add3A_592, %dma_wait3A_597] : memref<204800x128xf32, #tpu.memory_space<hbm>> -> memref<128x128xf32, #tpu.memory_space<hbm>>
    %dma_wait3A_599 = arith.constant 0 : i32
    %dma_wait3A_600 = tpu.memref_slice %arg6[%add3A_592, %dma_wait3A_599] : memref<204800x128xf32, #tpu.memory_space<hbm>> -> memref<128x128xf32, #tpu.memory_space<hbm>>
    tpu.wait_dma2 semaphore(%arg23 : memref<!tpu.dma_semaphore, #tpu.memory_space<semaphore_mem>>) src(%arg14 : memref<128x128xf32, #tpu.memory_space<vmem>>) dst(%dma_wait3A_600 : memref<128x128xf32, #tpu.memory_space<hbm>>)
    %dma_start3A_601 = arith.constant 17 : i32
    %dma_start3A_602 = arith.constant 0 : i32
    %dma_start3A_603 = tpu.memref_slice %arg7[%dma_start3A_601, %dma_start3A_602] : memref<50x128xi32, #tpu.memory_space<vmem>> -> memref<1x128xi32, #tpu.memory_space<vmem>>
    %dma_start3A_604 = tpu.memref_squeeze %dma_start3A_603 : memref<1x128xi32, #tpu.memory_space<vmem>> -> memref<128xi32, #tpu.memory_space<vmem>>
    %dma_start3A_605 = arith.constant 0 : i32
    %dma_start3A_606 = arith.constant 0 : i32
    %dma_start3A_607 = tpu.memref_slice %arg10[%dma_start3A_605, %dma_start3A_606] : memref<5000x128xf32, #tpu.memory_space<vmem_shared>> -> memref<5000x128xf32, #tpu.memory_space<vmem_shared>>
    tpu.enqueue_indirect_dma source(%dma_start3A_607 : memref<5000x128xf32, #tpu.memory_space<vmem_shared>>) target(%arg14 : memref<128x128xf32, #tpu.memory_space<vmem>>) offsets(%dma_start3A_604 : memref<128xi32, #tpu.memory_space<vmem>>) semaphore(%arg17 : memref<!tpu.dma_semaphore, #tpu.memory_space<semaphore_mem>>)
    %dma_wait3A_608 = arith.constant 16 : i32
    %dma_wait3A_609 = arith.constant 0 : i32
    %dma_wait3A_610 = tpu.memref_slice %arg7[%dma_wait3A_608, %dma_wait3A_609] : memref<50x128xi32, #tpu.memory_space<vmem>> -> memref<1x128xi32, #tpu.memory_space<vmem>>
    %dma_wait3A_611 = tpu.memref_squeeze %dma_wait3A_610 : memref<1x128xi32, #tpu.memory_space<vmem>> -> memref<128xi32, #tpu.memory_space<vmem>>
    %dma_wait3A_612 = arith.constant 0 : i32
    %dma_wait3A_613 = arith.constant 0 : i32
    %dma_wait3A_614 = tpu.memref_slice %arg10[%dma_wait3A_612, %dma_wait3A_613] : memref<5000x128xf32, #tpu.memory_space<vmem_shared>> -> memref<5000x128xf32, #tpu.memory_space<vmem_shared>>
    tpu.wait_indirect_dma semaphore(%arg16 : memref<!tpu.dma_semaphore, #tpu.memory_space<semaphore_mem>>) src(%dma_wait3A_614 : memref<5000x128xf32, #tpu.memory_space<vmem_shared>>) dst(%arg13 : memref<128x128xf32, #tpu.memory_space<vmem>>)
    %dma_start3A_615 = arith.constant 16 : i32
    %dma_start3A_616 = arith.constant 0 : i32
    %dma_start3A_617 = tpu.memref_slice %arg8[%dma_start3A_615, %dma_start3A_616] : memref<50x128xi32, #tpu.memory_space<vmem>> -> memref<1x128xi32, #tpu.memory_space<vmem>>
    %dma_start3A_618 = tpu.memref_squeeze %dma_start3A_617 : memref<1x128xi32, #tpu.memory_space<vmem>> -> memref<128xi32, #tpu.memory_space<vmem>>
    %dma_start3A_619 = arith.constant 0 : i32
    %dma_start3A_620 = arith.constant 0 : i32
    %dma_start3A_621 = tpu.memref_slice %arg11[%dma_start3A_619, %dma_start3A_620] : memref<512x128xf32, #tpu.memory_space<vmem_shared>> -> memref<512x128xf32, #tpu.memory_space<vmem_shared>>
    tpu.enqueue_indirect_dma source(%dma_start3A_621 : memref<512x128xf32, #tpu.memory_space<vmem_shared>>) target(%arg13 : memref<128x128xf32, #tpu.memory_space<vmem>>) offsets(%dma_start3A_618 : memref<128xi32, #tpu.memory_space<vmem>>) semaphore(%arg19 : memref<!tpu.dma_semaphore, #tpu.memory_space<semaphore_mem>>) {add = true}
    %dma_wait3A_622 = arith.constant 15 : i32
    %dma_wait3A_623 = arith.constant 0 : i32
    %dma_wait3A_624 = tpu.memref_slice %arg8[%dma_wait3A_622, %dma_wait3A_623] : memref<50x128xi32, #tpu.memory_space<vmem>> -> memref<1x128xi32, #tpu.memory_space<vmem>>
    %dma_wait3A_625 = tpu.memref_squeeze %dma_wait3A_624 : memref<1x128xi32, #tpu.memory_space<vmem>> -> memref<128xi32, #tpu.memory_space<vmem>>
    %dma_wait3A_626 = arith.constant 0 : i32
    %dma_wait3A_627 = arith.constant 0 : i32
    %dma_wait3A_628 = tpu.memref_slice %arg11[%dma_wait3A_626, %dma_wait3A_627] : memref<512x128xf32, #tpu.memory_space<vmem_shared>> -> memref<512x128xf32, #tpu.memory_space<vmem_shared>>
    tpu.wait_indirect_dma semaphore(%arg18 : memref<!tpu.dma_semaphore, #tpu.memory_space<semaphore_mem>>) src(%dma_wait3A_628 : memref<512x128xf32, #tpu.memory_space<vmem_shared>>) dst(%arg12 : memref<128x128xf32, #tpu.memory_space<vmem>>)
    %add3A_629 = arith.constant 1920 : i32
    %add3A_630 = arith.addi %mul3A_2, %add3A_629 : i32
    %dma_start3A_631 = arith.constant 0 : i32
    %dma_start3A_632 = tpu.memref_slice %arg6[%add3A_630, %dma_start3A_631] : memref<204800x128xf32, #tpu.memory_space<hbm>> -> memref<128x128xf32, #tpu.memory_space<hbm>>
    %dma_start3A_633 = arith.constant 0 : i32
    %dma_start3A_634 = tpu.memref_slice %arg6[%add3A_630, %dma_start3A_633] : memref<204800x128xf32, #tpu.memory_space<hbm>> -> memref<128x128xf32, #tpu.memory_space<hbm>>
    tpu.enqueue_dma source(%arg12 : memref<128x128xf32, #tpu.memory_space<vmem>>) target(%dma_start3A_634 : memref<128x128xf32, #tpu.memory_space<hbm>>) target_semaphore(%arg21 : memref<!tpu.dma_semaphore, #tpu.memory_space<semaphore_mem>>)
    %dma_wait3A_635 = arith.constant 0 : i32
    %dma_wait3A_636 = tpu.memref_slice %arg6[%add3A_630, %dma_wait3A_635] : memref<204800x128xf32, #tpu.memory_space<hbm>> -> memref<128x128xf32, #tpu.memory_space<hbm>>
    %dma_wait3A_637 = arith.constant 0 : i32
    %dma_wait3A_638 = tpu.memref_slice %arg6[%add3A_630, %dma_wait3A_637] : memref<204800x128xf32, #tpu.memory_space<hbm>> -> memref<128x128xf32, #tpu.memory_space<hbm>>
    tpu.wait_dma2 semaphore(%arg21 : memref<!tpu.dma_semaphore, #tpu.memory_space<semaphore_mem>>) src(%arg12 : memref<128x128xf32, #tpu.memory_space<vmem>>) dst(%dma_wait3A_638 : memref<128x128xf32, #tpu.memory_space<hbm>>)
    %dma_start3A_639 = arith.constant 18 : i32
    %dma_start3A_640 = arith.constant 0 : i32
    %dma_start3A_641 = tpu.memref_slice %arg7[%dma_start3A_639, %dma_start3A_640] : memref<50x128xi32, #tpu.memory_space<vmem>> -> memref<1x128xi32, #tpu.memory_space<vmem>>
    %dma_start3A_642 = tpu.memref_squeeze %dma_start3A_641 : memref<1x128xi32, #tpu.memory_space<vmem>> -> memref<128xi32, #tpu.memory_space<vmem>>
    %dma_start3A_643 = arith.constant 0 : i32
    %dma_start3A_644 = arith.constant 0 : i32
    %dma_start3A_645 = tpu.memref_slice %arg10[%dma_start3A_643, %dma_start3A_644] : memref<5000x128xf32, #tpu.memory_space<vmem_shared>> -> memref<5000x128xf32, #tpu.memory_space<vmem_shared>>
    tpu.enqueue_indirect_dma source(%dma_start3A_645 : memref<5000x128xf32, #tpu.memory_space<vmem_shared>>) target(%arg12 : memref<128x128xf32, #tpu.memory_space<vmem>>) offsets(%dma_start3A_642 : memref<128xi32, #tpu.memory_space<vmem>>) semaphore(%arg15 : memref<!tpu.dma_semaphore, #tpu.memory_space<semaphore_mem>>)
    %dma_wait3A_646 = arith.constant 17 : i32
    %dma_wait3A_647 = arith.constant 0 : i32
    %dma_wait3A_648 = tpu.memref_slice %arg7[%dma_wait3A_646, %dma_wait3A_647] : memref<50x128xi32, #tpu.memory_space<vmem>> -> memref<1x128xi32, #tpu.memory_space<vmem>>
    %dma_wait3A_649 = tpu.memref_squeeze %dma_wait3A_648 : memref<1x128xi32, #tpu.memory_space<vmem>> -> memref<128xi32, #tpu.memory_space<vmem>>
    %dma_wait3A_650 = arith.constant 0 : i32
    %dma_wait3A_651 = arith.constant 0 : i32
    %dma_wait3A_652 = tpu.memref_slice %arg10[%dma_wait3A_650, %dma_wait3A_651] : memref<5000x128xf32, #tpu.memory_space<vmem_shared>> -> memref<5000x128xf32, #tpu.memory_space<vmem_shared>>
    tpu.wait_indirect_dma semaphore(%arg17 : memref<!tpu.dma_semaphore, #tpu.memory_space<semaphore_mem>>) src(%dma_wait3A_652 : memref<5000x128xf32, #tpu.memory_space<vmem_shared>>) dst(%arg14 : memref<128x128xf32, #tpu.memory_space<vmem>>)
    %dma_start3A_653 = arith.constant 17 : i32
    %dma_start3A_654 = arith.constant 0 : i32
    %dma_start3A_655 = tpu.memref_slice %arg8[%dma_start3A_653, %dma_start3A_654] : memref<50x128xi32, #tpu.memory_space<vmem>> -> memref<1x128xi32, #tpu.memory_space<vmem>>
    %dma_start3A_656 = tpu.memref_squeeze %dma_start3A_655 : memref<1x128xi32, #tpu.memory_space<vmem>> -> memref<128xi32, #tpu.memory_space<vmem>>
    %dma_start3A_657 = arith.constant 0 : i32
    %dma_start3A_658 = arith.constant 0 : i32
    %dma_start3A_659 = tpu.memref_slice %arg11[%dma_start3A_657, %dma_start3A_658] : memref<512x128xf32, #tpu.memory_space<vmem_shared>> -> memref<512x128xf32, #tpu.memory_space<vmem_shared>>
    tpu.enqueue_indirect_dma source(%dma_start3A_659 : memref<512x128xf32, #tpu.memory_space<vmem_shared>>) target(%arg14 : memref<128x128xf32, #tpu.memory_space<vmem>>) offsets(%dma_start3A_656 : memref<128xi32, #tpu.memory_space<vmem>>) semaphore(%arg20 : memref<!tpu.dma_semaphore, #tpu.memory_space<semaphore_mem>>) {add = true}
    %dma_wait3A_660 = arith.constant 16 : i32
    %dma_wait3A_661 = arith.constant 0 : i32
    %dma_wait3A_662 = tpu.memref_slice %arg8[%dma_wait3A_660, %dma_wait3A_661] : memref<50x128xi32, #tpu.memory_space<vmem>> -> memref<1x128xi32, #tpu.memory_space<vmem>>
    %dma_wait3A_663 = tpu.memref_squeeze %dma_wait3A_662 : memref<1x128xi32, #tpu.memory_space<vmem>> -> memref<128xi32, #tpu.memory_space<vmem>>
    %dma_wait3A_664 = arith.constant 0 : i32
    %dma_wait3A_665 = arith.constant 0 : i32
    %dma_wait3A_666 = tpu.memref_slice %arg11[%dma_wait3A_664, %dma_wait3A_665] : memref<512x128xf32, #tpu.memory_space<vmem_shared>> -> memref<512x128xf32, #tpu.memory_space<vmem_shared>>
    tpu.wait_indirect_dma semaphore(%arg19 : memref<!tpu.dma_semaphore, #tpu.memory_space<semaphore_mem>>) src(%dma_wait3A_666 : memref<512x128xf32, #tpu.memory_space<vmem_shared>>) dst(%arg13 : memref<128x128xf32, #tpu.memory_space<vmem>>)
    %add3A_667 = arith.constant 2048 : i32
    %add3A_668 = arith.addi %mul3A_2, %add3A_667 : i32
    %dma_start3A_669 = arith.constant 0 : i32
    %dma_start3A_670 = tpu.memref_slice %arg6[%add3A_668, %dma_start3A_669] : memref<204800x128xf32, #tpu.memory_space<hbm>> -> memref<128x128xf32, #tpu.memory_space<hbm>>
    %dma_start3A_671 = arith.constant 0 : i32
    %dma_start3A_672 = tpu.memref_slice %arg6[%add3A_668, %dma_start3A_671] : memref<204800x128xf32, #tpu.memory_space<hbm>> -> memref<128x128xf32, #tpu.memory_space<hbm>>
    tpu.enqueue_dma source(%arg13 : memref<128x128xf32, #tpu.memory_space<vmem>>) target(%dma_start3A_672 : memref<128x128xf32, #tpu.memory_space<hbm>>) target_semaphore(%arg22 : memref<!tpu.dma_semaphore, #tpu.memory_space<semaphore_mem>>)
    %dma_wait3A_673 = arith.constant 0 : i32
    %dma_wait3A_674 = tpu.memref_slice %arg6[%add3A_668, %dma_wait3A_673] : memref<204800x128xf32, #tpu.memory_space<hbm>> -> memref<128x128xf32, #tpu.memory_space<hbm>>
    %dma_wait3A_675 = arith.constant 0 : i32
    %dma_wait3A_676 = tpu.memref_slice %arg6[%add3A_668, %dma_wait3A_675] : memref<204800x128xf32, #tpu.memory_space<hbm>> -> memref<128x128xf32, #tpu.memory_space<hbm>>
    tpu.wait_dma2 semaphore(%arg22 : memref<!tpu.dma_semaphore, #tpu.memory_space<semaphore_mem>>) src(%arg13 : memref<128x128xf32, #tpu.memory_space<vmem>>) dst(%dma_wait3A_676 : memref<128x128xf32, #tpu.memory_space<hbm>>)
    %dma_start3A_677 = arith.constant 19 : i32
    %dma_start3A_678 = arith.constant 0 : i32
    %dma_start3A_679 = tpu.memref_slice %arg7[%dma_start3A_677, %dma_start3A_678] : memref<50x128xi32, #tpu.memory_space<vmem>> -> memref<1x128xi32, #tpu.memory_space<vmem>>
    %dma_start3A_680 = tpu.memref_squeeze %dma_start3A_679 : memref<1x128xi32, #tpu.memory_space<vmem>> -> memref<128xi32, #tpu.memory_space<vmem>>
    %dma_start3A_681 = arith.constant 0 : i32
    %dma_start3A_682 = arith.constant 0 : i32
    %dma_start3A_683 = tpu.memref_slice %arg2[%dma_start3A_681, %dma_start3A_682] : memref<5000x128xf32, #tpu.memory_space<hbm>> -> memref<5000x128xf32, #tpu.memory_space<hbm>>
    tpu.enqueue_indirect_dma source(%dma_start3A_683 : memref<5000x128xf32, #tpu.memory_space<hbm>>) target(%arg13 : memref<128x128xf32, #tpu.memory_space<vmem>>) offsets(%dma_start3A_680 : memref<128xi32, #tpu.memory_space<vmem>>) semaphore(%arg16 : memref<!tpu.dma_semaphore, #tpu.memory_space<semaphore_mem>>)
    %dma_wait3A_684 = arith.constant 18 : i32
    %dma_wait3A_685 = arith.constant 0 : i32
    %dma_wait3A_686 = tpu.memref_slice %arg7[%dma_wait3A_684, %dma_wait3A_685] : memref<50x128xi32, #tpu.memory_space<vmem>> -> memref<1x128xi32, #tpu.memory_space<vmem>>
    %dma_wait3A_687 = tpu.memref_squeeze %dma_wait3A_686 : memref<1x128xi32, #tpu.memory_space<vmem>> -> memref<128xi32, #tpu.memory_space<vmem>>
    %dma_wait3A_688 = arith.constant 0 : i32
    %dma_wait3A_689 = arith.constant 0 : i32
    %dma_wait3A_690 = tpu.memref_slice %arg10[%dma_wait3A_688, %dma_wait3A_689] : memref<5000x128xf32, #tpu.memory_space<vmem_shared>> -> memref<5000x128xf32, #tpu.memory_space<vmem_shared>>
    tpu.wait_indirect_dma semaphore(%arg15 : memref<!tpu.dma_semaphore, #tpu.memory_space<semaphore_mem>>) src(%dma_wait3A_690 : memref<5000x128xf32, #tpu.memory_space<vmem_shared>>) dst(%arg12 : memref<128x128xf32, #tpu.memory_space<vmem>>)
    %dma_start3A_691 = arith.constant 18 : i32
    %dma_start3A_692 = arith.constant 0 : i32
    %dma_start3A_693 = tpu.memref_slice %arg8[%dma_start3A_691, %dma_start3A_692] : memref<50x128xi32, #tpu.memory_space<vmem>> -> memref<1x128xi32, #tpu.memory_space<vmem>>
    %dma_start3A_694 = tpu.memref_squeeze %dma_start3A_693 : memref<1x128xi32, #tpu.memory_space<vmem>> -> memref<128xi32, #tpu.memory_space<vmem>>
    %dma_start3A_695 = arith.constant 0 : i32
    %dma_start3A_696 = arith.constant 0 : i32
    %dma_start3A_697 = tpu.memref_slice %arg11[%dma_start3A_695, %dma_start3A_696] : memref<512x128xf32, #tpu.memory_space<vmem_shared>> -> memref<512x128xf32, #tpu.memory_space<vmem_shared>>
    tpu.enqueue_indirect_dma source(%dma_start3A_697 : memref<512x128xf32, #tpu.memory_space<vmem_shared>>) target(%arg12 : memref<128x128xf32, #tpu.memory_space<vmem>>) offsets(%dma_start3A_694 : memref<128xi32, #tpu.memory_space<vmem>>) semaphore(%arg18 : memref<!tpu.dma_semaphore, #tpu.memory_space<semaphore_mem>>) {add = true}
    %dma_wait3A_698 = arith.constant 17 : i32
    %dma_wait3A_699 = arith.constant 0 : i32
    %dma_wait3A_700 = tpu.memref_slice %arg8[%dma_wait3A_698, %dma_wait3A_699] : memref<50x128xi32, #tpu.memory_space<vmem>> -> memref<1x128xi32, #tpu.memory_space<vmem>>
    %dma_wait3A_701 = tpu.memref_squeeze %dma_wait3A_700 : memref<1x128xi32, #tpu.memory_space<vmem>> -> memref<128xi32, #tpu.memory_space<vmem>>
    %dma_wait3A_702 = arith.constant 0 : i32
    %dma_wait3A_703 = arith.constant 0 : i32
    %dma_wait3A_704 = tpu.memref_slice %arg11[%dma_wait3A_702, %dma_wait3A_703] : memref<512x128xf32, #tpu.memory_space<vmem_shared>> -> memref<512x128xf32, #tpu.memory_space<vmem_shared>>
    tpu.wait_indirect_dma semaphore(%arg20 : memref<!tpu.dma_semaphore, #tpu.memory_space<semaphore_mem>>) src(%dma_wait3A_704 : memref<512x128xf32, #tpu.memory_space<vmem_shared>>) dst(%arg14 : memref<128x128xf32, #tpu.memory_space<vmem>>)
    %add3A_705 = arith.constant 2176 : i32
    %add3A_706 = arith.addi %mul3A_2, %add3A_705 : i32
    %dma_start3A_707 = arith.constant 0 : i32
    %dma_start3A_708 = tpu.memref_slice %arg6[%add3A_706, %dma_start3A_707] : memref<204800x128xf32, #tpu.memory_space<hbm>> -> memref<128x128xf32, #tpu.memory_space<hbm>>
    %dma_start3A_709 = arith.constant 0 : i32
    %dma_start3A_710 = tpu.memref_slice %arg6[%add3A_706, %dma_start3A_709] : memref<204800x128xf32, #tpu.memory_space<hbm>> -> memref<128x128xf32, #tpu.memory_space<hbm>>
    tpu.enqueue_dma source(%arg14 : memref<128x128xf32, #tpu.memory_space<vmem>>) target(%dma_start3A_710 : memref<128x128xf32, #tpu.memory_space<hbm>>) target_semaphore(%arg23 : memref<!tpu.dma_semaphore, #tpu.memory_space<semaphore_mem>>)
    %dma_wait3A_711 = arith.constant 0 : i32
    %dma_wait3A_712 = tpu.memref_slice %arg6[%add3A_706, %dma_wait3A_711] : memref<204800x128xf32, #tpu.memory_space<hbm>> -> memref<128x128xf32, #tpu.memory_space<hbm>>
    %dma_wait3A_713 = arith.constant 0 : i32
    %dma_wait3A_714 = tpu.memref_slice %arg6[%add3A_706, %dma_wait3A_713] : memref<204800x128xf32, #tpu.memory_space<hbm>> -> memref<128x128xf32, #tpu.memory_space<hbm>>
    tpu.wait_dma2 semaphore(%arg23 : memref<!tpu.dma_semaphore, #tpu.memory_space<semaphore_mem>>) src(%arg14 : memref<128x128xf32, #tpu.memory_space<vmem>>) dst(%dma_wait3A_714 : memref<128x128xf32, #tpu.memory_space<hbm>>)
    %dma_start3A_715 = arith.constant 20 : i32
    %dma_start3A_716 = arith.constant 0 : i32
    %dma_start3A_717 = tpu.memref_slice %arg7[%dma_start3A_715, %dma_start3A_716] : memref<50x128xi32, #tpu.memory_space<vmem>> -> memref<1x128xi32, #tpu.memory_space<vmem>>
    %dma_start3A_718 = tpu.memref_squeeze %dma_start3A_717 : memref<1x128xi32, #tpu.memory_space<vmem>> -> memref<128xi32, #tpu.memory_space<vmem>>
    %dma_start3A_719 = arith.constant 0 : i32
    %dma_start3A_720 = arith.constant 0 : i32
    %dma_start3A_721 = tpu.memref_slice %arg10[%dma_start3A_719, %dma_start3A_720] : memref<5000x128xf32, #tpu.memory_space<vmem_shared>> -> memref<5000x128xf32, #tpu.memory_space<vmem_shared>>
    tpu.enqueue_indirect_dma source(%dma_start3A_721 : memref<5000x128xf32, #tpu.memory_space<vmem_shared>>) target(%arg14 : memref<128x128xf32, #tpu.memory_space<vmem>>) offsets(%dma_start3A_718 : memref<128xi32, #tpu.memory_space<vmem>>) semaphore(%arg17 : memref<!tpu.dma_semaphore, #tpu.memory_space<semaphore_mem>>)
    %dma_wait3A_722 = arith.constant 19 : i32
    %dma_wait3A_723 = arith.constant 0 : i32
    %dma_wait3A_724 = tpu.memref_slice %arg7[%dma_wait3A_722, %dma_wait3A_723] : memref<50x128xi32, #tpu.memory_space<vmem>> -> memref<1x128xi32, #tpu.memory_space<vmem>>
    %dma_wait3A_725 = tpu.memref_squeeze %dma_wait3A_724 : memref<1x128xi32, #tpu.memory_space<vmem>> -> memref<128xi32, #tpu.memory_space<vmem>>
    %dma_wait3A_726 = arith.constant 0 : i32
    %dma_wait3A_727 = arith.constant 0 : i32
    %dma_wait3A_728 = tpu.memref_slice %arg2[%dma_wait3A_726, %dma_wait3A_727] : memref<5000x128xf32, #tpu.memory_space<hbm>> -> memref<5000x128xf32, #tpu.memory_space<hbm>>
    tpu.wait_indirect_dma semaphore(%arg16 : memref<!tpu.dma_semaphore, #tpu.memory_space<semaphore_mem>>) src(%dma_wait3A_728 : memref<5000x128xf32, #tpu.memory_space<hbm>>) dst(%arg13 : memref<128x128xf32, #tpu.memory_space<vmem>>)
    %dma_start3A_729 = arith.constant 19 : i32
    %dma_start3A_730 = arith.constant 0 : i32
    %dma_start3A_731 = tpu.memref_slice %arg8[%dma_start3A_729, %dma_start3A_730] : memref<50x128xi32, #tpu.memory_space<vmem>> -> memref<1x128xi32, #tpu.memory_space<vmem>>
    %dma_start3A_732 = tpu.memref_squeeze %dma_start3A_731 : memref<1x128xi32, #tpu.memory_space<vmem>> -> memref<128xi32, #tpu.memory_space<vmem>>
    %dma_start3A_733 = arith.constant 0 : i32
    %dma_start3A_734 = arith.constant 0 : i32
    %dma_start3A_735 = tpu.memref_slice %arg11[%dma_start3A_733, %dma_start3A_734] : memref<512x128xf32, #tpu.memory_space<vmem_shared>> -> memref<512x128xf32, #tpu.memory_space<vmem_shared>>
    tpu.enqueue_indirect_dma source(%dma_start3A_735 : memref<512x128xf32, #tpu.memory_space<vmem_shared>>) target(%arg13 : memref<128x128xf32, #tpu.memory_space<vmem>>) offsets(%dma_start3A_732 : memref<128xi32, #tpu.memory_space<vmem>>) semaphore(%arg19 : memref<!tpu.dma_semaphore, #tpu.memory_space<semaphore_mem>>) {add = true}
    %dma_wait3A_736 = arith.constant 18 : i32
    %dma_wait3A_737 = arith.constant 0 : i32
    %dma_wait3A_738 = tpu.memref_slice %arg8[%dma_wait3A_736, %dma_wait3A_737] : memref<50x128xi32, #tpu.memory_space<vmem>> -> memref<1x128xi32, #tpu.memory_space<vmem>>
    %dma_wait3A_739 = tpu.memref_squeeze %dma_wait3A_738 : memref<1x128xi32, #tpu.memory_space<vmem>> -> memref<128xi32, #tpu.memory_space<vmem>>
    %dma_wait3A_740 = arith.constant 0 : i32
    %dma_wait3A_741 = arith.constant 0 : i32
    %dma_wait3A_742 = tpu.memref_slice %arg11[%dma_wait3A_740, %dma_wait3A_741] : memref<512x128xf32, #tpu.memory_space<vmem_shared>> -> memref<512x128xf32, #tpu.memory_space<vmem_shared>>
    tpu.wait_indirect_dma semaphore(%arg18 : memref<!tpu.dma_semaphore, #tpu.memory_space<semaphore_mem>>) src(%dma_wait3A_742 : memref<512x128xf32, #tpu.memory_space<vmem_shared>>) dst(%arg12 : memref<128x128xf32, #tpu.memory_space<vmem>>)
    %add3A_743 = arith.constant 2304 : i32
    %add3A_744 = arith.addi %mul3A_2, %add3A_743 : i32
    %dma_start3A_745 = arith.constant 0 : i32
    %dma_start3A_746 = tpu.memref_slice %arg6[%add3A_744, %dma_start3A_745] : memref<204800x128xf32, #tpu.memory_space<hbm>> -> memref<128x128xf32, #tpu.memory_space<hbm>>
    %dma_start3A_747 = arith.constant 0 : i32
    %dma_start3A_748 = tpu.memref_slice %arg6[%add3A_744, %dma_start3A_747] : memref<204800x128xf32, #tpu.memory_space<hbm>> -> memref<128x128xf32, #tpu.memory_space<hbm>>
    tpu.enqueue_dma source(%arg12 : memref<128x128xf32, #tpu.memory_space<vmem>>) target(%dma_start3A_748 : memref<128x128xf32, #tpu.memory_space<hbm>>) target_semaphore(%arg21 : memref<!tpu.dma_semaphore, #tpu.memory_space<semaphore_mem>>)
    %dma_wait3A_749 = arith.constant 0 : i32
    %dma_wait3A_750 = tpu.memref_slice %arg6[%add3A_744, %dma_wait3A_749] : memref<204800x128xf32, #tpu.memory_space<hbm>> -> memref<128x128xf32, #tpu.memory_space<hbm>>
    %dma_wait3A_751 = arith.constant 0 : i32
    %dma_wait3A_752 = tpu.memref_slice %arg6[%add3A_744, %dma_wait3A_751] : memref<204800x128xf32, #tpu.memory_space<hbm>> -> memref<128x128xf32, #tpu.memory_space<hbm>>
    tpu.wait_dma2 semaphore(%arg21 : memref<!tpu.dma_semaphore, #tpu.memory_space<semaphore_mem>>) src(%arg12 : memref<128x128xf32, #tpu.memory_space<vmem>>) dst(%dma_wait3A_752 : memref<128x128xf32, #tpu.memory_space<hbm>>)
    %dma_start3A_753 = arith.constant 21 : i32
    %dma_start3A_754 = arith.constant 0 : i32
    %dma_start3A_755 = tpu.memref_slice %arg7[%dma_start3A_753, %dma_start3A_754] : memref<50x128xi32, #tpu.memory_space<vmem>> -> memref<1x128xi32, #tpu.memory_space<vmem>>
    %dma_start3A_756 = tpu.memref_squeeze %dma_start3A_755 : memref<1x128xi32, #tpu.memory_space<vmem>> -> memref<128xi32, #tpu.memory_space<vmem>>
    %dma_start3A_757 = arith.constant 0 : i32
    %dma_start3A_758 = arith.constant 0 : i32
    %dma_start3A_759 = tpu.memref_slice %arg10[%dma_start3A_757, %dma_start3A_758] : memref<5000x128xf32, #tpu.memory_space<vmem_shared>> -> memref<5000x128xf32, #tpu.memory_space<vmem_shared>>
    tpu.enqueue_indirect_dma source(%dma_start3A_759 : memref<5000x128xf32, #tpu.memory_space<vmem_shared>>) target(%arg12 : memref<128x128xf32, #tpu.memory_space<vmem>>) offsets(%dma_start3A_756 : memref<128xi32, #tpu.memory_space<vmem>>) semaphore(%arg15 : memref<!tpu.dma_semaphore, #tpu.memory_space<semaphore_mem>>)
    %dma_wait3A_760 = arith.constant 20 : i32
    %dma_wait3A_761 = arith.constant 0 : i32
    %dma_wait3A_762 = tpu.memref_slice %arg7[%dma_wait3A_760, %dma_wait3A_761] : memref<50x128xi32, #tpu.memory_space<vmem>> -> memref<1x128xi32, #tpu.memory_space<vmem>>
    %dma_wait3A_763 = tpu.memref_squeeze %dma_wait3A_762 : memref<1x128xi32, #tpu.memory_space<vmem>> -> memref<128xi32, #tpu.memory_space<vmem>>
    %dma_wait3A_764 = arith.constant 0 : i32
    %dma_wait3A_765 = arith.constant 0 : i32
    %dma_wait3A_766 = tpu.memref_slice %arg10[%dma_wait3A_764, %dma_wait3A_765] : memref<5000x128xf32, #tpu.memory_space<vmem_shared>> -> memref<5000x128xf32, #tpu.memory_space<vmem_shared>>
    tpu.wait_indirect_dma semaphore(%arg17 : memref<!tpu.dma_semaphore, #tpu.memory_space<semaphore_mem>>) src(%dma_wait3A_766 : memref<5000x128xf32, #tpu.memory_space<vmem_shared>>) dst(%arg14 : memref<128x128xf32, #tpu.memory_space<vmem>>)
    %dma_start3A_767 = arith.constant 20 : i32
    %dma_start3A_768 = arith.constant 0 : i32
    %dma_start3A_769 = tpu.memref_slice %arg8[%dma_start3A_767, %dma_start3A_768] : memref<50x128xi32, #tpu.memory_space<vmem>> -> memref<1x128xi32, #tpu.memory_space<vmem>>
    %dma_start3A_770 = tpu.memref_squeeze %dma_start3A_769 : memref<1x128xi32, #tpu.memory_space<vmem>> -> memref<128xi32, #tpu.memory_space<vmem>>
    %dma_start3A_771 = arith.constant 0 : i32
    %dma_start3A_772 = arith.constant 0 : i32
    %dma_start3A_773 = tpu.memref_slice %arg11[%dma_start3A_771, %dma_start3A_772] : memref<512x128xf32, #tpu.memory_space<vmem_shared>> -> memref<512x128xf32, #tpu.memory_space<vmem_shared>>
    tpu.enqueue_indirect_dma source(%dma_start3A_773 : memref<512x128xf32, #tpu.memory_space<vmem_shared>>) target(%arg14 : memref<128x128xf32, #tpu.memory_space<vmem>>) offsets(%dma_start3A_770 : memref<128xi32, #tpu.memory_space<vmem>>) semaphore(%arg20 : memref<!tpu.dma_semaphore, #tpu.memory_space<semaphore_mem>>) {add = true}
    %dma_wait3A_774 = arith.constant 19 : i32
    %dma_wait3A_775 = arith.constant 0 : i32
    %dma_wait3A_776 = tpu.memref_slice %arg8[%dma_wait3A_774, %dma_wait3A_775] : memref<50x128xi32, #tpu.memory_space<vmem>> -> memref<1x128xi32, #tpu.memory_space<vmem>>
    %dma_wait3A_777 = tpu.memref_squeeze %dma_wait3A_776 : memref<1x128xi32, #tpu.memory_space<vmem>> -> memref<128xi32, #tpu.memory_space<vmem>>
    %dma_wait3A_778 = arith.constant 0 : i32
    %dma_wait3A_779 = arith.constant 0 : i32
    %dma_wait3A_780 = tpu.memref_slice %arg11[%dma_wait3A_778, %dma_wait3A_779] : memref<512x128xf32, #tpu.memory_space<vmem_shared>> -> memref<512x128xf32, #tpu.memory_space<vmem_shared>>
    tpu.wait_indirect_dma semaphore(%arg19 : memref<!tpu.dma_semaphore, #tpu.memory_space<semaphore_mem>>) src(%dma_wait3A_780 : memref<512x128xf32, #tpu.memory_space<vmem_shared>>) dst(%arg13 : memref<128x128xf32, #tpu.memory_space<vmem>>)
    %add3A_781 = arith.constant 2432 : i32
    %add3A_782 = arith.addi %mul3A_2, %add3A_781 : i32
    %dma_start3A_783 = arith.constant 0 : i32
    %dma_start3A_784 = tpu.memref_slice %arg6[%add3A_782, %dma_start3A_783] : memref<204800x128xf32, #tpu.memory_space<hbm>> -> memref<128x128xf32, #tpu.memory_space<hbm>>
    %dma_start3A_785 = arith.constant 0 : i32
    %dma_start3A_786 = tpu.memref_slice %arg6[%add3A_782, %dma_start3A_785] : memref<204800x128xf32, #tpu.memory_space<hbm>> -> memref<128x128xf32, #tpu.memory_space<hbm>>
    tpu.enqueue_dma source(%arg13 : memref<128x128xf32, #tpu.memory_space<vmem>>) target(%dma_start3A_786 : memref<128x128xf32, #tpu.memory_space<hbm>>) target_semaphore(%arg22 : memref<!tpu.dma_semaphore, #tpu.memory_space<semaphore_mem>>)
    %dma_wait3A_787 = arith.constant 0 : i32
    %dma_wait3A_788 = tpu.memref_slice %arg6[%add3A_782, %dma_wait3A_787] : memref<204800x128xf32, #tpu.memory_space<hbm>> -> memref<128x128xf32, #tpu.memory_space<hbm>>
    %dma_wait3A_789 = arith.constant 0 : i32
    %dma_wait3A_790 = tpu.memref_slice %arg6[%add3A_782, %dma_wait3A_789] : memref<204800x128xf32, #tpu.memory_space<hbm>> -> memref<128x128xf32, #tpu.memory_space<hbm>>
    tpu.wait_dma2 semaphore(%arg22 : memref<!tpu.dma_semaphore, #tpu.memory_space<semaphore_mem>>) src(%arg13 : memref<128x128xf32, #tpu.memory_space<vmem>>) dst(%dma_wait3A_790 : memref<128x128xf32, #tpu.memory_space<hbm>>)
    %dma_start3A_791 = arith.constant 22 : i32
    %dma_start3A_792 = arith.constant 0 : i32
    %dma_start3A_793 = tpu.memref_slice %arg7[%dma_start3A_791, %dma_start3A_792] : memref<50x128xi32, #tpu.memory_space<vmem>> -> memref<1x128xi32, #tpu.memory_space<vmem>>
    %dma_start3A_794 = tpu.memref_squeeze %dma_start3A_793 : memref<1x128xi32, #tpu.memory_space<vmem>> -> memref<128xi32, #tpu.memory_space<vmem>>
    %dma_start3A_795 = arith.constant 0 : i32
    %dma_start3A_796 = arith.constant 0 : i32
    %dma_start3A_797 = tpu.memref_slice %arg10[%dma_start3A_795, %dma_start3A_796] : memref<5000x128xf32, #tpu.memory_space<vmem_shared>> -> memref<5000x128xf32, #tpu.memory_space<vmem_shared>>
    tpu.enqueue_indirect_dma source(%dma_start3A_797 : memref<5000x128xf32, #tpu.memory_space<vmem_shared>>) target(%arg13 : memref<128x128xf32, #tpu.memory_space<vmem>>) offsets(%dma_start3A_794 : memref<128xi32, #tpu.memory_space<vmem>>) semaphore(%arg16 : memref<!tpu.dma_semaphore, #tpu.memory_space<semaphore_mem>>)
    %dma_wait3A_798 = arith.constant 21 : i32
    %dma_wait3A_799 = arith.constant 0 : i32
    %dma_wait3A_800 = tpu.memref_slice %arg7[%dma_wait3A_798, %dma_wait3A_799] : memref<50x128xi32, #tpu.memory_space<vmem>> -> memref<1x128xi32, #tpu.memory_space<vmem>>
    %dma_wait3A_801 = tpu.memref_squeeze %dma_wait3A_800 : memref<1x128xi32, #tpu.memory_space<vmem>> -> memref<128xi32, #tpu.memory_space<vmem>>
    %dma_wait3A_802 = arith.constant 0 : i32
    %dma_wait3A_803 = arith.constant 0 : i32
    %dma_wait3A_804 = tpu.memref_slice %arg10[%dma_wait3A_802, %dma_wait3A_803] : memref<5000x128xf32, #tpu.memory_space<vmem_shared>> -> memref<5000x128xf32, #tpu.memory_space<vmem_shared>>
    tpu.wait_indirect_dma semaphore(%arg15 : memref<!tpu.dma_semaphore, #tpu.memory_space<semaphore_mem>>) src(%dma_wait3A_804 : memref<5000x128xf32, #tpu.memory_space<vmem_shared>>) dst(%arg12 : memref<128x128xf32, #tpu.memory_space<vmem>>)
    %dma_start3A_805 = arith.constant 21 : i32
    %dma_start3A_806 = arith.constant 0 : i32
    %dma_start3A_807 = tpu.memref_slice %arg8[%dma_start3A_805, %dma_start3A_806] : memref<50x128xi32, #tpu.memory_space<vmem>> -> memref<1x128xi32, #tpu.memory_space<vmem>>
    %dma_start3A_808 = tpu.memref_squeeze %dma_start3A_807 : memref<1x128xi32, #tpu.memory_space<vmem>> -> memref<128xi32, #tpu.memory_space<vmem>>
    %dma_start3A_809 = arith.constant 0 : i32
    %dma_start3A_810 = arith.constant 0 : i32
    %dma_start3A_811 = tpu.memref_slice %arg11[%dma_start3A_809, %dma_start3A_810] : memref<512x128xf32, #tpu.memory_space<vmem_shared>> -> memref<512x128xf32, #tpu.memory_space<vmem_shared>>
    tpu.enqueue_indirect_dma source(%dma_start3A_811 : memref<512x128xf32, #tpu.memory_space<vmem_shared>>) target(%arg12 : memref<128x128xf32, #tpu.memory_space<vmem>>) offsets(%dma_start3A_808 : memref<128xi32, #tpu.memory_space<vmem>>) semaphore(%arg18 : memref<!tpu.dma_semaphore, #tpu.memory_space<semaphore_mem>>) {add = true}
    %dma_wait3A_812 = arith.constant 20 : i32
    %dma_wait3A_813 = arith.constant 0 : i32
    %dma_wait3A_814 = tpu.memref_slice %arg8[%dma_wait3A_812, %dma_wait3A_813] : memref<50x128xi32, #tpu.memory_space<vmem>> -> memref<1x128xi32, #tpu.memory_space<vmem>>
    %dma_wait3A_815 = tpu.memref_squeeze %dma_wait3A_814 : memref<1x128xi32, #tpu.memory_space<vmem>> -> memref<128xi32, #tpu.memory_space<vmem>>
    %dma_wait3A_816 = arith.constant 0 : i32
    %dma_wait3A_817 = arith.constant 0 : i32
    %dma_wait3A_818 = tpu.memref_slice %arg11[%dma_wait3A_816, %dma_wait3A_817] : memref<512x128xf32, #tpu.memory_space<vmem_shared>> -> memref<512x128xf32, #tpu.memory_space<vmem_shared>>
    tpu.wait_indirect_dma semaphore(%arg20 : memref<!tpu.dma_semaphore, #tpu.memory_space<semaphore_mem>>) src(%dma_wait3A_818 : memref<512x128xf32, #tpu.memory_space<vmem_shared>>) dst(%arg14 : memref<128x128xf32, #tpu.memory_space<vmem>>)
    %add3A_819 = arith.constant 2560 : i32
    %add3A_820 = arith.addi %mul3A_2, %add3A_819 : i32
    %dma_start3A_821 = arith.constant 0 : i32
    %dma_start3A_822 = tpu.memref_slice %arg6[%add3A_820, %dma_start3A_821] : memref<204800x128xf32, #tpu.memory_space<hbm>> -> memref<128x128xf32, #tpu.memory_space<hbm>>
    %dma_start3A_823 = arith.constant 0 : i32
    %dma_start3A_824 = tpu.memref_slice %arg6[%add3A_820, %dma_start3A_823] : memref<204800x128xf32, #tpu.memory_space<hbm>> -> memref<128x128xf32, #tpu.memory_space<hbm>>
    tpu.enqueue_dma source(%arg14 : memref<128x128xf32, #tpu.memory_space<vmem>>) target(%dma_start3A_824 : memref<128x128xf32, #tpu.memory_space<hbm>>) target_semaphore(%arg23 : memref<!tpu.dma_semaphore, #tpu.memory_space<semaphore_mem>>)
    %dma_wait3A_825 = arith.constant 0 : i32
    %dma_wait3A_826 = tpu.memref_slice %arg6[%add3A_820, %dma_wait3A_825] : memref<204800x128xf32, #tpu.memory_space<hbm>> -> memref<128x128xf32, #tpu.memory_space<hbm>>
    %dma_wait3A_827 = arith.constant 0 : i32
    %dma_wait3A_828 = tpu.memref_slice %arg6[%add3A_820, %dma_wait3A_827] : memref<204800x128xf32, #tpu.memory_space<hbm>> -> memref<128x128xf32, #tpu.memory_space<hbm>>
    tpu.wait_dma2 semaphore(%arg23 : memref<!tpu.dma_semaphore, #tpu.memory_space<semaphore_mem>>) src(%arg14 : memref<128x128xf32, #tpu.memory_space<vmem>>) dst(%dma_wait3A_828 : memref<128x128xf32, #tpu.memory_space<hbm>>)
    %dma_start3A_829 = arith.constant 23 : i32
    %dma_start3A_830 = arith.constant 0 : i32
    %dma_start3A_831 = tpu.memref_slice %arg7[%dma_start3A_829, %dma_start3A_830] : memref<50x128xi32, #tpu.memory_space<vmem>> -> memref<1x128xi32, #tpu.memory_space<vmem>>
    %dma_start3A_832 = tpu.memref_squeeze %dma_start3A_831 : memref<1x128xi32, #tpu.memory_space<vmem>> -> memref<128xi32, #tpu.memory_space<vmem>>
    %dma_start3A_833 = arith.constant 0 : i32
    %dma_start3A_834 = arith.constant 0 : i32
    %dma_start3A_835 = tpu.memref_slice %arg2[%dma_start3A_833, %dma_start3A_834] : memref<5000x128xf32, #tpu.memory_space<hbm>> -> memref<5000x128xf32, #tpu.memory_space<hbm>>
    tpu.enqueue_indirect_dma source(%dma_start3A_835 : memref<5000x128xf32, #tpu.memory_space<hbm>>) target(%arg14 : memref<128x128xf32, #tpu.memory_space<vmem>>) offsets(%dma_start3A_832 : memref<128xi32, #tpu.memory_space<vmem>>) semaphore(%arg17 : memref<!tpu.dma_semaphore, #tpu.memory_space<semaphore_mem>>)
    %dma_wait3A_836 = arith.constant 22 : i32
    %dma_wait3A_837 = arith.constant 0 : i32
    %dma_wait3A_838 = tpu.memref_slice %arg7[%dma_wait3A_836, %dma_wait3A_837] : memref<50x128xi32, #tpu.memory_space<vmem>> -> memref<1x128xi32, #tpu.memory_space<vmem>>
    %dma_wait3A_839 = tpu.memref_squeeze %dma_wait3A_838 : memref<1x128xi32, #tpu.memory_space<vmem>> -> memref<128xi32, #tpu.memory_space<vmem>>
    %dma_wait3A_840 = arith.constant 0 : i32
    %dma_wait3A_841 = arith.constant 0 : i32
    %dma_wait3A_842 = tpu.memref_slice %arg10[%dma_wait3A_840, %dma_wait3A_841] : memref<5000x128xf32, #tpu.memory_space<vmem_shared>> -> memref<5000x128xf32, #tpu.memory_space<vmem_shared>>
    tpu.wait_indirect_dma semaphore(%arg16 : memref<!tpu.dma_semaphore, #tpu.memory_space<semaphore_mem>>) src(%dma_wait3A_842 : memref<5000x128xf32, #tpu.memory_space<vmem_shared>>) dst(%arg13 : memref<128x128xf32, #tpu.memory_space<vmem>>)
    %dma_start3A_843 = arith.constant 22 : i32
    %dma_start3A_844 = arith.constant 0 : i32
    %dma_start3A_845 = tpu.memref_slice %arg8[%dma_start3A_843, %dma_start3A_844] : memref<50x128xi32, #tpu.memory_space<vmem>> -> memref<1x128xi32, #tpu.memory_space<vmem>>
    %dma_start3A_846 = tpu.memref_squeeze %dma_start3A_845 : memref<1x128xi32, #tpu.memory_space<vmem>> -> memref<128xi32, #tpu.memory_space<vmem>>
    %dma_start3A_847 = arith.constant 0 : i32
    %dma_start3A_848 = arith.constant 0 : i32
    %dma_start3A_849 = tpu.memref_slice %arg11[%dma_start3A_847, %dma_start3A_848] : memref<512x128xf32, #tpu.memory_space<vmem_shared>> -> memref<512x128xf32, #tpu.memory_space<vmem_shared>>
    tpu.enqueue_indirect_dma source(%dma_start3A_849 : memref<512x128xf32, #tpu.memory_space<vmem_shared>>) target(%arg13 : memref<128x128xf32, #tpu.memory_space<vmem>>) offsets(%dma_start3A_846 : memref<128xi32, #tpu.memory_space<vmem>>) semaphore(%arg19 : memref<!tpu.dma_semaphore, #tpu.memory_space<semaphore_mem>>) {add = true}
    %dma_wait3A_850 = arith.constant 21 : i32
    %dma_wait3A_851 = arith.constant 0 : i32
    %dma_wait3A_852 = tpu.memref_slice %arg8[%dma_wait3A_850, %dma_wait3A_851] : memref<50x128xi32, #tpu.memory_space<vmem>> -> memref<1x128xi32, #tpu.memory_space<vmem>>
    %dma_wait3A_853 = tpu.memref_squeeze %dma_wait3A_852 : memref<1x128xi32, #tpu.memory_space<vmem>> -> memref<128xi32, #tpu.memory_space<vmem>>
    %dma_wait3A_854 = arith.constant 0 : i32
    %dma_wait3A_855 = arith.constant 0 : i32
    %dma_wait3A_856 = tpu.memref_slice %arg11[%dma_wait3A_854, %dma_wait3A_855] : memref<512x128xf32, #tpu.memory_space<vmem_shared>> -> memref<512x128xf32, #tpu.memory_space<vmem_shared>>
    tpu.wait_indirect_dma semaphore(%arg18 : memref<!tpu.dma_semaphore, #tpu.memory_space<semaphore_mem>>) src(%dma_wait3A_856 : memref<512x128xf32, #tpu.memory_space<vmem_shared>>) dst(%arg12 : memref<128x128xf32, #tpu.memory_space<vmem>>)
    %add3A_857 = arith.constant 2688 : i32
    %add3A_858 = arith.addi %mul3A_2, %add3A_857 : i32
    %dma_start3A_859 = arith.constant 0 : i32
    %dma_start3A_860 = tpu.memref_slice %arg6[%add3A_858, %dma_start3A_859] : memref<204800x128xf32, #tpu.memory_space<hbm>> -> memref<128x128xf32, #tpu.memory_space<hbm>>
    %dma_start3A_861 = arith.constant 0 : i32
    %dma_start3A_862 = tpu.memref_slice %arg6[%add3A_858, %dma_start3A_861] : memref<204800x128xf32, #tpu.memory_space<hbm>> -> memref<128x128xf32, #tpu.memory_space<hbm>>
    tpu.enqueue_dma source(%arg12 : memref<128x128xf32, #tpu.memory_space<vmem>>) target(%dma_start3A_862 : memref<128x128xf32, #tpu.memory_space<hbm>>) target_semaphore(%arg21 : memref<!tpu.dma_semaphore, #tpu.memory_space<semaphore_mem>>)
    %dma_wait3A_863 = arith.constant 0 : i32
    %dma_wait3A_864 = tpu.memref_slice %arg6[%add3A_858, %dma_wait3A_863] : memref<204800x128xf32, #tpu.memory_space<hbm>> -> memref<128x128xf32, #tpu.memory_space<hbm>>
    %dma_wait3A_865 = arith.constant 0 : i32
    %dma_wait3A_866 = tpu.memref_slice %arg6[%add3A_858, %dma_wait3A_865] : memref<204800x128xf32, #tpu.memory_space<hbm>> -> memref<128x128xf32, #tpu.memory_space<hbm>>
    tpu.wait_dma2 semaphore(%arg21 : memref<!tpu.dma_semaphore, #tpu.memory_space<semaphore_mem>>) src(%arg12 : memref<128x128xf32, #tpu.memory_space<vmem>>) dst(%dma_wait3A_866 : memref<128x128xf32, #tpu.memory_space<hbm>>)
    %dma_start3A_867 = arith.constant 24 : i32
    %dma_start3A_868 = arith.constant 0 : i32
    %dma_start3A_869 = tpu.memref_slice %arg7[%dma_start3A_867, %dma_start3A_868] : memref<50x128xi32, #tpu.memory_space<vmem>> -> memref<1x128xi32, #tpu.memory_space<vmem>>
    %dma_start3A_870 = tpu.memref_squeeze %dma_start3A_869 : memref<1x128xi32, #tpu.memory_space<vmem>> -> memref<128xi32, #tpu.memory_space<vmem>>
    %dma_start3A_871 = arith.constant 0 : i32
    %dma_start3A_872 = arith.constant 0 : i32
    %dma_start3A_873 = tpu.memref_slice %arg10[%dma_start3A_871, %dma_start3A_872] : memref<5000x128xf32, #tpu.memory_space<vmem_shared>> -> memref<5000x128xf32, #tpu.memory_space<vmem_shared>>
    tpu.enqueue_indirect_dma source(%dma_start3A_873 : memref<5000x128xf32, #tpu.memory_space<vmem_shared>>) target(%arg12 : memref<128x128xf32, #tpu.memory_space<vmem>>) offsets(%dma_start3A_870 : memref<128xi32, #tpu.memory_space<vmem>>) semaphore(%arg15 : memref<!tpu.dma_semaphore, #tpu.memory_space<semaphore_mem>>)
    %dma_wait3A_874 = arith.constant 23 : i32
    %dma_wait3A_875 = arith.constant 0 : i32
    %dma_wait3A_876 = tpu.memref_slice %arg7[%dma_wait3A_874, %dma_wait3A_875] : memref<50x128xi32, #tpu.memory_space<vmem>> -> memref<1x128xi32, #tpu.memory_space<vmem>>
    %dma_wait3A_877 = tpu.memref_squeeze %dma_wait3A_876 : memref<1x128xi32, #tpu.memory_space<vmem>> -> memref<128xi32, #tpu.memory_space<vmem>>
    %dma_wait3A_878 = arith.constant 0 : i32
    %dma_wait3A_879 = arith.constant 0 : i32
    %dma_wait3A_880 = tpu.memref_slice %arg2[%dma_wait3A_878, %dma_wait3A_879] : memref<5000x128xf32, #tpu.memory_space<hbm>> -> memref<5000x128xf32, #tpu.memory_space<hbm>>
    tpu.wait_indirect_dma semaphore(%arg17 : memref<!tpu.dma_semaphore, #tpu.memory_space<semaphore_mem>>) src(%dma_wait3A_880 : memref<5000x128xf32, #tpu.memory_space<hbm>>) dst(%arg14 : memref<128x128xf32, #tpu.memory_space<vmem>>)
    %dma_start3A_881 = arith.constant 23 : i32
    %dma_start3A_882 = arith.constant 0 : i32
    %dma_start3A_883 = tpu.memref_slice %arg8[%dma_start3A_881, %dma_start3A_882] : memref<50x128xi32, #tpu.memory_space<vmem>> -> memref<1x128xi32, #tpu.memory_space<vmem>>
    %dma_start3A_884 = tpu.memref_squeeze %dma_start3A_883 : memref<1x128xi32, #tpu.memory_space<vmem>> -> memref<128xi32, #tpu.memory_space<vmem>>
    %dma_start3A_885 = arith.constant 0 : i32
    %dma_start3A_886 = arith.constant 0 : i32
    %dma_start3A_887 = tpu.memref_slice %arg11[%dma_start3A_885, %dma_start3A_886] : memref<512x128xf32, #tpu.memory_space<vmem_shared>> -> memref<512x128xf32, #tpu.memory_space<vmem_shared>>
    tpu.enqueue_indirect_dma source(%dma_start3A_887 : memref<512x128xf32, #tpu.memory_space<vmem_shared>>) target(%arg14 : memref<128x128xf32, #tpu.memory_space<vmem>>) offsets(%dma_start3A_884 : memref<128xi32, #tpu.memory_space<vmem>>) semaphore(%arg20 : memref<!tpu.dma_semaphore, #tpu.memory_space<semaphore_mem>>) {add = true}
    %dma_wait3A_888 = arith.constant 22 : i32
    %dma_wait3A_889 = arith.constant 0 : i32
    %dma_wait3A_890 = tpu.memref_slice %arg8[%dma_wait3A_888, %dma_wait3A_889] : memref<50x128xi32, #tpu.memory_space<vmem>> -> memref<1x128xi32, #tpu.memory_space<vmem>>
    %dma_wait3A_891 = tpu.memref_squeeze %dma_wait3A_890 : memref<1x128xi32, #tpu.memory_space<vmem>> -> memref<128xi32, #tpu.memory_space<vmem>>
    %dma_wait3A_892 = arith.constant 0 : i32
    %dma_wait3A_893 = arith.constant 0 : i32
    %dma_wait3A_894 = tpu.memref_slice %arg11[%dma_wait3A_892, %dma_wait3A_893] : memref<512x128xf32, #tpu.memory_space<vmem_shared>> -> memref<512x128xf32, #tpu.memory_space<vmem_shared>>
    tpu.wait_indirect_dma semaphore(%arg19 : memref<!tpu.dma_semaphore, #tpu.memory_space<semaphore_mem>>) src(%dma_wait3A_894 : memref<512x128xf32, #tpu.memory_space<vmem_shared>>) dst(%arg13 : memref<128x128xf32, #tpu.memory_space<vmem>>)
    %add3A_895 = arith.constant 2816 : i32
    %add3A_896 = arith.addi %mul3A_2, %add3A_895 : i32
    %dma_start3A_897 = arith.constant 0 : i32
    %dma_start3A_898 = tpu.memref_slice %arg6[%add3A_896, %dma_start3A_897] : memref<204800x128xf32, #tpu.memory_space<hbm>> -> memref<128x128xf32, #tpu.memory_space<hbm>>
    %dma_start3A_899 = arith.constant 0 : i32
    %dma_start3A_900 = tpu.memref_slice %arg6[%add3A_896, %dma_start3A_899] : memref<204800x128xf32, #tpu.memory_space<hbm>> -> memref<128x128xf32, #tpu.memory_space<hbm>>
    tpu.enqueue_dma source(%arg13 : memref<128x128xf32, #tpu.memory_space<vmem>>) target(%dma_start3A_900 : memref<128x128xf32, #tpu.memory_space<hbm>>) target_semaphore(%arg22 : memref<!tpu.dma_semaphore, #tpu.memory_space<semaphore_mem>>)
    %dma_wait3A_901 = arith.constant 0 : i32
    %dma_wait3A_902 = tpu.memref_slice %arg6[%add3A_896, %dma_wait3A_901] : memref<204800x128xf32, #tpu.memory_space<hbm>> -> memref<128x128xf32, #tpu.memory_space<hbm>>
    %dma_wait3A_903 = arith.constant 0 : i32
    %dma_wait3A_904 = tpu.memref_slice %arg6[%add3A_896, %dma_wait3A_903] : memref<204800x128xf32, #tpu.memory_space<hbm>> -> memref<128x128xf32, #tpu.memory_space<hbm>>
    tpu.wait_dma2 semaphore(%arg22 : memref<!tpu.dma_semaphore, #tpu.memory_space<semaphore_mem>>) src(%arg13 : memref<128x128xf32, #tpu.memory_space<vmem>>) dst(%dma_wait3A_904 : memref<128x128xf32, #tpu.memory_space<hbm>>)
    %dma_start3A_905 = arith.constant 25 : i32
    %dma_start3A_906 = arith.constant 0 : i32
    %dma_start3A_907 = tpu.memref_slice %arg7[%dma_start3A_905, %dma_start3A_906] : memref<50x128xi32, #tpu.memory_space<vmem>> -> memref<1x128xi32, #tpu.memory_space<vmem>>
    %dma_start3A_908 = tpu.memref_squeeze %dma_start3A_907 : memref<1x128xi32, #tpu.memory_space<vmem>> -> memref<128xi32, #tpu.memory_space<vmem>>
    %dma_start3A_909 = arith.constant 0 : i32
    %dma_start3A_910 = arith.constant 0 : i32
    %dma_start3A_911 = tpu.memref_slice %arg10[%dma_start3A_909, %dma_start3A_910] : memref<5000x128xf32, #tpu.memory_space<vmem_shared>> -> memref<5000x128xf32, #tpu.memory_space<vmem_shared>>
    tpu.enqueue_indirect_dma source(%dma_start3A_911 : memref<5000x128xf32, #tpu.memory_space<vmem_shared>>) target(%arg13 : memref<128x128xf32, #tpu.memory_space<vmem>>) offsets(%dma_start3A_908 : memref<128xi32, #tpu.memory_space<vmem>>) semaphore(%arg16 : memref<!tpu.dma_semaphore, #tpu.memory_space<semaphore_mem>>)
    %dma_wait3A_912 = arith.constant 24 : i32
    %dma_wait3A_913 = arith.constant 0 : i32
    %dma_wait3A_914 = tpu.memref_slice %arg7[%dma_wait3A_912, %dma_wait3A_913] : memref<50x128xi32, #tpu.memory_space<vmem>> -> memref<1x128xi32, #tpu.memory_space<vmem>>
    %dma_wait3A_915 = tpu.memref_squeeze %dma_wait3A_914 : memref<1x128xi32, #tpu.memory_space<vmem>> -> memref<128xi32, #tpu.memory_space<vmem>>
    %dma_wait3A_916 = arith.constant 0 : i32
    %dma_wait3A_917 = arith.constant 0 : i32
    %dma_wait3A_918 = tpu.memref_slice %arg10[%dma_wait3A_916, %dma_wait3A_917] : memref<5000x128xf32, #tpu.memory_space<vmem_shared>> -> memref<5000x128xf32, #tpu.memory_space<vmem_shared>>
    tpu.wait_indirect_dma semaphore(%arg15 : memref<!tpu.dma_semaphore, #tpu.memory_space<semaphore_mem>>) src(%dma_wait3A_918 : memref<5000x128xf32, #tpu.memory_space<vmem_shared>>) dst(%arg12 : memref<128x128xf32, #tpu.memory_space<vmem>>)
    %dma_start3A_919 = arith.constant 24 : i32
    %dma_start3A_920 = arith.constant 0 : i32
    %dma_start3A_921 = tpu.memref_slice %arg8[%dma_start3A_919, %dma_start3A_920] : memref<50x128xi32, #tpu.memory_space<vmem>> -> memref<1x128xi32, #tpu.memory_space<vmem>>
    %dma_start3A_922 = tpu.memref_squeeze %dma_start3A_921 : memref<1x128xi32, #tpu.memory_space<vmem>> -> memref<128xi32, #tpu.memory_space<vmem>>
    %dma_start3A_923 = arith.constant 0 : i32
    %dma_start3A_924 = arith.constant 0 : i32
    %dma_start3A_925 = tpu.memref_slice %arg11[%dma_start3A_923, %dma_start3A_924] : memref<512x128xf32, #tpu.memory_space<vmem_shared>> -> memref<512x128xf32, #tpu.memory_space<vmem_shared>>
    tpu.enqueue_indirect_dma source(%dma_start3A_925 : memref<512x128xf32, #tpu.memory_space<vmem_shared>>) target(%arg12 : memref<128x128xf32, #tpu.memory_space<vmem>>) offsets(%dma_start3A_922 : memref<128xi32, #tpu.memory_space<vmem>>) semaphore(%arg18 : memref<!tpu.dma_semaphore, #tpu.memory_space<semaphore_mem>>) {add = true}
    %dma_wait3A_926 = arith.constant 23 : i32
    %dma_wait3A_927 = arith.constant 0 : i32
    %dma_wait3A_928 = tpu.memref_slice %arg8[%dma_wait3A_926, %dma_wait3A_927] : memref<50x128xi32, #tpu.memory_space<vmem>> -> memref<1x128xi32, #tpu.memory_space<vmem>>
    %dma_wait3A_929 = tpu.memref_squeeze %dma_wait3A_928 : memref<1x128xi32, #tpu.memory_space<vmem>> -> memref<128xi32, #tpu.memory_space<vmem>>
    %dma_wait3A_930 = arith.constant 0 : i32
    %dma_wait3A_931 = arith.constant 0 : i32
    %dma_wait3A_932 = tpu.memref_slice %arg11[%dma_wait3A_930, %dma_wait3A_931] : memref<512x128xf32, #tpu.memory_space<vmem_shared>> -> memref<512x128xf32, #tpu.memory_space<vmem_shared>>
    tpu.wait_indirect_dma semaphore(%arg20 : memref<!tpu.dma_semaphore, #tpu.memory_space<semaphore_mem>>) src(%dma_wait3A_932 : memref<512x128xf32, #tpu.memory_space<vmem_shared>>) dst(%arg14 : memref<128x128xf32, #tpu.memory_space<vmem>>)
    %add3A_933 = arith.constant 2944 : i32
    %add3A_934 = arith.addi %mul3A_2, %add3A_933 : i32
    %dma_start3A_935 = arith.constant 0 : i32
    %dma_start3A_936 = tpu.memref_slice %arg6[%add3A_934, %dma_start3A_935] : memref<204800x128xf32, #tpu.memory_space<hbm>> -> memref<128x128xf32, #tpu.memory_space<hbm>>
    %dma_start3A_937 = arith.constant 0 : i32
    %dma_start3A_938 = tpu.memref_slice %arg6[%add3A_934, %dma_start3A_937] : memref<204800x128xf32, #tpu.memory_space<hbm>> -> memref<128x128xf32, #tpu.memory_space<hbm>>
    tpu.enqueue_dma source(%arg14 : memref<128x128xf32, #tpu.memory_space<vmem>>) target(%dma_start3A_938 : memref<128x128xf32, #tpu.memory_space<hbm>>) target_semaphore(%arg23 : memref<!tpu.dma_semaphore, #tpu.memory_space<semaphore_mem>>)
    %dma_wait3A_939 = arith.constant 0 : i32
    %dma_wait3A_940 = tpu.memref_slice %arg6[%add3A_934, %dma_wait3A_939] : memref<204800x128xf32, #tpu.memory_space<hbm>> -> memref<128x128xf32, #tpu.memory_space<hbm>>
    %dma_wait3A_941 = arith.constant 0 : i32
    %dma_wait3A_942 = tpu.memref_slice %arg6[%add3A_934, %dma_wait3A_941] : memref<204800x128xf32, #tpu.memory_space<hbm>> -> memref<128x128xf32, #tpu.memory_space<hbm>>
    tpu.wait_dma2 semaphore(%arg23 : memref<!tpu.dma_semaphore, #tpu.memory_space<semaphore_mem>>) src(%arg14 : memref<128x128xf32, #tpu.memory_space<vmem>>) dst(%dma_wait3A_942 : memref<128x128xf32, #tpu.memory_space<hbm>>)
    %dma_start3A_943 = arith.constant 26 : i32
    %dma_start3A_944 = arith.constant 0 : i32
    %dma_start3A_945 = tpu.memref_slice %arg7[%dma_start3A_943, %dma_start3A_944] : memref<50x128xi32, #tpu.memory_space<vmem>> -> memref<1x128xi32, #tpu.memory_space<vmem>>
    %dma_start3A_946 = tpu.memref_squeeze %dma_start3A_945 : memref<1x128xi32, #tpu.memory_space<vmem>> -> memref<128xi32, #tpu.memory_space<vmem>>
    %dma_start3A_947 = arith.constant 0 : i32
    %dma_start3A_948 = arith.constant 0 : i32
    %dma_start3A_949 = tpu.memref_slice %arg10[%dma_start3A_947, %dma_start3A_948] : memref<5000x128xf32, #tpu.memory_space<vmem_shared>> -> memref<5000x128xf32, #tpu.memory_space<vmem_shared>>
    tpu.enqueue_indirect_dma source(%dma_start3A_949 : memref<5000x128xf32, #tpu.memory_space<vmem_shared>>) target(%arg14 : memref<128x128xf32, #tpu.memory_space<vmem>>) offsets(%dma_start3A_946 : memref<128xi32, #tpu.memory_space<vmem>>) semaphore(%arg17 : memref<!tpu.dma_semaphore, #tpu.memory_space<semaphore_mem>>)
    %dma_wait3A_950 = arith.constant 25 : i32
    %dma_wait3A_951 = arith.constant 0 : i32
    %dma_wait3A_952 = tpu.memref_slice %arg7[%dma_wait3A_950, %dma_wait3A_951] : memref<50x128xi32, #tpu.memory_space<vmem>> -> memref<1x128xi32, #tpu.memory_space<vmem>>
    %dma_wait3A_953 = tpu.memref_squeeze %dma_wait3A_952 : memref<1x128xi32, #tpu.memory_space<vmem>> -> memref<128xi32, #tpu.memory_space<vmem>>
    %dma_wait3A_954 = arith.constant 0 : i32
    %dma_wait3A_955 = arith.constant 0 : i32
    %dma_wait3A_956 = tpu.memref_slice %arg10[%dma_wait3A_954, %dma_wait3A_955] : memref<5000x128xf32, #tpu.memory_space<vmem_shared>> -> memref<5000x128xf32, #tpu.memory_space<vmem_shared>>
    tpu.wait_indirect_dma semaphore(%arg16 : memref<!tpu.dma_semaphore, #tpu.memory_space<semaphore_mem>>) src(%dma_wait3A_956 : memref<5000x128xf32, #tpu.memory_space<vmem_shared>>) dst(%arg13 : memref<128x128xf32, #tpu.memory_space<vmem>>)
    %dma_start3A_957 = arith.constant 25 : i32
    %dma_start3A_958 = arith.constant 0 : i32
    %dma_start3A_959 = tpu.memref_slice %arg8[%dma_start3A_957, %dma_start3A_958] : memref<50x128xi32, #tpu.memory_space<vmem>> -> memref<1x128xi32, #tpu.memory_space<vmem>>
    %dma_start3A_960 = tpu.memref_squeeze %dma_start3A_959 : memref<1x128xi32, #tpu.memory_space<vmem>> -> memref<128xi32, #tpu.memory_space<vmem>>
    %dma_start3A_961 = arith.constant 0 : i32
    %dma_start3A_962 = arith.constant 0 : i32
    %dma_start3A_963 = tpu.memref_slice %arg11[%dma_start3A_961, %dma_start3A_962] : memref<512x128xf32, #tpu.memory_space<vmem_shared>> -> memref<512x128xf32, #tpu.memory_space<vmem_shared>>
    tpu.enqueue_indirect_dma source(%dma_start3A_963 : memref<512x128xf32, #tpu.memory_space<vmem_shared>>) target(%arg13 : memref<128x128xf32, #tpu.memory_space<vmem>>) offsets(%dma_start3A_960 : memref<128xi32, #tpu.memory_space<vmem>>) semaphore(%arg19 : memref<!tpu.dma_semaphore, #tpu.memory_space<semaphore_mem>>) {add = true}
    %dma_wait3A_964 = arith.constant 24 : i32
    %dma_wait3A_965 = arith.constant 0 : i32
    %dma_wait3A_966 = tpu.memref_slice %arg8[%dma_wait3A_964, %dma_wait3A_965] : memref<50x128xi32, #tpu.memory_space<vmem>> -> memref<1x128xi32, #tpu.memory_space<vmem>>
    %dma_wait3A_967 = tpu.memref_squeeze %dma_wait3A_966 : memref<1x128xi32, #tpu.memory_space<vmem>> -> memref<128xi32, #tpu.memory_space<vmem>>
    %dma_wait3A_968 = arith.constant 0 : i32
    %dma_wait3A_969 = arith.constant 0 : i32
    %dma_wait3A_970 = tpu.memref_slice %arg11[%dma_wait3A_968, %dma_wait3A_969] : memref<512x128xf32, #tpu.memory_space<vmem_shared>> -> memref<512x128xf32, #tpu.memory_space<vmem_shared>>
    tpu.wait_indirect_dma semaphore(%arg18 : memref<!tpu.dma_semaphore, #tpu.memory_space<semaphore_mem>>) src(%dma_wait3A_970 : memref<512x128xf32, #tpu.memory_space<vmem_shared>>) dst(%arg12 : memref<128x128xf32, #tpu.memory_space<vmem>>)
    %add3A_971 = arith.constant 3072 : i32
    %add3A_972 = arith.addi %mul3A_2, %add3A_971 : i32
    %dma_start3A_973 = arith.constant 0 : i32
    %dma_start3A_974 = tpu.memref_slice %arg6[%add3A_972, %dma_start3A_973] : memref<204800x128xf32, #tpu.memory_space<hbm>> -> memref<128x128xf32, #tpu.memory_space<hbm>>
    %dma_start3A_975 = arith.constant 0 : i32
    %dma_start3A_976 = tpu.memref_slice %arg6[%add3A_972, %dma_start3A_975] : memref<204800x128xf32, #tpu.memory_space<hbm>> -> memref<128x128xf32, #tpu.memory_space<hbm>>
    tpu.enqueue_dma source(%arg12 : memref<128x128xf32, #tpu.memory_space<vmem>>) target(%dma_start3A_976 : memref<128x128xf32, #tpu.memory_space<hbm>>) target_semaphore(%arg21 : memref<!tpu.dma_semaphore, #tpu.memory_space<semaphore_mem>>)
    %dma_wait3A_977 = arith.constant 0 : i32
    %dma_wait3A_978 = tpu.memref_slice %arg6[%add3A_972, %dma_wait3A_977] : memref<204800x128xf32, #tpu.memory_space<hbm>> -> memref<128x128xf32, #tpu.memory_space<hbm>>
    %dma_wait3A_979 = arith.constant 0 : i32
    %dma_wait3A_980 = tpu.memref_slice %arg6[%add3A_972, %dma_wait3A_979] : memref<204800x128xf32, #tpu.memory_space<hbm>> -> memref<128x128xf32, #tpu.memory_space<hbm>>
    tpu.wait_dma2 semaphore(%arg21 : memref<!tpu.dma_semaphore, #tpu.memory_space<semaphore_mem>>) src(%arg12 : memref<128x128xf32, #tpu.memory_space<vmem>>) dst(%dma_wait3A_980 : memref<128x128xf32, #tpu.memory_space<hbm>>)
    %dma_start3A_981 = arith.constant 27 : i32
    %dma_start3A_982 = arith.constant 0 : i32
    %dma_start3A_983 = tpu.memref_slice %arg7[%dma_start3A_981, %dma_start3A_982] : memref<50x128xi32, #tpu.memory_space<vmem>> -> memref<1x128xi32, #tpu.memory_space<vmem>>
    %dma_start3A_984 = tpu.memref_squeeze %dma_start3A_983 : memref<1x128xi32, #tpu.memory_space<vmem>> -> memref<128xi32, #tpu.memory_space<vmem>>
    %dma_start3A_985 = arith.constant 0 : i32
    %dma_start3A_986 = arith.constant 0 : i32
    %dma_start3A_987 = tpu.memref_slice %arg2[%dma_start3A_985, %dma_start3A_986] : memref<5000x128xf32, #tpu.memory_space<hbm>> -> memref<5000x128xf32, #tpu.memory_space<hbm>>
    tpu.enqueue_indirect_dma source(%dma_start3A_987 : memref<5000x128xf32, #tpu.memory_space<hbm>>) target(%arg12 : memref<128x128xf32, #tpu.memory_space<vmem>>) offsets(%dma_start3A_984 : memref<128xi32, #tpu.memory_space<vmem>>) semaphore(%arg15 : memref<!tpu.dma_semaphore, #tpu.memory_space<semaphore_mem>>)
    %dma_wait3A_988 = arith.constant 26 : i32
    %dma_wait3A_989 = arith.constant 0 : i32
    %dma_wait3A_990 = tpu.memref_slice %arg7[%dma_wait3A_988, %dma_wait3A_989] : memref<50x128xi32, #tpu.memory_space<vmem>> -> memref<1x128xi32, #tpu.memory_space<vmem>>
    %dma_wait3A_991 = tpu.memref_squeeze %dma_wait3A_990 : memref<1x128xi32, #tpu.memory_space<vmem>> -> memref<128xi32, #tpu.memory_space<vmem>>
    %dma_wait3A_992 = arith.constant 0 : i32
    %dma_wait3A_993 = arith.constant 0 : i32
    %dma_wait3A_994 = tpu.memref_slice %arg10[%dma_wait3A_992, %dma_wait3A_993] : memref<5000x128xf32, #tpu.memory_space<vmem_shared>> -> memref<5000x128xf32, #tpu.memory_space<vmem_shared>>
    tpu.wait_indirect_dma semaphore(%arg17 : memref<!tpu.dma_semaphore, #tpu.memory_space<semaphore_mem>>) src(%dma_wait3A_994 : memref<5000x128xf32, #tpu.memory_space<vmem_shared>>) dst(%arg14 : memref<128x128xf32, #tpu.memory_space<vmem>>)
    %dma_start3A_995 = arith.constant 26 : i32
    %dma_start3A_996 = arith.constant 0 : i32
    %dma_start3A_997 = tpu.memref_slice %arg8[%dma_start3A_995, %dma_start3A_996] : memref<50x128xi32, #tpu.memory_space<vmem>> -> memref<1x128xi32, #tpu.memory_space<vmem>>
    %dma_start3A_998 = tpu.memref_squeeze %dma_start3A_997 : memref<1x128xi32, #tpu.memory_space<vmem>> -> memref<128xi32, #tpu.memory_space<vmem>>
    %dma_start3A_999 = arith.constant 0 : i32
    %dma_start3A_1000 = arith.constant 0 : i32
    %dma_start3A_1001 = tpu.memref_slice %arg11[%dma_start3A_999, %dma_start3A_1000] : memref<512x128xf32, #tpu.memory_space<vmem_shared>> -> memref<512x128xf32, #tpu.memory_space<vmem_shared>>
    tpu.enqueue_indirect_dma source(%dma_start3A_1001 : memref<512x128xf32, #tpu.memory_space<vmem_shared>>) target(%arg14 : memref<128x128xf32, #tpu.memory_space<vmem>>) offsets(%dma_start3A_998 : memref<128xi32, #tpu.memory_space<vmem>>) semaphore(%arg20 : memref<!tpu.dma_semaphore, #tpu.memory_space<semaphore_mem>>) {add = true}
    %dma_wait3A_1002 = arith.constant 25 : i32
    %dma_wait3A_1003 = arith.constant 0 : i32
    %dma_wait3A_1004 = tpu.memref_slice %arg8[%dma_wait3A_1002, %dma_wait3A_1003] : memref<50x128xi32, #tpu.memory_space<vmem>> -> memref<1x128xi32, #tpu.memory_space<vmem>>
    %dma_wait3A_1005 = tpu.memref_squeeze %dma_wait3A_1004 : memref<1x128xi32, #tpu.memory_space<vmem>> -> memref<128xi32, #tpu.memory_space<vmem>>
    %dma_wait3A_1006 = arith.constant 0 : i32
    %dma_wait3A_1007 = arith.constant 0 : i32
    %dma_wait3A_1008 = tpu.memref_slice %arg11[%dma_wait3A_1006, %dma_wait3A_1007] : memref<512x128xf32, #tpu.memory_space<vmem_shared>> -> memref<512x128xf32, #tpu.memory_space<vmem_shared>>
    tpu.wait_indirect_dma semaphore(%arg19 : memref<!tpu.dma_semaphore, #tpu.memory_space<semaphore_mem>>) src(%dma_wait3A_1008 : memref<512x128xf32, #tpu.memory_space<vmem_shared>>) dst(%arg13 : memref<128x128xf32, #tpu.memory_space<vmem>>)
    %add3A_1009 = arith.constant 3200 : i32
    %add3A_1010 = arith.addi %mul3A_2, %add3A_1009 : i32
    %dma_start3A_1011 = arith.constant 0 : i32
    %dma_start3A_1012 = tpu.memref_slice %arg6[%add3A_1010, %dma_start3A_1011] : memref<204800x128xf32, #tpu.memory_space<hbm>> -> memref<128x128xf32, #tpu.memory_space<hbm>>
    %dma_start3A_1013 = arith.constant 0 : i32
    %dma_start3A_1014 = tpu.memref_slice %arg6[%add3A_1010, %dma_start3A_1013] : memref<204800x128xf32, #tpu.memory_space<hbm>> -> memref<128x128xf32, #tpu.memory_space<hbm>>
    tpu.enqueue_dma source(%arg13 : memref<128x128xf32, #tpu.memory_space<vmem>>) target(%dma_start3A_1014 : memref<128x128xf32, #tpu.memory_space<hbm>>) target_semaphore(%arg22 : memref<!tpu.dma_semaphore, #tpu.memory_space<semaphore_mem>>)
    %dma_wait3A_1015 = arith.constant 0 : i32
    %dma_wait3A_1016 = tpu.memref_slice %arg6[%add3A_1010, %dma_wait3A_1015] : memref<204800x128xf32, #tpu.memory_space<hbm>> -> memref<128x128xf32, #tpu.memory_space<hbm>>
    %dma_wait3A_1017 = arith.constant 0 : i32
    %dma_wait3A_1018 = tpu.memref_slice %arg6[%add3A_1010, %dma_wait3A_1017] : memref<204800x128xf32, #tpu.memory_space<hbm>> -> memref<128x128xf32, #tpu.memory_space<hbm>>
    tpu.wait_dma2 semaphore(%arg22 : memref<!tpu.dma_semaphore, #tpu.memory_space<semaphore_mem>>) src(%arg13 : memref<128x128xf32, #tpu.memory_space<vmem>>) dst(%dma_wait3A_1018 : memref<128x128xf32, #tpu.memory_space<hbm>>)
    %dma_start3A_1019 = arith.constant 28 : i32
    %dma_start3A_1020 = arith.constant 0 : i32
    %dma_start3A_1021 = tpu.memref_slice %arg7[%dma_start3A_1019, %dma_start3A_1020] : memref<50x128xi32, #tpu.memory_space<vmem>> -> memref<1x128xi32, #tpu.memory_space<vmem>>
    %dma_start3A_1022 = tpu.memref_squeeze %dma_start3A_1021 : memref<1x128xi32, #tpu.memory_space<vmem>> -> memref<128xi32, #tpu.memory_space<vmem>>
    %dma_start3A_1023 = arith.constant 0 : i32
    %dma_start3A_1024 = arith.constant 0 : i32
    %dma_start3A_1025 = tpu.memref_slice %arg10[%dma_start3A_1023, %dma_start3A_1024] : memref<5000x128xf32, #tpu.memory_space<vmem_shared>> -> memref<5000x128xf32, #tpu.memory_space<vmem_shared>>
    tpu.enqueue_indirect_dma source(%dma_start3A_1025 : memref<5000x128xf32, #tpu.memory_space<vmem_shared>>) target(%arg13 : memref<128x128xf32, #tpu.memory_space<vmem>>) offsets(%dma_start3A_1022 : memref<128xi32, #tpu.memory_space<vmem>>) semaphore(%arg16 : memref<!tpu.dma_semaphore, #tpu.memory_space<semaphore_mem>>)
    %dma_wait3A_1026 = arith.constant 27 : i32
    %dma_wait3A_1027 = arith.constant 0 : i32
    %dma_wait3A_1028 = tpu.memref_slice %arg7[%dma_wait3A_1026, %dma_wait3A_1027] : memref<50x128xi32, #tpu.memory_space<vmem>> -> memref<1x128xi32, #tpu.memory_space<vmem>>
    %dma_wait3A_1029 = tpu.memref_squeeze %dma_wait3A_1028 : memref<1x128xi32, #tpu.memory_space<vmem>> -> memref<128xi32, #tpu.memory_space<vmem>>
    %dma_wait3A_1030 = arith.constant 0 : i32
    %dma_wait3A_1031 = arith.constant 0 : i32
    %dma_wait3A_1032 = tpu.memref_slice %arg2[%dma_wait3A_1030, %dma_wait3A_1031] : memref<5000x128xf32, #tpu.memory_space<hbm>> -> memref<5000x128xf32, #tpu.memory_space<hbm>>
    tpu.wait_indirect_dma semaphore(%arg15 : memref<!tpu.dma_semaphore, #tpu.memory_space<semaphore_mem>>) src(%dma_wait3A_1032 : memref<5000x128xf32, #tpu.memory_space<hbm>>) dst(%arg12 : memref<128x128xf32, #tpu.memory_space<vmem>>)
    %dma_start3A_1033 = arith.constant 27 : i32
    %dma_start3A_1034 = arith.constant 0 : i32
    %dma_start3A_1035 = tpu.memref_slice %arg8[%dma_start3A_1033, %dma_start3A_1034] : memref<50x128xi32, #tpu.memory_space<vmem>> -> memref<1x128xi32, #tpu.memory_space<vmem>>
    %dma_start3A_1036 = tpu.memref_squeeze %dma_start3A_1035 : memref<1x128xi32, #tpu.memory_space<vmem>> -> memref<128xi32, #tpu.memory_space<vmem>>
    %dma_start3A_1037 = arith.constant 0 : i32
    %dma_start3A_1038 = arith.constant 0 : i32
    %dma_start3A_1039 = tpu.memref_slice %arg11[%dma_start3A_1037, %dma_start3A_1038] : memref<512x128xf32, #tpu.memory_space<vmem_shared>> -> memref<512x128xf32, #tpu.memory_space<vmem_shared>>
    tpu.enqueue_indirect_dma source(%dma_start3A_1039 : memref<512x128xf32, #tpu.memory_space<vmem_shared>>) target(%arg12 : memref<128x128xf32, #tpu.memory_space<vmem>>) offsets(%dma_start3A_1036 : memref<128xi32, #tpu.memory_space<vmem>>) semaphore(%arg18 : memref<!tpu.dma_semaphore, #tpu.memory_space<semaphore_mem>>) {add = true}
    %dma_wait3A_1040 = arith.constant 26 : i32
    %dma_wait3A_1041 = arith.constant 0 : i32
    %dma_wait3A_1042 = tpu.memref_slice %arg8[%dma_wait3A_1040, %dma_wait3A_1041] : memref<50x128xi32, #tpu.memory_space<vmem>> -> memref<1x128xi32, #tpu.memory_space<vmem>>
    %dma_wait3A_1043 = tpu.memref_squeeze %dma_wait3A_1042 : memref<1x128xi32, #tpu.memory_space<vmem>> -> memref<128xi32, #tpu.memory_space<vmem>>
    %dma_wait3A_1044 = arith.constant 0 : i32
    %dma_wait3A_1045 = arith.constant 0 : i32
    %dma_wait3A_1046 = tpu.memref_slice %arg11[%dma_wait3A_1044, %dma_wait3A_1045] : memref<512x128xf32, #tpu.memory_space<vmem_shared>> -> memref<512x128xf32, #tpu.memory_space<vmem_shared>>
    tpu.wait_indirect_dma semaphore(%arg20 : memref<!tpu.dma_semaphore, #tpu.memory_space<semaphore_mem>>) src(%dma_wait3A_1046 : memref<512x128xf32, #tpu.memory_space<vmem_shared>>) dst(%arg14 : memref<128x128xf32, #tpu.memory_space<vmem>>)
    %add3A_1047 = arith.constant 3328 : i32
    %add3A_1048 = arith.addi %mul3A_2, %add3A_1047 : i32
    %dma_start3A_1049 = arith.constant 0 : i32
    %dma_start3A_1050 = tpu.memref_slice %arg6[%add3A_1048, %dma_start3A_1049] : memref<204800x128xf32, #tpu.memory_space<hbm>> -> memref<128x128xf32, #tpu.memory_space<hbm>>
    %dma_start3A_1051 = arith.constant 0 : i32
    %dma_start3A_1052 = tpu.memref_slice %arg6[%add3A_1048, %dma_start3A_1051] : memref<204800x128xf32, #tpu.memory_space<hbm>> -> memref<128x128xf32, #tpu.memory_space<hbm>>
    tpu.enqueue_dma source(%arg14 : memref<128x128xf32, #tpu.memory_space<vmem>>) target(%dma_start3A_1052 : memref<128x128xf32, #tpu.memory_space<hbm>>) target_semaphore(%arg23 : memref<!tpu.dma_semaphore, #tpu.memory_space<semaphore_mem>>)
    %dma_wait3A_1053 = arith.constant 0 : i32
    %dma_wait3A_1054 = tpu.memref_slice %arg6[%add3A_1048, %dma_wait3A_1053] : memref<204800x128xf32, #tpu.memory_space<hbm>> -> memref<128x128xf32, #tpu.memory_space<hbm>>
    %dma_wait3A_1055 = arith.constant 0 : i32
    %dma_wait3A_1056 = tpu.memref_slice %arg6[%add3A_1048, %dma_wait3A_1055] : memref<204800x128xf32, #tpu.memory_space<hbm>> -> memref<128x128xf32, #tpu.memory_space<hbm>>
    tpu.wait_dma2 semaphore(%arg23 : memref<!tpu.dma_semaphore, #tpu.memory_space<semaphore_mem>>) src(%arg14 : memref<128x128xf32, #tpu.memory_space<vmem>>) dst(%dma_wait3A_1056 : memref<128x128xf32, #tpu.memory_space<hbm>>)
    %dma_start3A_1057 = arith.constant 29 : i32
    %dma_start3A_1058 = arith.constant 0 : i32
    %dma_start3A_1059 = tpu.memref_slice %arg7[%dma_start3A_1057, %dma_start3A_1058] : memref<50x128xi32, #tpu.memory_space<vmem>> -> memref<1x128xi32, #tpu.memory_space<vmem>>
    %dma_start3A_1060 = tpu.memref_squeeze %dma_start3A_1059 : memref<1x128xi32, #tpu.memory_space<vmem>> -> memref<128xi32, #tpu.memory_space<vmem>>
    %dma_start3A_1061 = arith.constant 0 : i32
    %dma_start3A_1062 = arith.constant 0 : i32
    %dma_start3A_1063 = tpu.memref_slice %arg10[%dma_start3A_1061, %dma_start3A_1062] : memref<5000x128xf32, #tpu.memory_space<vmem_shared>> -> memref<5000x128xf32, #tpu.memory_space<vmem_shared>>
    tpu.enqueue_indirect_dma source(%dma_start3A_1063 : memref<5000x128xf32, #tpu.memory_space<vmem_shared>>) target(%arg14 : memref<128x128xf32, #tpu.memory_space<vmem>>) offsets(%dma_start3A_1060 : memref<128xi32, #tpu.memory_space<vmem>>) semaphore(%arg17 : memref<!tpu.dma_semaphore, #tpu.memory_space<semaphore_mem>>)
    %dma_wait3A_1064 = arith.constant 28 : i32
    %dma_wait3A_1065 = arith.constant 0 : i32
    %dma_wait3A_1066 = tpu.memref_slice %arg7[%dma_wait3A_1064, %dma_wait3A_1065] : memref<50x128xi32, #tpu.memory_space<vmem>> -> memref<1x128xi32, #tpu.memory_space<vmem>>
    %dma_wait3A_1067 = tpu.memref_squeeze %dma_wait3A_1066 : memref<1x128xi32, #tpu.memory_space<vmem>> -> memref<128xi32, #tpu.memory_space<vmem>>
    %dma_wait3A_1068 = arith.constant 0 : i32
    %dma_wait3A_1069 = arith.constant 0 : i32
    %dma_wait3A_1070 = tpu.memref_slice %arg10[%dma_wait3A_1068, %dma_wait3A_1069] : memref<5000x128xf32, #tpu.memory_space<vmem_shared>> -> memref<5000x128xf32, #tpu.memory_space<vmem_shared>>
    tpu.wait_indirect_dma semaphore(%arg16 : memref<!tpu.dma_semaphore, #tpu.memory_space<semaphore_mem>>) src(%dma_wait3A_1070 : memref<5000x128xf32, #tpu.memory_space<vmem_shared>>) dst(%arg13 : memref<128x128xf32, #tpu.memory_space<vmem>>)
    %dma_start3A_1071 = arith.constant 28 : i32
    %dma_start3A_1072 = arith.constant 0 : i32
    %dma_start3A_1073 = tpu.memref_slice %arg8[%dma_start3A_1071, %dma_start3A_1072] : memref<50x128xi32, #tpu.memory_space<vmem>> -> memref<1x128xi32, #tpu.memory_space<vmem>>
    %dma_start3A_1074 = tpu.memref_squeeze %dma_start3A_1073 : memref<1x128xi32, #tpu.memory_space<vmem>> -> memref<128xi32, #tpu.memory_space<vmem>>
    %dma_start3A_1075 = arith.constant 0 : i32
    %dma_start3A_1076 = arith.constant 0 : i32
    %dma_start3A_1077 = tpu.memref_slice %arg11[%dma_start3A_1075, %dma_start3A_1076] : memref<512x128xf32, #tpu.memory_space<vmem_shared>> -> memref<512x128xf32, #tpu.memory_space<vmem_shared>>
    tpu.enqueue_indirect_dma source(%dma_start3A_1077 : memref<512x128xf32, #tpu.memory_space<vmem_shared>>) target(%arg13 : memref<128x128xf32, #tpu.memory_space<vmem>>) offsets(%dma_start3A_1074 : memref<128xi32, #tpu.memory_space<vmem>>) semaphore(%arg19 : memref<!tpu.dma_semaphore, #tpu.memory_space<semaphore_mem>>) {add = true}
    %dma_wait3A_1078 = arith.constant 27 : i32
    %dma_wait3A_1079 = arith.constant 0 : i32
    %dma_wait3A_1080 = tpu.memref_slice %arg8[%dma_wait3A_1078, %dma_wait3A_1079] : memref<50x128xi32, #tpu.memory_space<vmem>> -> memref<1x128xi32, #tpu.memory_space<vmem>>
    %dma_wait3A_1081 = tpu.memref_squeeze %dma_wait3A_1080 : memref<1x128xi32, #tpu.memory_space<vmem>> -> memref<128xi32, #tpu.memory_space<vmem>>
    %dma_wait3A_1082 = arith.constant 0 : i32
    %dma_wait3A_1083 = arith.constant 0 : i32
    %dma_wait3A_1084 = tpu.memref_slice %arg11[%dma_wait3A_1082, %dma_wait3A_1083] : memref<512x128xf32, #tpu.memory_space<vmem_shared>> -> memref<512x128xf32, #tpu.memory_space<vmem_shared>>
    tpu.wait_indirect_dma semaphore(%arg18 : memref<!tpu.dma_semaphore, #tpu.memory_space<semaphore_mem>>) src(%dma_wait3A_1084 : memref<512x128xf32, #tpu.memory_space<vmem_shared>>) dst(%arg12 : memref<128x128xf32, #tpu.memory_space<vmem>>)
    %add3A_1085 = arith.constant 3456 : i32
    %add3A_1086 = arith.addi %mul3A_2, %add3A_1085 : i32
    %dma_start3A_1087 = arith.constant 0 : i32
    %dma_start3A_1088 = tpu.memref_slice %arg6[%add3A_1086, %dma_start3A_1087] : memref<204800x128xf32, #tpu.memory_space<hbm>> -> memref<128x128xf32, #tpu.memory_space<hbm>>
    %dma_start3A_1089 = arith.constant 0 : i32
    %dma_start3A_1090 = tpu.memref_slice %arg6[%add3A_1086, %dma_start3A_1089] : memref<204800x128xf32, #tpu.memory_space<hbm>> -> memref<128x128xf32, #tpu.memory_space<hbm>>
    tpu.enqueue_dma source(%arg12 : memref<128x128xf32, #tpu.memory_space<vmem>>) target(%dma_start3A_1090 : memref<128x128xf32, #tpu.memory_space<hbm>>) target_semaphore(%arg21 : memref<!tpu.dma_semaphore, #tpu.memory_space<semaphore_mem>>)
    %dma_wait3A_1091 = arith.constant 0 : i32
    %dma_wait3A_1092 = tpu.memref_slice %arg6[%add3A_1086, %dma_wait3A_1091] : memref<204800x128xf32, #tpu.memory_space<hbm>> -> memref<128x128xf32, #tpu.memory_space<hbm>>
    %dma_wait3A_1093 = arith.constant 0 : i32
    %dma_wait3A_1094 = tpu.memref_slice %arg6[%add3A_1086, %dma_wait3A_1093] : memref<204800x128xf32, #tpu.memory_space<hbm>> -> memref<128x128xf32, #tpu.memory_space<hbm>>
    tpu.wait_dma2 semaphore(%arg21 : memref<!tpu.dma_semaphore, #tpu.memory_space<semaphore_mem>>) src(%arg12 : memref<128x128xf32, #tpu.memory_space<vmem>>) dst(%dma_wait3A_1094 : memref<128x128xf32, #tpu.memory_space<hbm>>)
    %dma_start3A_1095 = arith.constant 30 : i32
    %dma_start3A_1096 = arith.constant 0 : i32
    %dma_start3A_1097 = tpu.memref_slice %arg7[%dma_start3A_1095, %dma_start3A_1096] : memref<50x128xi32, #tpu.memory_space<vmem>> -> memref<1x128xi32, #tpu.memory_space<vmem>>
    %dma_start3A_1098 = tpu.memref_squeeze %dma_start3A_1097 : memref<1x128xi32, #tpu.memory_space<vmem>> -> memref<128xi32, #tpu.memory_space<vmem>>
    %dma_start3A_1099 = arith.constant 0 : i32
    %dma_start3A_1100 = arith.constant 0 : i32
    %dma_start3A_1101 = tpu.memref_slice %arg10[%dma_start3A_1099, %dma_start3A_1100] : memref<5000x128xf32, #tpu.memory_space<vmem_shared>> -> memref<5000x128xf32, #tpu.memory_space<vmem_shared>>
    tpu.enqueue_indirect_dma source(%dma_start3A_1101 : memref<5000x128xf32, #tpu.memory_space<vmem_shared>>) target(%arg12 : memref<128x128xf32, #tpu.memory_space<vmem>>) offsets(%dma_start3A_1098 : memref<128xi32, #tpu.memory_space<vmem>>) semaphore(%arg15 : memref<!tpu.dma_semaphore, #tpu.memory_space<semaphore_mem>>)
    %dma_wait3A_1102 = arith.constant 29 : i32
    %dma_wait3A_1103 = arith.constant 0 : i32
    %dma_wait3A_1104 = tpu.memref_slice %arg7[%dma_wait3A_1102, %dma_wait3A_1103] : memref<50x128xi32, #tpu.memory_space<vmem>> -> memref<1x128xi32, #tpu.memory_space<vmem>>
    %dma_wait3A_1105 = tpu.memref_squeeze %dma_wait3A_1104 : memref<1x128xi32, #tpu.memory_space<vmem>> -> memref<128xi32, #tpu.memory_space<vmem>>
    %dma_wait3A_1106 = arith.constant 0 : i32
    %dma_wait3A_1107 = arith.constant 0 : i32
    %dma_wait3A_1108 = tpu.memref_slice %arg10[%dma_wait3A_1106, %dma_wait3A_1107] : memref<5000x128xf32, #tpu.memory_space<vmem_shared>> -> memref<5000x128xf32, #tpu.memory_space<vmem_shared>>
    tpu.wait_indirect_dma semaphore(%arg17 : memref<!tpu.dma_semaphore, #tpu.memory_space<semaphore_mem>>) src(%dma_wait3A_1108 : memref<5000x128xf32, #tpu.memory_space<vmem_shared>>) dst(%arg14 : memref<128x128xf32, #tpu.memory_space<vmem>>)
    %dma_start3A_1109 = arith.constant 29 : i32
    %dma_start3A_1110 = arith.constant 0 : i32
    %dma_start3A_1111 = tpu.memref_slice %arg8[%dma_start3A_1109, %dma_start3A_1110] : memref<50x128xi32, #tpu.memory_space<vmem>> -> memref<1x128xi32, #tpu.memory_space<vmem>>
    %dma_start3A_1112 = tpu.memref_squeeze %dma_start3A_1111 : memref<1x128xi32, #tpu.memory_space<vmem>> -> memref<128xi32, #tpu.memory_space<vmem>>
    %dma_start3A_1113 = arith.constant 0 : i32
    %dma_start3A_1114 = arith.constant 0 : i32
    %dma_start3A_1115 = tpu.memref_slice %arg11[%dma_start3A_1113, %dma_start3A_1114] : memref<512x128xf32, #tpu.memory_space<vmem_shared>> -> memref<512x128xf32, #tpu.memory_space<vmem_shared>>
    tpu.enqueue_indirect_dma source(%dma_start3A_1115 : memref<512x128xf32, #tpu.memory_space<vmem_shared>>) target(%arg14 : memref<128x128xf32, #tpu.memory_space<vmem>>) offsets(%dma_start3A_1112 : memref<128xi32, #tpu.memory_space<vmem>>) semaphore(%arg20 : memref<!tpu.dma_semaphore, #tpu.memory_space<semaphore_mem>>) {add = true}
    %dma_wait3A_1116 = arith.constant 28 : i32
    %dma_wait3A_1117 = arith.constant 0 : i32
    %dma_wait3A_1118 = tpu.memref_slice %arg8[%dma_wait3A_1116, %dma_wait3A_1117] : memref<50x128xi32, #tpu.memory_space<vmem>> -> memref<1x128xi32, #tpu.memory_space<vmem>>
    %dma_wait3A_1119 = tpu.memref_squeeze %dma_wait3A_1118 : memref<1x128xi32, #tpu.memory_space<vmem>> -> memref<128xi32, #tpu.memory_space<vmem>>
    %dma_wait3A_1120 = arith.constant 0 : i32
    %dma_wait3A_1121 = arith.constant 0 : i32
    %dma_wait3A_1122 = tpu.memref_slice %arg11[%dma_wait3A_1120, %dma_wait3A_1121] : memref<512x128xf32, #tpu.memory_space<vmem_shared>> -> memref<512x128xf32, #tpu.memory_space<vmem_shared>>
    tpu.wait_indirect_dma semaphore(%arg19 : memref<!tpu.dma_semaphore, #tpu.memory_space<semaphore_mem>>) src(%dma_wait3A_1122 : memref<512x128xf32, #tpu.memory_space<vmem_shared>>) dst(%arg13 : memref<128x128xf32, #tpu.memory_space<vmem>>)
    %add3A_1123 = arith.constant 3584 : i32
    %add3A_1124 = arith.addi %mul3A_2, %add3A_1123 : i32
    %dma_start3A_1125 = arith.constant 0 : i32
    %dma_start3A_1126 = tpu.memref_slice %arg6[%add3A_1124, %dma_start3A_1125] : memref<204800x128xf32, #tpu.memory_space<hbm>> -> memref<128x128xf32, #tpu.memory_space<hbm>>
    %dma_start3A_1127 = arith.constant 0 : i32
    %dma_start3A_1128 = tpu.memref_slice %arg6[%add3A_1124, %dma_start3A_1127] : memref<204800x128xf32, #tpu.memory_space<hbm>> -> memref<128x128xf32, #tpu.memory_space<hbm>>
    tpu.enqueue_dma source(%arg13 : memref<128x128xf32, #tpu.memory_space<vmem>>) target(%dma_start3A_1128 : memref<128x128xf32, #tpu.memory_space<hbm>>) target_semaphore(%arg22 : memref<!tpu.dma_semaphore, #tpu.memory_space<semaphore_mem>>)
    %dma_wait3A_1129 = arith.constant 0 : i32
    %dma_wait3A_1130 = tpu.memref_slice %arg6[%add3A_1124, %dma_wait3A_1129] : memref<204800x128xf32, #tpu.memory_space<hbm>> -> memref<128x128xf32, #tpu.memory_space<hbm>>
    %dma_wait3A_1131 = arith.constant 0 : i32
    %dma_wait3A_1132 = tpu.memref_slice %arg6[%add3A_1124, %dma_wait3A_1131] : memref<204800x128xf32, #tpu.memory_space<hbm>> -> memref<128x128xf32, #tpu.memory_space<hbm>>
    tpu.wait_dma2 semaphore(%arg22 : memref<!tpu.dma_semaphore, #tpu.memory_space<semaphore_mem>>) src(%arg13 : memref<128x128xf32, #tpu.memory_space<vmem>>) dst(%dma_wait3A_1132 : memref<128x128xf32, #tpu.memory_space<hbm>>)
    %dma_start3A_1133 = arith.constant 31 : i32
    %dma_start3A_1134 = arith.constant 0 : i32
    %dma_start3A_1135 = tpu.memref_slice %arg7[%dma_start3A_1133, %dma_start3A_1134] : memref<50x128xi32, #tpu.memory_space<vmem>> -> memref<1x128xi32, #tpu.memory_space<vmem>>
    %dma_start3A_1136 = tpu.memref_squeeze %dma_start3A_1135 : memref<1x128xi32, #tpu.memory_space<vmem>> -> memref<128xi32, #tpu.memory_space<vmem>>
    %dma_start3A_1137 = arith.constant 0 : i32
    %dma_start3A_1138 = arith.constant 0 : i32
    %dma_start3A_1139 = tpu.memref_slice %arg2[%dma_start3A_1137, %dma_start3A_1138] : memref<5000x128xf32, #tpu.memory_space<hbm>> -> memref<5000x128xf32, #tpu.memory_space<hbm>>
    tpu.enqueue_indirect_dma source(%dma_start3A_1139 : memref<5000x128xf32, #tpu.memory_space<hbm>>) target(%arg13 : memref<128x128xf32, #tpu.memory_space<vmem>>) offsets(%dma_start3A_1136 : memref<128xi32, #tpu.memory_space<vmem>>) semaphore(%arg16 : memref<!tpu.dma_semaphore, #tpu.memory_space<semaphore_mem>>)
    %dma_wait3A_1140 = arith.constant 30 : i32
    %dma_wait3A_1141 = arith.constant 0 : i32
    %dma_wait3A_1142 = tpu.memref_slice %arg7[%dma_wait3A_1140, %dma_wait3A_1141] : memref<50x128xi32, #tpu.memory_space<vmem>> -> memref<1x128xi32, #tpu.memory_space<vmem>>
    %dma_wait3A_1143 = tpu.memref_squeeze %dma_wait3A_1142 : memref<1x128xi32, #tpu.memory_space<vmem>> -> memref<128xi32, #tpu.memory_space<vmem>>
    %dma_wait3A_1144 = arith.constant 0 : i32
    %dma_wait3A_1145 = arith.constant 0 : i32
    %dma_wait3A_1146 = tpu.memref_slice %arg10[%dma_wait3A_1144, %dma_wait3A_1145] : memref<5000x128xf32, #tpu.memory_space<vmem_shared>> -> memref<5000x128xf32, #tpu.memory_space<vmem_shared>>
    tpu.wait_indirect_dma semaphore(%arg15 : memref<!tpu.dma_semaphore, #tpu.memory_space<semaphore_mem>>) src(%dma_wait3A_1146 : memref<5000x128xf32, #tpu.memory_space<vmem_shared>>) dst(%arg12 : memref<128x128xf32, #tpu.memory_space<vmem>>)
    %dma_start3A_1147 = arith.constant 30 : i32
    %dma_start3A_1148 = arith.constant 0 : i32
    %dma_start3A_1149 = tpu.memref_slice %arg8[%dma_start3A_1147, %dma_start3A_1148] : memref<50x128xi32, #tpu.memory_space<vmem>> -> memref<1x128xi32, #tpu.memory_space<vmem>>
    %dma_start3A_1150 = tpu.memref_squeeze %dma_start3A_1149 : memref<1x128xi32, #tpu.memory_space<vmem>> -> memref<128xi32, #tpu.memory_space<vmem>>
    %dma_start3A_1151 = arith.constant 0 : i32
    %dma_start3A_1152 = arith.constant 0 : i32
    %dma_start3A_1153 = tpu.memref_slice %arg11[%dma_start3A_1151, %dma_start3A_1152] : memref<512x128xf32, #tpu.memory_space<vmem_shared>> -> memref<512x128xf32, #tpu.memory_space<vmem_shared>>
    tpu.enqueue_indirect_dma source(%dma_start3A_1153 : memref<512x128xf32, #tpu.memory_space<vmem_shared>>) target(%arg12 : memref<128x128xf32, #tpu.memory_space<vmem>>) offsets(%dma_start3A_1150 : memref<128xi32, #tpu.memory_space<vmem>>) semaphore(%arg18 : memref<!tpu.dma_semaphore, #tpu.memory_space<semaphore_mem>>) {add = true}
    %dma_wait3A_1154 = arith.constant 29 : i32
    %dma_wait3A_1155 = arith.constant 0 : i32
    %dma_wait3A_1156 = tpu.memref_slice %arg8[%dma_wait3A_1154, %dma_wait3A_1155] : memref<50x128xi32, #tpu.memory_space<vmem>> -> memref<1x128xi32, #tpu.memory_space<vmem>>
    %dma_wait3A_1157 = tpu.memref_squeeze %dma_wait3A_1156 : memref<1x128xi32, #tpu.memory_space<vmem>> -> memref<128xi32, #tpu.memory_space<vmem>>
    %dma_wait3A_1158 = arith.constant 0 : i32
    %dma_wait3A_1159 = arith.constant 0 : i32
    %dma_wait3A_1160 = tpu.memref_slice %arg11[%dma_wait3A_1158, %dma_wait3A_1159] : memref<512x128xf32, #tpu.memory_space<vmem_shared>> -> memref<512x128xf32, #tpu.memory_space<vmem_shared>>
    tpu.wait_indirect_dma semaphore(%arg20 : memref<!tpu.dma_semaphore, #tpu.memory_space<semaphore_mem>>) src(%dma_wait3A_1160 : memref<512x128xf32, #tpu.memory_space<vmem_shared>>) dst(%arg14 : memref<128x128xf32, #tpu.memory_space<vmem>>)
    %add3A_1161 = arith.constant 3712 : i32
    %add3A_1162 = arith.addi %mul3A_2, %add3A_1161 : i32
    %dma_start3A_1163 = arith.constant 0 : i32
    %dma_start3A_1164 = tpu.memref_slice %arg6[%add3A_1162, %dma_start3A_1163] : memref<204800x128xf32, #tpu.memory_space<hbm>> -> memref<128x128xf32, #tpu.memory_space<hbm>>
    %dma_start3A_1165 = arith.constant 0 : i32
    %dma_start3A_1166 = tpu.memref_slice %arg6[%add3A_1162, %dma_start3A_1165] : memref<204800x128xf32, #tpu.memory_space<hbm>> -> memref<128x128xf32, #tpu.memory_space<hbm>>
    tpu.enqueue_dma source(%arg14 : memref<128x128xf32, #tpu.memory_space<vmem>>) target(%dma_start3A_1166 : memref<128x128xf32, #tpu.memory_space<hbm>>) target_semaphore(%arg23 : memref<!tpu.dma_semaphore, #tpu.memory_space<semaphore_mem>>)
    %dma_wait3A_1167 = arith.constant 0 : i32
    %dma_wait3A_1168 = tpu.memref_slice %arg6[%add3A_1162, %dma_wait3A_1167] : memref<204800x128xf32, #tpu.memory_space<hbm>> -> memref<128x128xf32, #tpu.memory_space<hbm>>
    %dma_wait3A_1169 = arith.constant 0 : i32
    %dma_wait3A_1170 = tpu.memref_slice %arg6[%add3A_1162, %dma_wait3A_1169] : memref<204800x128xf32, #tpu.memory_space<hbm>> -> memref<128x128xf32, #tpu.memory_space<hbm>>
    tpu.wait_dma2 semaphore(%arg23 : memref<!tpu.dma_semaphore, #tpu.memory_space<semaphore_mem>>) src(%arg14 : memref<128x128xf32, #tpu.memory_space<vmem>>) dst(%dma_wait3A_1170 : memref<128x128xf32, #tpu.memory_space<hbm>>)
    %dma_start3A_1171 = arith.constant 32 : i32
    %dma_start3A_1172 = arith.constant 0 : i32
    %dma_start3A_1173 = tpu.memref_slice %arg7[%dma_start3A_1171, %dma_start3A_1172] : memref<50x128xi32, #tpu.memory_space<vmem>> -> memref<1x128xi32, #tpu.memory_space<vmem>>
    %dma_start3A_1174 = tpu.memref_squeeze %dma_start3A_1173 : memref<1x128xi32, #tpu.memory_space<vmem>> -> memref<128xi32, #tpu.memory_space<vmem>>
    %dma_start3A_1175 = arith.constant 0 : i32
    %dma_start3A_1176 = arith.constant 0 : i32
    %dma_start3A_1177 = tpu.memref_slice %arg10[%dma_start3A_1175, %dma_start3A_1176] : memref<5000x128xf32, #tpu.memory_space<vmem_shared>> -> memref<5000x128xf32, #tpu.memory_space<vmem_shared>>
    tpu.enqueue_indirect_dma source(%dma_start3A_1177 : memref<5000x128xf32, #tpu.memory_space<vmem_shared>>) target(%arg14 : memref<128x128xf32, #tpu.memory_space<vmem>>) offsets(%dma_start3A_1174 : memref<128xi32, #tpu.memory_space<vmem>>) semaphore(%arg17 : memref<!tpu.dma_semaphore, #tpu.memory_space<semaphore_mem>>)
    %dma_wait3A_1178 = arith.constant 31 : i32
    %dma_wait3A_1179 = arith.constant 0 : i32
    %dma_wait3A_1180 = tpu.memref_slice %arg7[%dma_wait3A_1178, %dma_wait3A_1179] : memref<50x128xi32, #tpu.memory_space<vmem>> -> memref<1x128xi32, #tpu.memory_space<vmem>>
    %dma_wait3A_1181 = tpu.memref_squeeze %dma_wait3A_1180 : memref<1x128xi32, #tpu.memory_space<vmem>> -> memref<128xi32, #tpu.memory_space<vmem>>
    %dma_wait3A_1182 = arith.constant 0 : i32
    %dma_wait3A_1183 = arith.constant 0 : i32
    %dma_wait3A_1184 = tpu.memref_slice %arg2[%dma_wait3A_1182, %dma_wait3A_1183] : memref<5000x128xf32, #tpu.memory_space<hbm>> -> memref<5000x128xf32, #tpu.memory_space<hbm>>
    tpu.wait_indirect_dma semaphore(%arg16 : memref<!tpu.dma_semaphore, #tpu.memory_space<semaphore_mem>>) src(%dma_wait3A_1184 : memref<5000x128xf32, #tpu.memory_space<hbm>>) dst(%arg13 : memref<128x128xf32, #tpu.memory_space<vmem>>)
    %dma_start3A_1185 = arith.constant 31 : i32
    %dma_start3A_1186 = arith.constant 0 : i32
    %dma_start3A_1187 = tpu.memref_slice %arg8[%dma_start3A_1185, %dma_start3A_1186] : memref<50x128xi32, #tpu.memory_space<vmem>> -> memref<1x128xi32, #tpu.memory_space<vmem>>
    %dma_start3A_1188 = tpu.memref_squeeze %dma_start3A_1187 : memref<1x128xi32, #tpu.memory_space<vmem>> -> memref<128xi32, #tpu.memory_space<vmem>>
    %dma_start3A_1189 = arith.constant 0 : i32
    %dma_start3A_1190 = arith.constant 0 : i32
    %dma_start3A_1191 = tpu.memref_slice %arg11[%dma_start3A_1189, %dma_start3A_1190] : memref<512x128xf32, #tpu.memory_space<vmem_shared>> -> memref<512x128xf32, #tpu.memory_space<vmem_shared>>
    tpu.enqueue_indirect_dma source(%dma_start3A_1191 : memref<512x128xf32, #tpu.memory_space<vmem_shared>>) target(%arg13 : memref<128x128xf32, #tpu.memory_space<vmem>>) offsets(%dma_start3A_1188 : memref<128xi32, #tpu.memory_space<vmem>>) semaphore(%arg19 : memref<!tpu.dma_semaphore, #tpu.memory_space<semaphore_mem>>) {add = true}
    %dma_wait3A_1192 = arith.constant 30 : i32
    %dma_wait3A_1193 = arith.constant 0 : i32
    %dma_wait3A_1194 = tpu.memref_slice %arg8[%dma_wait3A_1192, %dma_wait3A_1193] : memref<50x128xi32, #tpu.memory_space<vmem>> -> memref<1x128xi32, #tpu.memory_space<vmem>>
    %dma_wait3A_1195 = tpu.memref_squeeze %dma_wait3A_1194 : memref<1x128xi32, #tpu.memory_space<vmem>> -> memref<128xi32, #tpu.memory_space<vmem>>
    %dma_wait3A_1196 = arith.constant 0 : i32
    %dma_wait3A_1197 = arith.constant 0 : i32
    %dma_wait3A_1198 = tpu.memref_slice %arg11[%dma_wait3A_1196, %dma_wait3A_1197] : memref<512x128xf32, #tpu.memory_space<vmem_shared>> -> memref<512x128xf32, #tpu.memory_space<vmem_shared>>
    tpu.wait_indirect_dma semaphore(%arg18 : memref<!tpu.dma_semaphore, #tpu.memory_space<semaphore_mem>>) src(%dma_wait3A_1198 : memref<512x128xf32, #tpu.memory_space<vmem_shared>>) dst(%arg12 : memref<128x128xf32, #tpu.memory_space<vmem>>)
    %add3A_1199 = arith.constant 3840 : i32
    %add3A_1200 = arith.addi %mul3A_2, %add3A_1199 : i32
    %dma_start3A_1201 = arith.constant 0 : i32
    %dma_start3A_1202 = tpu.memref_slice %arg6[%add3A_1200, %dma_start3A_1201] : memref<204800x128xf32, #tpu.memory_space<hbm>> -> memref<128x128xf32, #tpu.memory_space<hbm>>
    %dma_start3A_1203 = arith.constant 0 : i32
    %dma_start3A_1204 = tpu.memref_slice %arg6[%add3A_1200, %dma_start3A_1203] : memref<204800x128xf32, #tpu.memory_space<hbm>> -> memref<128x128xf32, #tpu.memory_space<hbm>>
    tpu.enqueue_dma source(%arg12 : memref<128x128xf32, #tpu.memory_space<vmem>>) target(%dma_start3A_1204 : memref<128x128xf32, #tpu.memory_space<hbm>>) target_semaphore(%arg21 : memref<!tpu.dma_semaphore, #tpu.memory_space<semaphore_mem>>)
    %dma_wait3A_1205 = arith.constant 0 : i32
    %dma_wait3A_1206 = tpu.memref_slice %arg6[%add3A_1200, %dma_wait3A_1205] : memref<204800x128xf32, #tpu.memory_space<hbm>> -> memref<128x128xf32, #tpu.memory_space<hbm>>
    %dma_wait3A_1207 = arith.constant 0 : i32
    %dma_wait3A_1208 = tpu.memref_slice %arg6[%add3A_1200, %dma_wait3A_1207] : memref<204800x128xf32, #tpu.memory_space<hbm>> -> memref<128x128xf32, #tpu.memory_space<hbm>>
    tpu.wait_dma2 semaphore(%arg21 : memref<!tpu.dma_semaphore, #tpu.memory_space<semaphore_mem>>) src(%arg12 : memref<128x128xf32, #tpu.memory_space<vmem>>) dst(%dma_wait3A_1208 : memref<128x128xf32, #tpu.memory_space<hbm>>)
    %dma_start3A_1209 = arith.constant 33 : i32
    %dma_start3A_1210 = arith.constant 0 : i32
    %dma_start3A_1211 = tpu.memref_slice %arg7[%dma_start3A_1209, %dma_start3A_1210] : memref<50x128xi32, #tpu.memory_space<vmem>> -> memref<1x128xi32, #tpu.memory_space<vmem>>
    %dma_start3A_1212 = tpu.memref_squeeze %dma_start3A_1211 : memref<1x128xi32, #tpu.memory_space<vmem>> -> memref<128xi32, #tpu.memory_space<vmem>>
    %dma_start3A_1213 = arith.constant 0 : i32
    %dma_start3A_1214 = arith.constant 0 : i32
    %dma_start3A_1215 = tpu.memref_slice %arg10[%dma_start3A_1213, %dma_start3A_1214] : memref<5000x128xf32, #tpu.memory_space<vmem_shared>> -> memref<5000x128xf32, #tpu.memory_space<vmem_shared>>
    tpu.enqueue_indirect_dma source(%dma_start3A_1215 : memref<5000x128xf32, #tpu.memory_space<vmem_shared>>) target(%arg12 : memref<128x128xf32, #tpu.memory_space<vmem>>) offsets(%dma_start3A_1212 : memref<128xi32, #tpu.memory_space<vmem>>) semaphore(%arg15 : memref<!tpu.dma_semaphore, #tpu.memory_space<semaphore_mem>>)
    %dma_wait3A_1216 = arith.constant 32 : i32
    %dma_wait3A_1217 = arith.constant 0 : i32
    %dma_wait3A_1218 = tpu.memref_slice %arg7[%dma_wait3A_1216, %dma_wait3A_1217] : memref<50x128xi32, #tpu.memory_space<vmem>> -> memref<1x128xi32, #tpu.memory_space<vmem>>
    %dma_wait3A_1219 = tpu.memref_squeeze %dma_wait3A_1218 : memref<1x128xi32, #tpu.memory_space<vmem>> -> memref<128xi32, #tpu.memory_space<vmem>>
    %dma_wait3A_1220 = arith.constant 0 : i32
    %dma_wait3A_1221 = arith.constant 0 : i32
    %dma_wait3A_1222 = tpu.memref_slice %arg10[%dma_wait3A_1220, %dma_wait3A_1221] : memref<5000x128xf32, #tpu.memory_space<vmem_shared>> -> memref<5000x128xf32, #tpu.memory_space<vmem_shared>>
    tpu.wait_indirect_dma semaphore(%arg17 : memref<!tpu.dma_semaphore, #tpu.memory_space<semaphore_mem>>) src(%dma_wait3A_1222 : memref<5000x128xf32, #tpu.memory_space<vmem_shared>>) dst(%arg14 : memref<128x128xf32, #tpu.memory_space<vmem>>)
    %dma_start3A_1223 = arith.constant 32 : i32
    %dma_start3A_1224 = arith.constant 0 : i32
    %dma_start3A_1225 = tpu.memref_slice %arg8[%dma_start3A_1223, %dma_start3A_1224] : memref<50x128xi32, #tpu.memory_space<vmem>> -> memref<1x128xi32, #tpu.memory_space<vmem>>
    %dma_start3A_1226 = tpu.memref_squeeze %dma_start3A_1225 : memref<1x128xi32, #tpu.memory_space<vmem>> -> memref<128xi32, #tpu.memory_space<vmem>>
    %dma_start3A_1227 = arith.constant 0 : i32
    %dma_start3A_1228 = arith.constant 0 : i32
    %dma_start3A_1229 = tpu.memref_slice %arg11[%dma_start3A_1227, %dma_start3A_1228] : memref<512x128xf32, #tpu.memory_space<vmem_shared>> -> memref<512x128xf32, #tpu.memory_space<vmem_shared>>
    tpu.enqueue_indirect_dma source(%dma_start3A_1229 : memref<512x128xf32, #tpu.memory_space<vmem_shared>>) target(%arg14 : memref<128x128xf32, #tpu.memory_space<vmem>>) offsets(%dma_start3A_1226 : memref<128xi32, #tpu.memory_space<vmem>>) semaphore(%arg20 : memref<!tpu.dma_semaphore, #tpu.memory_space<semaphore_mem>>) {add = true}
    %dma_wait3A_1230 = arith.constant 31 : i32
    %dma_wait3A_1231 = arith.constant 0 : i32
    %dma_wait3A_1232 = tpu.memref_slice %arg8[%dma_wait3A_1230, %dma_wait3A_1231] : memref<50x128xi32, #tpu.memory_space<vmem>> -> memref<1x128xi32, #tpu.memory_space<vmem>>
    %dma_wait3A_1233 = tpu.memref_squeeze %dma_wait3A_1232 : memref<1x128xi32, #tpu.memory_space<vmem>> -> memref<128xi32, #tpu.memory_space<vmem>>
    %dma_wait3A_1234 = arith.constant 0 : i32
    %dma_wait3A_1235 = arith.constant 0 : i32
    %dma_wait3A_1236 = tpu.memref_slice %arg11[%dma_wait3A_1234, %dma_wait3A_1235] : memref<512x128xf32, #tpu.memory_space<vmem_shared>> -> memref<512x128xf32, #tpu.memory_space<vmem_shared>>
    tpu.wait_indirect_dma semaphore(%arg19 : memref<!tpu.dma_semaphore, #tpu.memory_space<semaphore_mem>>) src(%dma_wait3A_1236 : memref<512x128xf32, #tpu.memory_space<vmem_shared>>) dst(%arg13 : memref<128x128xf32, #tpu.memory_space<vmem>>)
    %add3A_1237 = arith.constant 3968 : i32
    %add3A_1238 = arith.addi %mul3A_2, %add3A_1237 : i32
    %dma_start3A_1239 = arith.constant 0 : i32
    %dma_start3A_1240 = tpu.memref_slice %arg6[%add3A_1238, %dma_start3A_1239] : memref<204800x128xf32, #tpu.memory_space<hbm>> -> memref<128x128xf32, #tpu.memory_space<hbm>>
    %dma_start3A_1241 = arith.constant 0 : i32
    %dma_start3A_1242 = tpu.memref_slice %arg6[%add3A_1238, %dma_start3A_1241] : memref<204800x128xf32, #tpu.memory_space<hbm>> -> memref<128x128xf32, #tpu.memory_space<hbm>>
    tpu.enqueue_dma source(%arg13 : memref<128x128xf32, #tpu.memory_space<vmem>>) target(%dma_start3A_1242 : memref<128x128xf32, #tpu.memory_space<hbm>>) target_semaphore(%arg22 : memref<!tpu.dma_semaphore, #tpu.memory_space<semaphore_mem>>)
    %dma_wait3A_1243 = arith.constant 0 : i32
    %dma_wait3A_1244 = tpu.memref_slice %arg6[%add3A_1238, %dma_wait3A_1243] : memref<204800x128xf32, #tpu.memory_space<hbm>> -> memref<128x128xf32, #tpu.memory_space<hbm>>
    %dma_wait3A_1245 = arith.constant 0 : i32
    %dma_wait3A_1246 = tpu.memref_slice %arg6[%add3A_1238, %dma_wait3A_1245] : memref<204800x128xf32, #tpu.memory_space<hbm>> -> memref<128x128xf32, #tpu.memory_space<hbm>>
    tpu.wait_dma2 semaphore(%arg22 : memref<!tpu.dma_semaphore, #tpu.memory_space<semaphore_mem>>) src(%arg13 : memref<128x128xf32, #tpu.memory_space<vmem>>) dst(%dma_wait3A_1246 : memref<128x128xf32, #tpu.memory_space<hbm>>)
    %dma_start3A_1247 = arith.constant 34 : i32
    %dma_start3A_1248 = arith.constant 0 : i32
    %dma_start3A_1249 = tpu.memref_slice %arg7[%dma_start3A_1247, %dma_start3A_1248] : memref<50x128xi32, #tpu.memory_space<vmem>> -> memref<1x128xi32, #tpu.memory_space<vmem>>
    %dma_start3A_1250 = tpu.memref_squeeze %dma_start3A_1249 : memref<1x128xi32, #tpu.memory_space<vmem>> -> memref<128xi32, #tpu.memory_space<vmem>>
    %dma_start3A_1251 = arith.constant 0 : i32
    %dma_start3A_1252 = arith.constant 0 : i32
    %dma_start3A_1253 = tpu.memref_slice %arg10[%dma_start3A_1251, %dma_start3A_1252] : memref<5000x128xf32, #tpu.memory_space<vmem_shared>> -> memref<5000x128xf32, #tpu.memory_space<vmem_shared>>
    tpu.enqueue_indirect_dma source(%dma_start3A_1253 : memref<5000x128xf32, #tpu.memory_space<vmem_shared>>) target(%arg13 : memref<128x128xf32, #tpu.memory_space<vmem>>) offsets(%dma_start3A_1250 : memref<128xi32, #tpu.memory_space<vmem>>) semaphore(%arg16 : memref<!tpu.dma_semaphore, #tpu.memory_space<semaphore_mem>>)
    %dma_wait3A_1254 = arith.constant 33 : i32
    %dma_wait3A_1255 = arith.constant 0 : i32
    %dma_wait3A_1256 = tpu.memref_slice %arg7[%dma_wait3A_1254, %dma_wait3A_1255] : memref<50x128xi32, #tpu.memory_space<vmem>> -> memref<1x128xi32, #tpu.memory_space<vmem>>
    %dma_wait3A_1257 = tpu.memref_squeeze %dma_wait3A_1256 : memref<1x128xi32, #tpu.memory_space<vmem>> -> memref<128xi32, #tpu.memory_space<vmem>>
    %dma_wait3A_1258 = arith.constant 0 : i32
    %dma_wait3A_1259 = arith.constant 0 : i32
    %dma_wait3A_1260 = tpu.memref_slice %arg10[%dma_wait3A_1258, %dma_wait3A_1259] : memref<5000x128xf32, #tpu.memory_space<vmem_shared>> -> memref<5000x128xf32, #tpu.memory_space<vmem_shared>>
    tpu.wait_indirect_dma semaphore(%arg15 : memref<!tpu.dma_semaphore, #tpu.memory_space<semaphore_mem>>) src(%dma_wait3A_1260 : memref<5000x128xf32, #tpu.memory_space<vmem_shared>>) dst(%arg12 : memref<128x128xf32, #tpu.memory_space<vmem>>)
    %dma_start3A_1261 = arith.constant 33 : i32
    %dma_start3A_1262 = arith.constant 0 : i32
    %dma_start3A_1263 = tpu.memref_slice %arg8[%dma_start3A_1261, %dma_start3A_1262] : memref<50x128xi32, #tpu.memory_space<vmem>> -> memref<1x128xi32, #tpu.memory_space<vmem>>
    %dma_start3A_1264 = tpu.memref_squeeze %dma_start3A_1263 : memref<1x128xi32, #tpu.memory_space<vmem>> -> memref<128xi32, #tpu.memory_space<vmem>>
    %dma_start3A_1265 = arith.constant 0 : i32
    %dma_start3A_1266 = arith.constant 0 : i32
    %dma_start3A_1267 = tpu.memref_slice %arg11[%dma_start3A_1265, %dma_start3A_1266] : memref<512x128xf32, #tpu.memory_space<vmem_shared>> -> memref<512x128xf32, #tpu.memory_space<vmem_shared>>
    tpu.enqueue_indirect_dma source(%dma_start3A_1267 : memref<512x128xf32, #tpu.memory_space<vmem_shared>>) target(%arg12 : memref<128x128xf32, #tpu.memory_space<vmem>>) offsets(%dma_start3A_1264 : memref<128xi32, #tpu.memory_space<vmem>>) semaphore(%arg18 : memref<!tpu.dma_semaphore, #tpu.memory_space<semaphore_mem>>) {add = true}
    %dma_wait3A_1268 = arith.constant 32 : i32
    %dma_wait3A_1269 = arith.constant 0 : i32
    %dma_wait3A_1270 = tpu.memref_slice %arg8[%dma_wait3A_1268, %dma_wait3A_1269] : memref<50x128xi32, #tpu.memory_space<vmem>> -> memref<1x128xi32, #tpu.memory_space<vmem>>
    %dma_wait3A_1271 = tpu.memref_squeeze %dma_wait3A_1270 : memref<1x128xi32, #tpu.memory_space<vmem>> -> memref<128xi32, #tpu.memory_space<vmem>>
    %dma_wait3A_1272 = arith.constant 0 : i32
    %dma_wait3A_1273 = arith.constant 0 : i32
    %dma_wait3A_1274 = tpu.memref_slice %arg11[%dma_wait3A_1272, %dma_wait3A_1273] : memref<512x128xf32, #tpu.memory_space<vmem_shared>> -> memref<512x128xf32, #tpu.memory_space<vmem_shared>>
    tpu.wait_indirect_dma semaphore(%arg20 : memref<!tpu.dma_semaphore, #tpu.memory_space<semaphore_mem>>) src(%dma_wait3A_1274 : memref<512x128xf32, #tpu.memory_space<vmem_shared>>) dst(%arg14 : memref<128x128xf32, #tpu.memory_space<vmem>>)
    %add3A_1275 = arith.constant 4096 : i32
    %add3A_1276 = arith.addi %mul3A_2, %add3A_1275 : i32
    %dma_start3A_1277 = arith.constant 0 : i32
    %dma_start3A_1278 = tpu.memref_slice %arg6[%add3A_1276, %dma_start3A_1277] : memref<204800x128xf32, #tpu.memory_space<hbm>> -> memref<128x128xf32, #tpu.memory_space<hbm>>
    %dma_start3A_1279 = arith.constant 0 : i32
    %dma_start3A_1280 = tpu.memref_slice %arg6[%add3A_1276, %dma_start3A_1279] : memref<204800x128xf32, #tpu.memory_space<hbm>> -> memref<128x128xf32, #tpu.memory_space<hbm>>
    tpu.enqueue_dma source(%arg14 : memref<128x128xf32, #tpu.memory_space<vmem>>) target(%dma_start3A_1280 : memref<128x128xf32, #tpu.memory_space<hbm>>) target_semaphore(%arg23 : memref<!tpu.dma_semaphore, #tpu.memory_space<semaphore_mem>>)
    %dma_wait3A_1281 = arith.constant 0 : i32
    %dma_wait3A_1282 = tpu.memref_slice %arg6[%add3A_1276, %dma_wait3A_1281] : memref<204800x128xf32, #tpu.memory_space<hbm>> -> memref<128x128xf32, #tpu.memory_space<hbm>>
    %dma_wait3A_1283 = arith.constant 0 : i32
    %dma_wait3A_1284 = tpu.memref_slice %arg6[%add3A_1276, %dma_wait3A_1283] : memref<204800x128xf32, #tpu.memory_space<hbm>> -> memref<128x128xf32, #tpu.memory_space<hbm>>
    tpu.wait_dma2 semaphore(%arg23 : memref<!tpu.dma_semaphore, #tpu.memory_space<semaphore_mem>>) src(%arg14 : memref<128x128xf32, #tpu.memory_space<vmem>>) dst(%dma_wait3A_1284 : memref<128x128xf32, #tpu.memory_space<hbm>>)
    %dma_start3A_1285 = arith.constant 35 : i32
    %dma_start3A_1286 = arith.constant 0 : i32
    %dma_start3A_1287 = tpu.memref_slice %arg7[%dma_start3A_1285, %dma_start3A_1286] : memref<50x128xi32, #tpu.memory_space<vmem>> -> memref<1x128xi32, #tpu.memory_space<vmem>>
    %dma_start3A_1288 = tpu.memref_squeeze %dma_start3A_1287 : memref<1x128xi32, #tpu.memory_space<vmem>> -> memref<128xi32, #tpu.memory_space<vmem>>
    %dma_start3A_1289 = arith.constant 0 : i32
    %dma_start3A_1290 = arith.constant 0 : i32
    %dma_start3A_1291 = tpu.memref_slice %arg2[%dma_start3A_1289, %dma_start3A_1290] : memref<5000x128xf32, #tpu.memory_space<hbm>> -> memref<5000x128xf32, #tpu.memory_space<hbm>>
    tpu.enqueue_indirect_dma source(%dma_start3A_1291 : memref<5000x128xf32, #tpu.memory_space<hbm>>) target(%arg14 : memref<128x128xf32, #tpu.memory_space<vmem>>) offsets(%dma_start3A_1288 : memref<128xi32, #tpu.memory_space<vmem>>) semaphore(%arg17 : memref<!tpu.dma_semaphore, #tpu.memory_space<semaphore_mem>>)
    %dma_wait3A_1292 = arith.constant 34 : i32
    %dma_wait3A_1293 = arith.constant 0 : i32
    %dma_wait3A_1294 = tpu.memref_slice %arg7[%dma_wait3A_1292, %dma_wait3A_1293] : memref<50x128xi32, #tpu.memory_space<vmem>> -> memref<1x128xi32, #tpu.memory_space<vmem>>
    %dma_wait3A_1295 = tpu.memref_squeeze %dma_wait3A_1294 : memref<1x128xi32, #tpu.memory_space<vmem>> -> memref<128xi32, #tpu.memory_space<vmem>>
    %dma_wait3A_1296 = arith.constant 0 : i32
    %dma_wait3A_1297 = arith.constant 0 : i32
    %dma_wait3A_1298 = tpu.memref_slice %arg10[%dma_wait3A_1296, %dma_wait3A_1297] : memref<5000x128xf32, #tpu.memory_space<vmem_shared>> -> memref<5000x128xf32, #tpu.memory_space<vmem_shared>>
    tpu.wait_indirect_dma semaphore(%arg16 : memref<!tpu.dma_semaphore, #tpu.memory_space<semaphore_mem>>) src(%dma_wait3A_1298 : memref<5000x128xf32, #tpu.memory_space<vmem_shared>>) dst(%arg13 : memref<128x128xf32, #tpu.memory_space<vmem>>)
    %dma_start3A_1299 = arith.constant 34 : i32
    %dma_start3A_1300 = arith.constant 0 : i32
    %dma_start3A_1301 = tpu.memref_slice %arg8[%dma_start3A_1299, %dma_start3A_1300] : memref<50x128xi32, #tpu.memory_space<vmem>> -> memref<1x128xi32, #tpu.memory_space<vmem>>
    %dma_start3A_1302 = tpu.memref_squeeze %dma_start3A_1301 : memref<1x128xi32, #tpu.memory_space<vmem>> -> memref<128xi32, #tpu.memory_space<vmem>>
    %dma_start3A_1303 = arith.constant 0 : i32
    %dma_start3A_1304 = arith.constant 0 : i32
    %dma_start3A_1305 = tpu.memref_slice %arg11[%dma_start3A_1303, %dma_start3A_1304] : memref<512x128xf32, #tpu.memory_space<vmem_shared>> -> memref<512x128xf32, #tpu.memory_space<vmem_shared>>
    tpu.enqueue_indirect_dma source(%dma_start3A_1305 : memref<512x128xf32, #tpu.memory_space<vmem_shared>>) target(%arg13 : memref<128x128xf32, #tpu.memory_space<vmem>>) offsets(%dma_start3A_1302 : memref<128xi32, #tpu.memory_space<vmem>>) semaphore(%arg19 : memref<!tpu.dma_semaphore, #tpu.memory_space<semaphore_mem>>) {add = true}
    %dma_wait3A_1306 = arith.constant 33 : i32
    %dma_wait3A_1307 = arith.constant 0 : i32
    %dma_wait3A_1308 = tpu.memref_slice %arg8[%dma_wait3A_1306, %dma_wait3A_1307] : memref<50x128xi32, #tpu.memory_space<vmem>> -> memref<1x128xi32, #tpu.memory_space<vmem>>
    %dma_wait3A_1309 = tpu.memref_squeeze %dma_wait3A_1308 : memref<1x128xi32, #tpu.memory_space<vmem>> -> memref<128xi32, #tpu.memory_space<vmem>>
    %dma_wait3A_1310 = arith.constant 0 : i32
    %dma_wait3A_1311 = arith.constant 0 : i32
    %dma_wait3A_1312 = tpu.memref_slice %arg11[%dma_wait3A_1310, %dma_wait3A_1311] : memref<512x128xf32, #tpu.memory_space<vmem_shared>> -> memref<512x128xf32, #tpu.memory_space<vmem_shared>>
    tpu.wait_indirect_dma semaphore(%arg18 : memref<!tpu.dma_semaphore, #tpu.memory_space<semaphore_mem>>) src(%dma_wait3A_1312 : memref<512x128xf32, #tpu.memory_space<vmem_shared>>) dst(%arg12 : memref<128x128xf32, #tpu.memory_space<vmem>>)
    %add3A_1313 = arith.constant 4224 : i32
    %add3A_1314 = arith.addi %mul3A_2, %add3A_1313 : i32
    %dma_start3A_1315 = arith.constant 0 : i32
    %dma_start3A_1316 = tpu.memref_slice %arg6[%add3A_1314, %dma_start3A_1315] : memref<204800x128xf32, #tpu.memory_space<hbm>> -> memref<128x128xf32, #tpu.memory_space<hbm>>
    %dma_start3A_1317 = arith.constant 0 : i32
    %dma_start3A_1318 = tpu.memref_slice %arg6[%add3A_1314, %dma_start3A_1317] : memref<204800x128xf32, #tpu.memory_space<hbm>> -> memref<128x128xf32, #tpu.memory_space<hbm>>
    tpu.enqueue_dma source(%arg12 : memref<128x128xf32, #tpu.memory_space<vmem>>) target(%dma_start3A_1318 : memref<128x128xf32, #tpu.memory_space<hbm>>) target_semaphore(%arg21 : memref<!tpu.dma_semaphore, #tpu.memory_space<semaphore_mem>>)
    %dma_wait3A_1319 = arith.constant 0 : i32
    %dma_wait3A_1320 = tpu.memref_slice %arg6[%add3A_1314, %dma_wait3A_1319] : memref<204800x128xf32, #tpu.memory_space<hbm>> -> memref<128x128xf32, #tpu.memory_space<hbm>>
    %dma_wait3A_1321 = arith.constant 0 : i32
    %dma_wait3A_1322 = tpu.memref_slice %arg6[%add3A_1314, %dma_wait3A_1321] : memref<204800x128xf32, #tpu.memory_space<hbm>> -> memref<128x128xf32, #tpu.memory_space<hbm>>
    tpu.wait_dma2 semaphore(%arg21 : memref<!tpu.dma_semaphore, #tpu.memory_space<semaphore_mem>>) src(%arg12 : memref<128x128xf32, #tpu.memory_space<vmem>>) dst(%dma_wait3A_1322 : memref<128x128xf32, #tpu.memory_space<hbm>>)
    %dma_start3A_1323 = arith.constant 36 : i32
    %dma_start3A_1324 = arith.constant 0 : i32
    %dma_start3A_1325 = tpu.memref_slice %arg7[%dma_start3A_1323, %dma_start3A_1324] : memref<50x128xi32, #tpu.memory_space<vmem>> -> memref<1x128xi32, #tpu.memory_space<vmem>>
    %dma_start3A_1326 = tpu.memref_squeeze %dma_start3A_1325 : memref<1x128xi32, #tpu.memory_space<vmem>> -> memref<128xi32, #tpu.memory_space<vmem>>
    %dma_start3A_1327 = arith.constant 0 : i32
    %dma_start3A_1328 = arith.constant 0 : i32
    %dma_start3A_1329 = tpu.memref_slice %arg10[%dma_start3A_1327, %dma_start3A_1328] : memref<5000x128xf32, #tpu.memory_space<vmem_shared>> -> memref<5000x128xf32, #tpu.memory_space<vmem_shared>>
    tpu.enqueue_indirect_dma source(%dma_start3A_1329 : memref<5000x128xf32, #tpu.memory_space<vmem_shared>>) target(%arg12 : memref<128x128xf32, #tpu.memory_space<vmem>>) offsets(%dma_start3A_1326 : memref<128xi32, #tpu.memory_space<vmem>>) semaphore(%arg15 : memref<!tpu.dma_semaphore, #tpu.memory_space<semaphore_mem>>)
    %dma_wait3A_1330 = arith.constant 35 : i32
    %dma_wait3A_1331 = arith.constant 0 : i32
    %dma_wait3A_1332 = tpu.memref_slice %arg7[%dma_wait3A_1330, %dma_wait3A_1331] : memref<50x128xi32, #tpu.memory_space<vmem>> -> memref<1x128xi32, #tpu.memory_space<vmem>>
    %dma_wait3A_1333 = tpu.memref_squeeze %dma_wait3A_1332 : memref<1x128xi32, #tpu.memory_space<vmem>> -> memref<128xi32, #tpu.memory_space<vmem>>
    %dma_wait3A_1334 = arith.constant 0 : i32
    %dma_wait3A_1335 = arith.constant 0 : i32
    %dma_wait3A_1336 = tpu.memref_slice %arg2[%dma_wait3A_1334, %dma_wait3A_1335] : memref<5000x128xf32, #tpu.memory_space<hbm>> -> memref<5000x128xf32, #tpu.memory_space<hbm>>
    tpu.wait_indirect_dma semaphore(%arg17 : memref<!tpu.dma_semaphore, #tpu.memory_space<semaphore_mem>>) src(%dma_wait3A_1336 : memref<5000x128xf32, #tpu.memory_space<hbm>>) dst(%arg14 : memref<128x128xf32, #tpu.memory_space<vmem>>)
    %dma_start3A_1337 = arith.constant 35 : i32
    %dma_start3A_1338 = arith.constant 0 : i32
    %dma_start3A_1339 = tpu.memref_slice %arg8[%dma_start3A_1337, %dma_start3A_1338] : memref<50x128xi32, #tpu.memory_space<vmem>> -> memref<1x128xi32, #tpu.memory_space<vmem>>
    %dma_start3A_1340 = tpu.memref_squeeze %dma_start3A_1339 : memref<1x128xi32, #tpu.memory_space<vmem>> -> memref<128xi32, #tpu.memory_space<vmem>>
    %dma_start3A_1341 = arith.constant 0 : i32
    %dma_start3A_1342 = arith.constant 0 : i32
    %dma_start3A_1343 = tpu.memref_slice %arg11[%dma_start3A_1341, %dma_start3A_1342] : memref<512x128xf32, #tpu.memory_space<vmem_shared>> -> memref<512x128xf32, #tpu.memory_space<vmem_shared>>
    tpu.enqueue_indirect_dma source(%dma_start3A_1343 : memref<512x128xf32, #tpu.memory_space<vmem_shared>>) target(%arg14 : memref<128x128xf32, #tpu.memory_space<vmem>>) offsets(%dma_start3A_1340 : memref<128xi32, #tpu.memory_space<vmem>>) semaphore(%arg20 : memref<!tpu.dma_semaphore, #tpu.memory_space<semaphore_mem>>) {add = true}
    %dma_wait3A_1344 = arith.constant 34 : i32
    %dma_wait3A_1345 = arith.constant 0 : i32
    %dma_wait3A_1346 = tpu.memref_slice %arg8[%dma_wait3A_1344, %dma_wait3A_1345] : memref<50x128xi32, #tpu.memory_space<vmem>> -> memref<1x128xi32, #tpu.memory_space<vmem>>
    %dma_wait3A_1347 = tpu.memref_squeeze %dma_wait3A_1346 : memref<1x128xi32, #tpu.memory_space<vmem>> -> memref<128xi32, #tpu.memory_space<vmem>>
    %dma_wait3A_1348 = arith.constant 0 : i32
    %dma_wait3A_1349 = arith.constant 0 : i32
    %dma_wait3A_1350 = tpu.memref_slice %arg11[%dma_wait3A_1348, %dma_wait3A_1349] : memref<512x128xf32, #tpu.memory_space<vmem_shared>> -> memref<512x128xf32, #tpu.memory_space<vmem_shared>>
    tpu.wait_indirect_dma semaphore(%arg19 : memref<!tpu.dma_semaphore, #tpu.memory_space<semaphore_mem>>) src(%dma_wait3A_1350 : memref<512x128xf32, #tpu.memory_space<vmem_shared>>) dst(%arg13 : memref<128x128xf32, #tpu.memory_space<vmem>>)
    %add3A_1351 = arith.constant 4352 : i32
    %add3A_1352 = arith.addi %mul3A_2, %add3A_1351 : i32
    %dma_start3A_1353 = arith.constant 0 : i32
    %dma_start3A_1354 = tpu.memref_slice %arg6[%add3A_1352, %dma_start3A_1353] : memref<204800x128xf32, #tpu.memory_space<hbm>> -> memref<128x128xf32, #tpu.memory_space<hbm>>
    %dma_start3A_1355 = arith.constant 0 : i32
    %dma_start3A_1356 = tpu.memref_slice %arg6[%add3A_1352, %dma_start3A_1355] : memref<204800x128xf32, #tpu.memory_space<hbm>> -> memref<128x128xf32, #tpu.memory_space<hbm>>
    tpu.enqueue_dma source(%arg13 : memref<128x128xf32, #tpu.memory_space<vmem>>) target(%dma_start3A_1356 : memref<128x128xf32, #tpu.memory_space<hbm>>) target_semaphore(%arg22 : memref<!tpu.dma_semaphore, #tpu.memory_space<semaphore_mem>>)
    %dma_wait3A_1357 = arith.constant 0 : i32
    %dma_wait3A_1358 = tpu.memref_slice %arg6[%add3A_1352, %dma_wait3A_1357] : memref<204800x128xf32, #tpu.memory_space<hbm>> -> memref<128x128xf32, #tpu.memory_space<hbm>>
    %dma_wait3A_1359 = arith.constant 0 : i32
    %dma_wait3A_1360 = tpu.memref_slice %arg6[%add3A_1352, %dma_wait3A_1359] : memref<204800x128xf32, #tpu.memory_space<hbm>> -> memref<128x128xf32, #tpu.memory_space<hbm>>
    tpu.wait_dma2 semaphore(%arg22 : memref<!tpu.dma_semaphore, #tpu.memory_space<semaphore_mem>>) src(%arg13 : memref<128x128xf32, #tpu.memory_space<vmem>>) dst(%dma_wait3A_1360 : memref<128x128xf32, #tpu.memory_space<hbm>>)
    %dma_start3A_1361 = arith.constant 37 : i32
    %dma_start3A_1362 = arith.constant 0 : i32
    %dma_start3A_1363 = tpu.memref_slice %arg7[%dma_start3A_1361, %dma_start3A_1362] : memref<50x128xi32, #tpu.memory_space<vmem>> -> memref<1x128xi32, #tpu.memory_space<vmem>>
    %dma_start3A_1364 = tpu.memref_squeeze %dma_start3A_1363 : memref<1x128xi32, #tpu.memory_space<vmem>> -> memref<128xi32, #tpu.memory_space<vmem>>
    %dma_start3A_1365 = arith.constant 0 : i32
    %dma_start3A_1366 = arith.constant 0 : i32
    %dma_start3A_1367 = tpu.memref_slice %arg10[%dma_start3A_1365, %dma_start3A_1366] : memref<5000x128xf32, #tpu.memory_space<vmem_shared>> -> memref<5000x128xf32, #tpu.memory_space<vmem_shared>>
    tpu.enqueue_indirect_dma source(%dma_start3A_1367 : memref<5000x128xf32, #tpu.memory_space<vmem_shared>>) target(%arg13 : memref<128x128xf32, #tpu.memory_space<vmem>>) offsets(%dma_start3A_1364 : memref<128xi32, #tpu.memory_space<vmem>>) semaphore(%arg16 : memref<!tpu.dma_semaphore, #tpu.memory_space<semaphore_mem>>)
    %dma_wait3A_1368 = arith.constant 36 : i32
    %dma_wait3A_1369 = arith.constant 0 : i32
    %dma_wait3A_1370 = tpu.memref_slice %arg7[%dma_wait3A_1368, %dma_wait3A_1369] : memref<50x128xi32, #tpu.memory_space<vmem>> -> memref<1x128xi32, #tpu.memory_space<vmem>>
    %dma_wait3A_1371 = tpu.memref_squeeze %dma_wait3A_1370 : memref<1x128xi32, #tpu.memory_space<vmem>> -> memref<128xi32, #tpu.memory_space<vmem>>
    %dma_wait3A_1372 = arith.constant 0 : i32
    %dma_wait3A_1373 = arith.constant 0 : i32
    %dma_wait3A_1374 = tpu.memref_slice %arg10[%dma_wait3A_1372, %dma_wait3A_1373] : memref<5000x128xf32, #tpu.memory_space<vmem_shared>> -> memref<5000x128xf32, #tpu.memory_space<vmem_shared>>
    tpu.wait_indirect_dma semaphore(%arg15 : memref<!tpu.dma_semaphore, #tpu.memory_space<semaphore_mem>>) src(%dma_wait3A_1374 : memref<5000x128xf32, #tpu.memory_space<vmem_shared>>) dst(%arg12 : memref<128x128xf32, #tpu.memory_space<vmem>>)
    %dma_start3A_1375 = arith.constant 36 : i32
    %dma_start3A_1376 = arith.constant 0 : i32
    %dma_start3A_1377 = tpu.memref_slice %arg8[%dma_start3A_1375, %dma_start3A_1376] : memref<50x128xi32, #tpu.memory_space<vmem>> -> memref<1x128xi32, #tpu.memory_space<vmem>>
    %dma_start3A_1378 = tpu.memref_squeeze %dma_start3A_1377 : memref<1x128xi32, #tpu.memory_space<vmem>> -> memref<128xi32, #tpu.memory_space<vmem>>
    %dma_start3A_1379 = arith.constant 0 : i32
    %dma_start3A_1380 = arith.constant 0 : i32
    %dma_start3A_1381 = tpu.memref_slice %arg11[%dma_start3A_1379, %dma_start3A_1380] : memref<512x128xf32, #tpu.memory_space<vmem_shared>> -> memref<512x128xf32, #tpu.memory_space<vmem_shared>>
    tpu.enqueue_indirect_dma source(%dma_start3A_1381 : memref<512x128xf32, #tpu.memory_space<vmem_shared>>) target(%arg12 : memref<128x128xf32, #tpu.memory_space<vmem>>) offsets(%dma_start3A_1378 : memref<128xi32, #tpu.memory_space<vmem>>) semaphore(%arg18 : memref<!tpu.dma_semaphore, #tpu.memory_space<semaphore_mem>>) {add = true}
    %dma_wait3A_1382 = arith.constant 35 : i32
    %dma_wait3A_1383 = arith.constant 0 : i32
    %dma_wait3A_1384 = tpu.memref_slice %arg8[%dma_wait3A_1382, %dma_wait3A_1383] : memref<50x128xi32, #tpu.memory_space<vmem>> -> memref<1x128xi32, #tpu.memory_space<vmem>>
    %dma_wait3A_1385 = tpu.memref_squeeze %dma_wait3A_1384 : memref<1x128xi32, #tpu.memory_space<vmem>> -> memref<128xi32, #tpu.memory_space<vmem>>
    %dma_wait3A_1386 = arith.constant 0 : i32
    %dma_wait3A_1387 = arith.constant 0 : i32
    %dma_wait3A_1388 = tpu.memref_slice %arg11[%dma_wait3A_1386, %dma_wait3A_1387] : memref<512x128xf32, #tpu.memory_space<vmem_shared>> -> memref<512x128xf32, #tpu.memory_space<vmem_shared>>
    tpu.wait_indirect_dma semaphore(%arg20 : memref<!tpu.dma_semaphore, #tpu.memory_space<semaphore_mem>>) src(%dma_wait3A_1388 : memref<512x128xf32, #tpu.memory_space<vmem_shared>>) dst(%arg14 : memref<128x128xf32, #tpu.memory_space<vmem>>)
    %add3A_1389 = arith.constant 4480 : i32
    %add3A_1390 = arith.addi %mul3A_2, %add3A_1389 : i32
    %dma_start3A_1391 = arith.constant 0 : i32
    %dma_start3A_1392 = tpu.memref_slice %arg6[%add3A_1390, %dma_start3A_1391] : memref<204800x128xf32, #tpu.memory_space<hbm>> -> memref<128x128xf32, #tpu.memory_space<hbm>>
    %dma_start3A_1393 = arith.constant 0 : i32
    %dma_start3A_1394 = tpu.memref_slice %arg6[%add3A_1390, %dma_start3A_1393] : memref<204800x128xf32, #tpu.memory_space<hbm>> -> memref<128x128xf32, #tpu.memory_space<hbm>>
    tpu.enqueue_dma source(%arg14 : memref<128x128xf32, #tpu.memory_space<vmem>>) target(%dma_start3A_1394 : memref<128x128xf32, #tpu.memory_space<hbm>>) target_semaphore(%arg23 : memref<!tpu.dma_semaphore, #tpu.memory_space<semaphore_mem>>)
    %dma_wait3A_1395 = arith.constant 0 : i32
    %dma_wait3A_1396 = tpu.memref_slice %arg6[%add3A_1390, %dma_wait3A_1395] : memref<204800x128xf32, #tpu.memory_space<hbm>> -> memref<128x128xf32, #tpu.memory_space<hbm>>
    %dma_wait3A_1397 = arith.constant 0 : i32
    %dma_wait3A_1398 = tpu.memref_slice %arg6[%add3A_1390, %dma_wait3A_1397] : memref<204800x128xf32, #tpu.memory_space<hbm>> -> memref<128x128xf32, #tpu.memory_space<hbm>>
    tpu.wait_dma2 semaphore(%arg23 : memref<!tpu.dma_semaphore, #tpu.memory_space<semaphore_mem>>) src(%arg14 : memref<128x128xf32, #tpu.memory_space<vmem>>) dst(%dma_wait3A_1398 : memref<128x128xf32, #tpu.memory_space<hbm>>)
    %dma_start3A_1399 = arith.constant 38 : i32
    %dma_start3A_1400 = arith.constant 0 : i32
    %dma_start3A_1401 = tpu.memref_slice %arg7[%dma_start3A_1399, %dma_start3A_1400] : memref<50x128xi32, #tpu.memory_space<vmem>> -> memref<1x128xi32, #tpu.memory_space<vmem>>
    %dma_start3A_1402 = tpu.memref_squeeze %dma_start3A_1401 : memref<1x128xi32, #tpu.memory_space<vmem>> -> memref<128xi32, #tpu.memory_space<vmem>>
    %dma_start3A_1403 = arith.constant 0 : i32
    %dma_start3A_1404 = arith.constant 0 : i32
    %dma_start3A_1405 = tpu.memref_slice %arg10[%dma_start3A_1403, %dma_start3A_1404] : memref<5000x128xf32, #tpu.memory_space<vmem_shared>> -> memref<5000x128xf32, #tpu.memory_space<vmem_shared>>
    tpu.enqueue_indirect_dma source(%dma_start3A_1405 : memref<5000x128xf32, #tpu.memory_space<vmem_shared>>) target(%arg14 : memref<128x128xf32, #tpu.memory_space<vmem>>) offsets(%dma_start3A_1402 : memref<128xi32, #tpu.memory_space<vmem>>) semaphore(%arg17 : memref<!tpu.dma_semaphore, #tpu.memory_space<semaphore_mem>>)
    %dma_wait3A_1406 = arith.constant 37 : i32
    %dma_wait3A_1407 = arith.constant 0 : i32
    %dma_wait3A_1408 = tpu.memref_slice %arg7[%dma_wait3A_1406, %dma_wait3A_1407] : memref<50x128xi32, #tpu.memory_space<vmem>> -> memref<1x128xi32, #tpu.memory_space<vmem>>
    %dma_wait3A_1409 = tpu.memref_squeeze %dma_wait3A_1408 : memref<1x128xi32, #tpu.memory_space<vmem>> -> memref<128xi32, #tpu.memory_space<vmem>>
    %dma_wait3A_1410 = arith.constant 0 : i32
    %dma_wait3A_1411 = arith.constant 0 : i32
    %dma_wait3A_1412 = tpu.memref_slice %arg10[%dma_wait3A_1410, %dma_wait3A_1411] : memref<5000x128xf32, #tpu.memory_space<vmem_shared>> -> memref<5000x128xf32, #tpu.memory_space<vmem_shared>>
    tpu.wait_indirect_dma semaphore(%arg16 : memref<!tpu.dma_semaphore, #tpu.memory_space<semaphore_mem>>) src(%dma_wait3A_1412 : memref<5000x128xf32, #tpu.memory_space<vmem_shared>>) dst(%arg13 : memref<128x128xf32, #tpu.memory_space<vmem>>)
    %dma_start3A_1413 = arith.constant 37 : i32
    %dma_start3A_1414 = arith.constant 0 : i32
    %dma_start3A_1415 = tpu.memref_slice %arg8[%dma_start3A_1413, %dma_start3A_1414] : memref<50x128xi32, #tpu.memory_space<vmem>> -> memref<1x128xi32, #tpu.memory_space<vmem>>
    %dma_start3A_1416 = tpu.memref_squeeze %dma_start3A_1415 : memref<1x128xi32, #tpu.memory_space<vmem>> -> memref<128xi32, #tpu.memory_space<vmem>>
    %dma_start3A_1417 = arith.constant 0 : i32
    %dma_start3A_1418 = arith.constant 0 : i32
    %dma_start3A_1419 = tpu.memref_slice %arg11[%dma_start3A_1417, %dma_start3A_1418] : memref<512x128xf32, #tpu.memory_space<vmem_shared>> -> memref<512x128xf32, #tpu.memory_space<vmem_shared>>
    tpu.enqueue_indirect_dma source(%dma_start3A_1419 : memref<512x128xf32, #tpu.memory_space<vmem_shared>>) target(%arg13 : memref<128x128xf32, #tpu.memory_space<vmem>>) offsets(%dma_start3A_1416 : memref<128xi32, #tpu.memory_space<vmem>>) semaphore(%arg19 : memref<!tpu.dma_semaphore, #tpu.memory_space<semaphore_mem>>) {add = true}
    %dma_wait3A_1420 = arith.constant 36 : i32
    %dma_wait3A_1421 = arith.constant 0 : i32
    %dma_wait3A_1422 = tpu.memref_slice %arg8[%dma_wait3A_1420, %dma_wait3A_1421] : memref<50x128xi32, #tpu.memory_space<vmem>> -> memref<1x128xi32, #tpu.memory_space<vmem>>
    %dma_wait3A_1423 = tpu.memref_squeeze %dma_wait3A_1422 : memref<1x128xi32, #tpu.memory_space<vmem>> -> memref<128xi32, #tpu.memory_space<vmem>>
    %dma_wait3A_1424 = arith.constant 0 : i32
    %dma_wait3A_1425 = arith.constant 0 : i32
    %dma_wait3A_1426 = tpu.memref_slice %arg11[%dma_wait3A_1424, %dma_wait3A_1425] : memref<512x128xf32, #tpu.memory_space<vmem_shared>> -> memref<512x128xf32, #tpu.memory_space<vmem_shared>>
    tpu.wait_indirect_dma semaphore(%arg18 : memref<!tpu.dma_semaphore, #tpu.memory_space<semaphore_mem>>) src(%dma_wait3A_1426 : memref<512x128xf32, #tpu.memory_space<vmem_shared>>) dst(%arg12 : memref<128x128xf32, #tpu.memory_space<vmem>>)
    %add3A_1427 = arith.constant 4608 : i32
    %add3A_1428 = arith.addi %mul3A_2, %add3A_1427 : i32
    %dma_start3A_1429 = arith.constant 0 : i32
    %dma_start3A_1430 = tpu.memref_slice %arg6[%add3A_1428, %dma_start3A_1429] : memref<204800x128xf32, #tpu.memory_space<hbm>> -> memref<128x128xf32, #tpu.memory_space<hbm>>
    %dma_start3A_1431 = arith.constant 0 : i32
    %dma_start3A_1432 = tpu.memref_slice %arg6[%add3A_1428, %dma_start3A_1431] : memref<204800x128xf32, #tpu.memory_space<hbm>> -> memref<128x128xf32, #tpu.memory_space<hbm>>
    tpu.enqueue_dma source(%arg12 : memref<128x128xf32, #tpu.memory_space<vmem>>) target(%dma_start3A_1432 : memref<128x128xf32, #tpu.memory_space<hbm>>) target_semaphore(%arg21 : memref<!tpu.dma_semaphore, #tpu.memory_space<semaphore_mem>>)
    %dma_wait3A_1433 = arith.constant 0 : i32
    %dma_wait3A_1434 = tpu.memref_slice %arg6[%add3A_1428, %dma_wait3A_1433] : memref<204800x128xf32, #tpu.memory_space<hbm>> -> memref<128x128xf32, #tpu.memory_space<hbm>>
    %dma_wait3A_1435 = arith.constant 0 : i32
    %dma_wait3A_1436 = tpu.memref_slice %arg6[%add3A_1428, %dma_wait3A_1435] : memref<204800x128xf32, #tpu.memory_space<hbm>> -> memref<128x128xf32, #tpu.memory_space<hbm>>
    tpu.wait_dma2 semaphore(%arg21 : memref<!tpu.dma_semaphore, #tpu.memory_space<semaphore_mem>>) src(%arg12 : memref<128x128xf32, #tpu.memory_space<vmem>>) dst(%dma_wait3A_1436 : memref<128x128xf32, #tpu.memory_space<hbm>>)
    %dma_start3A_1437 = arith.constant 39 : i32
    %dma_start3A_1438 = arith.constant 0 : i32
    %dma_start3A_1439 = tpu.memref_slice %arg7[%dma_start3A_1437, %dma_start3A_1438] : memref<50x128xi32, #tpu.memory_space<vmem>> -> memref<1x128xi32, #tpu.memory_space<vmem>>
    %dma_start3A_1440 = tpu.memref_squeeze %dma_start3A_1439 : memref<1x128xi32, #tpu.memory_space<vmem>> -> memref<128xi32, #tpu.memory_space<vmem>>
    %dma_start3A_1441 = arith.constant 0 : i32
    %dma_start3A_1442 = arith.constant 0 : i32
    %dma_start3A_1443 = tpu.memref_slice %arg2[%dma_start3A_1441, %dma_start3A_1442] : memref<5000x128xf32, #tpu.memory_space<hbm>> -> memref<5000x128xf32, #tpu.memory_space<hbm>>
    tpu.enqueue_indirect_dma source(%dma_start3A_1443 : memref<5000x128xf32, #tpu.memory_space<hbm>>) target(%arg12 : memref<128x128xf32, #tpu.memory_space<vmem>>) offsets(%dma_start3A_1440 : memref<128xi32, #tpu.memory_space<vmem>>) semaphore(%arg15 : memref<!tpu.dma_semaphore, #tpu.memory_space<semaphore_mem>>)
    %dma_wait3A_1444 = arith.constant 38 : i32
    %dma_wait3A_1445 = arith.constant 0 : i32
    %dma_wait3A_1446 = tpu.memref_slice %arg7[%dma_wait3A_1444, %dma_wait3A_1445] : memref<50x128xi32, #tpu.memory_space<vmem>> -> memref<1x128xi32, #tpu.memory_space<vmem>>
    %dma_wait3A_1447 = tpu.memref_squeeze %dma_wait3A_1446 : memref<1x128xi32, #tpu.memory_space<vmem>> -> memref<128xi32, #tpu.memory_space<vmem>>
    %dma_wait3A_1448 = arith.constant 0 : i32
    %dma_wait3A_1449 = arith.constant 0 : i32
    %dma_wait3A_1450 = tpu.memref_slice %arg10[%dma_wait3A_1448, %dma_wait3A_1449] : memref<5000x128xf32, #tpu.memory_space<vmem_shared>> -> memref<5000x128xf32, #tpu.memory_space<vmem_shared>>
    tpu.wait_indirect_dma semaphore(%arg17 : memref<!tpu.dma_semaphore, #tpu.memory_space<semaphore_mem>>) src(%dma_wait3A_1450 : memref<5000x128xf32, #tpu.memory_space<vmem_shared>>) dst(%arg14 : memref<128x128xf32, #tpu.memory_space<vmem>>)
    %dma_start3A_1451 = arith.constant 38 : i32
    %dma_start3A_1452 = arith.constant 0 : i32
    %dma_start3A_1453 = tpu.memref_slice %arg8[%dma_start3A_1451, %dma_start3A_1452] : memref<50x128xi32, #tpu.memory_space<vmem>> -> memref<1x128xi32, #tpu.memory_space<vmem>>
    %dma_start3A_1454 = tpu.memref_squeeze %dma_start3A_1453 : memref<1x128xi32, #tpu.memory_space<vmem>> -> memref<128xi32, #tpu.memory_space<vmem>>
    %dma_start3A_1455 = arith.constant 0 : i32
    %dma_start3A_1456 = arith.constant 0 : i32
    %dma_start3A_1457 = tpu.memref_slice %arg11[%dma_start3A_1455, %dma_start3A_1456] : memref<512x128xf32, #tpu.memory_space<vmem_shared>> -> memref<512x128xf32, #tpu.memory_space<vmem_shared>>
    tpu.enqueue_indirect_dma source(%dma_start3A_1457 : memref<512x128xf32, #tpu.memory_space<vmem_shared>>) target(%arg14 : memref<128x128xf32, #tpu.memory_space<vmem>>) offsets(%dma_start3A_1454 : memref<128xi32, #tpu.memory_space<vmem>>) semaphore(%arg20 : memref<!tpu.dma_semaphore, #tpu.memory_space<semaphore_mem>>) {add = true}
    %dma_wait3A_1458 = arith.constant 37 : i32
    %dma_wait3A_1459 = arith.constant 0 : i32
    %dma_wait3A_1460 = tpu.memref_slice %arg8[%dma_wait3A_1458, %dma_wait3A_1459] : memref<50x128xi32, #tpu.memory_space<vmem>> -> memref<1x128xi32, #tpu.memory_space<vmem>>
    %dma_wait3A_1461 = tpu.memref_squeeze %dma_wait3A_1460 : memref<1x128xi32, #tpu.memory_space<vmem>> -> memref<128xi32, #tpu.memory_space<vmem>>
    %dma_wait3A_1462 = arith.constant 0 : i32
    %dma_wait3A_1463 = arith.constant 0 : i32
    %dma_wait3A_1464 = tpu.memref_slice %arg11[%dma_wait3A_1462, %dma_wait3A_1463] : memref<512x128xf32, #tpu.memory_space<vmem_shared>> -> memref<512x128xf32, #tpu.memory_space<vmem_shared>>
    tpu.wait_indirect_dma semaphore(%arg19 : memref<!tpu.dma_semaphore, #tpu.memory_space<semaphore_mem>>) src(%dma_wait3A_1464 : memref<512x128xf32, #tpu.memory_space<vmem_shared>>) dst(%arg13 : memref<128x128xf32, #tpu.memory_space<vmem>>)
    %add3A_1465 = arith.constant 4736 : i32
    %add3A_1466 = arith.addi %mul3A_2, %add3A_1465 : i32
    %dma_start3A_1467 = arith.constant 0 : i32
    %dma_start3A_1468 = tpu.memref_slice %arg6[%add3A_1466, %dma_start3A_1467] : memref<204800x128xf32, #tpu.memory_space<hbm>> -> memref<128x128xf32, #tpu.memory_space<hbm>>
    %dma_start3A_1469 = arith.constant 0 : i32
    %dma_start3A_1470 = tpu.memref_slice %arg6[%add3A_1466, %dma_start3A_1469] : memref<204800x128xf32, #tpu.memory_space<hbm>> -> memref<128x128xf32, #tpu.memory_space<hbm>>
    tpu.enqueue_dma source(%arg13 : memref<128x128xf32, #tpu.memory_space<vmem>>) target(%dma_start3A_1470 : memref<128x128xf32, #tpu.memory_space<hbm>>) target_semaphore(%arg22 : memref<!tpu.dma_semaphore, #tpu.memory_space<semaphore_mem>>)
    %dma_wait3A_1471 = arith.constant 0 : i32
    %dma_wait3A_1472 = tpu.memref_slice %arg6[%add3A_1466, %dma_wait3A_1471] : memref<204800x128xf32, #tpu.memory_space<hbm>> -> memref<128x128xf32, #tpu.memory_space<hbm>>
    %dma_wait3A_1473 = arith.constant 0 : i32
    %dma_wait3A_1474 = tpu.memref_slice %arg6[%add3A_1466, %dma_wait3A_1473] : memref<204800x128xf32, #tpu.memory_space<hbm>> -> memref<128x128xf32, #tpu.memory_space<hbm>>
    tpu.wait_dma2 semaphore(%arg22 : memref<!tpu.dma_semaphore, #tpu.memory_space<semaphore_mem>>) src(%arg13 : memref<128x128xf32, #tpu.memory_space<vmem>>) dst(%dma_wait3A_1474 : memref<128x128xf32, #tpu.memory_space<hbm>>)
    %dma_start3A_1475 = arith.constant 40 : i32
    %dma_start3A_1476 = arith.constant 0 : i32
    %dma_start3A_1477 = tpu.memref_slice %arg7[%dma_start3A_1475, %dma_start3A_1476] : memref<50x128xi32, #tpu.memory_space<vmem>> -> memref<1x128xi32, #tpu.memory_space<vmem>>
    %dma_start3A_1478 = tpu.memref_squeeze %dma_start3A_1477 : memref<1x128xi32, #tpu.memory_space<vmem>> -> memref<128xi32, #tpu.memory_space<vmem>>
    %dma_start3A_1479 = arith.constant 0 : i32
    %dma_start3A_1480 = arith.constant 0 : i32
    %dma_start3A_1481 = tpu.memref_slice %arg10[%dma_start3A_1479, %dma_start3A_1480] : memref<5000x128xf32, #tpu.memory_space<vmem_shared>> -> memref<5000x128xf32, #tpu.memory_space<vmem_shared>>
    tpu.enqueue_indirect_dma source(%dma_start3A_1481 : memref<5000x128xf32, #tpu.memory_space<vmem_shared>>) target(%arg13 : memref<128x128xf32, #tpu.memory_space<vmem>>) offsets(%dma_start3A_1478 : memref<128xi32, #tpu.memory_space<vmem>>) semaphore(%arg16 : memref<!tpu.dma_semaphore, #tpu.memory_space<semaphore_mem>>)
    %dma_wait3A_1482 = arith.constant 39 : i32
    %dma_wait3A_1483 = arith.constant 0 : i32
    %dma_wait3A_1484 = tpu.memref_slice %arg7[%dma_wait3A_1482, %dma_wait3A_1483] : memref<50x128xi32, #tpu.memory_space<vmem>> -> memref<1x128xi32, #tpu.memory_space<vmem>>
    %dma_wait3A_1485 = tpu.memref_squeeze %dma_wait3A_1484 : memref<1x128xi32, #tpu.memory_space<vmem>> -> memref<128xi32, #tpu.memory_space<vmem>>
    %dma_wait3A_1486 = arith.constant 0 : i32
    %dma_wait3A_1487 = arith.constant 0 : i32
    %dma_wait3A_1488 = tpu.memref_slice %arg2[%dma_wait3A_1486, %dma_wait3A_1487] : memref<5000x128xf32, #tpu.memory_space<hbm>> -> memref<5000x128xf32, #tpu.memory_space<hbm>>
    tpu.wait_indirect_dma semaphore(%arg15 : memref<!tpu.dma_semaphore, #tpu.memory_space<semaphore_mem>>) src(%dma_wait3A_1488 : memref<5000x128xf32, #tpu.memory_space<hbm>>) dst(%arg12 : memref<128x128xf32, #tpu.memory_space<vmem>>)
    %dma_start3A_1489 = arith.constant 39 : i32
    %dma_start3A_1490 = arith.constant 0 : i32
    %dma_start3A_1491 = tpu.memref_slice %arg8[%dma_start3A_1489, %dma_start3A_1490] : memref<50x128xi32, #tpu.memory_space<vmem>> -> memref<1x128xi32, #tpu.memory_space<vmem>>
    %dma_start3A_1492 = tpu.memref_squeeze %dma_start3A_1491 : memref<1x128xi32, #tpu.memory_space<vmem>> -> memref<128xi32, #tpu.memory_space<vmem>>
    %dma_start3A_1493 = arith.constant 0 : i32
    %dma_start3A_1494 = arith.constant 0 : i32
    %dma_start3A_1495 = tpu.memref_slice %arg11[%dma_start3A_1493, %dma_start3A_1494] : memref<512x128xf32, #tpu.memory_space<vmem_shared>> -> memref<512x128xf32, #tpu.memory_space<vmem_shared>>
    tpu.enqueue_indirect_dma source(%dma_start3A_1495 : memref<512x128xf32, #tpu.memory_space<vmem_shared>>) target(%arg12 : memref<128x128xf32, #tpu.memory_space<vmem>>) offsets(%dma_start3A_1492 : memref<128xi32, #tpu.memory_space<vmem>>) semaphore(%arg18 : memref<!tpu.dma_semaphore, #tpu.memory_space<semaphore_mem>>) {add = true}
    %dma_wait3A_1496 = arith.constant 38 : i32
    %dma_wait3A_1497 = arith.constant 0 : i32
    %dma_wait3A_1498 = tpu.memref_slice %arg8[%dma_wait3A_1496, %dma_wait3A_1497] : memref<50x128xi32, #tpu.memory_space<vmem>> -> memref<1x128xi32, #tpu.memory_space<vmem>>
    %dma_wait3A_1499 = tpu.memref_squeeze %dma_wait3A_1498 : memref<1x128xi32, #tpu.memory_space<vmem>> -> memref<128xi32, #tpu.memory_space<vmem>>
    %dma_wait3A_1500 = arith.constant 0 : i32
    %dma_wait3A_1501 = arith.constant 0 : i32
    %dma_wait3A_1502 = tpu.memref_slice %arg11[%dma_wait3A_1500, %dma_wait3A_1501] : memref<512x128xf32, #tpu.memory_space<vmem_shared>> -> memref<512x128xf32, #tpu.memory_space<vmem_shared>>
    tpu.wait_indirect_dma semaphore(%arg20 : memref<!tpu.dma_semaphore, #tpu.memory_space<semaphore_mem>>) src(%dma_wait3A_1502 : memref<512x128xf32, #tpu.memory_space<vmem_shared>>) dst(%arg14 : memref<128x128xf32, #tpu.memory_space<vmem>>)
    %add3A_1503 = arith.constant 4864 : i32
    %add3A_1504 = arith.addi %mul3A_2, %add3A_1503 : i32
    %dma_start3A_1505 = arith.constant 0 : i32
    %dma_start3A_1506 = tpu.memref_slice %arg6[%add3A_1504, %dma_start3A_1505] : memref<204800x128xf32, #tpu.memory_space<hbm>> -> memref<128x128xf32, #tpu.memory_space<hbm>>
    %dma_start3A_1507 = arith.constant 0 : i32
    %dma_start3A_1508 = tpu.memref_slice %arg6[%add3A_1504, %dma_start3A_1507] : memref<204800x128xf32, #tpu.memory_space<hbm>> -> memref<128x128xf32, #tpu.memory_space<hbm>>
    tpu.enqueue_dma source(%arg14 : memref<128x128xf32, #tpu.memory_space<vmem>>) target(%dma_start3A_1508 : memref<128x128xf32, #tpu.memory_space<hbm>>) target_semaphore(%arg23 : memref<!tpu.dma_semaphore, #tpu.memory_space<semaphore_mem>>)
    %dma_wait3A_1509 = arith.constant 0 : i32
    %dma_wait3A_1510 = tpu.memref_slice %arg6[%add3A_1504, %dma_wait3A_1509] : memref<204800x128xf32, #tpu.memory_space<hbm>> -> memref<128x128xf32, #tpu.memory_space<hbm>>
    %dma_wait3A_1511 = arith.constant 0 : i32
    %dma_wait3A_1512 = tpu.memref_slice %arg6[%add3A_1504, %dma_wait3A_1511] : memref<204800x128xf32, #tpu.memory_space<hbm>> -> memref<128x128xf32, #tpu.memory_space<hbm>>
    tpu.wait_dma2 semaphore(%arg23 : memref<!tpu.dma_semaphore, #tpu.memory_space<semaphore_mem>>) src(%arg14 : memref<128x128xf32, #tpu.memory_space<vmem>>) dst(%dma_wait3A_1512 : memref<128x128xf32, #tpu.memory_space<hbm>>)
    %dma_start3A_1513 = arith.constant 41 : i32
    %dma_start3A_1514 = arith.constant 0 : i32
    %dma_start3A_1515 = tpu.memref_slice %arg7[%dma_start3A_1513, %dma_start3A_1514] : memref<50x128xi32, #tpu.memory_space<vmem>> -> memref<1x128xi32, #tpu.memory_space<vmem>>
    %dma_start3A_1516 = tpu.memref_squeeze %dma_start3A_1515 : memref<1x128xi32, #tpu.memory_space<vmem>> -> memref<128xi32, #tpu.memory_space<vmem>>
    %dma_start3A_1517 = arith.constant 0 : i32
    %dma_start3A_1518 = arith.constant 0 : i32
    %dma_start3A_1519 = tpu.memref_slice %arg10[%dma_start3A_1517, %dma_start3A_1518] : memref<5000x128xf32, #tpu.memory_space<vmem_shared>> -> memref<5000x128xf32, #tpu.memory_space<vmem_shared>>
    tpu.enqueue_indirect_dma source(%dma_start3A_1519 : memref<5000x128xf32, #tpu.memory_space<vmem_shared>>) target(%arg14 : memref<128x128xf32, #tpu.memory_space<vmem>>) offsets(%dma_start3A_1516 : memref<128xi32, #tpu.memory_space<vmem>>) semaphore(%arg17 : memref<!tpu.dma_semaphore, #tpu.memory_space<semaphore_mem>>)
    %dma_wait3A_1520 = arith.constant 40 : i32
    %dma_wait3A_1521 = arith.constant 0 : i32
    %dma_wait3A_1522 = tpu.memref_slice %arg7[%dma_wait3A_1520, %dma_wait3A_1521] : memref<50x128xi32, #tpu.memory_space<vmem>> -> memref<1x128xi32, #tpu.memory_space<vmem>>
    %dma_wait3A_1523 = tpu.memref_squeeze %dma_wait3A_1522 : memref<1x128xi32, #tpu.memory_space<vmem>> -> memref<128xi32, #tpu.memory_space<vmem>>
    %dma_wait3A_1524 = arith.constant 0 : i32
    %dma_wait3A_1525 = arith.constant 0 : i32
    %dma_wait3A_1526 = tpu.memref_slice %arg10[%dma_wait3A_1524, %dma_wait3A_1525] : memref<5000x128xf32, #tpu.memory_space<vmem_shared>> -> memref<5000x128xf32, #tpu.memory_space<vmem_shared>>
    tpu.wait_indirect_dma semaphore(%arg16 : memref<!tpu.dma_semaphore, #tpu.memory_space<semaphore_mem>>) src(%dma_wait3A_1526 : memref<5000x128xf32, #tpu.memory_space<vmem_shared>>) dst(%arg13 : memref<128x128xf32, #tpu.memory_space<vmem>>)
    %dma_start3A_1527 = arith.constant 40 : i32
    %dma_start3A_1528 = arith.constant 0 : i32
    %dma_start3A_1529 = tpu.memref_slice %arg8[%dma_start3A_1527, %dma_start3A_1528] : memref<50x128xi32, #tpu.memory_space<vmem>> -> memref<1x128xi32, #tpu.memory_space<vmem>>
    %dma_start3A_1530 = tpu.memref_squeeze %dma_start3A_1529 : memref<1x128xi32, #tpu.memory_space<vmem>> -> memref<128xi32, #tpu.memory_space<vmem>>
    %dma_start3A_1531 = arith.constant 0 : i32
    %dma_start3A_1532 = arith.constant 0 : i32
    %dma_start3A_1533 = tpu.memref_slice %arg11[%dma_start3A_1531, %dma_start3A_1532] : memref<512x128xf32, #tpu.memory_space<vmem_shared>> -> memref<512x128xf32, #tpu.memory_space<vmem_shared>>
    tpu.enqueue_indirect_dma source(%dma_start3A_1533 : memref<512x128xf32, #tpu.memory_space<vmem_shared>>) target(%arg13 : memref<128x128xf32, #tpu.memory_space<vmem>>) offsets(%dma_start3A_1530 : memref<128xi32, #tpu.memory_space<vmem>>) semaphore(%arg19 : memref<!tpu.dma_semaphore, #tpu.memory_space<semaphore_mem>>) {add = true}
    %dma_wait3A_1534 = arith.constant 39 : i32
    %dma_wait3A_1535 = arith.constant 0 : i32
    %dma_wait3A_1536 = tpu.memref_slice %arg8[%dma_wait3A_1534, %dma_wait3A_1535] : memref<50x128xi32, #tpu.memory_space<vmem>> -> memref<1x128xi32, #tpu.memory_space<vmem>>
    %dma_wait3A_1537 = tpu.memref_squeeze %dma_wait3A_1536 : memref<1x128xi32, #tpu.memory_space<vmem>> -> memref<128xi32, #tpu.memory_space<vmem>>
    %dma_wait3A_1538 = arith.constant 0 : i32
    %dma_wait3A_1539 = arith.constant 0 : i32
    %dma_wait3A_1540 = tpu.memref_slice %arg11[%dma_wait3A_1538, %dma_wait3A_1539] : memref<512x128xf32, #tpu.memory_space<vmem_shared>> -> memref<512x128xf32, #tpu.memory_space<vmem_shared>>
    tpu.wait_indirect_dma semaphore(%arg18 : memref<!tpu.dma_semaphore, #tpu.memory_space<semaphore_mem>>) src(%dma_wait3A_1540 : memref<512x128xf32, #tpu.memory_space<vmem_shared>>) dst(%arg12 : memref<128x128xf32, #tpu.memory_space<vmem>>)
    %add3A_1541 = arith.constant 4992 : i32
    %add3A_1542 = arith.addi %mul3A_2, %add3A_1541 : i32
    %dma_start3A_1543 = arith.constant 0 : i32
    %dma_start3A_1544 = tpu.memref_slice %arg6[%add3A_1542, %dma_start3A_1543] : memref<204800x128xf32, #tpu.memory_space<hbm>> -> memref<128x128xf32, #tpu.memory_space<hbm>>
    %dma_start3A_1545 = arith.constant 0 : i32
    %dma_start3A_1546 = tpu.memref_slice %arg6[%add3A_1542, %dma_start3A_1545] : memref<204800x128xf32, #tpu.memory_space<hbm>> -> memref<128x128xf32, #tpu.memory_space<hbm>>
    tpu.enqueue_dma source(%arg12 : memref<128x128xf32, #tpu.memory_space<vmem>>) target(%dma_start3A_1546 : memref<128x128xf32, #tpu.memory_space<hbm>>) target_semaphore(%arg21 : memref<!tpu.dma_semaphore, #tpu.memory_space<semaphore_mem>>)
    %dma_wait3A_1547 = arith.constant 0 : i32
    %dma_wait3A_1548 = tpu.memref_slice %arg6[%add3A_1542, %dma_wait3A_1547] : memref<204800x128xf32, #tpu.memory_space<hbm>> -> memref<128x128xf32, #tpu.memory_space<hbm>>
    %dma_wait3A_1549 = arith.constant 0 : i32
    %dma_wait3A_1550 = tpu.memref_slice %arg6[%add3A_1542, %dma_wait3A_1549] : memref<204800x128xf32, #tpu.memory_space<hbm>> -> memref<128x128xf32, #tpu.memory_space<hbm>>
    tpu.wait_dma2 semaphore(%arg21 : memref<!tpu.dma_semaphore, #tpu.memory_space<semaphore_mem>>) src(%arg12 : memref<128x128xf32, #tpu.memory_space<vmem>>) dst(%dma_wait3A_1550 : memref<128x128xf32, #tpu.memory_space<hbm>>)
    %dma_start3A_1551 = arith.constant 42 : i32
    %dma_start3A_1552 = arith.constant 0 : i32
    %dma_start3A_1553 = tpu.memref_slice %arg7[%dma_start3A_1551, %dma_start3A_1552] : memref<50x128xi32, #tpu.memory_space<vmem>> -> memref<1x128xi32, #tpu.memory_space<vmem>>
    %dma_start3A_1554 = tpu.memref_squeeze %dma_start3A_1553 : memref<1x128xi32, #tpu.memory_space<vmem>> -> memref<128xi32, #tpu.memory_space<vmem>>
    %dma_start3A_1555 = arith.constant 0 : i32
    %dma_start3A_1556 = arith.constant 0 : i32
    %dma_start3A_1557 = tpu.memref_slice %arg10[%dma_start3A_1555, %dma_start3A_1556] : memref<5000x128xf32, #tpu.memory_space<vmem_shared>> -> memref<5000x128xf32, #tpu.memory_space<vmem_shared>>
    tpu.enqueue_indirect_dma source(%dma_start3A_1557 : memref<5000x128xf32, #tpu.memory_space<vmem_shared>>) target(%arg12 : memref<128x128xf32, #tpu.memory_space<vmem>>) offsets(%dma_start3A_1554 : memref<128xi32, #tpu.memory_space<vmem>>) semaphore(%arg15 : memref<!tpu.dma_semaphore, #tpu.memory_space<semaphore_mem>>)
    %dma_wait3A_1558 = arith.constant 41 : i32
    %dma_wait3A_1559 = arith.constant 0 : i32
    %dma_wait3A_1560 = tpu.memref_slice %arg7[%dma_wait3A_1558, %dma_wait3A_1559] : memref<50x128xi32, #tpu.memory_space<vmem>> -> memref<1x128xi32, #tpu.memory_space<vmem>>
    %dma_wait3A_1561 = tpu.memref_squeeze %dma_wait3A_1560 : memref<1x128xi32, #tpu.memory_space<vmem>> -> memref<128xi32, #tpu.memory_space<vmem>>
    %dma_wait3A_1562 = arith.constant 0 : i32
    %dma_wait3A_1563 = arith.constant 0 : i32
    %dma_wait3A_1564 = tpu.memref_slice %arg10[%dma_wait3A_1562, %dma_wait3A_1563] : memref<5000x128xf32, #tpu.memory_space<vmem_shared>> -> memref<5000x128xf32, #tpu.memory_space<vmem_shared>>
    tpu.wait_indirect_dma semaphore(%arg17 : memref<!tpu.dma_semaphore, #tpu.memory_space<semaphore_mem>>) src(%dma_wait3A_1564 : memref<5000x128xf32, #tpu.memory_space<vmem_shared>>) dst(%arg14 : memref<128x128xf32, #tpu.memory_space<vmem>>)
    %dma_start3A_1565 = arith.constant 41 : i32
    %dma_start3A_1566 = arith.constant 0 : i32
    %dma_start3A_1567 = tpu.memref_slice %arg8[%dma_start3A_1565, %dma_start3A_1566] : memref<50x128xi32, #tpu.memory_space<vmem>> -> memref<1x128xi32, #tpu.memory_space<vmem>>
    %dma_start3A_1568 = tpu.memref_squeeze %dma_start3A_1567 : memref<1x128xi32, #tpu.memory_space<vmem>> -> memref<128xi32, #tpu.memory_space<vmem>>
    %dma_start3A_1569 = arith.constant 0 : i32
    %dma_start3A_1570 = arith.constant 0 : i32
    %dma_start3A_1571 = tpu.memref_slice %arg11[%dma_start3A_1569, %dma_start3A_1570] : memref<512x128xf32, #tpu.memory_space<vmem_shared>> -> memref<512x128xf32, #tpu.memory_space<vmem_shared>>
    tpu.enqueue_indirect_dma source(%dma_start3A_1571 : memref<512x128xf32, #tpu.memory_space<vmem_shared>>) target(%arg14 : memref<128x128xf32, #tpu.memory_space<vmem>>) offsets(%dma_start3A_1568 : memref<128xi32, #tpu.memory_space<vmem>>) semaphore(%arg20 : memref<!tpu.dma_semaphore, #tpu.memory_space<semaphore_mem>>) {add = true}
    %dma_wait3A_1572 = arith.constant 40 : i32
    %dma_wait3A_1573 = arith.constant 0 : i32
    %dma_wait3A_1574 = tpu.memref_slice %arg8[%dma_wait3A_1572, %dma_wait3A_1573] : memref<50x128xi32, #tpu.memory_space<vmem>> -> memref<1x128xi32, #tpu.memory_space<vmem>>
    %dma_wait3A_1575 = tpu.memref_squeeze %dma_wait3A_1574 : memref<1x128xi32, #tpu.memory_space<vmem>> -> memref<128xi32, #tpu.memory_space<vmem>>
    %dma_wait3A_1576 = arith.constant 0 : i32
    %dma_wait3A_1577 = arith.constant 0 : i32
    %dma_wait3A_1578 = tpu.memref_slice %arg11[%dma_wait3A_1576, %dma_wait3A_1577] : memref<512x128xf32, #tpu.memory_space<vmem_shared>> -> memref<512x128xf32, #tpu.memory_space<vmem_shared>>
    tpu.wait_indirect_dma semaphore(%arg19 : memref<!tpu.dma_semaphore, #tpu.memory_space<semaphore_mem>>) src(%dma_wait3A_1578 : memref<512x128xf32, #tpu.memory_space<vmem_shared>>) dst(%arg13 : memref<128x128xf32, #tpu.memory_space<vmem>>)
    %add3A_1579 = arith.constant 5120 : i32
    %add3A_1580 = arith.addi %mul3A_2, %add3A_1579 : i32
    %dma_start3A_1581 = arith.constant 0 : i32
    %dma_start3A_1582 = tpu.memref_slice %arg6[%add3A_1580, %dma_start3A_1581] : memref<204800x128xf32, #tpu.memory_space<hbm>> -> memref<128x128xf32, #tpu.memory_space<hbm>>
    %dma_start3A_1583 = arith.constant 0 : i32
    %dma_start3A_1584 = tpu.memref_slice %arg6[%add3A_1580, %dma_start3A_1583] : memref<204800x128xf32, #tpu.memory_space<hbm>> -> memref<128x128xf32, #tpu.memory_space<hbm>>
    tpu.enqueue_dma source(%arg13 : memref<128x128xf32, #tpu.memory_space<vmem>>) target(%dma_start3A_1584 : memref<128x128xf32, #tpu.memory_space<hbm>>) target_semaphore(%arg22 : memref<!tpu.dma_semaphore, #tpu.memory_space<semaphore_mem>>)
    %dma_wait3A_1585 = arith.constant 0 : i32
    %dma_wait3A_1586 = tpu.memref_slice %arg6[%add3A_1580, %dma_wait3A_1585] : memref<204800x128xf32, #tpu.memory_space<hbm>> -> memref<128x128xf32, #tpu.memory_space<hbm>>
    %dma_wait3A_1587 = arith.constant 0 : i32
    %dma_wait3A_1588 = tpu.memref_slice %arg6[%add3A_1580, %dma_wait3A_1587] : memref<204800x128xf32, #tpu.memory_space<hbm>> -> memref<128x128xf32, #tpu.memory_space<hbm>>
    tpu.wait_dma2 semaphore(%arg22 : memref<!tpu.dma_semaphore, #tpu.memory_space<semaphore_mem>>) src(%arg13 : memref<128x128xf32, #tpu.memory_space<vmem>>) dst(%dma_wait3A_1588 : memref<128x128xf32, #tpu.memory_space<hbm>>)
    %dma_start3A_1589 = arith.constant 43 : i32
    %dma_start3A_1590 = arith.constant 0 : i32
    %dma_start3A_1591 = tpu.memref_slice %arg7[%dma_start3A_1589, %dma_start3A_1590] : memref<50x128xi32, #tpu.memory_space<vmem>> -> memref<1x128xi32, #tpu.memory_space<vmem>>
    %dma_start3A_1592 = tpu.memref_squeeze %dma_start3A_1591 : memref<1x128xi32, #tpu.memory_space<vmem>> -> memref<128xi32, #tpu.memory_space<vmem>>
    %dma_start3A_1593 = arith.constant 0 : i32
    %dma_start3A_1594 = arith.constant 0 : i32
    %dma_start3A_1595 = tpu.memref_slice %arg2[%dma_start3A_1593, %dma_start3A_1594] : memref<5000x128xf32, #tpu.memory_space<hbm>> -> memref<5000x128xf32, #tpu.memory_space<hbm>>
    tpu.enqueue_indirect_dma source(%dma_start3A_1595 : memref<5000x128xf32, #tpu.memory_space<hbm>>) target(%arg13 : memref<128x128xf32, #tpu.memory_space<vmem>>) offsets(%dma_start3A_1592 : memref<128xi32, #tpu.memory_space<vmem>>) semaphore(%arg16 : memref<!tpu.dma_semaphore, #tpu.memory_space<semaphore_mem>>)
    %dma_wait3A_1596 = arith.constant 42 : i32
    %dma_wait3A_1597 = arith.constant 0 : i32
    %dma_wait3A_1598 = tpu.memref_slice %arg7[%dma_wait3A_1596, %dma_wait3A_1597] : memref<50x128xi32, #tpu.memory_space<vmem>> -> memref<1x128xi32, #tpu.memory_space<vmem>>
    %dma_wait3A_1599 = tpu.memref_squeeze %dma_wait3A_1598 : memref<1x128xi32, #tpu.memory_space<vmem>> -> memref<128xi32, #tpu.memory_space<vmem>>
    %dma_wait3A_1600 = arith.constant 0 : i32
    %dma_wait3A_1601 = arith.constant 0 : i32
    %dma_wait3A_1602 = tpu.memref_slice %arg10[%dma_wait3A_1600, %dma_wait3A_1601] : memref<5000x128xf32, #tpu.memory_space<vmem_shared>> -> memref<5000x128xf32, #tpu.memory_space<vmem_shared>>
    tpu.wait_indirect_dma semaphore(%arg15 : memref<!tpu.dma_semaphore, #tpu.memory_space<semaphore_mem>>) src(%dma_wait3A_1602 : memref<5000x128xf32, #tpu.memory_space<vmem_shared>>) dst(%arg12 : memref<128x128xf32, #tpu.memory_space<vmem>>)
    %dma_start3A_1603 = arith.constant 42 : i32
    %dma_start3A_1604 = arith.constant 0 : i32
    %dma_start3A_1605 = tpu.memref_slice %arg8[%dma_start3A_1603, %dma_start3A_1604] : memref<50x128xi32, #tpu.memory_space<vmem>> -> memref<1x128xi32, #tpu.memory_space<vmem>>
    %dma_start3A_1606 = tpu.memref_squeeze %dma_start3A_1605 : memref<1x128xi32, #tpu.memory_space<vmem>> -> memref<128xi32, #tpu.memory_space<vmem>>
    %dma_start3A_1607 = arith.constant 0 : i32
    %dma_start3A_1608 = arith.constant 0 : i32
    %dma_start3A_1609 = tpu.memref_slice %arg11[%dma_start3A_1607, %dma_start3A_1608] : memref<512x128xf32, #tpu.memory_space<vmem_shared>> -> memref<512x128xf32, #tpu.memory_space<vmem_shared>>
    tpu.enqueue_indirect_dma source(%dma_start3A_1609 : memref<512x128xf32, #tpu.memory_space<vmem_shared>>) target(%arg12 : memref<128x128xf32, #tpu.memory_space<vmem>>) offsets(%dma_start3A_1606 : memref<128xi32, #tpu.memory_space<vmem>>) semaphore(%arg18 : memref<!tpu.dma_semaphore, #tpu.memory_space<semaphore_mem>>) {add = true}
    %dma_wait3A_1610 = arith.constant 41 : i32
    %dma_wait3A_1611 = arith.constant 0 : i32
    %dma_wait3A_1612 = tpu.memref_slice %arg8[%dma_wait3A_1610, %dma_wait3A_1611] : memref<50x128xi32, #tpu.memory_space<vmem>> -> memref<1x128xi32, #tpu.memory_space<vmem>>
    %dma_wait3A_1613 = tpu.memref_squeeze %dma_wait3A_1612 : memref<1x128xi32, #tpu.memory_space<vmem>> -> memref<128xi32, #tpu.memory_space<vmem>>
    %dma_wait3A_1614 = arith.constant 0 : i32
    %dma_wait3A_1615 = arith.constant 0 : i32
    %dma_wait3A_1616 = tpu.memref_slice %arg11[%dma_wait3A_1614, %dma_wait3A_1615] : memref<512x128xf32, #tpu.memory_space<vmem_shared>> -> memref<512x128xf32, #tpu.memory_space<vmem_shared>>
    tpu.wait_indirect_dma semaphore(%arg20 : memref<!tpu.dma_semaphore, #tpu.memory_space<semaphore_mem>>) src(%dma_wait3A_1616 : memref<512x128xf32, #tpu.memory_space<vmem_shared>>) dst(%arg14 : memref<128x128xf32, #tpu.memory_space<vmem>>)
    %add3A_1617 = arith.constant 5248 : i32
    %add3A_1618 = arith.addi %mul3A_2, %add3A_1617 : i32
    %dma_start3A_1619 = arith.constant 0 : i32
    %dma_start3A_1620 = tpu.memref_slice %arg6[%add3A_1618, %dma_start3A_1619] : memref<204800x128xf32, #tpu.memory_space<hbm>> -> memref<128x128xf32, #tpu.memory_space<hbm>>
    %dma_start3A_1621 = arith.constant 0 : i32
    %dma_start3A_1622 = tpu.memref_slice %arg6[%add3A_1618, %dma_start3A_1621] : memref<204800x128xf32, #tpu.memory_space<hbm>> -> memref<128x128xf32, #tpu.memory_space<hbm>>
    tpu.enqueue_dma source(%arg14 : memref<128x128xf32, #tpu.memory_space<vmem>>) target(%dma_start3A_1622 : memref<128x128xf32, #tpu.memory_space<hbm>>) target_semaphore(%arg23 : memref<!tpu.dma_semaphore, #tpu.memory_space<semaphore_mem>>)
    %dma_wait3A_1623 = arith.constant 0 : i32
    %dma_wait3A_1624 = tpu.memref_slice %arg6[%add3A_1618, %dma_wait3A_1623] : memref<204800x128xf32, #tpu.memory_space<hbm>> -> memref<128x128xf32, #tpu.memory_space<hbm>>
    %dma_wait3A_1625 = arith.constant 0 : i32
    %dma_wait3A_1626 = tpu.memref_slice %arg6[%add3A_1618, %dma_wait3A_1625] : memref<204800x128xf32, #tpu.memory_space<hbm>> -> memref<128x128xf32, #tpu.memory_space<hbm>>
    tpu.wait_dma2 semaphore(%arg23 : memref<!tpu.dma_semaphore, #tpu.memory_space<semaphore_mem>>) src(%arg14 : memref<128x128xf32, #tpu.memory_space<vmem>>) dst(%dma_wait3A_1626 : memref<128x128xf32, #tpu.memory_space<hbm>>)
    %dma_start3A_1627 = arith.constant 44 : i32
    %dma_start3A_1628 = arith.constant 0 : i32
    %dma_start3A_1629 = tpu.memref_slice %arg7[%dma_start3A_1627, %dma_start3A_1628] : memref<50x128xi32, #tpu.memory_space<vmem>> -> memref<1x128xi32, #tpu.memory_space<vmem>>
    %dma_start3A_1630 = tpu.memref_squeeze %dma_start3A_1629 : memref<1x128xi32, #tpu.memory_space<vmem>> -> memref<128xi32, #tpu.memory_space<vmem>>
    %dma_start3A_1631 = arith.constant 0 : i32
    %dma_start3A_1632 = arith.constant 0 : i32
    %dma_start3A_1633 = tpu.memref_slice %arg10[%dma_start3A_1631, %dma_start3A_1632] : memref<5000x128xf32, #tpu.memory_space<vmem_shared>> -> memref<5000x128xf32, #tpu.memory_space<vmem_shared>>
    tpu.enqueue_indirect_dma source(%dma_start3A_1633 : memref<5000x128xf32, #tpu.memory_space<vmem_shared>>) target(%arg14 : memref<128x128xf32, #tpu.memory_space<vmem>>) offsets(%dma_start3A_1630 : memref<128xi32, #tpu.memory_space<vmem>>) semaphore(%arg17 : memref<!tpu.dma_semaphore, #tpu.memory_space<semaphore_mem>>)
    %dma_wait3A_1634 = arith.constant 43 : i32
    %dma_wait3A_1635 = arith.constant 0 : i32
    %dma_wait3A_1636 = tpu.memref_slice %arg7[%dma_wait3A_1634, %dma_wait3A_1635] : memref<50x128xi32, #tpu.memory_space<vmem>> -> memref<1x128xi32, #tpu.memory_space<vmem>>
    %dma_wait3A_1637 = tpu.memref_squeeze %dma_wait3A_1636 : memref<1x128xi32, #tpu.memory_space<vmem>> -> memref<128xi32, #tpu.memory_space<vmem>>
    %dma_wait3A_1638 = arith.constant 0 : i32
    %dma_wait3A_1639 = arith.constant 0 : i32
    %dma_wait3A_1640 = tpu.memref_slice %arg2[%dma_wait3A_1638, %dma_wait3A_1639] : memref<5000x128xf32, #tpu.memory_space<hbm>> -> memref<5000x128xf32, #tpu.memory_space<hbm>>
    tpu.wait_indirect_dma semaphore(%arg16 : memref<!tpu.dma_semaphore, #tpu.memory_space<semaphore_mem>>) src(%dma_wait3A_1640 : memref<5000x128xf32, #tpu.memory_space<hbm>>) dst(%arg13 : memref<128x128xf32, #tpu.memory_space<vmem>>)
    %dma_start3A_1641 = arith.constant 43 : i32
    %dma_start3A_1642 = arith.constant 0 : i32
    %dma_start3A_1643 = tpu.memref_slice %arg8[%dma_start3A_1641, %dma_start3A_1642] : memref<50x128xi32, #tpu.memory_space<vmem>> -> memref<1x128xi32, #tpu.memory_space<vmem>>
    %dma_start3A_1644 = tpu.memref_squeeze %dma_start3A_1643 : memref<1x128xi32, #tpu.memory_space<vmem>> -> memref<128xi32, #tpu.memory_space<vmem>>
    %dma_start3A_1645 = arith.constant 0 : i32
    %dma_start3A_1646 = arith.constant 0 : i32
    %dma_start3A_1647 = tpu.memref_slice %arg11[%dma_start3A_1645, %dma_start3A_1646] : memref<512x128xf32, #tpu.memory_space<vmem_shared>> -> memref<512x128xf32, #tpu.memory_space<vmem_shared>>
    tpu.enqueue_indirect_dma source(%dma_start3A_1647 : memref<512x128xf32, #tpu.memory_space<vmem_shared>>) target(%arg13 : memref<128x128xf32, #tpu.memory_space<vmem>>) offsets(%dma_start3A_1644 : memref<128xi32, #tpu.memory_space<vmem>>) semaphore(%arg19 : memref<!tpu.dma_semaphore, #tpu.memory_space<semaphore_mem>>) {add = true}
    %dma_wait3A_1648 = arith.constant 42 : i32
    %dma_wait3A_1649 = arith.constant 0 : i32
    %dma_wait3A_1650 = tpu.memref_slice %arg8[%dma_wait3A_1648, %dma_wait3A_1649] : memref<50x128xi32, #tpu.memory_space<vmem>> -> memref<1x128xi32, #tpu.memory_space<vmem>>
    %dma_wait3A_1651 = tpu.memref_squeeze %dma_wait3A_1650 : memref<1x128xi32, #tpu.memory_space<vmem>> -> memref<128xi32, #tpu.memory_space<vmem>>
    %dma_wait3A_1652 = arith.constant 0 : i32
    %dma_wait3A_1653 = arith.constant 0 : i32
    %dma_wait3A_1654 = tpu.memref_slice %arg11[%dma_wait3A_1652, %dma_wait3A_1653] : memref<512x128xf32, #tpu.memory_space<vmem_shared>> -> memref<512x128xf32, #tpu.memory_space<vmem_shared>>
    tpu.wait_indirect_dma semaphore(%arg18 : memref<!tpu.dma_semaphore, #tpu.memory_space<semaphore_mem>>) src(%dma_wait3A_1654 : memref<512x128xf32, #tpu.memory_space<vmem_shared>>) dst(%arg12 : memref<128x128xf32, #tpu.memory_space<vmem>>)
    %add3A_1655 = arith.constant 5376 : i32
    %add3A_1656 = arith.addi %mul3A_2, %add3A_1655 : i32
    %dma_start3A_1657 = arith.constant 0 : i32
    %dma_start3A_1658 = tpu.memref_slice %arg6[%add3A_1656, %dma_start3A_1657] : memref<204800x128xf32, #tpu.memory_space<hbm>> -> memref<128x128xf32, #tpu.memory_space<hbm>>
    %dma_start3A_1659 = arith.constant 0 : i32
    %dma_start3A_1660 = tpu.memref_slice %arg6[%add3A_1656, %dma_start3A_1659] : memref<204800x128xf32, #tpu.memory_space<hbm>> -> memref<128x128xf32, #tpu.memory_space<hbm>>
    tpu.enqueue_dma source(%arg12 : memref<128x128xf32, #tpu.memory_space<vmem>>) target(%dma_start3A_1660 : memref<128x128xf32, #tpu.memory_space<hbm>>) target_semaphore(%arg21 : memref<!tpu.dma_semaphore, #tpu.memory_space<semaphore_mem>>)
    %dma_wait3A_1661 = arith.constant 0 : i32
    %dma_wait3A_1662 = tpu.memref_slice %arg6[%add3A_1656, %dma_wait3A_1661] : memref<204800x128xf32, #tpu.memory_space<hbm>> -> memref<128x128xf32, #tpu.memory_space<hbm>>
    %dma_wait3A_1663 = arith.constant 0 : i32
    %dma_wait3A_1664 = tpu.memref_slice %arg6[%add3A_1656, %dma_wait3A_1663] : memref<204800x128xf32, #tpu.memory_space<hbm>> -> memref<128x128xf32, #tpu.memory_space<hbm>>
    tpu.wait_dma2 semaphore(%arg21 : memref<!tpu.dma_semaphore, #tpu.memory_space<semaphore_mem>>) src(%arg12 : memref<128x128xf32, #tpu.memory_space<vmem>>) dst(%dma_wait3A_1664 : memref<128x128xf32, #tpu.memory_space<hbm>>)
    %dma_start3A_1665 = arith.constant 45 : i32
    %dma_start3A_1666 = arith.constant 0 : i32
    %dma_start3A_1667 = tpu.memref_slice %arg7[%dma_start3A_1665, %dma_start3A_1666] : memref<50x128xi32, #tpu.memory_space<vmem>> -> memref<1x128xi32, #tpu.memory_space<vmem>>
    %dma_start3A_1668 = tpu.memref_squeeze %dma_start3A_1667 : memref<1x128xi32, #tpu.memory_space<vmem>> -> memref<128xi32, #tpu.memory_space<vmem>>
    %dma_start3A_1669 = arith.constant 0 : i32
    %dma_start3A_1670 = arith.constant 0 : i32
    %dma_start3A_1671 = tpu.memref_slice %arg10[%dma_start3A_1669, %dma_start3A_1670] : memref<5000x128xf32, #tpu.memory_space<vmem_shared>> -> memref<5000x128xf32, #tpu.memory_space<vmem_shared>>
    tpu.enqueue_indirect_dma source(%dma_start3A_1671 : memref<5000x128xf32, #tpu.memory_space<vmem_shared>>) target(%arg12 : memref<128x128xf32, #tpu.memory_space<vmem>>) offsets(%dma_start3A_1668 : memref<128xi32, #tpu.memory_space<vmem>>) semaphore(%arg15 : memref<!tpu.dma_semaphore, #tpu.memory_space<semaphore_mem>>)
    %dma_wait3A_1672 = arith.constant 44 : i32
    %dma_wait3A_1673 = arith.constant 0 : i32
    %dma_wait3A_1674 = tpu.memref_slice %arg7[%dma_wait3A_1672, %dma_wait3A_1673] : memref<50x128xi32, #tpu.memory_space<vmem>> -> memref<1x128xi32, #tpu.memory_space<vmem>>
    %dma_wait3A_1675 = tpu.memref_squeeze %dma_wait3A_1674 : memref<1x128xi32, #tpu.memory_space<vmem>> -> memref<128xi32, #tpu.memory_space<vmem>>
    %dma_wait3A_1676 = arith.constant 0 : i32
    %dma_wait3A_1677 = arith.constant 0 : i32
    %dma_wait3A_1678 = tpu.memref_slice %arg10[%dma_wait3A_1676, %dma_wait3A_1677] : memref<5000x128xf32, #tpu.memory_space<vmem_shared>> -> memref<5000x128xf32, #tpu.memory_space<vmem_shared>>
    tpu.wait_indirect_dma semaphore(%arg17 : memref<!tpu.dma_semaphore, #tpu.memory_space<semaphore_mem>>) src(%dma_wait3A_1678 : memref<5000x128xf32, #tpu.memory_space<vmem_shared>>) dst(%arg14 : memref<128x128xf32, #tpu.memory_space<vmem>>)
    %dma_start3A_1679 = arith.constant 44 : i32
    %dma_start3A_1680 = arith.constant 0 : i32
    %dma_start3A_1681 = tpu.memref_slice %arg8[%dma_start3A_1679, %dma_start3A_1680] : memref<50x128xi32, #tpu.memory_space<vmem>> -> memref<1x128xi32, #tpu.memory_space<vmem>>
    %dma_start3A_1682 = tpu.memref_squeeze %dma_start3A_1681 : memref<1x128xi32, #tpu.memory_space<vmem>> -> memref<128xi32, #tpu.memory_space<vmem>>
    %dma_start3A_1683 = arith.constant 0 : i32
    %dma_start3A_1684 = arith.constant 0 : i32
    %dma_start3A_1685 = tpu.memref_slice %arg11[%dma_start3A_1683, %dma_start3A_1684] : memref<512x128xf32, #tpu.memory_space<vmem_shared>> -> memref<512x128xf32, #tpu.memory_space<vmem_shared>>
    tpu.enqueue_indirect_dma source(%dma_start3A_1685 : memref<512x128xf32, #tpu.memory_space<vmem_shared>>) target(%arg14 : memref<128x128xf32, #tpu.memory_space<vmem>>) offsets(%dma_start3A_1682 : memref<128xi32, #tpu.memory_space<vmem>>) semaphore(%arg20 : memref<!tpu.dma_semaphore, #tpu.memory_space<semaphore_mem>>) {add = true}
    %dma_wait3A_1686 = arith.constant 43 : i32
    %dma_wait3A_1687 = arith.constant 0 : i32
    %dma_wait3A_1688 = tpu.memref_slice %arg8[%dma_wait3A_1686, %dma_wait3A_1687] : memref<50x128xi32, #tpu.memory_space<vmem>> -> memref<1x128xi32, #tpu.memory_space<vmem>>
    %dma_wait3A_1689 = tpu.memref_squeeze %dma_wait3A_1688 : memref<1x128xi32, #tpu.memory_space<vmem>> -> memref<128xi32, #tpu.memory_space<vmem>>
    %dma_wait3A_1690 = arith.constant 0 : i32
    %dma_wait3A_1691 = arith.constant 0 : i32
    %dma_wait3A_1692 = tpu.memref_slice %arg11[%dma_wait3A_1690, %dma_wait3A_1691] : memref<512x128xf32, #tpu.memory_space<vmem_shared>> -> memref<512x128xf32, #tpu.memory_space<vmem_shared>>
    tpu.wait_indirect_dma semaphore(%arg19 : memref<!tpu.dma_semaphore, #tpu.memory_space<semaphore_mem>>) src(%dma_wait3A_1692 : memref<512x128xf32, #tpu.memory_space<vmem_shared>>) dst(%arg13 : memref<128x128xf32, #tpu.memory_space<vmem>>)
    %add3A_1693 = arith.constant 5504 : i32
    %add3A_1694 = arith.addi %mul3A_2, %add3A_1693 : i32
    %dma_start3A_1695 = arith.constant 0 : i32
    %dma_start3A_1696 = tpu.memref_slice %arg6[%add3A_1694, %dma_start3A_1695] : memref<204800x128xf32, #tpu.memory_space<hbm>> -> memref<128x128xf32, #tpu.memory_space<hbm>>
    %dma_start3A_1697 = arith.constant 0 : i32
    %dma_start3A_1698 = tpu.memref_slice %arg6[%add3A_1694, %dma_start3A_1697] : memref<204800x128xf32, #tpu.memory_space<hbm>> -> memref<128x128xf32, #tpu.memory_space<hbm>>
    tpu.enqueue_dma source(%arg13 : memref<128x128xf32, #tpu.memory_space<vmem>>) target(%dma_start3A_1698 : memref<128x128xf32, #tpu.memory_space<hbm>>) target_semaphore(%arg22 : memref<!tpu.dma_semaphore, #tpu.memory_space<semaphore_mem>>)
    %dma_wait3A_1699 = arith.constant 0 : i32
    %dma_wait3A_1700 = tpu.memref_slice %arg6[%add3A_1694, %dma_wait3A_1699] : memref<204800x128xf32, #tpu.memory_space<hbm>> -> memref<128x128xf32, #tpu.memory_space<hbm>>
    %dma_wait3A_1701 = arith.constant 0 : i32
    %dma_wait3A_1702 = tpu.memref_slice %arg6[%add3A_1694, %dma_wait3A_1701] : memref<204800x128xf32, #tpu.memory_space<hbm>> -> memref<128x128xf32, #tpu.memory_space<hbm>>
    tpu.wait_dma2 semaphore(%arg22 : memref<!tpu.dma_semaphore, #tpu.memory_space<semaphore_mem>>) src(%arg13 : memref<128x128xf32, #tpu.memory_space<vmem>>) dst(%dma_wait3A_1702 : memref<128x128xf32, #tpu.memory_space<hbm>>)
    %dma_start3A_1703 = arith.constant 46 : i32
    %dma_start3A_1704 = arith.constant 0 : i32
    %dma_start3A_1705 = tpu.memref_slice %arg7[%dma_start3A_1703, %dma_start3A_1704] : memref<50x128xi32, #tpu.memory_space<vmem>> -> memref<1x128xi32, #tpu.memory_space<vmem>>
    %dma_start3A_1706 = tpu.memref_squeeze %dma_start3A_1705 : memref<1x128xi32, #tpu.memory_space<vmem>> -> memref<128xi32, #tpu.memory_space<vmem>>
    %dma_start3A_1707 = arith.constant 0 : i32
    %dma_start3A_1708 = arith.constant 0 : i32
    %dma_start3A_1709 = tpu.memref_slice %arg10[%dma_start3A_1707, %dma_start3A_1708] : memref<5000x128xf32, #tpu.memory_space<vmem_shared>> -> memref<5000x128xf32, #tpu.memory_space<vmem_shared>>
    tpu.enqueue_indirect_dma source(%dma_start3A_1709 : memref<5000x128xf32, #tpu.memory_space<vmem_shared>>) target(%arg13 : memref<128x128xf32, #tpu.memory_space<vmem>>) offsets(%dma_start3A_1706 : memref<128xi32, #tpu.memory_space<vmem>>) semaphore(%arg16 : memref<!tpu.dma_semaphore, #tpu.memory_space<semaphore_mem>>)
    %dma_wait3A_1710 = arith.constant 45 : i32
    %dma_wait3A_1711 = arith.constant 0 : i32
    %dma_wait3A_1712 = tpu.memref_slice %arg7[%dma_wait3A_1710, %dma_wait3A_1711] : memref<50x128xi32, #tpu.memory_space<vmem>> -> memref<1x128xi32, #tpu.memory_space<vmem>>
    %dma_wait3A_1713 = tpu.memref_squeeze %dma_wait3A_1712 : memref<1x128xi32, #tpu.memory_space<vmem>> -> memref<128xi32, #tpu.memory_space<vmem>>
    %dma_wait3A_1714 = arith.constant 0 : i32
    %dma_wait3A_1715 = arith.constant 0 : i32
    %dma_wait3A_1716 = tpu.memref_slice %arg10[%dma_wait3A_1714, %dma_wait3A_1715] : memref<5000x128xf32, #tpu.memory_space<vmem_shared>> -> memref<5000x128xf32, #tpu.memory_space<vmem_shared>>
    tpu.wait_indirect_dma semaphore(%arg15 : memref<!tpu.dma_semaphore, #tpu.memory_space<semaphore_mem>>) src(%dma_wait3A_1716 : memref<5000x128xf32, #tpu.memory_space<vmem_shared>>) dst(%arg12 : memref<128x128xf32, #tpu.memory_space<vmem>>)
    %dma_start3A_1717 = arith.constant 45 : i32
    %dma_start3A_1718 = arith.constant 0 : i32
    %dma_start3A_1719 = tpu.memref_slice %arg8[%dma_start3A_1717, %dma_start3A_1718] : memref<50x128xi32, #tpu.memory_space<vmem>> -> memref<1x128xi32, #tpu.memory_space<vmem>>
    %dma_start3A_1720 = tpu.memref_squeeze %dma_start3A_1719 : memref<1x128xi32, #tpu.memory_space<vmem>> -> memref<128xi32, #tpu.memory_space<vmem>>
    %dma_start3A_1721 = arith.constant 0 : i32
    %dma_start3A_1722 = arith.constant 0 : i32
    %dma_start3A_1723 = tpu.memref_slice %arg11[%dma_start3A_1721, %dma_start3A_1722] : memref<512x128xf32, #tpu.memory_space<vmem_shared>> -> memref<512x128xf32, #tpu.memory_space<vmem_shared>>
    tpu.enqueue_indirect_dma source(%dma_start3A_1723 : memref<512x128xf32, #tpu.memory_space<vmem_shared>>) target(%arg12 : memref<128x128xf32, #tpu.memory_space<vmem>>) offsets(%dma_start3A_1720 : memref<128xi32, #tpu.memory_space<vmem>>) semaphore(%arg18 : memref<!tpu.dma_semaphore, #tpu.memory_space<semaphore_mem>>) {add = true}
    %dma_wait3A_1724 = arith.constant 44 : i32
    %dma_wait3A_1725 = arith.constant 0 : i32
    %dma_wait3A_1726 = tpu.memref_slice %arg8[%dma_wait3A_1724, %dma_wait3A_1725] : memref<50x128xi32, #tpu.memory_space<vmem>> -> memref<1x128xi32, #tpu.memory_space<vmem>>
    %dma_wait3A_1727 = tpu.memref_squeeze %dma_wait3A_1726 : memref<1x128xi32, #tpu.memory_space<vmem>> -> memref<128xi32, #tpu.memory_space<vmem>>
    %dma_wait3A_1728 = arith.constant 0 : i32
    %dma_wait3A_1729 = arith.constant 0 : i32
    %dma_wait3A_1730 = tpu.memref_slice %arg11[%dma_wait3A_1728, %dma_wait3A_1729] : memref<512x128xf32, #tpu.memory_space<vmem_shared>> -> memref<512x128xf32, #tpu.memory_space<vmem_shared>>
    tpu.wait_indirect_dma semaphore(%arg20 : memref<!tpu.dma_semaphore, #tpu.memory_space<semaphore_mem>>) src(%dma_wait3A_1730 : memref<512x128xf32, #tpu.memory_space<vmem_shared>>) dst(%arg14 : memref<128x128xf32, #tpu.memory_space<vmem>>)
    %add3A_1731 = arith.constant 5632 : i32
    %add3A_1732 = arith.addi %mul3A_2, %add3A_1731 : i32
    %dma_start3A_1733 = arith.constant 0 : i32
    %dma_start3A_1734 = tpu.memref_slice %arg6[%add3A_1732, %dma_start3A_1733] : memref<204800x128xf32, #tpu.memory_space<hbm>> -> memref<128x128xf32, #tpu.memory_space<hbm>>
    %dma_start3A_1735 = arith.constant 0 : i32
    %dma_start3A_1736 = tpu.memref_slice %arg6[%add3A_1732, %dma_start3A_1735] : memref<204800x128xf32, #tpu.memory_space<hbm>> -> memref<128x128xf32, #tpu.memory_space<hbm>>
    tpu.enqueue_dma source(%arg14 : memref<128x128xf32, #tpu.memory_space<vmem>>) target(%dma_start3A_1736 : memref<128x128xf32, #tpu.memory_space<hbm>>) target_semaphore(%arg23 : memref<!tpu.dma_semaphore, #tpu.memory_space<semaphore_mem>>)
    %dma_wait3A_1737 = arith.constant 0 : i32
    %dma_wait3A_1738 = tpu.memref_slice %arg6[%add3A_1732, %dma_wait3A_1737] : memref<204800x128xf32, #tpu.memory_space<hbm>> -> memref<128x128xf32, #tpu.memory_space<hbm>>
    %dma_wait3A_1739 = arith.constant 0 : i32
    %dma_wait3A_1740 = tpu.memref_slice %arg6[%add3A_1732, %dma_wait3A_1739] : memref<204800x128xf32, #tpu.memory_space<hbm>> -> memref<128x128xf32, #tpu.memory_space<hbm>>
    tpu.wait_dma2 semaphore(%arg23 : memref<!tpu.dma_semaphore, #tpu.memory_space<semaphore_mem>>) src(%arg14 : memref<128x128xf32, #tpu.memory_space<vmem>>) dst(%dma_wait3A_1740 : memref<128x128xf32, #tpu.memory_space<hbm>>)
    %dma_start3A_1741 = arith.constant 47 : i32
    %dma_start3A_1742 = arith.constant 0 : i32
    %dma_start3A_1743 = tpu.memref_slice %arg7[%dma_start3A_1741, %dma_start3A_1742] : memref<50x128xi32, #tpu.memory_space<vmem>> -> memref<1x128xi32, #tpu.memory_space<vmem>>
    %dma_start3A_1744 = tpu.memref_squeeze %dma_start3A_1743 : memref<1x128xi32, #tpu.memory_space<vmem>> -> memref<128xi32, #tpu.memory_space<vmem>>
    %dma_start3A_1745 = arith.constant 0 : i32
    %dma_start3A_1746 = arith.constant 0 : i32
    %dma_start3A_1747 = tpu.memref_slice %arg2[%dma_start3A_1745, %dma_start3A_1746] : memref<5000x128xf32, #tpu.memory_space<hbm>> -> memref<5000x128xf32, #tpu.memory_space<hbm>>
    tpu.enqueue_indirect_dma source(%dma_start3A_1747 : memref<5000x128xf32, #tpu.memory_space<hbm>>) target(%arg14 : memref<128x128xf32, #tpu.memory_space<vmem>>) offsets(%dma_start3A_1744 : memref<128xi32, #tpu.memory_space<vmem>>) semaphore(%arg17 : memref<!tpu.dma_semaphore, #tpu.memory_space<semaphore_mem>>)
    %dma_wait3A_1748 = arith.constant 46 : i32
    %dma_wait3A_1749 = arith.constant 0 : i32
    %dma_wait3A_1750 = tpu.memref_slice %arg7[%dma_wait3A_1748, %dma_wait3A_1749] : memref<50x128xi32, #tpu.memory_space<vmem>> -> memref<1x128xi32, #tpu.memory_space<vmem>>
    %dma_wait3A_1751 = tpu.memref_squeeze %dma_wait3A_1750 : memref<1x128xi32, #tpu.memory_space<vmem>> -> memref<128xi32, #tpu.memory_space<vmem>>
    %dma_wait3A_1752 = arith.constant 0 : i32
    %dma_wait3A_1753 = arith.constant 0 : i32
    %dma_wait3A_1754 = tpu.memref_slice %arg10[%dma_wait3A_1752, %dma_wait3A_1753] : memref<5000x128xf32, #tpu.memory_space<vmem_shared>> -> memref<5000x128xf32, #tpu.memory_space<vmem_shared>>
    tpu.wait_indirect_dma semaphore(%arg16 : memref<!tpu.dma_semaphore, #tpu.memory_space<semaphore_mem>>) src(%dma_wait3A_1754 : memref<5000x128xf32, #tpu.memory_space<vmem_shared>>) dst(%arg13 : memref<128x128xf32, #tpu.memory_space<vmem>>)
    %dma_start3A_1755 = arith.constant 46 : i32
    %dma_start3A_1756 = arith.constant 0 : i32
    %dma_start3A_1757 = tpu.memref_slice %arg8[%dma_start3A_1755, %dma_start3A_1756] : memref<50x128xi32, #tpu.memory_space<vmem>> -> memref<1x128xi32, #tpu.memory_space<vmem>>
    %dma_start3A_1758 = tpu.memref_squeeze %dma_start3A_1757 : memref<1x128xi32, #tpu.memory_space<vmem>> -> memref<128xi32, #tpu.memory_space<vmem>>
    %dma_start3A_1759 = arith.constant 0 : i32
    %dma_start3A_1760 = arith.constant 0 : i32
    %dma_start3A_1761 = tpu.memref_slice %arg11[%dma_start3A_1759, %dma_start3A_1760] : memref<512x128xf32, #tpu.memory_space<vmem_shared>> -> memref<512x128xf32, #tpu.memory_space<vmem_shared>>
    tpu.enqueue_indirect_dma source(%dma_start3A_1761 : memref<512x128xf32, #tpu.memory_space<vmem_shared>>) target(%arg13 : memref<128x128xf32, #tpu.memory_space<vmem>>) offsets(%dma_start3A_1758 : memref<128xi32, #tpu.memory_space<vmem>>) semaphore(%arg19 : memref<!tpu.dma_semaphore, #tpu.memory_space<semaphore_mem>>) {add = true}
    %dma_wait3A_1762 = arith.constant 45 : i32
    %dma_wait3A_1763 = arith.constant 0 : i32
    %dma_wait3A_1764 = tpu.memref_slice %arg8[%dma_wait3A_1762, %dma_wait3A_1763] : memref<50x128xi32, #tpu.memory_space<vmem>> -> memref<1x128xi32, #tpu.memory_space<vmem>>
    %dma_wait3A_1765 = tpu.memref_squeeze %dma_wait3A_1764 : memref<1x128xi32, #tpu.memory_space<vmem>> -> memref<128xi32, #tpu.memory_space<vmem>>
    %dma_wait3A_1766 = arith.constant 0 : i32
    %dma_wait3A_1767 = arith.constant 0 : i32
    %dma_wait3A_1768 = tpu.memref_slice %arg11[%dma_wait3A_1766, %dma_wait3A_1767] : memref<512x128xf32, #tpu.memory_space<vmem_shared>> -> memref<512x128xf32, #tpu.memory_space<vmem_shared>>
    tpu.wait_indirect_dma semaphore(%arg18 : memref<!tpu.dma_semaphore, #tpu.memory_space<semaphore_mem>>) src(%dma_wait3A_1768 : memref<512x128xf32, #tpu.memory_space<vmem_shared>>) dst(%arg12 : memref<128x128xf32, #tpu.memory_space<vmem>>)
    %add3A_1769 = arith.constant 5760 : i32
    %add3A_1770 = arith.addi %mul3A_2, %add3A_1769 : i32
    %dma_start3A_1771 = arith.constant 0 : i32
    %dma_start3A_1772 = tpu.memref_slice %arg6[%add3A_1770, %dma_start3A_1771] : memref<204800x128xf32, #tpu.memory_space<hbm>> -> memref<128x128xf32, #tpu.memory_space<hbm>>
    %dma_start3A_1773 = arith.constant 0 : i32
    %dma_start3A_1774 = tpu.memref_slice %arg6[%add3A_1770, %dma_start3A_1773] : memref<204800x128xf32, #tpu.memory_space<hbm>> -> memref<128x128xf32, #tpu.memory_space<hbm>>
    tpu.enqueue_dma source(%arg12 : memref<128x128xf32, #tpu.memory_space<vmem>>) target(%dma_start3A_1774 : memref<128x128xf32, #tpu.memory_space<hbm>>) target_semaphore(%arg21 : memref<!tpu.dma_semaphore, #tpu.memory_space<semaphore_mem>>)
    %dma_wait3A_1775 = arith.constant 0 : i32
    %dma_wait3A_1776 = tpu.memref_slice %arg6[%add3A_1770, %dma_wait3A_1775] : memref<204800x128xf32, #tpu.memory_space<hbm>> -> memref<128x128xf32, #tpu.memory_space<hbm>>
    %dma_wait3A_1777 = arith.constant 0 : i32
    %dma_wait3A_1778 = tpu.memref_slice %arg6[%add3A_1770, %dma_wait3A_1777] : memref<204800x128xf32, #tpu.memory_space<hbm>> -> memref<128x128xf32, #tpu.memory_space<hbm>>
    tpu.wait_dma2 semaphore(%arg21 : memref<!tpu.dma_semaphore, #tpu.memory_space<semaphore_mem>>) src(%arg12 : memref<128x128xf32, #tpu.memory_space<vmem>>) dst(%dma_wait3A_1778 : memref<128x128xf32, #tpu.memory_space<hbm>>)
    %dma_start3A_1779 = arith.constant 48 : i32
    %dma_start3A_1780 = arith.constant 0 : i32
    %dma_start3A_1781 = tpu.memref_slice %arg7[%dma_start3A_1779, %dma_start3A_1780] : memref<50x128xi32, #tpu.memory_space<vmem>> -> memref<1x128xi32, #tpu.memory_space<vmem>>
    %dma_start3A_1782 = tpu.memref_squeeze %dma_start3A_1781 : memref<1x128xi32, #tpu.memory_space<vmem>> -> memref<128xi32, #tpu.memory_space<vmem>>
    %dma_start3A_1783 = arith.constant 0 : i32
    %dma_start3A_1784 = arith.constant 0 : i32
    %dma_start3A_1785 = tpu.memref_slice %arg10[%dma_start3A_1783, %dma_start3A_1784] : memref<5000x128xf32, #tpu.memory_space<vmem_shared>> -> memref<5000x128xf32, #tpu.memory_space<vmem_shared>>
    tpu.enqueue_indirect_dma source(%dma_start3A_1785 : memref<5000x128xf32, #tpu.memory_space<vmem_shared>>) target(%arg12 : memref<128x128xf32, #tpu.memory_space<vmem>>) offsets(%dma_start3A_1782 : memref<128xi32, #tpu.memory_space<vmem>>) semaphore(%arg15 : memref<!tpu.dma_semaphore, #tpu.memory_space<semaphore_mem>>)
    %dma_wait3A_1786 = arith.constant 47 : i32
    %dma_wait3A_1787 = arith.constant 0 : i32
    %dma_wait3A_1788 = tpu.memref_slice %arg7[%dma_wait3A_1786, %dma_wait3A_1787] : memref<50x128xi32, #tpu.memory_space<vmem>> -> memref<1x128xi32, #tpu.memory_space<vmem>>
    %dma_wait3A_1789 = tpu.memref_squeeze %dma_wait3A_1788 : memref<1x128xi32, #tpu.memory_space<vmem>> -> memref<128xi32, #tpu.memory_space<vmem>>
    %dma_wait3A_1790 = arith.constant 0 : i32
    %dma_wait3A_1791 = arith.constant 0 : i32
    %dma_wait3A_1792 = tpu.memref_slice %arg2[%dma_wait3A_1790, %dma_wait3A_1791] : memref<5000x128xf32, #tpu.memory_space<hbm>> -> memref<5000x128xf32, #tpu.memory_space<hbm>>
    tpu.wait_indirect_dma semaphore(%arg17 : memref<!tpu.dma_semaphore, #tpu.memory_space<semaphore_mem>>) src(%dma_wait3A_1792 : memref<5000x128xf32, #tpu.memory_space<hbm>>) dst(%arg14 : memref<128x128xf32, #tpu.memory_space<vmem>>)
    %dma_start3A_1793 = arith.constant 47 : i32
    %dma_start3A_1794 = arith.constant 0 : i32
    %dma_start3A_1795 = tpu.memref_slice %arg8[%dma_start3A_1793, %dma_start3A_1794] : memref<50x128xi32, #tpu.memory_space<vmem>> -> memref<1x128xi32, #tpu.memory_space<vmem>>
    %dma_start3A_1796 = tpu.memref_squeeze %dma_start3A_1795 : memref<1x128xi32, #tpu.memory_space<vmem>> -> memref<128xi32, #tpu.memory_space<vmem>>
    %dma_start3A_1797 = arith.constant 0 : i32
    %dma_start3A_1798 = arith.constant 0 : i32
    %dma_start3A_1799 = tpu.memref_slice %arg11[%dma_start3A_1797, %dma_start3A_1798] : memref<512x128xf32, #tpu.memory_space<vmem_shared>> -> memref<512x128xf32, #tpu.memory_space<vmem_shared>>
    tpu.enqueue_indirect_dma source(%dma_start3A_1799 : memref<512x128xf32, #tpu.memory_space<vmem_shared>>) target(%arg14 : memref<128x128xf32, #tpu.memory_space<vmem>>) offsets(%dma_start3A_1796 : memref<128xi32, #tpu.memory_space<vmem>>) semaphore(%arg20 : memref<!tpu.dma_semaphore, #tpu.memory_space<semaphore_mem>>) {add = true}
    %dma_wait3A_1800 = arith.constant 46 : i32
    %dma_wait3A_1801 = arith.constant 0 : i32
    %dma_wait3A_1802 = tpu.memref_slice %arg8[%dma_wait3A_1800, %dma_wait3A_1801] : memref<50x128xi32, #tpu.memory_space<vmem>> -> memref<1x128xi32, #tpu.memory_space<vmem>>
    %dma_wait3A_1803 = tpu.memref_squeeze %dma_wait3A_1802 : memref<1x128xi32, #tpu.memory_space<vmem>> -> memref<128xi32, #tpu.memory_space<vmem>>
    %dma_wait3A_1804 = arith.constant 0 : i32
    %dma_wait3A_1805 = arith.constant 0 : i32
    %dma_wait3A_1806 = tpu.memref_slice %arg11[%dma_wait3A_1804, %dma_wait3A_1805] : memref<512x128xf32, #tpu.memory_space<vmem_shared>> -> memref<512x128xf32, #tpu.memory_space<vmem_shared>>
    tpu.wait_indirect_dma semaphore(%arg19 : memref<!tpu.dma_semaphore, #tpu.memory_space<semaphore_mem>>) src(%dma_wait3A_1806 : memref<512x128xf32, #tpu.memory_space<vmem_shared>>) dst(%arg13 : memref<128x128xf32, #tpu.memory_space<vmem>>)
    %add3A_1807 = arith.constant 5888 : i32
    %add3A_1808 = arith.addi %mul3A_2, %add3A_1807 : i32
    %dma_start3A_1809 = arith.constant 0 : i32
    %dma_start3A_1810 = tpu.memref_slice %arg6[%add3A_1808, %dma_start3A_1809] : memref<204800x128xf32, #tpu.memory_space<hbm>> -> memref<128x128xf32, #tpu.memory_space<hbm>>
    %dma_start3A_1811 = arith.constant 0 : i32
    %dma_start3A_1812 = tpu.memref_slice %arg6[%add3A_1808, %dma_start3A_1811] : memref<204800x128xf32, #tpu.memory_space<hbm>> -> memref<128x128xf32, #tpu.memory_space<hbm>>
    tpu.enqueue_dma source(%arg13 : memref<128x128xf32, #tpu.memory_space<vmem>>) target(%dma_start3A_1812 : memref<128x128xf32, #tpu.memory_space<hbm>>) target_semaphore(%arg22 : memref<!tpu.dma_semaphore, #tpu.memory_space<semaphore_mem>>)
    %dma_wait3A_1813 = arith.constant 0 : i32
    %dma_wait3A_1814 = tpu.memref_slice %arg6[%add3A_1808, %dma_wait3A_1813] : memref<204800x128xf32, #tpu.memory_space<hbm>> -> memref<128x128xf32, #tpu.memory_space<hbm>>
    %dma_wait3A_1815 = arith.constant 0 : i32
    %dma_wait3A_1816 = tpu.memref_slice %arg6[%add3A_1808, %dma_wait3A_1815] : memref<204800x128xf32, #tpu.memory_space<hbm>> -> memref<128x128xf32, #tpu.memory_space<hbm>>
    tpu.wait_dma2 semaphore(%arg22 : memref<!tpu.dma_semaphore, #tpu.memory_space<semaphore_mem>>) src(%arg13 : memref<128x128xf32, #tpu.memory_space<vmem>>) dst(%dma_wait3A_1816 : memref<128x128xf32, #tpu.memory_space<hbm>>)
    %dma_start3A_1817 = arith.constant 49 : i32
    %dma_start3A_1818 = arith.constant 0 : i32
    %dma_start3A_1819 = tpu.memref_slice %arg7[%dma_start3A_1817, %dma_start3A_1818] : memref<50x128xi32, #tpu.memory_space<vmem>> -> memref<1x128xi32, #tpu.memory_space<vmem>>
    %dma_start3A_1820 = tpu.memref_squeeze %dma_start3A_1819 : memref<1x128xi32, #tpu.memory_space<vmem>> -> memref<128xi32, #tpu.memory_space<vmem>>
    %dma_start3A_1821 = arith.constant 0 : i32
    %dma_start3A_1822 = arith.constant 0 : i32
    %dma_start3A_1823 = tpu.memref_slice %arg10[%dma_start3A_1821, %dma_start3A_1822] : memref<5000x128xf32, #tpu.memory_space<vmem_shared>> -> memref<5000x128xf32, #tpu.memory_space<vmem_shared>>
    tpu.enqueue_indirect_dma source(%dma_start3A_1823 : memref<5000x128xf32, #tpu.memory_space<vmem_shared>>) target(%arg13 : memref<128x128xf32, #tpu.memory_space<vmem>>) offsets(%dma_start3A_1820 : memref<128xi32, #tpu.memory_space<vmem>>) semaphore(%arg16 : memref<!tpu.dma_semaphore, #tpu.memory_space<semaphore_mem>>)
    %dma_wait3A_1824 = arith.constant 48 : i32
    %dma_wait3A_1825 = arith.constant 0 : i32
    %dma_wait3A_1826 = tpu.memref_slice %arg7[%dma_wait3A_1824, %dma_wait3A_1825] : memref<50x128xi32, #tpu.memory_space<vmem>> -> memref<1x128xi32, #tpu.memory_space<vmem>>
    %dma_wait3A_1827 = tpu.memref_squeeze %dma_wait3A_1826 : memref<1x128xi32, #tpu.memory_space<vmem>> -> memref<128xi32, #tpu.memory_space<vmem>>
    %dma_wait3A_1828 = arith.constant 0 : i32
    %dma_wait3A_1829 = arith.constant 0 : i32
    %dma_wait3A_1830 = tpu.memref_slice %arg10[%dma_wait3A_1828, %dma_wait3A_1829] : memref<5000x128xf32, #tpu.memory_space<vmem_shared>> -> memref<5000x128xf32, #tpu.memory_space<vmem_shared>>
    tpu.wait_indirect_dma semaphore(%arg15 : memref<!tpu.dma_semaphore, #tpu.memory_space<semaphore_mem>>) src(%dma_wait3A_1830 : memref<5000x128xf32, #tpu.memory_space<vmem_shared>>) dst(%arg12 : memref<128x128xf32, #tpu.memory_space<vmem>>)
    %dma_start3A_1831 = arith.constant 48 : i32
    %dma_start3A_1832 = arith.constant 0 : i32
    %dma_start3A_1833 = tpu.memref_slice %arg8[%dma_start3A_1831, %dma_start3A_1832] : memref<50x128xi32, #tpu.memory_space<vmem>> -> memref<1x128xi32, #tpu.memory_space<vmem>>
    %dma_start3A_1834 = tpu.memref_squeeze %dma_start3A_1833 : memref<1x128xi32, #tpu.memory_space<vmem>> -> memref<128xi32, #tpu.memory_space<vmem>>
    %dma_start3A_1835 = arith.constant 0 : i32
    %dma_start3A_1836 = arith.constant 0 : i32
    %dma_start3A_1837 = tpu.memref_slice %arg11[%dma_start3A_1835, %dma_start3A_1836] : memref<512x128xf32, #tpu.memory_space<vmem_shared>> -> memref<512x128xf32, #tpu.memory_space<vmem_shared>>
    tpu.enqueue_indirect_dma source(%dma_start3A_1837 : memref<512x128xf32, #tpu.memory_space<vmem_shared>>) target(%arg12 : memref<128x128xf32, #tpu.memory_space<vmem>>) offsets(%dma_start3A_1834 : memref<128xi32, #tpu.memory_space<vmem>>) semaphore(%arg18 : memref<!tpu.dma_semaphore, #tpu.memory_space<semaphore_mem>>) {add = true}
    %dma_wait3A_1838 = arith.constant 47 : i32
    %dma_wait3A_1839 = arith.constant 0 : i32
    %dma_wait3A_1840 = tpu.memref_slice %arg8[%dma_wait3A_1838, %dma_wait3A_1839] : memref<50x128xi32, #tpu.memory_space<vmem>> -> memref<1x128xi32, #tpu.memory_space<vmem>>
    %dma_wait3A_1841 = tpu.memref_squeeze %dma_wait3A_1840 : memref<1x128xi32, #tpu.memory_space<vmem>> -> memref<128xi32, #tpu.memory_space<vmem>>
    %dma_wait3A_1842 = arith.constant 0 : i32
    %dma_wait3A_1843 = arith.constant 0 : i32
    %dma_wait3A_1844 = tpu.memref_slice %arg11[%dma_wait3A_1842, %dma_wait3A_1843] : memref<512x128xf32, #tpu.memory_space<vmem_shared>> -> memref<512x128xf32, #tpu.memory_space<vmem_shared>>
    tpu.wait_indirect_dma semaphore(%arg20 : memref<!tpu.dma_semaphore, #tpu.memory_space<semaphore_mem>>) src(%dma_wait3A_1844 : memref<512x128xf32, #tpu.memory_space<vmem_shared>>) dst(%arg14 : memref<128x128xf32, #tpu.memory_space<vmem>>)
    %add3A_1845 = arith.constant 6016 : i32
    %add3A_1846 = arith.addi %mul3A_2, %add3A_1845 : i32
    %dma_start3A_1847 = arith.constant 0 : i32
    %dma_start3A_1848 = tpu.memref_slice %arg6[%add3A_1846, %dma_start3A_1847] : memref<204800x128xf32, #tpu.memory_space<hbm>> -> memref<128x128xf32, #tpu.memory_space<hbm>>
    %dma_start3A_1849 = arith.constant 0 : i32
    %dma_start3A_1850 = tpu.memref_slice %arg6[%add3A_1846, %dma_start3A_1849] : memref<204800x128xf32, #tpu.memory_space<hbm>> -> memref<128x128xf32, #tpu.memory_space<hbm>>
    tpu.enqueue_dma source(%arg14 : memref<128x128xf32, #tpu.memory_space<vmem>>) target(%dma_start3A_1850 : memref<128x128xf32, #tpu.memory_space<hbm>>) target_semaphore(%arg23 : memref<!tpu.dma_semaphore, #tpu.memory_space<semaphore_mem>>)
    %dma_wait3A_1851 = arith.constant 49 : i32
    %dma_wait3A_1852 = arith.constant 0 : i32
    %dma_wait3A_1853 = tpu.memref_slice %arg7[%dma_wait3A_1851, %dma_wait3A_1852] : memref<50x128xi32, #tpu.memory_space<vmem>> -> memref<1x128xi32, #tpu.memory_space<vmem>>
    %dma_wait3A_1854 = tpu.memref_squeeze %dma_wait3A_1853 : memref<1x128xi32, #tpu.memory_space<vmem>> -> memref<128xi32, #tpu.memory_space<vmem>>
    %dma_wait3A_1855 = arith.constant 0 : i32
    %dma_wait3A_1856 = arith.constant 0 : i32
    %dma_wait3A_1857 = tpu.memref_slice %arg10[%dma_wait3A_1855, %dma_wait3A_1856] : memref<5000x128xf32, #tpu.memory_space<vmem_shared>> -> memref<5000x128xf32, #tpu.memory_space<vmem_shared>>
    tpu.wait_indirect_dma semaphore(%arg16 : memref<!tpu.dma_semaphore, #tpu.memory_space<semaphore_mem>>) src(%dma_wait3A_1857 : memref<5000x128xf32, #tpu.memory_space<vmem_shared>>) dst(%arg13 : memref<128x128xf32, #tpu.memory_space<vmem>>)
    %dma_start3A_1858 = arith.constant 49 : i32
    %dma_start3A_1859 = arith.constant 0 : i32
    %dma_start3A_1860 = tpu.memref_slice %arg8[%dma_start3A_1858, %dma_start3A_1859] : memref<50x128xi32, #tpu.memory_space<vmem>> -> memref<1x128xi32, #tpu.memory_space<vmem>>
    %dma_start3A_1861 = tpu.memref_squeeze %dma_start3A_1860 : memref<1x128xi32, #tpu.memory_space<vmem>> -> memref<128xi32, #tpu.memory_space<vmem>>
    %dma_start3A_1862 = arith.constant 0 : i32
    %dma_start3A_1863 = arith.constant 0 : i32
    %dma_start3A_1864 = tpu.memref_slice %arg11[%dma_start3A_1862, %dma_start3A_1863] : memref<512x128xf32, #tpu.memory_space<vmem_shared>> -> memref<512x128xf32, #tpu.memory_space<vmem_shared>>
    tpu.enqueue_indirect_dma source(%dma_start3A_1864 : memref<512x128xf32, #tpu.memory_space<vmem_shared>>) target(%arg13 : memref<128x128xf32, #tpu.memory_space<vmem>>) offsets(%dma_start3A_1861 : memref<128xi32, #tpu.memory_space<vmem>>) semaphore(%arg19 : memref<!tpu.dma_semaphore, #tpu.memory_space<semaphore_mem>>) {add = true}
    %dma_wait3A_1865 = arith.constant 48 : i32
    %dma_wait3A_1866 = arith.constant 0 : i32
    %dma_wait3A_1867 = tpu.memref_slice %arg8[%dma_wait3A_1865, %dma_wait3A_1866] : memref<50x128xi32, #tpu.memory_space<vmem>> -> memref<1x128xi32, #tpu.memory_space<vmem>>
    %dma_wait3A_1868 = tpu.memref_squeeze %dma_wait3A_1867 : memref<1x128xi32, #tpu.memory_space<vmem>> -> memref<128xi32, #tpu.memory_space<vmem>>
    %dma_wait3A_1869 = arith.constant 0 : i32
    %dma_wait3A_1870 = arith.constant 0 : i32
    %dma_wait3A_1871 = tpu.memref_slice %arg11[%dma_wait3A_1869, %dma_wait3A_1870] : memref<512x128xf32, #tpu.memory_space<vmem_shared>> -> memref<512x128xf32, #tpu.memory_space<vmem_shared>>
    tpu.wait_indirect_dma semaphore(%arg18 : memref<!tpu.dma_semaphore, #tpu.memory_space<semaphore_mem>>) src(%dma_wait3A_1871 : memref<512x128xf32, #tpu.memory_space<vmem_shared>>) dst(%arg12 : memref<128x128xf32, #tpu.memory_space<vmem>>)
    %add3A_1872 = arith.constant 6144 : i32
    %add3A_1873 = arith.addi %mul3A_2, %add3A_1872 : i32
    %dma_start3A_1874 = arith.constant 0 : i32
    %dma_start3A_1875 = tpu.memref_slice %arg6[%add3A_1873, %dma_start3A_1874] : memref<204800x128xf32, #tpu.memory_space<hbm>> -> memref<128x128xf32, #tpu.memory_space<hbm>>
    %dma_start3A_1876 = arith.constant 0 : i32
    %dma_start3A_1877 = tpu.memref_slice %arg6[%add3A_1873, %dma_start3A_1876] : memref<204800x128xf32, #tpu.memory_space<hbm>> -> memref<128x128xf32, #tpu.memory_space<hbm>>
    tpu.enqueue_dma source(%arg12 : memref<128x128xf32, #tpu.memory_space<vmem>>) target(%dma_start3A_1877 : memref<128x128xf32, #tpu.memory_space<hbm>>) target_semaphore(%arg21 : memref<!tpu.dma_semaphore, #tpu.memory_space<semaphore_mem>>)
    %dma_wait3A_1878 = arith.constant 49 : i32
    %dma_wait3A_1879 = arith.constant 0 : i32
    %dma_wait3A_1880 = tpu.memref_slice %arg8[%dma_wait3A_1878, %dma_wait3A_1879] : memref<50x128xi32, #tpu.memory_space<vmem>> -> memref<1x128xi32, #tpu.memory_space<vmem>>
    %dma_wait3A_1881 = tpu.memref_squeeze %dma_wait3A_1880 : memref<1x128xi32, #tpu.memory_space<vmem>> -> memref<128xi32, #tpu.memory_space<vmem>>
    %dma_wait3A_1882 = arith.constant 0 : i32
    %dma_wait3A_1883 = arith.constant 0 : i32
    %dma_wait3A_1884 = tpu.memref_slice %arg11[%dma_wait3A_1882, %dma_wait3A_1883] : memref<512x128xf32, #tpu.memory_space<vmem_shared>> -> memref<512x128xf32, #tpu.memory_space<vmem_shared>>
    tpu.wait_indirect_dma semaphore(%arg19 : memref<!tpu.dma_semaphore, #tpu.memory_space<semaphore_mem>>) src(%dma_wait3A_1884 : memref<512x128xf32, #tpu.memory_space<vmem_shared>>) dst(%arg13 : memref<128x128xf32, #tpu.memory_space<vmem>>)
    %add3A_1885 = arith.constant 6272 : i32
    %add3A_1886 = arith.addi %mul3A_2, %add3A_1885 : i32
    %dma_start3A_1887 = arith.constant 0 : i32
    %dma_start3A_1888 = tpu.memref_slice %arg6[%add3A_1886, %dma_start3A_1887] : memref<204800x128xf32, #tpu.memory_space<hbm>> -> memref<128x128xf32, #tpu.memory_space<hbm>>
    %dma_start3A_1889 = arith.constant 0 : i32
    %dma_start3A_1890 = tpu.memref_slice %arg6[%add3A_1886, %dma_start3A_1889] : memref<204800x128xf32, #tpu.memory_space<hbm>> -> memref<128x128xf32, #tpu.memory_space<hbm>>
    tpu.enqueue_dma source(%arg13 : memref<128x128xf32, #tpu.memory_space<vmem>>) target(%dma_start3A_1890 : memref<128x128xf32, #tpu.memory_space<hbm>>) target_semaphore(%arg22 : memref<!tpu.dma_semaphore, #tpu.memory_space<semaphore_mem>>)
    %dma_wait3A_1891 = arith.constant 0 : i32
    %dma_wait3A_1892 = tpu.memref_slice %arg6[%add3A_1846, %dma_wait3A_1891] : memref<204800x128xf32, #tpu.memory_space<hbm>> -> memref<128x128xf32, #tpu.memory_space<hbm>>
    %dma_wait3A_1893 = arith.constant 0 : i32
    %dma_wait3A_1894 = tpu.memref_slice %arg6[%add3A_1846, %dma_wait3A_1893] : memref<204800x128xf32, #tpu.memory_space<hbm>> -> memref<128x128xf32, #tpu.memory_space<hbm>>
    tpu.wait_dma2 semaphore(%arg23 : memref<!tpu.dma_semaphore, #tpu.memory_space<semaphore_mem>>) src(%arg14 : memref<128x128xf32, #tpu.memory_space<vmem>>) dst(%dma_wait3A_1894 : memref<128x128xf32, #tpu.memory_space<hbm>>)
    %dma_wait3A_1895 = arith.constant 0 : i32
    %dma_wait3A_1896 = tpu.memref_slice %arg6[%add3A_1873, %dma_wait3A_1895] : memref<204800x128xf32, #tpu.memory_space<hbm>> -> memref<128x128xf32, #tpu.memory_space<hbm>>
    %dma_wait3A_1897 = arith.constant 0 : i32
    %dma_wait3A_1898 = tpu.memref_slice %arg6[%add3A_1873, %dma_wait3A_1897] : memref<204800x128xf32, #tpu.memory_space<hbm>> -> memref<128x128xf32, #tpu.memory_space<hbm>>
    tpu.wait_dma2 semaphore(%arg21 : memref<!tpu.dma_semaphore, #tpu.memory_space<semaphore_mem>>) src(%arg12 : memref<128x128xf32, #tpu.memory_space<vmem>>) dst(%dma_wait3A_1898 : memref<128x128xf32, #tpu.memory_space<hbm>>)
    %dma_wait3A_1899 = arith.constant 0 : i32
    %dma_wait3A_1900 = tpu.memref_slice %arg6[%add3A_1886, %dma_wait3A_1899] : memref<204800x128xf32, #tpu.memory_space<hbm>> -> memref<128x128xf32, #tpu.memory_space<hbm>>
    %dma_wait3A_1901 = arith.constant 0 : i32
    %dma_wait3A_1902 = tpu.memref_slice %arg6[%add3A_1886, %dma_wait3A_1901] : memref<204800x128xf32, #tpu.memory_space<hbm>> -> memref<128x128xf32, #tpu.memory_space<hbm>>
    tpu.wait_dma2 semaphore(%arg22 : memref<!tpu.dma_semaphore, #tpu.memory_space<semaphore_mem>>) src(%arg13 : memref<128x128xf32, #tpu.memory_space<vmem>>) dst(%dma_wait3A_1902 : memref<128x128xf32, #tpu.memory_space<hbm>>)
    return
  }
}

</mosaic_0001>

<sc_bundles>
// kernel: _run.3.cloned.1.call-start
scs
__scs_entry_jumppad:
0x0: {  	(pc) =	sbr.rel $0x88, $3  }
0x1: {  	(tag) =	ssettag $0x0;
	lr =	simm.s32 $0x1  }
0x2: {  	[smem:$0x3F9D] =	sst lr;
	_ =	strace $0xD0000000  }
0x3: {  	_ = 	snop  }
0x4: {  	_ = 	snop  }
0x5: {  	_ = 	snop  }
0x6: {  	_ = 	snop  }
0x7: {  	_ = 	snop  }
__scs_overlays_trampoline_lowered:
0x8: {  	[smem:$0x3FAC] =	sst s0  }
0x9: {  	[smem:$0x3FAD] =	sst s1  }
0xa: {  	[smem:$0x3FAE] =	sst s2  }
0xb: {  	[smem:$0x3FAF] =	sst s3  }
0xc: {  	[smem:$0x3FB0] =	sst s4  }
0xd: {  	[smem:$0x3FB1] =	sst s5  }
0xe: {  	[smem:$0x3FB2] =	sst s6  }
0xf: {  	[smem:$0x3FB3] =	sst s7  }
0x10: {  	[smem:$0x3FB4] =	sst s8  }
0x11: {  	[smem:$0x3FB5] =	sst s9;
	s0 =	simm.s32 @!p0 $0x0  }
0x12: {  	s1 =	sld [smem:$0x3F9B];
	s0 =	simm.s32 @p0 $0x1  }
0x13: {  	[smem:$0x3FB6] =	sst s0;
	s0 =	simm.s32 @!p1 $0x0  }
0x14: {  	s2 =	sld [smem:$0x3F9A];
	s0 =	simm.s32 @p1 $0x1  }
0x15: {  	[smem:$0x3FB7] =	sst s0;
	s0 =	simm.s32 @!p2 $0x0  }
0x16: {  	s3 =	sld [smem:$0x3FDB];
	s0 =	simm.s32 @p2 $0x1  }
0x17: {  	s4 =	simm.s32 $0x1BF5;
	[smem:$0x3FB9] =	sst s0  }
0x18: {  	s0 =	sld [smem:$0x3F9C];
	_ =	swait.ge [sflag:s4], $0x0  }
0x19: {  	s7 =	sld [smem:$0x3F9D]  }
0x1a: {  	s8 =	sadd.s32 $0xFFFFE003, lr  }
0x1b: {  	s9 =	sadd.s32 $0xFFFFFEF7, lr;
	s5 =	simm.s32 $0xFFFFFFFF;
	p2 =	slt.u32 s8, $0xFFFFF086  }
0x1c: {  	p1 =	slt.u32 s9, $0xF7A;
	s5 =	simm.s32 @!p2 $0x0  }
0x1d: {  	s5 =	simm.s32 @p1 $0x1;
	p0 =	seq.s32 s7, s2  }
0x1e: {  	s7 =	smul.u32 @!p0 $0xF7A, s2;
	p2 =	seq.s32 @!p0 s5, $0x0  }
0x1f: {  	s9 =	smul.u32 $0xF7A, s1;
	s8 =	simm.s32 @!p0 $0x1BF5;
	p2 =	por !p2, p0  }
0x20: {  	[sflag:s8] =	ssyncset.s32 @!p0 $0xFFFFF086;
	s6 =	sadd.s32 @!p0 s3, s7;
	s7 =	simm.s32 @!p0 $0x108  }
0x21: {  	s3 =	sadd.s32 s3, s9;
	s6 =	sadd.s32 @!p0 $0x88, s6;
	s7 =	simm.s32 @p2 $0x1082  }
0x22: {  	[simem:s7], [sflag:s8] =	dma.local @!p0 [hbm:s6], $0xF7A  }
0x23: {  	s9 =	sor.u32 $0xD0000000, s2;
	s6 =	simm.s32 $0x108;
	_ =	swait.ge @!p0 [sflag:s8], $0x0  }
0x24: {  	s3 =	sadd.s32 $0x88, s3;
	s6 =	simm.s32 @!p1 $0x1082;
	[sflag:s4] =	ssyncset.s32 $0xFFFFF086  }
0x25: {  	[simem:s6], [sflag:s4] =	dma.local [hbm:s3], $0xF7A  }
0x26: {  	[smem:$0x3F9D] =	sst s1;
	(tag) =	ssettag s2;
	_ =	strace s9  }
0x27: {  	s1 =	sld [smem:$0x3FAD]  }
0x28: {  	s2 =	sld [smem:$0x3FAE]  }
0x29: {  	s4 =	sld [smem:$0x3FB0]  }
0x2a: {  	p0 =	seq.s32 s5, $0x0;
	s5 =	sld [smem:$0x3FB1]  }
0x2b: {  	s6 =	sld [smem:$0x3FB2]  }
0x2c: {  	s7 =	sld [smem:$0x3FB3]  }
0x2d: {  	s3 =	simm.s32 $0x108;
	s8 =	sld [smem:$0x3FB4]  }
0x2e: {  	s3 =	simm.s32 @!p0 $0x1082;
	s9 =	sld [smem:$0x3FB5]  }
0x2f: {  	lr =	sadd.s32 s0, s3;
	s0 =	sld [smem:$0x3FAC]  }
0x30: {  	s3 =	sld [smem:$0x3FAF]  }
0x31: {  	[smem:$0x3FB8] =	sst s10  }
0x32: {  	s10 =	sld [smem:$0x3FB6];
	_ =	sdelay $0x3  }
0x33: {  	p0 =	seq.s32 s10, $0x1;
	s10 =	sld [smem:$0x3FB8];
	_ =	sdelay $0x3  }
0x34: {  	[smem:$0x3FB8] =	sst s10  }
0x35: {  	s10 =	sld [smem:$0x3FB7];
	_ =	sdelay $0x3  }
0x36: {  	p1 =	seq.s32 s10, $0x1;
	s10 =	sld [smem:$0x3FB8];
	_ =	sdelay $0x3  }
0x37: {  	[smem:$0x3FB8] =	sst s10  }
0x38: {  	s10 =	sld [smem:$0x3FB9]  }
0x39: {  	_ = 	snop;
	(pc) =	sbr.ind lr, $3  }
0x3a: {  	_ = 	snop  }
0x3b: {  	_ = 	snop  }
0x3c: {  	p2 =	seq.s32 s10, $0x1;
	s10 =	sld [smem:$0x3FB8]  }
0x3d: {  	_ =	shalt  }
0x3e: {  	_ =	shalt  }
0x3f: {  	_ =	shalt  }
0x40: {  	_ =	shalt  }
0x41: {  	_ =	shalt  }
0x42: {  	_ =	shalt  }
0x43: {  	_ =	shalt  }
0x44: {  	_ =	shalt  }
0x45: {  	_ =	shalt  }
0x46: {  	_ =	shalt  }
0x47: {  	_ =	shalt  }
0x48: {  	_ =	shalt  }
0x49: {  	_ =	shalt  }
0x4a: {  	_ =	shalt  }
0x4b: {  	_ =	shalt  }
0x4c: {  	_ =	shalt  }
0x4d: {  	_ =	shalt  }
0x4e: {  	_ =	shalt  }
0x4f: {  	_ =	shalt  }
0x50: {  	_ =	shalt  }
0x51: {  	_ =	shalt  }
0x52: {  	_ =	shalt  }
0x53: {  	_ =	shalt  }
0x54: {  	_ =	shalt  }
0x55: {  	_ =	shalt  }
0x56: {  	_ =	shalt  }
0x57: {  	_ =	shalt  }
0x58: {  	_ =	shalt  }
0x59: {  	_ =	shalt  }
0x5a: {  	_ =	shalt  }
0x5b: {  	_ =	shalt  }
0x5c: {  	_ =	shalt  }
0x5d: {  	_ =	shalt  }
0x5e: {  	_ =	shalt  }
0x5f: {  	_ =	shalt  }
0x60: {  	_ =	shalt  }
0x61: {  	_ =	shalt  }
0x62: {  	_ =	shalt  }
0x63: {  	_ =	shalt  }
0x64: {  	_ =	shalt  }
0x65: {  	_ =	shalt  }
0x66: {  	_ =	shalt  }
0x67: {  	_ =	shalt  }
0x68: {  	_ =	shalt  }
0x69: {  	_ =	shalt  }
0x6a: {  	_ =	shalt  }
0x6b: {  	_ =	shalt  }
0x6c: {  	_ =	shalt  }
0x6d: {  	_ =	shalt  }
0x6e: {  	_ =	shalt  }
0x6f: {  	_ =	shalt  }
0x70: {  	_ =	shalt  }
0x71: {  	_ =	shalt  }
0x72: {  	_ =	shalt  }
0x73: {  	_ =	shalt  }
0x74: {  	_ =	shalt  }
0x75: {  	_ =	shalt  }
0x76: {  	_ =	shalt  }
0x77: {  	_ =	shalt  }
0x78: {  	_ =	shalt  }
0x79: {  	_ =	shalt  }
0x7a: {  	_ =	shalt  }
0x7b: {  	_ =	shalt  }
0x7c: {  	_ =	shalt  }
0x7d: {  	_ =	shalt  }
0x7e: {  	_ =	shalt  }
0x7f: {  	_ =	shalt  }
0x80: {  	_ =	shalt  }
0x81: {  	_ =	shalt  }
0x82: {  	_ =	shalt  }
0x83: {  	_ =	shalt  }
0x84: {  	_ =	shalt  }
0x85: {  	_ =	shalt  }
0x86: {  	_ =	shalt  }
0x87: {  	_ =	shalt  }
.Lfunc_end0:
.L_simem_size_0:
called_computation_lowered:
.L_overlay_start_0:
0x88: {  	s2 =	sld [smem:$0x3FD9]  }
0x89: {  	s3 =	sld [smem:$0x3FFE];
	_ =	sdelay $0x1  }
0x8a: {  	s1 =	srdreg.scid  }
0x8b: {  	s0 =	sand.u32 $0x1, s1  }
0x8c: {  	s17 =	sshll.u32 s0, $0xA;
	s2 =	sadd.s32 s3, s2  }
0x8d: {  	s2 =	sadd.s32 s2, s17  }
0x8e: {  	[smem:$0x3FC4] =	sst s2  }
0x8f: {  	_ = 	snop  }
0x90: {  	s2 =	sld [smem:$0x3FC9]  }
0x91: {  	s18 =	sld [smem:$0x3FC8]  }
0x92: {  	s4 =	sld [smem:$0x3FC7]  }
0x93: {  	s5 =	sld [smem:$0x3FD0];
	(tm) =	ssettm $0x1  }
0x94: {  	s6 =	sld [smem:$0x3FFB];
	_ =	sdelay $0x3  }
0x95: {  	_ =	strace s6  }
0x96: {  	s6 =	sld [smem:$0x3FFC];
	_ =	sdelay $0x3  }
0x97: {  	_ =	strace s6  }
0x98: {  	s6 =	sld [smem:$0x3FFD];
	_ =	sdelay $0x3  }
0x99: {  	_ =	strace s6  }
0x9a: {  	_ =	strace $0x8FFFFFFF  }
0x9b: {  	s19 =	sld [smem:$0x3FDB];
	_ =	sdelay $0x1  }
0x9c: {  	s7 =	simm.s32 $_scs_section_size  }
0x9d: {  	s8 =	simm.s32 $_size__tile_overlayer_lowered;
	s9 =	simm.s32 $_tile_overlayer_lowered  }
0x9e: {  	s22 =	simm.s32 $0x1BFF;
	s21 =	sshll.u32 s9, $0x1;
	s6 =	sadd.s32 s7, s19  }
0x9f: {  	s10 =	simm.s32 $0x0;
	s20 =	sshll.u32 s8, $0x1;
	s8 =	sadd.s32 s21, s6  }
0xa0: {  	[timem:s10], [sflag:s22] =	dma.local [hbm:s8], s20  }
0xa1: {  	_ =	swait.ge [sflag:s22], s20  }
0xa2: {  	s7 =	ssub.s32 $0x0, s20;
	[sflag:s22] =	ssyncset.done $0x0  }
0xa3: {  	[sflag:s22] =	ssyncadd.s32 s7;
	_ =	sdelay $0x1  }
0xa4: {  	s23 =	simm.s32 $0x1B8B  }
0xa5: {  	_ =	swait.ge [sflag:s23], $0x1  }
0xa6: {  	[sflag:s23] =	ssyncset.done $0x0  }
0xa7: {  	s25 =	simm.s32 $0x1B8E;
	s24 =	sld [smem:$0x3FFE];
	[sflag:s23] =	ssyncadd.s32 $0xFFFFFFFF  }
0xa8: {  	s26 =	simm.s32 $execute0_lowered;
	[smem:$0x3FD2] =	sst s25  }
0xa9: {  	s8 =	sshll.u32 s26, $0x1;
	_ =	strace $0x80000046;
	[dreg:$0x1] =	wrdreg $0xFFFFFFFF  }
0xaa: {  	s28 =	simm.s32 $_size_execute0_lowered;
	s6 =	sadd.s32 s6, s8;
	[dreg:$0x0] =	wrdreg $0x0  }
0xab: {  	s8 =	sshll.u32 s28, $0x1;
	[dreg:$0x2] =	wrdreg s6  }
0xac: {  	[dreg:$0x3] =	wrdreg s8  }
0xad: {  	[dreg:$0x4] =	wrdreg $0xC0  }
0xae: {  	_ =	task [dreg:s10], $0x5FFFF  }
0xaf: {  	[dreg:$0x1] =	wrdreg $0xFFFFFFFF  }
0xb0: {  	[dreg:$0x0] =	wrdreg $0x60  }
0xb1: {  	[dreg:$0x2] =	wrdreg s2  }
0xb2: {  	[dreg:$0x3] =	wrdreg s18  }
0xb3: {  	[dreg:$0x4] =	wrdreg s4  }
0xb4: {  	[dreg:$0x5] =	wrdreg s24  }
0xb5: {  	[dreg:$0x6] =	wrdreg s5  }
0xb6: {  	[dreg:$0x7] =	wrdreg $0x48000  }
0xb7: {  	[dreg:$0x8] =	wrdreg $0xE4400  }
0xb8: {  	[dreg:$0x9] =	wrdreg $0x9  }
0xb9: {  	_ =	task.clear_ibuf [dreg:s10], $0xAFFFF;
	_ =	strace $0x90000046  }
0xba: {  	s29 =	simm.s32 $0x9;
	_ =	strace $0x80000048  }
0xbb: {  	_ =	swait.ge [sflag:s29], $0x1  }
0xbc: {  	[sflag:s29] =	ssyncadd.s32 $0xFFFFFFFF  }
0xbd: {  	_ =	strace $0x90000048  }
0xbe: {  	_ =	sfence  }
0xbf: {  	s30 =	sld [smem:$0x0];
	_ =	sdelay $0x2  }
0xc0: {  	s31 =	sshll.u32 s1, $0xD;
	s1 =	sshrl.u32 s1, $0x2  }
0xc1: {  	s3 =	sand.u32 $0x4000, s31;
	s1 =	sadd.s32 s1, s30  }
0xc2: {  	s0 =	sor.u32 s3, s0;
	s1 =	sshll.u32 s1, $0x11  }
0xc3: {  	s0 =	sor.u32 s1, s0  }
0xc4: {  	s0 =	sadd.s32 $0x8F2B, s0  }
0xc5: {  	[sflag:s0] =	ssyncadd.remote.s32 $0x1  }
0xc6: {  	_ =	sfence.sel $0xFFFF  }
0xc7: {  	[dreg:$0x0] =	wrdreg $0xFFFFFFFF;
	(pc) =	sbr.abs _section_cstart, $3  }
0xc8: {  	[dreg:$0x1] =	wrdreg $0xFFFFFFFF  }
0xc9: {  	_ =	task.clear_ibuf [dreg:s10], $0x2FFFF;
	_ =	strace $0x9FFFFFFF  }
0xca: {  	(tm) =	ssettm $0x7FFFFFFF  }
0xcb: {  	_ =	shalt  }
tec
execute0_lowered:
.L_overlay_start_1:
0x0: {  	(tag) =	ssettag $0x1  }
0x1: {  	s2 =	srdreg.scid;
	s3 =	stileid.u32  }
0x2: {  	s0 =	rddreg [dreg:$0x0];
	s2 =	sand.u32 $0x1, s2;
	s5 =	sshll.u32 s3, $0x1  }
0x3: {  	s1 =	rddreg [dreg:$0x3];
	s9 =	sor.u32 s2, s5  }
0x4: {  	s8 =	rddreg [dreg:$0x4];
	s7 =	smul.u32 $0x1C00, s9  }
0x5: {  	s4 =	rddreg [dreg:$0x5];
	s6 =	simm.s32 $0x0  }
0x6: {  	[smem:$0x7FF] =	sst s6;
	s10 =	sshll.u32 s3, $0xE;
	s7 =	sshrl.u32 s7, $0x3  }
0x7: {  	s5 =	rddreg [dreg:$0x6];
	s12 =	sshrl.u32 s10, $0x2;
	s1 =	sadd.s32 s7, s1  }
0x8: {  	_ =	strace $0x80000047;
	[dreg:$0x8] =	wrdreg s12;
	s25 =	sadd.s32 $0x400, s1  }
0x9: {  	s11 =	smul.u32 $0xC8000, s9;
	s26 =	sadd.s32 $0x7400, s1;
	[dreg:$0x9] =	wrdreg s25  }
0xa: {  	s9 =	smul.u32 $0x19000, s9;
	s13 =	sadd.s32 $0xE400, s1;
	[dreg:$0xa] =	wrdreg s26  }
0xb: {  	s31 =	sshrl.u32 s11, $0x3;
	s1 =	sadd.s32 $0x15400, s1;
	[dreg:$0xb] =	wrdreg s13  }
0xc: {  	[dreg:$0xc] =	wrdreg s1;
	s1 =	sadd.s32 s8, s31;
	s8 =	sadd.s32 s8, s9  }
0xd: {  	s14 =	sadd.s32 $0x1000, s1;
	[dreg:$0xd] =	wrdreg s8  }
0xe: {  	s15 =	sadd.s32 $0x1800, s1;
	[dreg:$0xe] =	wrdreg s14  }
0xf: {  	s16 =	sadd.s32 $0x2000, s1;
	[dreg:$0xf] =	wrdreg s15  }
0x10: {  	s17 =	sadd.s32 $0x2800, s1;
	[dreg:$0x10] =	wrdreg s16  }
0x11: {  	s18 =	sadd.s32 $0x3000, s1;
	[dreg:$0x11] =	wrdreg s17  }
0x12: {  	s19 =	sadd.s32 $0x3800, s1;
	[dreg:$0x12] =	wrdreg s18  }
0x13: {  	s20 =	sadd.s32 $0x4000, s1;
	[dreg:$0x13] =	wrdreg s19  }
0x14: {  	s21 =	sadd.s32 $0x4800, s1;
	[dreg:$0x14] =	wrdreg s20  }
0x15: {  	s2 =	ssub.s32 $0x2, s2;
	s22 =	sadd.s32 $0x5000, s1;
	[dreg:$0x15] =	wrdreg s21  }
0x16: {  	s24 =	sshrl.u32 s2, $0x1;
	s23 =	sadd.s32 $0x5800, s1;
	[dreg:$0x16] =	wrdreg s22  }
0x17: {  	s2 =	ssub.s32 s2, s24;
	s24 =	sadd.s32 $0x6000, s1;
	[dreg:$0x17] =	wrdreg s23  }
0x18: {  	s25 =	sadd.s32 $0x6800, s1;
	[dreg:$0x18] =	wrdreg s24  }
0x19: {  	s26 =	sadd.s32 $0x7000, s1;
	[dreg:$0x19] =	wrdreg s25  }
0x1a: {  	s31 =	sadd.s32 $0x7800, s1;
	[dreg:$0x1a] =	wrdreg s26  }
0x1b: {  	s9 =	sadd.s32 $0x8000, s1;
	[dreg:$0x1b] =	wrdreg s31  }
0x1c: {  	s10 =	sadd.s32 $0x8800, s1;
	[dreg:$0x1c] =	wrdreg s9  }
0x1d: {  	s11 =	sadd.s32 $0x9000, s1;
	[dreg:$0x1d] =	wrdreg s10  }
0x1e: {  	s13 =	sadd.s32 $0x9800, s1;
	[dreg:$0x1e] =	wrdreg s11  }
0x1f: {  	[dreg:$0x1f] =	wrdreg s13;
	s14 =	sadd.s32 $0xA000, s1  }
0x20: {  	s15 =	sadd.s32 $0xA800, s1;
	[smem:$0x7DD] =	sst s14  }
0x21: {  	s16 =	sadd.s32 $0xB000, s1;
	[smem:$0x7DE] =	sst s15  }
0x22: {  	s17 =	sadd.s32 $0xB800, s1;
	[smem:$0x7DF] =	sst s16  }
0x23: {  	s18 =	sadd.s32 $0xC000, s1;
	[smem:$0x7E0] =	sst s17  }
0x24: {  	s19 =	sadd.s32 $0xC800, s1;
	[smem:$0x7E1] =	sst s18  }
0x25: {  	s20 =	sadd.s32 $0xD000, s1;
	[smem:$0x7E2] =	sst s19  }
0x26: {  	s21 =	sadd.s32 $0xD800, s1;
	[smem:$0x7E3] =	sst s20  }
0x27: {  	s22 =	sadd.s32 $0xE000, s1;
	[smem:$0x7E4] =	sst s21  }
0x28: {  	s23 =	sadd.s32 $0xE800, s1;
	[smem:$0x7E5] =	sst s22  }
0x29: {  	s24 =	sadd.s32 $0xF000, s1;
	[smem:$0x7E6] =	sst s23  }
0x2a: {  	s25 =	sadd.s32 $0xF800, s1;
	[smem:$0x7E7] =	sst s24  }
0x2b: {  	s26 =	sadd.s32 $0x10000, s1;
	[smem:$0x7E8] =	sst s25  }
0x2c: {  	s31 =	sadd.s32 $0x10800, s1;
	[smem:$0x7E9] =	sst s26  }
0x2d: {  	s9 =	sadd.s32 $0x11000, s1;
	[smem:$0x7EA] =	sst s31  }
0x2e: {  	s10 =	sadd.s32 $0x11800, s1;
	[smem:$0x7EB] =	sst s9  }
0x2f: {  	s11 =	sadd.s32 $0x12000, s1;
	[smem:$0x7EC] =	sst s10  }
0x30: {  	s13 =	sadd.s32 $0x12800, s1;
	[smem:$0x7ED] =	sst s11  }
0x31: {  	[smem:$0x7EE] =	sst s13;
	s14 =	sadd.s32 $0x13000, s1  }
0x32: {  	s15 =	sadd.s32 $0x13800, s1;
	[smem:$0x7EF] =	sst s14  }
0x33: {  	s16 =	sadd.s32 $0x14000, s1;
	[smem:$0x7F0] =	sst s15  }
0x34: {  	s17 =	sadd.s32 $0x14800, s1;
	[smem:$0x7F1] =	sst s16  }
0x35: {  	s18 =	sadd.s32 $0x15000, s1;
	[smem:$0x7F2] =	sst s17  }
0x36: {  	s19 =	sadd.s32 $0x15800, s1;
	[smem:$0x7F3] =	sst s18  }
0x37: {  	s20 =	sadd.s32 $0x16000, s1;
	[smem:$0x7F4] =	sst s19  }
0x38: {  	s21 =	sadd.s32 $0x16800, s1;
	[smem:$0x7F5] =	sst s20  }
0x39: {  	s28 =	simm.s32 $0x6;
	s22 =	sadd.s32 $0x17000, s1;
	[smem:$0x7F6] =	sst s21  }
0x3a: {  	s29 =	simm.s32 $0x9;
	s23 =	sadd.s32 $0x17800, s1;
	[smem:$0x7F7] =	sst s22  }
0x3b: {  	s30 =	simm.s32 $0x0;
	s24 =	sadd.s32 $0x18000, s1;
	[smem:$0x7F8] =	sst s23  }
0x3c: {  	p0 =	sne.s32 s3, $0x0;
	s1 =	sadd.s32 $0x18800, s1;
	[smem:$0x7F9] =	sst s24  }
0x3d: {  	s7 =	sshll.u32 s3, $0x5;
	s25 =	smax.u32 s2, $0x1;
	[smem:$0x7FA] =	sst s1  }
0x3e: {  	s26 =	sadd.s32 s12, s5;
	s31 =	sadd.s32 $0x800, s8;
	[smem:$0x7FB] =	sst s25  }
0x3f: {  	s9 =	simm.s32 $0x1B440;
	s8 =	simm.s32 $0xF440;
	[smem:$0x7FC] =	sst s26  }
0x40: {  	s13 =	simm.s32 $0x8;
	[smem:$0x7FD] =	sst s31;
	s18 =	simm.s32 $0xA  }
0x41: {  	s19 =	simm.s32 $0x80;
	s20 =	simm.s32 $0x13440;
	s21 =	simm.s32 $0x1  }
0x42: {  	s17 =	simm.s32 $0x17440;
	s22 =	simm.s32 $0x2;
	s23 =	simm.s32 $0x4  }
0x43: {  	v0 =	vlaneseq.u32;
	v1 =	vimm.f32 $0.0e+00;
	s24 =	simm.s32 $0x7;
	s25 =	simm.s32 $0x3;
	s26 =	simm.s32 $0x5  }
.LBB2_1:
0x44: {  	s1 =	sshrl.u32 @!p0 s4, $0x3;
	s2 =	simm.s32 @!p0 $0x1C0A  }
0x45: {  	[spmem:s1], [sflag:s2] =	dma.local @!p0 [hbm:s0], $0x13880  }
0x46: {  	s1 =	simm.s32 @!p0 $0xA  }
0x47: {  	_ =	swait.ge @!p0 [sflag:s1], $0x13880  }
0x48: {  	[sflag:s1] =	ssyncset.done @!p0 $0x0  }
0x49: {  	[sflag:s1] =	ssyncadd.s32 @!p0 $0xFFFEC780  }
0x4a: {  	s14 =	sadd.s32 $0x0, s7;
	s12 =	rddreg [dreg:$0x1]  }
0x4b: {  	[tilespmem:s9], [sflag:$0xA] =	stream.linear.gather [hbm4b:s12+s6], $0x400, $0x38;
	[tilespmem:$0x1FF40] =	vst v63  }
0x4c: {  	s15 =	smulhi.u32 $0x51EB851F, s14;
	_ =	swait.ge [sflag:s18], $0x400  }
0x4d: {  	[sflag:s18] =	ssyncset.done $0x0  }
0x4e: {  	s10 =	smulhi.u32 $0x51EB851F, s7;
	s2 =	sshrl.u32 s15, $0x3;
	[sflag:s18] =	ssyncadd.s32 $0xFFFFFC00  }
0x4f: {  	s3 =	simm.s32 $0x1B840;
	s9 =	smulhi.u32 $0x33333334, s2;
	s16 =	rddreg [dreg:$0x2]  }
0x50: {  	[tilespmem:s3], [sflag:$0xA] =	stream.linear.gather [hbm4b:s16+s6], $0x1000, $0x38;
	[tilespmem:$0x1FF40] =	vst v63  }
0x51: {  	s3 =	smul.u32 $0x5, s9  }
0x52: {  	s9 =	sshrl.u32 s10, $0x3;
	_ =	swait.ge [sflag:s18], $0x1000  }
0x53: {  	s9 =	smul.u32 $0xFFFFCE00, s9;
	[sflag:s18] =	ssyncset.done $0x0;
	s2 =	ssub.s32 s2, s3  }
0x54: {  	s11 =	rddreg [dreg:$0x8];
	[sflag:s18] =	ssyncadd.s32 $0xFFFFF000;
	s2 =	sshll.u32 s2, $0x7  }
0x55: {  	s31 =	sadd.s32 $0x1B840, s11;
	s12 =	sshra.s32 s9, $0x2;
	s10 =	sor.u32 $0x1B440, s2  }
0x56: {  	s9 =	sadd.s32 s12, s31;
	v2 =	vld [tilespmem:s10+$0x0]  }
0x57: {  	v3 =	vld [tilespmem:s9+$0x0]  }
0x58: {  	s1 =	smulhi.u32 $0x10624DD3, s14;
	_ =	sdelay $0x1  }
0x59: {  	s1 =	sshrl.u32 s1, $0x3  }
0x5a: {  	v4 =	vmov s1  }
0x5b: {  	vm0 =	veq.s32 v4, v0;
	v2 =	vadd.f32 v3, v2  }
0x5c: {  	v3 =	vsel vm0, $0x3F800000, v1  }
0x5d: {  	v2 =	vadd.f32 v2, v3  }
0x5e: {  	s1 =	simm.s32 $0x3840  }
0x5f: {  	s14 =	sor.u32 $0x1B450, s2;
	[tilespmem:s1+$0xFFFFFFC0] =	vst v2  }
0x60: {  	v2 =	vld [tilespmem:s14+$0x0]  }
0x61: {  	v3 =	vld [tilespmem:s9+$0x10];
	_ =	sdelay $0x4  }
0x62: {  	v2 =	vadd.f32 v3, v2;
	_ =	sdelay $0x1  }
0x63: {  	s15 =	sor.u32 $0x1B460, s2;
	[tilespmem:s1+$0xFFFFFFD0] =	vst v2  }
0x64: {  	v2 =	vld [tilespmem:s15+$0x0]  }
0x65: {  	v3 =	vld [tilespmem:s9+$0x20];
	_ =	sdelay $0x4  }
0x66: {  	v2 =	vadd.f32 v3, v2;
	_ =	sdelay $0x1  }
0x67: {  	s16 =	sor.u32 $0x1B470, s2;
	[tilespmem:s1+$0xFFFFFFE0] =	vst v2  }
0x68: {  	v2 =	vld [tilespmem:s16+$0x0]  }
0x69: {  	v3 =	vld [tilespmem:s9+$0x30];
	_ =	sdelay $0x4  }
0x6a: {  	v2 =	vadd.f32 v3, v2;
	_ =	sdelay $0x1  }
0x6b: {  	[tilespmem:s1+$0xFFFFFFF0] =	vst v2  }
0x6c: {  	v2 =	vld [tilespmem:s2+$0x1B480]  }
0x6d: {  	v3 =	vld [tilespmem:s9+$0x40];
	_ =	sdelay $0x4  }
0x6e: {  	v2 =	vadd.f32 v3, v2;
	_ =	sdelay $0x1  }
0x6f: {  	[tilespmem:s1+$0x0] =	vst v2  }
0x70: {  	v2 =	vld [tilespmem:s2+$0x1B490]  }
0x71: {  	v3 =	vld [tilespmem:s9+$0x50];
	_ =	sdelay $0x4  }
0x72: {  	v2 =	vadd.f32 v3, v2;
	_ =	sdelay $0x1  }
0x73: {  	[tilespmem:s1+$0x10] =	vst v2  }
0x74: {  	v2 =	vld [tilespmem:s2+$0x1B4A0]  }
0x75: {  	v3 =	vld [tilespmem:s9+$0x60];
	_ =	sdelay $0x3  }
0x76: {  	s3 =	simm.s32 $0x38C0;
	s12 =	sadd.s32 $0x1, s7  }
0x77: {  	s11 =	simm.s32 $0x2;
	s10 =	sadd.s32 $0x1, s7;
	s14 =	smulhi.u32 $0x51EB851F, s12;
	v2 =	vadd.f32 v3, v2  }
.LBB2_2:
0x78: {  	s16 =	smulhi.u32 $0x10624DD3, s12  }
0x79: {  	s31 =	sadd.s32 $0x80, s31;
	s12 =	smov.u32 s11;
	s15 =	sadd.s32 $0x1, s11  }
0x7a: {  	p1 =	sne.s32 s11, $0x1F;
	s11 =	smulhi.u32 $0x51EB851F, s10;
	s14 =	sshrl.u32 s14, $0x3;
	[tilespmem:s1+$0x20] =	vst v2  }
0x7b: {  	s16 =	sshrl.u32 s16, $0x3;
	s0 =	smulhi.u32 $0x33333334, s14;
	v2 =	vld [tilespmem:s2+$0x1B4B0]  }
0x7c: {  	s2 =	sshrl.u32 s11, $0x3;
	v3 =	vmov s16;
	v4 =	vld [tilespmem:s9+$0x70]  }
0x7d: {  	s0 =	smul.u32 $0x5, s0;
	vm0 =	veq.s32 v3, v0  }
0x7e: {  	s2 =	smul.u32 $0xFFFFCE00, s2  }
0x7f: {  	s0 =	ssub.s32 s14, s0  }
0x80: {  	s9 =	sshra.s32 s2, $0x2;
	s2 =	sshll.u32 s0, $0x7  }
0x81: {  	s9 =	sadd.s32 s9, s31;
	s0 =	sor.u32 $0x1B440, s2;
	v2 =	vadd.f32 v4, v2;
	_ =	sdelay $0x1  }
0x82: {  	[tilespmem:s1+$0x30] =	vst v2;
	s1 =	smov.u32 s3  }
0x83: {  	v2 =	vld [tilespmem:s0+$0x0]  }
0x84: {  	v3 =	vld [tilespmem:s9+$0x0];
	_ =	sdelay $0x2  }
0x85: {  	v4 =	vsel vm0, $0x3F800000, v1;
	_ =	sdelay $0x1  }
0x86: {  	v2 =	vadd.f32 v3, v2  }
0x87: {  	s0 =	sor.u32 $0x1B450, s2  }
0x88: {  	v2 =	vadd.f32 v2, v4;
	_ =	sdelay $0x1  }
0x89: {  	[tilespmem:s3+$0xFFFFFFC0] =	vst v2  }
0x8a: {  	v2 =	vld [tilespmem:s0+$0x0]  }
0x8b: {  	v3 =	vld [tilespmem:s9+$0x10];
	_ =	sdelay $0x3  }
0x8c: {  	s0 =	sor.u32 $0x1B460, s2  }
0x8d: {  	v2 =	vadd.f32 v3, v2;
	_ =	sdelay $0x1  }
0x8e: {  	[tilespmem:s3+$0xFFFFFFD0] =	vst v2  }
0x8f: {  	v2 =	vld [tilespmem:s0+$0x0]  }
0x90: {  	v3 =	vld [tilespmem:s9+$0x20];
	_ =	sdelay $0x3  }
0x91: {  	s0 =	sor.u32 $0x1B470, s2  }
0x92: {  	v2 =	vadd.f32 v3, v2;
	_ =	sdelay $0x1  }
0x93: {  	[tilespmem:s3+$0xFFFFFFE0] =	vst v2  }
0x94: {  	v2 =	vld [tilespmem:s0+$0x0]  }
0x95: {  	v3 =	vld [tilespmem:s9+$0x30];
	_ =	sdelay $0x4  }
0x96: {  	v2 =	vadd.f32 v3, v2;
	_ =	sdelay $0x1  }
0x97: {  	[tilespmem:s3+$0xFFFFFFF0] =	vst v2  }
0x98: {  	v2 =	vld [tilespmem:s2+$0x1B480]  }
0x99: {  	v3 =	vld [tilespmem:s9+$0x40];
	_ =	sdelay $0x4  }
0x9a: {  	v2 =	vadd.f32 v3, v2;
	_ =	sdelay $0x1  }
0x9b: {  	[tilespmem:s3+$0x0] =	vst v2  }
0x9c: {  	v2 =	vld [tilespmem:s2+$0x1B490]  }
0x9d: {  	v3 =	vld [tilespmem:s9+$0x50];
	_ =	sdelay $0x4  }
0x9e: {  	v2 =	vadd.f32 v3, v2;
	_ =	sdelay $0x1  }
0x9f: {  	[tilespmem:s3+$0x10] =	vst v2  }
0xa0: {  	v2 =	vld [tilespmem:s2+$0x1B4A0]  }
0xa1: {  	v3 =	vld [tilespmem:s9+$0x60]  }
.Ltmp0:
0xa2: {  	(pc) =	sbr.rel @p1 .LBB2_2-.Ltmp0, $3  }
0xa3: {  	_ =	sdelay $0x1  }
0xa4: {  	s10 =	sadd.s32 $0x1, s10;
	s12 =	sadd.s32 s12, s7  }
0xa5: {  	s11 =	smov.u32 s15;
	s14 =	smulhi.u32 $0x51EB851F, s12;
	s3 =	sadd.s32 $0x80, s3;
	v2 =	vadd.f32 v3, v2  }
0xa6: {  	_ = 	snop  }
0xa7: {  	[tilespmem:s1+$0x20] =	vst v2  }
0xa8: {  	v2 =	vld [tilespmem:s2+$0x1B4B0]  }
0xa9: {  	s0 =	sshrl.u32 s14, $0x3;
	v3 =	vld [tilespmem:s9+$0x70]  }
0xaa: {  	s14 =	smulhi.u32 $0x33333334, s0  }
0xab: {  	s15 =	smulhi.u32 $0x51EB851F, s10  }
0xac: {  	s2 =	smul.u32 $0x5, s14  }
0xad: {  	s9 =	sshrl.u32 s15, $0x3  }
0xae: {  	s9 =	smul.u32 $0xFFFFCE00, s9;
	s0 =	ssub.s32 s0, s2;
	v2 =	vadd.f32 v3, v2  }
0xaf: {  	s0 =	sshll.u32 s0, $0x7  }
0xb0: {  	s16 =	sadd.s32 $0x80, s31;
	s9 =	sshra.s32 s9, $0x2;
	s31 =	sor.u32 $0x1B440, s0;
	[tilespmem:s1+$0x30] =	vst v2  }
0xb1: {  	s11 =	sadd.s32 s9, s16;
	v2 =	vld [tilespmem:s31+$0x0]  }
0xb2: {  	v3 =	vld [tilespmem:s11+$0x0]  }
0xb3: {  	s14 =	smulhi.u32 $0x10624DD3, s12;
	_ =	sdelay $0x1  }
0xb4: {  	s2 =	sshrl.u32 s14, $0x3  }
0xb5: {  	v4 =	vmov s2  }
0xb6: {  	vm0 =	veq.s32 v4, v0;
	v2 =	vadd.f32 v3, v2  }
0xb7: {  	v3 =	vsel vm0, $0x3F800000, v1  }
0xb8: {  	v2 =	vadd.f32 v2, v3;
	_ =	sdelay $0x1  }
0xb9: {  	s15 =	sor.u32 $0x1B450, s0;
	[tilespmem:s3+$0xFFFFFFC0] =	vst v2  }
0xba: {  	v2 =	vld [tilespmem:s15+$0x0]  }
0xbb: {  	v3 =	vld [tilespmem:s11+$0x10];
	_ =	sdelay $0x4  }
0xbc: {  	v2 =	vadd.f32 v3, v2;
	_ =	sdelay $0x1  }
0xbd: {  	s16 =	sor.u32 $0x1B460, s0;
	[tilespmem:s3+$0xFFFFFFD0] =	vst v2  }
0xbe: {  	v2 =	vld [tilespmem:s16+$0x0]  }
0xbf: {  	v3 =	vld [tilespmem:s11+$0x20];
	_ =	sdelay $0x4  }
0xc0: {  	v2 =	vadd.f32 v3, v2;
	_ =	sdelay $0x1  }
0xc1: {  	s31 =	sor.u32 $0x1B470, s0;
	[tilespmem:s3+$0xFFFFFFE0] =	vst v2  }
0xc2: {  	v2 =	vld [tilespmem:s31+$0x0]  }
0xc3: {  	v3 =	vld [tilespmem:s11+$0x30];
	_ =	sdelay $0x4  }
0xc4: {  	v2 =	vadd.f32 v3, v2;
	_ =	sdelay $0x1  }
0xc5: {  	[tilespmem:s3+$0xFFFFFFF0] =	vst v2  }
0xc6: {  	v2 =	vld [tilespmem:s0+$0x1B480]  }
0xc7: {  	v3 =	vld [tilespmem:s11+$0x40];
	_ =	sdelay $0x4  }
0xc8: {  	v2 =	vadd.f32 v3, v2;
	_ =	sdelay $0x1  }
0xc9: {  	[tilespmem:s3+$0x0] =	vst v2  }
0xca: {  	v2 =	vld [tilespmem:s0+$0x1B490]  }
0xcb: {  	v3 =	vld [tilespmem:s11+$0x50];
	_ =	sdelay $0x4  }
0xcc: {  	v2 =	vadd.f32 v3, v2;
	_ =	sdelay $0x1  }
0xcd: {  	[tilespmem:s3+$0x10] =	vst v2  }
0xce: {  	v2 =	vld [tilespmem:s0+$0x1B4A0]  }
0xcf: {  	v3 =	vld [tilespmem:s11+$0x60];
	_ =	sdelay $0x4  }
0xd0: {  	v2 =	vadd.f32 v3, v2;
	_ =	sdelay $0x1  }
0xd1: {  	[tilespmem:s3+$0x20] =	vst v2  }
0xd2: {  	v2 =	vld [tilespmem:s0+$0x1B4B0]  }
0xd3: {  	v3 =	vld [tilespmem:s11+$0x70];
	_ =	sdelay $0x4  }
0xd4: {  	v2 =	vadd.f32 v3, v2;
	_ =	sdelay $0x1  }
0xd5: {  	[tilespmem:s3+$0x30] =	vst v2;
	s3 =	sld [smem:$0x7FC];
	_ =	sdelay $0x1  }
0xd6: {  	s9 =	simm.s32 $0x3800  }
0xd7: {  	[spmem:s3] =	stream.linear.scatter [tilespmem:s9], [sflag:$0xA], $0x1000, $0x38;
	[tilespmem:$0x1FF40] =	vst v63  }
0xd8: {  	_ =	swait.ge [sflag:s18], $0x1000  }
0xd9: {  	[sflag:s18] =	ssyncset.done $0x0  }
0xda: {  	s10 =	simm.s32 $0x0;
	s11 =	rddreg [dreg:$0x9];
	[sflag:s18] =	ssyncadd.s32 $0xFFFFF000  }
0xdb: {  	[tilespmem:s10], [sflag:$0xA] =	stream.linear.gather [hbm4b:s11+s10], $0x1900, $0x38;
	[tilespmem:$0x1FF40] =	vst v63  }
0xdc: {  	_ =	swait.ge [sflag:s18], $0x1900  }
0xdd: {  	[sflag:s18] =	ssyncset.done $0x0  }
0xde: {  	s9 =	simm.s32 $0x1B440;
	s12 =	rddreg [dreg:$0xa];
	[sflag:s18] =	ssyncadd.s32 $0xFFFFE700  }
0xdf: {  	[tilespmem:s9], [sflag:$0xA] =	stream.linear.gather [hbm4b:s12+s10], $0x1900, $0x38;
	[tilespmem:$0x1FF40] =	vst v63  }
0xe0: {  	_ =	swait.ge [sflag:s18], $0x1900  }
0xe1: {  	[sflag:s18] =	ssyncset.done $0x0  }
0xe2: {  	s15 =	simm.s32 $0x1CD40;
	s14 =	rddreg [dreg:$0xb];
	[sflag:s18] =	ssyncadd.s32 $0xFFFFE700  }
0xe3: {  	[tilespmem:s15], [sflag:$0xA] =	stream.linear.gather [hbm4b:s14+s10], $0x1900, $0x38;
	[tilespmem:$0x1FF40] =	vst v63  }
0xe4: {  	_ =	swait.ge [sflag:s18], $0x1900  }
0xe5: {  	[sflag:s18] =	ssyncset.done $0x0  }
0xe6: {  	s31 =	simm.s32 $0x1E640;
	s16 =	rddreg [dreg:$0xc];
	[sflag:s18] =	ssyncadd.s32 $0xFFFFE700  }
0xe7: {  	[tilespmem:s31], [sflag:$0xA] =	stream.linear.gather [hbm4b:s16+s10], $0x1900, $0x38;
	[tilespmem:$0x1FF40] =	vst v63  }
0xe8: {  	_ =	swait.ge [sflag:s18], $0x1900  }
0xe9: {  	[sflag:s18] =	ssyncset.done $0x0  }
0xea: {  	s1 =	simm.s32 $0x0;
	[sflag:s18] =	ssyncadd.s32 $0xFFFFE700  }
0xeb: {  	v2 =	vld [tilespmem:s1+$0x1B4B0]  }
0xec: {  	v3 =	vld [tilespmem:s1+$0x1CDB0]  }
0xed: {  	v4 =	vld [tilespmem:s1+$0x1B440]  }
0xee: {  	v5 =	vld [tilespmem:s1+$0x1CD40]  }
0xef: {  	v6 =	vld [tilespmem:s1+$0x1E6B0]  }
0xf0: {  	v7 =	vld [tilespmem:s1+$0x1B450]  }
0xf1: {  	v8 =	vld [tilespmem:s1+$0x1CD50]  }
0xf2: {  	v9 =	vld [tilespmem:s1+$0x1B460]  }
0xf3: {  	v10 =	vld [tilespmem:s1+$0x1CD60]  }
0xf4: {  	v11 =	vld [tilespmem:s1+$0x1B470]  }
0xf5: {  	v12 =	vld [tilespmem:s1+$0x1B480]  }
0xf6: {  	v13 =	vld [tilespmem:s1+$0x1CD80]  }
0xf7: {  	v14 =	vld [tilespmem:s1+$0x1B490]  }
0xf8: {  	v15 =	vld [tilespmem:s1+$0x1CD90];
	v2 =	vmul.u32 $0x7D, v2;
	v3 =	vmul.u32 $0x19, v3  }
0xf9: {  	v16 =	vld [tilespmem:s1+$0x1B4A0]  }
0xfa: {  	v17 =	vld [tilespmem:s1+$0x1CDA0];
	v2 =	vadd.s32 v2, v3  }
0xfb: {  	v2 =	vadd.s32 v6, v2;
	v6 =	vld [tilespmem:s1+$0x1CD70]  }
0xfc: {  	v18 =	vld [tilespmem:s1+$0x1E640];
	v3 =	vmul.u32 $0x7D, v4;
	v4 =	vmul.u32 $0x19, v5;
	v5 =	vmul.u32 $0x7D, v7  }
0xfd: {  	v19 =	vld [tilespmem:s1+$0x1E650];
	v7 =	vmul.u32 $0x19, v8;
	v8 =	vmul.u32 $0x7D, v9;
	v9 =	vmul.u32 $0x19, v10  }
0xfe: {  	v20 =	vld [tilespmem:s1+$0x1E660];
	v60 =	vmul.u32 $0x19, v15;
	v61 =	vmul.u32 $0x7D, v16;
	v10 =	vmul.u32 $0x19, v13  }
0xff: {  	[tilespmem:s1+$0x1C70] =	vst v2;
	v2 =	vld [tilespmem:s1+$0x1E670];
	v4 =	vadd.s32 v3, v4;
	v5 =	vadd.s32 v5, v7;
	v21 =	vadd.s32 v8, v9  }
0x100: {  	v3 =	vld [tilespmem:s1+$0x1E680];
	v7 =	vmul.u32 $0x7D, v11;
	v9 =	vmul.u32 $0x7D, v12;
	v6 =	vmul.u32 $0x19, v6  }
0x101: {  	v62 =	vmul.u32 $0x19, v17;
	v11 =	vmul.u32 $0x7D, v14;
	v8 =	vadd.s32 v18, v4;
	v4 =	vld [tilespmem:s1+$0x1E690]  }
0x102: {  	s2 =	simm.s32 $0x80;
	v63 =	vadd.s32 v19, v5;
	[tilespmem:s1+$0x1C00] =	vst v8;
	v8 =	vld [tilespmem:s1+$0x1E6A0];
	v6 =	vadd.s32 v7, v6;
	v7 =	vadd.s32 v9, v10  }
0x103: {  	s3 =	simm.s32 $0x400;
	v5 =	vld [tilespmem:s2+$0x1B4B0];
	[tilespmem:s1+$0x1C10] =	vst v63;
	v9 =	vadd.s32 v11, v60;
	v10 =	vadd.s32 v61, v62;
	v11 =	vadd.s32 v20, v21  }
.LBB2_4:
0x104: {  	p1 =	sne.s32 s3, $0x6200;
	v12 =	vld [tilespmem:s2+$0x1CDB0];
	[tilespmem:s1+$0x1C20] =	vst v11;
	v2 =	vadd.s32 v2, v6  }
0x105: {  	v6 =	vld [tilespmem:s2+$0x1B440];
	[tilespmem:s1+$0x1C30] =	vst v2;
	v2 =	vadd.s32 v3, v7  }
0x106: {  	v3 =	vld [tilespmem:s2+$0x1CD40];
	[tilespmem:s1+$0x1C40] =	vst v2;
	v2 =	vadd.s32 v4, v9  }
0x107: {  	v4 =	vld [tilespmem:s2+$0x1E6B0];
	[tilespmem:s1+$0x1C50] =	vst v2;
	v2 =	vadd.s32 v8, v10  }
0x108: {  	v7 =	vld [tilespmem:s2+$0x1B450];
	[tilespmem:s1+$0x1C60] =	vst v2;
	s1 =	smov.u32 s2  }
0x109: {  	v5 =	vmul.u32 $0x7D, v5;
	v2 =	vld [tilespmem:s1+$0x1CD50];
	v8 =	vmul.u32 $0x19, v12  }
0x10a: {  	v6 =	vmul.u32 $0x7D, v6;
	v9 =	vld [tilespmem:s1+$0x1B460]  }
0x10b: {  	v3 =	vmul.u32 $0x19, v3;
	v10 =	vld [tilespmem:s1+$0x1CD60];
	v5 =	vadd.s32 v5, v8  }
0x10c: {  	v8 =	vld [tilespmem:s1+$0x1B470];
	v4 =	vadd.s32 v4, v5  }
0x10d: {  	v5 =	vadd.s32 v6, v3;
	v3 =	vmul.u32 $0x7D, v7;
	v6 =	vld [tilespmem:s1+$0x1CD70];
	[tilespmem:s1+$0x1C70] =	vst v4  }
0x10e: {  	v2 =	vmul.u32 $0x19, v2;
	v4 =	vld [tilespmem:s1+$0x1B480]  }
0x10f: {  	v7 =	vmul.u32 $0x7D, v9;
	v9 =	vld [tilespmem:s1+$0x1CD80]  }
0x110: {  	v11 =	vadd.s32 v3, v2;
	v2 =	vmul.u32 $0x19, v10;
	v3 =	vld [tilespmem:s1+$0x1B490]  }
0x111: {  	v8 =	vmul.u32 $0x7D, v8;
	v10 =	vld [tilespmem:s1+$0x1CD90]  }
0x112: {  	v12 =	vadd.s32 v7, v2;
	v2 =	vmul.u32 $0x19, v6;
	v13 =	vld [tilespmem:s1+$0x1B4A0]  }
0x113: {  	v4 =	vmul.u32 $0x7D, v4;
	v14 =	vld [tilespmem:s1+$0x1CDA0]  }
0x114: {  	v15 =	vld [tilespmem:s1+$0x1E640];
	v6 =	vadd.s32 v8, v2;
	v2 =	vmul.u32 $0x19, v9  }
0x115: {  	v8 =	vld [tilespmem:s1+$0x1E650];
	v9 =	vmul.u32 $0x7D, v3  }
0x116: {  	v16 =	vld [tilespmem:s1+$0x1E660];
	v7 =	vadd.s32 v4, v2;
	v4 =	vmul.u32 $0x19, v10  }
.Ltmp1:
0x117: {  	v2 =	vld [tilespmem:s1+$0x1E670];
	v10 =	vmul.u32 $0x7D, v13;
	(pc) =	sbr.rel @p1 .LBB2_4-.Ltmp1, $4  }
0x118: {  	v3 =	vld [tilespmem:s1+$0x1E680];
	v9 =	vadd.s32 v9, v4;
	v13 =	vmul.u32 $0x19, v14  }
0x119: {  	v5 =	vadd.s32 v15, v5;
	v4 =	vld [tilespmem:s1+$0x1E690]  }
0x11a: {  	s2 =	sshra.s32 s3, $0x2;
	[tilespmem:s1+$0x1C00] =	vst v5;
	v11 =	vadd.s32 v8, v11;
	v10 =	vadd.s32 v10, v13;
	v8 =	vld [tilespmem:s1+$0x1E6A0]  }
0x11b: {  	s3 =	sadd.s32 $0x200, s3;
	v5 =	vld [tilespmem:s2+$0x1B4B0];
	[tilespmem:s1+$0x1C10] =	vst v11;
	v11 =	vadd.s32 v16, v12  }
0x11c: {  	v12 =	vld [tilespmem:s2+$0x1CDB0];
	[tilespmem:s1+$0x1C20] =	vst v11;
	v2 =	vadd.s32 v2, v6  }
0x11d: {  	v44 =	vld [tilespmem:s2+$0x1B440];
	[tilespmem:s1+$0x1C30] =	vst v2;
	v2 =	vadd.s32 v3, v7  }
0x11e: {  	v3 =	vld [tilespmem:s2+$0x1CD40];
	[tilespmem:s1+$0x1C40] =	vst v2;
	v2 =	vadd.s32 v4, v9  }
0x11f: {  	v45 =	vld [tilespmem:s2+$0x1E6B0];
	[tilespmem:s1+$0x1C50] =	vst v2;
	v2 =	vadd.s32 v8, v10  }
0x120: {  	v46 =	vld [tilespmem:s2+$0x1B450];
	[tilespmem:s1+$0x1C60] =	vst v2  }
0x121: {  	v2 =	vld [tilespmem:s2+$0x1CD50]  }
0x122: {  	v48 =	vld [tilespmem:s2+$0x1B460]  }
0x123: {  	v49 =	vld [tilespmem:s2+$0x1CD60]  }
0x124: {  	v50 =	vld [tilespmem:s2+$0x1B470]  }
0x125: {  	v51 =	vld [tilespmem:s2+$0x1CD70]  }
0x126: {  	v52 =	vld [tilespmem:s2+$0x1B480]  }
0x127: {  	v11 =	vld [tilespmem:s2+$0x1CD80]  }
0x128: {  	v53 =	vld [tilespmem:s2+$0x1B490]  }
0x129: {  	v13 =	vld [tilespmem:s2+$0x1CD90]  }
0x12a: {  	v5 =	vmul.u32 $0x7D, v5;
	v47 =	vmul.u32 $0x19, v12;
	v14 =	vld [tilespmem:s2+$0x1B4A0]  }
0x12b: {  	v16 =	vld [tilespmem:s2+$0x1E640]  }
0x12c: {  	v15 =	vld [tilespmem:s2+$0x1CDA0];
	v6 =	vmul.u32 $0x7D, v44;
	v5 =	vadd.s32 v5, v47;
	v3 =	vmul.u32 $0x19, v3  }
0x12d: {  	v17 =	vld [tilespmem:s2+$0x1E650];
	v4 =	vadd.s32 v45, v5  }
0x12e: {  	v18 =	vld [tilespmem:s2+$0x1E660];
	v7 =	vmul.u32 $0x7D, v46;
	v3 =	vadd.s32 v6, v3;
	v2 =	vmul.u32 $0x19, v2  }
0x12f: {  	v54 =	vld [tilespmem:s2+$0x1E670];
	v9 =	vmul.u32 $0x7D, v48;
	v55 =	vmul.u32 $0x19, v49;
	v8 =	vmul.u32 $0x7D, v50  }
0x130: {  	v56 =	vld [tilespmem:s2+$0x1E680];
	v5 =	vmul.u32 $0x19, v51;
	v3 =	vadd.s32 v16, v3;
	v58 =	vmul.u32 $0x19, v11  }
0x131: {  	v57 =	vld [tilespmem:s2+$0x1E690];
	[tilespmem:s2+$0x1C70] =	vst v4;
	v59 =	vmul.u32 $0x7D, v53;
	v61 =	vmul.u32 $0x19, v13;
	v2 =	vadd.s32 v7, v2  }
0x132: {  	v60 =	vld [tilespmem:s2+$0x1E6A0];
	[tilespmem:s2+$0x1C00] =	vst v3;
	v3 =	vmul.u32 $0x7D, v52;
	v7 =	vadd.s32 v9, v55;
	v2 =	vadd.s32 v17, v2  }
0x133: {  	v62 =	vmul.u32 $0x7D, v14;
	v5 =	vadd.s32 v8, v5;
	[tilespmem:s2+$0x1C10] =	vst v2;
	v2 =	vadd.s32 v18, v7  }
0x134: {  	v63 =	vmul.u32 $0x19, v15;
	v3 =	vadd.s32 v3, v58;
	[tilespmem:s2+$0x1C20] =	vst v2;
	v2 =	vadd.s32 v54, v5  }
0x135: {  	v4 =	vadd.s32 v59, v61;
	[tilespmem:s2+$0x1C30] =	vst v2;
	v2 =	vadd.s32 v56, v3  }
0x136: {  	v3 =	vadd.s32 v62, v63;
	[tilespmem:s2+$0x1C40] =	vst v2;
	v2 =	vadd.s32 v57, v4  }
0x137: {  	[tilespmem:s2+$0x1C50] =	vst v2;
	v2 =	vadd.s32 v60, v3  }
0x138: {  	[tilespmem:s2+$0x1C60] =	vst v2  }
0x139: {  	[bflag:$0x0] =	sbarrier.arrive $0xFFFF  }
0x13a: {  	[tilespmem:s8], [sflag:$0x1] =	stream.indirect.gather [spmem:s4], $0x80, s6, s19, $0xb8;
	[tilespmem:$0x1FF40] =	vst v63  }
0x13b: {  	_ = 	snop  }
0x13c: {  	[tilespmem:s20], [sflag:$0x2] =	stream.indirect.gather [spmem:s4], $0x80, s19, s19, $0xb8;
	[tilespmem:$0x1FF40] =	vst v63  }
0x13d: {  	_ =	swait.ge [sflag:s21], $0x4000  }
0x13e: {  	[sflag:s21] =	ssyncset.done $0x0  }
0x13f: {  	s0 =	simm.s32 $0x1C00;
	[sflag:s21] =	ssyncadd.s32 $0xFFFFC000  }
0x140: {  	[tilespmem:s8], [sflag:$0x4] =	stream.indirect.gather.add.f32 [spmem:s5], $0x80, s0, s19, $0xb8;
	[tilespmem:$0x1FF40] =	vst v63  }
0x141: {  	s14 =	simm.s32 $0x100  }
0x142: {  	[tilespmem:s17], [sflag:$0x3] =	stream.indirect.gather [spmem:s4], $0x80, s14, s19, $0xb8;
	[tilespmem:$0x1FF40] =	vst v63  }
0x143: {  	_ =	swait.ge [sflag:s22], $0x4000  }
0x144: {  	[sflag:s22] =	ssyncset.done $0x0  }
0x145: {  	s15 =	simm.s32 $0x1C80;
	[sflag:s22] =	ssyncadd.s32 $0xFFFFC000  }
0x146: {  	[tilespmem:s20], [sflag:$0x5] =	stream.indirect.gather.add.f32 [spmem:s5], $0x80, s15, s19, $0xb8;
	[tilespmem:$0x1FF40] =	vst v63  }
0x147: {  	_ =	swait.ge [sflag:s23], $0x4000  }
0x148: {  	[sflag:s23] =	ssyncset.done $0x0  }
0x149: {  	s16 =	rddreg [dreg:$0xd];
	[sflag:s23] =	ssyncadd.s32 $0xFFFFC000  }
0x14a: {  	[hbm4b:s16+s6] =	stream.linear.scatter [tilespmem:s8], [sflag:$0x7], $0x4000, $0x38;
	[tilespmem:$0x1FF40] =	vst v63  }
0x14b: {  	_ =	swait.ge [sflag:s24], $0x4000  }
0x14c: {  	[sflag:s24] =	ssyncset.done $0x0  }
0x14d: {  	[sflag:s24] =	ssyncadd.s32 $0xFFFFC000  }
0x14e: {  	s31 =	simm.s32 $0x180;
	s0 =	rddreg [dreg:$0x0]  }
0x14f: {  	[tilespmem:s8], [sflag:$0x1] =	stream.indirect.gather [hbm4b:s0+s19], $0x80, s31, s19, $0xb8;
	[tilespmem:$0x1FF40] =	vst v63  }
0x150: {  	_ =	swait.ge [sflag:s25], $0x4000  }
0x151: {  	[sflag:s25] =	ssyncset.done $0x0  }
0x152: {  	s2 =	simm.s32 $0x1D00;
	[sflag:s25] =	ssyncadd.s32 $0xFFFFC000  }
0x153: {  	[tilespmem:s17], [sflag:$0x6] =	stream.indirect.gather.add.f32 [spmem:s5], $0x80, s2, s19, $0xb8;
	[tilespmem:$0x1FF40] =	vst v63  }
0x154: {  	_ =	swait.ge [sflag:s26], $0x4000  }
0x155: {  	s3 =	sld [smem:$0x7FD]  }
0x156: {  	[sflag:s26] =	ssyncset.done $0x0  }
0x157: {  	[sflag:s26] =	ssyncadd.s32 $0xFFFFC000  }
0x158: {  	[hbm4b:s3+s6] =	stream.linear.scatter [tilespmem:s20], [sflag:$0x8], $0x4000, $0x38;
	[tilespmem:$0x1FF40] =	vst v63  }
0x159: {  	_ =	swait.ge [sflag:s13], $0x4000  }
0x15a: {  	[sflag:s13] =	ssyncset.done $0x0  }
0x15b: {  	s10 =	simm.s32 $0x200;
	[sflag:s13] =	ssyncadd.s32 $0xFFFFC000  }
0x15c: {  	[tilespmem:s20], [sflag:$0x2] =	stream.indirect.gather [spmem:s4], $0x80, s10, s19, $0xb8;
	[tilespmem:$0x1FF40] =	vst v63  }
0x15d: {  	_ =	swait.ge [sflag:s21], $0x4000  }
0x15e: {  	[sflag:s21] =	ssyncset.done $0x0  }
0x15f: {  	s11 =	simm.s32 $0x1D80;
	[sflag:s21] =	ssyncadd.s32 $0xFFFFC000  }
0x160: {  	[tilespmem:s8], [sflag:$0x4] =	stream.indirect.gather.add.f32 [spmem:s5], $0x80, s11, s19, $0xb8;
	[tilespmem:$0x1FF40] =	vst v63  }
0x161: {  	_ =	swait.ge [sflag:s28], $0x4000  }
0x162: {  	[sflag:s28] =	ssyncset.done $0x0  }
0x163: {  	s12 =	rddreg [dreg:$0xe];
	[sflag:s28] =	ssyncadd.s32 $0xFFFFC000  }
0x164: {  	[hbm4b:s12+s6] =	stream.linear.scatter [tilespmem:s17], [sflag:$0x9], $0x4000, $0x38;
	[tilespmem:$0x1FF40] =	vst v63  }
0x165: {  	_ =	swait.ge [sflag:s29], $0x4000  }
0x166: {  	[sflag:s29] =	ssyncset.done $0x0  }
0x167: {  	s14 =	simm.s32 $0x280;
	[sflag:s29] =	ssyncadd.s32 $0xFFFFC000  }
0x168: {  	[tilespmem:s17], [sflag:$0x3] =	stream.indirect.gather [spmem:s4], $0x80, s14, s19, $0xb8;
	[tilespmem:$0x1FF40] =	vst v63  }
0x169: {  	_ =	swait.ge [sflag:s22], $0x4000  }
0x16a: {  	[sflag:s22] =	ssyncset.done $0x0  }
0x16b: {  	s15 =	simm.s32 $0x1E00;
	[sflag:s22] =	ssyncadd.s32 $0xFFFFC000  }
0x16c: {  	[tilespmem:s20], [sflag:$0x5] =	stream.indirect.gather.add.f32 [spmem:s5], $0x80, s15, s19, $0xb8;
	[tilespmem:$0x1FF40] =	vst v63  }
0x16d: {  	_ =	swait.ge [sflag:s23], $0x4000  }
0x16e: {  	[sflag:s23] =	ssyncset.done $0x0  }
0x16f: {  	s16 =	rddreg [dreg:$0xf];
	[sflag:s23] =	ssyncadd.s32 $0xFFFFC000  }
0x170: {  	[hbm4b:s16+s6] =	stream.linear.scatter [tilespmem:s8], [sflag:$0x7], $0x4000, $0x38;
	[tilespmem:$0x1FF40] =	vst v63  }
0x171: {  	_ =	swait.ge [sflag:s24], $0x4000  }
0x172: {  	[sflag:s24] =	ssyncset.done $0x0  }
0x173: {  	s31 =	simm.s32 $0x300;
	[sflag:s24] =	ssyncadd.s32 $0xFFFFC000  }
0x174: {  	[tilespmem:s8], [sflag:$0x1] =	stream.indirect.gather [spmem:s4], $0x80, s31, s19, $0xb8;
	[tilespmem:$0x1FF40] =	vst v63  }
0x175: {  	_ =	swait.ge [sflag:s25], $0x4000  }
0x176: {  	[sflag:s25] =	ssyncset.done $0x0  }
0x177: {  	s2 =	simm.s32 $0x1E80;
	[sflag:s25] =	ssyncadd.s32 $0xFFFFC000  }
0x178: {  	[tilespmem:s17], [sflag:$0x6] =	stream.indirect.gather.add.f32 [spmem:s5], $0x80, s2, s19, $0xb8;
	[tilespmem:$0x1FF40] =	vst v63  }
0x179: {  	_ =	swait.ge [sflag:s26], $0x4000  }
0x17a: {  	[sflag:s26] =	ssyncset.done $0x0  }
0x17b: {  	s3 =	rddreg [dreg:$0x10];
	[sflag:s26] =	ssyncadd.s32 $0xFFFFC000  }
0x17c: {  	[hbm4b:s3+s6] =	stream.linear.scatter [tilespmem:s20], [sflag:$0x8], $0x4000, $0x38;
	[tilespmem:$0x1FF40] =	vst v63  }
0x17d: {  	_ =	swait.ge [sflag:s13], $0x4000  }
0x17e: {  	[sflag:s13] =	ssyncset.done $0x0  }
0x17f: {  	s10 =	simm.s32 $0x380;
	[sflag:s13] =	ssyncadd.s32 $0xFFFFC000  }
0x180: {  	[tilespmem:s20], [sflag:$0x2] =	stream.indirect.gather [hbm4b:s0+s19], $0x80, s10, s19, $0xb8;
	[tilespmem:$0x1FF40] =	vst v63  }
0x181: {  	_ =	swait.ge [sflag:s21], $0x4000  }
0x182: {  	[sflag:s21] =	ssyncset.done $0x0  }
0x183: {  	s11 =	simm.s32 $0x1F00;
	[sflag:s21] =	ssyncadd.s32 $0xFFFFC000  }
0x184: {  	[tilespmem:s8], [sflag:$0x4] =	stream.indirect.gather.add.f32 [spmem:s5], $0x80, s11, s19, $0xb8;
	[tilespmem:$0x1FF40] =	vst v63  }
0x185: {  	_ =	swait.ge [sflag:s28], $0x4000  }
0x186: {  	[sflag:s28] =	ssyncset.done $0x0  }
0x187: {  	s12 =	rddreg [dreg:$0x11];
	[sflag:s28] =	ssyncadd.s32 $0xFFFFC000  }
0x188: {  	[hbm4b:s12+s6] =	stream.linear.scatter [tilespmem:s17], [sflag:$0x9], $0x4000, $0x38;
	[tilespmem:$0x1FF40] =	vst v63  }
0x189: {  	_ =	swait.ge [sflag:s29], $0x4000  }
0x18a: {  	[sflag:s29] =	ssyncset.done $0x0  }
0x18b: {  	s14 =	simm.s32 $0x400;
	[sflag:s29] =	ssyncadd.s32 $0xFFFFC000  }
0x18c: {  	[tilespmem:s17], [sflag:$0x3] =	stream.indirect.gather [spmem:s4], $0x80, s14, s19, $0xb8;
	[tilespmem:$0x1FF40] =	vst v63  }
0x18d: {  	_ =	swait.ge [sflag:s22], $0x4000  }
0x18e: {  	[sflag:s22] =	ssyncset.done $0x0  }
0x18f: {  	s15 =	simm.s32 $0x1F80;
	[sflag:s22] =	ssyncadd.s32 $0xFFFFC000  }
0x190: {  	[tilespmem:s20], [sflag:$0x5] =	stream.indirect.gather.add.f32 [spmem:s5], $0x80, s15, s19, $0xb8;
	[tilespmem:$0x1FF40] =	vst v63  }
0x191: {  	_ =	swait.ge [sflag:s23], $0x4000  }
0x192: {  	[sflag:s23] =	ssyncset.done $0x0  }
0x193: {  	s16 =	rddreg [dreg:$0x12];
	[sflag:s23] =	ssyncadd.s32 $0xFFFFC000  }
0x194: {  	[hbm4b:s16+s6] =	stream.linear.scatter [tilespmem:s8], [sflag:$0x7], $0x4000, $0x38;
	[tilespmem:$0x1FF40] =	vst v63  }
0x195: {  	_ =	swait.ge [sflag:s24], $0x4000  }
0x196: {  	[sflag:s24] =	ssyncset.done $0x0  }
0x197: {  	s31 =	simm.s32 $0x480;
	[sflag:s24] =	ssyncadd.s32 $0xFFFFC000  }
0x198: {  	[tilespmem:s8], [sflag:$0x1] =	stream.indirect.gather [spmem:s4], $0x80, s31, s19, $0xb8;
	[tilespmem:$0x1FF40] =	vst v63  }
0x199: {  	_ =	swait.ge [sflag:s25], $0x4000  }
0x19a: {  	[sflag:s25] =	ssyncset.done $0x0  }
0x19b: {  	s2 =	simm.s32 $0x2000;
	[sflag:s25] =	ssyncadd.s32 $0xFFFFC000  }
0x19c: {  	[tilespmem:s17], [sflag:$0x6] =	stream.indirect.gather.add.f32 [spmem:s5], $0x80, s2, s19, $0xb8;
	[tilespmem:$0x1FF40] =	vst v63  }
0x19d: {  	_ =	swait.ge [sflag:s26], $0x4000  }
0x19e: {  	[sflag:s26] =	ssyncset.done $0x0  }
0x19f: {  	s3 =	rddreg [dreg:$0x13];
	[sflag:s26] =	ssyncadd.s32 $0xFFFFC000  }
0x1a0: {  	[hbm4b:s3+s6] =	stream.linear.scatter [tilespmem:s20], [sflag:$0x8], $0x4000, $0x38;
	[tilespmem:$0x1FF40] =	vst v63  }
0x1a1: {  	_ =	swait.ge [sflag:s13], $0x4000  }
0x1a2: {  	[sflag:s13] =	ssyncset.done $0x0  }
0x1a3: {  	s10 =	simm.s32 $0x500;
	[sflag:s13] =	ssyncadd.s32 $0xFFFFC000  }
0x1a4: {  	[tilespmem:s20], [sflag:$0x2] =	stream.indirect.gather [spmem:s4], $0x80, s10, s19, $0xb8;
	[tilespmem:$0x1FF40] =	vst v63  }
0x1a5: {  	_ =	swait.ge [sflag:s21], $0x4000  }
0x1a6: {  	[sflag:s21] =	ssyncset.done $0x0  }
0x1a7: {  	s11 =	simm.s32 $0x2080;
	[sflag:s21] =	ssyncadd.s32 $0xFFFFC000  }
0x1a8: {  	[tilespmem:s8], [sflag:$0x4] =	stream.indirect.gather.add.f32 [spmem:s5], $0x80, s11, s19, $0xb8;
	[tilespmem:$0x1FF40] =	vst v63  }
0x1a9: {  	_ =	swait.ge [sflag:s28], $0x4000  }
0x1aa: {  	[sflag:s28] =	ssyncset.done $0x0  }
0x1ab: {  	s12 =	rddreg [dreg:$0x14];
	[sflag:s28] =	ssyncadd.s32 $0xFFFFC000  }
0x1ac: {  	[hbm4b:s12+s6] =	stream.linear.scatter [tilespmem:s17], [sflag:$0x9], $0x4000, $0x38;
	[tilespmem:$0x1FF40] =	vst v63  }
0x1ad: {  	_ =	swait.ge [sflag:s29], $0x4000  }
0x1ae: {  	[sflag:s29] =	ssyncset.done $0x0  }
0x1af: {  	s14 =	simm.s32 $0x580;
	[sflag:s29] =	ssyncadd.s32 $0xFFFFC000  }
0x1b0: {  	[tilespmem:s17], [sflag:$0x3] =	stream.indirect.gather [hbm4b:s0+s19], $0x80, s14, s19, $0xb8;
	[tilespmem:$0x1FF40] =	vst v63  }
0x1b1: {  	_ =	swait.ge [sflag:s22], $0x4000  }
0x1b2: {  	[sflag:s22] =	ssyncset.done $0x0  }
0x1b3: {  	s15 =	simm.s32 $0x2100;
	[sflag:s22] =	ssyncadd.s32 $0xFFFFC000  }
0x1b4: {  	[tilespmem:s20], [sflag:$0x5] =	stream.indirect.gather.add.f32 [spmem:s5], $0x80, s15, s19, $0xb8;
	[tilespmem:$0x1FF40] =	vst v63  }
0x1b5: {  	_ =	swait.ge [sflag:s23], $0x4000  }
0x1b6: {  	[sflag:s23] =	ssyncset.done $0x0  }
0x1b7: {  	s16 =	rddreg [dreg:$0x15];
	[sflag:s23] =	ssyncadd.s32 $0xFFFFC000  }
0x1b8: {  	[hbm4b:s16+s6] =	stream.linear.scatter [tilespmem:s8], [sflag:$0x7], $0x4000, $0x38;
	[tilespmem:$0x1FF40] =	vst v63  }
0x1b9: {  	_ =	swait.ge [sflag:s24], $0x4000  }
0x1ba: {  	[sflag:s24] =	ssyncset.done $0x0  }
0x1bb: {  	s31 =	simm.s32 $0x600;
	[sflag:s24] =	ssyncadd.s32 $0xFFFFC000  }
0x1bc: {  	[tilespmem:s8], [sflag:$0x1] =	stream.indirect.gather [spmem:s4], $0x80, s31, s19, $0xb8;
	[tilespmem:$0x1FF40] =	vst v63  }
0x1bd: {  	_ =	swait.ge [sflag:s25], $0x4000  }
0x1be: {  	[sflag:s25] =	ssyncset.done $0x0  }
0x1bf: {  	s2 =	simm.s32 $0x2180;
	[sflag:s25] =	ssyncadd.s32 $0xFFFFC000  }
0x1c0: {  	[tilespmem:s17], [sflag:$0x6] =	stream.indirect.gather.add.f32 [spmem:s5], $0x80, s2, s19, $0xb8;
	[tilespmem:$0x1FF40] =	vst v63  }
0x1c1: {  	_ =	swait.ge [sflag:s26], $0x4000  }
0x1c2: {  	[sflag:s26] =	ssyncset.done $0x0  }
0x1c3: {  	s3 =	rddreg [dreg:$0x16];
	[sflag:s26] =	ssyncadd.s32 $0xFFFFC000  }
0x1c4: {  	[hbm4b:s3+s6] =	stream.linear.scatter [tilespmem:s20], [sflag:$0x8], $0x4000, $0x38;
	[tilespmem:$0x1FF40] =	vst v63  }
0x1c5: {  	_ =	swait.ge [sflag:s13], $0x4000  }
0x1c6: {  	[sflag:s13] =	ssyncset.done $0x0  }
0x1c7: {  	s10 =	simm.s32 $0x680;
	[sflag:s13] =	ssyncadd.s32 $0xFFFFC000  }
0x1c8: {  	[tilespmem:s20], [sflag:$0x2] =	stream.indirect.gather [spmem:s4], $0x80, s10, s19, $0xb8;
	[tilespmem:$0x1FF40] =	vst v63  }
0x1c9: {  	_ =	swait.ge [sflag:s21], $0x4000  }
0x1ca: {  	[sflag:s21] =	ssyncset.done $0x0  }
0x1cb: {  	s11 =	simm.s32 $0x2200;
	[sflag:s21] =	ssyncadd.s32 $0xFFFFC000  }
0x1cc: {  	[tilespmem:s8], [sflag:$0x4] =	stream.indirect.gather.add.f32 [spmem:s5], $0x80, s11, s19, $0xb8;
	[tilespmem:$0x1FF40] =	vst v63  }
0x1cd: {  	_ =	swait.ge [sflag:s28], $0x4000  }
0x1ce: {  	[sflag:s28] =	ssyncset.done $0x0  }
0x1cf: {  	s12 =	rddreg [dreg:$0x17];
	[sflag:s28] =	ssyncadd.s32 $0xFFFFC000  }
0x1d0: {  	[hbm4b:s12+s6] =	stream.linear.scatter [tilespmem:s17], [sflag:$0x9], $0x4000, $0x38;
	[tilespmem:$0x1FF40] =	vst v63  }
0x1d1: {  	_ =	swait.ge [sflag:s29], $0x4000  }
0x1d2: {  	[sflag:s29] =	ssyncset.done $0x0  }
0x1d3: {  	s14 =	simm.s32 $0x700;
	[sflag:s29] =	ssyncadd.s32 $0xFFFFC000  }
0x1d4: {  	[tilespmem:s17], [sflag:$0x3] =	stream.indirect.gather [spmem:s4], $0x80, s14, s19, $0xb8;
	[tilespmem:$0x1FF40] =	vst v63  }
0x1d5: {  	_ =	swait.ge [sflag:s22], $0x4000  }
0x1d6: {  	[sflag:s22] =	ssyncset.done $0x0  }
0x1d7: {  	s15 =	simm.s32 $0x2280;
	[sflag:s22] =	ssyncadd.s32 $0xFFFFC000  }
0x1d8: {  	[tilespmem:s20], [sflag:$0x5] =	stream.indirect.gather.add.f32 [spmem:s5], $0x80, s15, s19, $0xb8;
	[tilespmem:$0x1FF40] =	vst v63  }
0x1d9: {  	_ =	swait.ge [sflag:s23], $0x4000  }
0x1da: {  	[sflag:s23] =	ssyncset.done $0x0  }
0x1db: {  	s16 =	rddreg [dreg:$0x18];
	[sflag:s23] =	ssyncadd.s32 $0xFFFFC000  }
0x1dc: {  	[hbm4b:s16+s6] =	stream.linear.scatter [tilespmem:s8], [sflag:$0x7], $0x4000, $0x38;
	[tilespmem:$0x1FF40] =	vst v63  }
0x1dd: {  	_ =	swait.ge [sflag:s24], $0x4000  }
0x1de: {  	[sflag:s24] =	ssyncset.done $0x0  }
0x1df: {  	s31 =	simm.s32 $0x780;
	[sflag:s24] =	ssyncadd.s32 $0xFFFFC000  }
0x1e0: {  	[tilespmem:s8], [sflag:$0x1] =	stream.indirect.gather [hbm4b:s0+s19], $0x80, s31, s19, $0xb8;
	[tilespmem:$0x1FF40] =	vst v63  }
0x1e1: {  	_ =	swait.ge [sflag:s25], $0x4000  }
0x1e2: {  	[sflag:s25] =	ssyncset.done $0x0  }
0x1e3: {  	s2 =	simm.s32 $0x2300;
	[sflag:s25] =	ssyncadd.s32 $0xFFFFC000  }
0x1e4: {  	[tilespmem:s17], [sflag:$0x6] =	stream.indirect.gather.add.f32 [spmem:s5], $0x80, s2, s19, $0xb8;
	[tilespmem:$0x1FF40] =	vst v63  }
0x1e5: {  	_ =	swait.ge [sflag:s26], $0x4000  }
0x1e6: {  	[sflag:s26] =	ssyncset.done $0x0  }
0x1e7: {  	s3 =	rddreg [dreg:$0x19];
	[sflag:s26] =	ssyncadd.s32 $0xFFFFC000  }
0x1e8: {  	[hbm4b:s3+s6] =	stream.linear.scatter [tilespmem:s20], [sflag:$0x8], $0x4000, $0x38;
	[tilespmem:$0x1FF40] =	vst v63  }
0x1e9: {  	_ =	swait.ge [sflag:s13], $0x4000  }
0x1ea: {  	[sflag:s13] =	ssyncset.done $0x0  }
0x1eb: {  	s10 =	simm.s32 $0x800;
	[sflag:s13] =	ssyncadd.s32 $0xFFFFC000  }
0x1ec: {  	[tilespmem:s20], [sflag:$0x2] =	stream.indirect.gather [spmem:s4], $0x80, s10, s19, $0xb8;
	[tilespmem:$0x1FF40] =	vst v63  }
0x1ed: {  	_ =	swait.ge [sflag:s21], $0x4000  }
0x1ee: {  	[sflag:s21] =	ssyncset.done $0x0  }
0x1ef: {  	s11 =	simm.s32 $0x2380;
	[sflag:s21] =	ssyncadd.s32 $0xFFFFC000  }
0x1f0: {  	[tilespmem:s8], [sflag:$0x4] =	stream.indirect.gather.add.f32 [spmem:s5], $0x80, s11, s19, $0xb8;
	[tilespmem:$0x1FF40] =	vst v63  }
0x1f1: {  	_ =	swait.ge [sflag:s28], $0x4000  }
0x1f2: {  	[sflag:s28] =	ssyncset.done $0x0  }
0x1f3: {  	s12 =	rddreg [dreg:$0x1a];
	[sflag:s28] =	ssyncadd.s32 $0xFFFFC000  }
0x1f4: {  	[hbm4b:s12+s6] =	stream.linear.scatter [tilespmem:s17], [sflag:$0x9], $0x4000, $0x38;
	[tilespmem:$0x1FF40] =	vst v63  }
0x1f5: {  	_ =	swait.ge [sflag:s29], $0x4000  }
0x1f6: {  	[sflag:s29] =	ssyncset.done $0x0  }
0x1f7: {  	s14 =	simm.s32 $0x880;
	[sflag:s29] =	ssyncadd.s32 $0xFFFFC000  }
0x1f8: {  	[tilespmem:s17], [sflag:$0x3] =	stream.indirect.gather [spmem:s4], $0x80, s14, s19, $0xb8;
	[tilespmem:$0x1FF40] =	vst v63  }
0x1f9: {  	_ =	swait.ge [sflag:s22], $0x4000  }
0x1fa: {  	[sflag:s22] =	ssyncset.done $0x0  }
0x1fb: {  	s15 =	simm.s32 $0x2400;
	[sflag:s22] =	ssyncadd.s32 $0xFFFFC000  }
0x1fc: {  	[tilespmem:s20], [sflag:$0x5] =	stream.indirect.gather.add.f32 [spmem:s5], $0x80, s15, s19, $0xb8;
	[tilespmem:$0x1FF40] =	vst v63  }
0x1fd: {  	_ =	swait.ge [sflag:s23], $0x4000  }
0x1fe: {  	[sflag:s23] =	ssyncset.done $0x0  }
0x1ff: {  	s16 =	rddreg [dreg:$0x1b];
	[sflag:s23] =	ssyncadd.s32 $0xFFFFC000  }
0x200: {  	[hbm4b:s16+s6] =	stream.linear.scatter [tilespmem:s8], [sflag:$0x7], $0x4000, $0x38;
	[tilespmem:$0x1FF40] =	vst v63  }
0x201: {  	_ =	swait.ge [sflag:s24], $0x4000  }
0x202: {  	[sflag:s24] =	ssyncset.done $0x0  }
0x203: {  	s31 =	simm.s32 $0x900;
	[sflag:s24] =	ssyncadd.s32 $0xFFFFC000  }
0x204: {  	[tilespmem:s8], [sflag:$0x1] =	stream.indirect.gather [spmem:s4], $0x80, s31, s19, $0xb8;
	[tilespmem:$0x1FF40] =	vst v63  }
0x205: {  	_ =	swait.ge [sflag:s25], $0x4000  }
0x206: {  	[sflag:s25] =	ssyncset.done $0x0  }
0x207: {  	s2 =	simm.s32 $0x2480;
	[sflag:s25] =	ssyncadd.s32 $0xFFFFC000  }
0x208: {  	[tilespmem:s17], [sflag:$0x6] =	stream.indirect.gather.add.f32 [spmem:s5], $0x80, s2, s19, $0xb8;
	[tilespmem:$0x1FF40] =	vst v63  }
0x209: {  	_ =	swait.ge [sflag:s26], $0x4000  }
0x20a: {  	[sflag:s26] =	ssyncset.done $0x0  }
0x20b: {  	s3 =	rddreg [dreg:$0x1c];
	[sflag:s26] =	ssyncadd.s32 $0xFFFFC000  }
0x20c: {  	[hbm4b:s3+s6] =	stream.linear.scatter [tilespmem:s20], [sflag:$0x8], $0x4000, $0x38;
	[tilespmem:$0x1FF40] =	vst v63  }
0x20d: {  	_ =	swait.ge [sflag:s13], $0x4000  }
0x20e: {  	[sflag:s13] =	ssyncset.done $0x0  }
0x20f: {  	s10 =	simm.s32 $0x980;
	[sflag:s13] =	ssyncadd.s32 $0xFFFFC000  }
0x210: {  	[tilespmem:s20], [sflag:$0x2] =	stream.indirect.gather [hbm4b:s0+s19], $0x80, s10, s19, $0xb8;
	[tilespmem:$0x1FF40] =	vst v63  }
0x211: {  	_ =	swait.ge [sflag:s21], $0x4000  }
0x212: {  	[sflag:s21] =	ssyncset.done $0x0  }
0x213: {  	s11 =	simm.s32 $0x2500;
	[sflag:s21] =	ssyncadd.s32 $0xFFFFC000  }
0x214: {  	[tilespmem:s8], [sflag:$0x4] =	stream.indirect.gather.add.f32 [spmem:s5], $0x80, s11, s19, $0xb8;
	[tilespmem:$0x1FF40] =	vst v63  }
0x215: {  	_ =	swait.ge [sflag:s28], $0x4000  }
0x216: {  	[sflag:s28] =	ssyncset.done $0x0  }
0x217: {  	s12 =	rddreg [dreg:$0x1d];
	[sflag:s28] =	ssyncadd.s32 $0xFFFFC000  }
0x218: {  	[hbm4b:s12+s6] =	stream.linear.scatter [tilespmem:s17], [sflag:$0x9], $0x4000, $0x38;
	[tilespmem:$0x1FF40] =	vst v63  }
0x219: {  	_ =	swait.ge [sflag:s29], $0x4000  }
0x21a: {  	[sflag:s29] =	ssyncset.done $0x0  }
0x21b: {  	s14 =	simm.s32 $0xA00;
	[sflag:s29] =	ssyncadd.s32 $0xFFFFC000  }
0x21c: {  	[tilespmem:s17], [sflag:$0x3] =	stream.indirect.gather [spmem:s4], $0x80, s14, s19, $0xb8;
	[tilespmem:$0x1FF40] =	vst v63  }
0x21d: {  	_ =	swait.ge [sflag:s22], $0x4000  }
0x21e: {  	[sflag:s22] =	ssyncset.done $0x0  }
0x21f: {  	s15 =	simm.s32 $0x2580;
	[sflag:s22] =	ssyncadd.s32 $0xFFFFC000  }
0x220: {  	[tilespmem:s20], [sflag:$0x5] =	stream.indirect.gather.add.f32 [spmem:s5], $0x80, s15, s19, $0xb8;
	[tilespmem:$0x1FF40] =	vst v63  }
0x221: {  	_ =	swait.ge [sflag:s23], $0x4000  }
0x222: {  	[sflag:s23] =	ssyncset.done $0x0  }
0x223: {  	s16 =	rddreg [dreg:$0x1e];
	[sflag:s23] =	ssyncadd.s32 $0xFFFFC000  }
0x224: {  	[hbm4b:s16+s6] =	stream.linear.scatter [tilespmem:s8], [sflag:$0x7], $0x4000, $0x38;
	[tilespmem:$0x1FF40] =	vst v63  }
0x225: {  	_ =	swait.ge [sflag:s24], $0x4000  }
0x226: {  	[sflag:s24] =	ssyncset.done $0x0  }
0x227: {  	s31 =	simm.s32 $0xA80;
	[sflag:s24] =	ssyncadd.s32 $0xFFFFC000  }
0x228: {  	[tilespmem:s8], [sflag:$0x1] =	stream.indirect.gather [spmem:s4], $0x80, s31, s19, $0xb8;
	[tilespmem:$0x1FF40] =	vst v63  }
0x229: {  	_ =	swait.ge [sflag:s25], $0x4000  }
0x22a: {  	[sflag:s25] =	ssyncset.done $0x0  }
0x22b: {  	s2 =	simm.s32 $0x2600;
	[sflag:s25] =	ssyncadd.s32 $0xFFFFC000  }
0x22c: {  	[tilespmem:s17], [sflag:$0x6] =	stream.indirect.gather.add.f32 [spmem:s5], $0x80, s2, s19, $0xb8;
	[tilespmem:$0x1FF40] =	vst v63  }
0x22d: {  	_ =	swait.ge [sflag:s26], $0x4000  }
0x22e: {  	[sflag:s26] =	ssyncset.done $0x0  }
0x22f: {  	s3 =	rddreg [dreg:$0x1f];
	[sflag:s26] =	ssyncadd.s32 $0xFFFFC000  }
0x230: {  	[hbm4b:s3+s6] =	stream.linear.scatter [tilespmem:s20], [sflag:$0x8], $0x4000, $0x38;
	[tilespmem:$0x1FF40] =	vst v63  }
0x231: {  	_ =	swait.ge [sflag:s13], $0x4000  }
0x232: {  	[sflag:s13] =	ssyncset.done $0x0  }
0x233: {  	s10 =	simm.s32 $0xB00;
	[sflag:s13] =	ssyncadd.s32 $0xFFFFC000  }
0x234: {  	[tilespmem:s20], [sflag:$0x2] =	stream.indirect.gather [spmem:s4], $0x80, s10, s19, $0xb8;
	[tilespmem:$0x1FF40] =	vst v63  }
0x235: {  	_ =	swait.ge [sflag:s21], $0x4000  }
0x236: {  	[sflag:s21] =	ssyncset.done $0x0  }
0x237: {  	s11 =	simm.s32 $0x2680;
	[sflag:s21] =	ssyncadd.s32 $0xFFFFC000  }
0x238: {  	[tilespmem:s8], [sflag:$0x4] =	stream.indirect.gather.add.f32 [spmem:s5], $0x80, s11, s19, $0xb8;
	[tilespmem:$0x1FF40] =	vst v63  }
0x239: {  	_ =	swait.ge [sflag:s28], $0x4000  }
0x23a: {  	s12 =	sld [smem:$0x7DD]  }
0x23b: {  	[sflag:s28] =	ssyncset.done $0x0  }
0x23c: {  	[sflag:s28] =	ssyncadd.s32 $0xFFFFC000  }
0x23d: {  	[hbm4b:s12+s6] =	stream.linear.scatter [tilespmem:s17], [sflag:$0x9], $0x4000, $0x38;
	[tilespmem:$0x1FF40] =	vst v63  }
0x23e: {  	_ =	swait.ge [sflag:s29], $0x4000  }
0x23f: {  	[sflag:s29] =	ssyncset.done $0x0  }
0x240: {  	s14 =	simm.s32 $0xB80;
	[sflag:s29] =	ssyncadd.s32 $0xFFFFC000  }
0x241: {  	[tilespmem:s17], [sflag:$0x3] =	stream.indirect.gather [hbm4b:s0+s19], $0x80, s14, s19, $0xb8;
	[tilespmem:$0x1FF40] =	vst v63  }
0x242: {  	_ =	swait.ge [sflag:s22], $0x4000  }
0x243: {  	[sflag:s22] =	ssyncset.done $0x0  }
0x244: {  	s15 =	simm.s32 $0x2700;
	[sflag:s22] =	ssyncadd.s32 $0xFFFFC000  }
0x245: {  	[tilespmem:s20], [sflag:$0x5] =	stream.indirect.gather.add.f32 [spmem:s5], $0x80, s15, s19, $0xb8;
	[tilespmem:$0x1FF40] =	vst v63  }
0x246: {  	_ =	swait.ge [sflag:s23], $0x4000  }
0x247: {  	s16 =	sld [smem:$0x7DE]  }
0x248: {  	[sflag:s23] =	ssyncset.done $0x0  }
0x249: {  	[sflag:s23] =	ssyncadd.s32 $0xFFFFC000  }
0x24a: {  	[hbm4b:s16+s6] =	stream.linear.scatter [tilespmem:s8], [sflag:$0x7], $0x4000, $0x38;
	[tilespmem:$0x1FF40] =	vst v63  }
0x24b: {  	_ =	swait.ge [sflag:s24], $0x4000  }
0x24c: {  	[sflag:s24] =	ssyncset.done $0x0  }
0x24d: {  	s31 =	simm.s32 $0xC00;
	[sflag:s24] =	ssyncadd.s32 $0xFFFFC000  }
0x24e: {  	[tilespmem:s8], [sflag:$0x1] =	stream.indirect.gather [spmem:s4], $0x80, s31, s19, $0xb8;
	[tilespmem:$0x1FF40] =	vst v63  }
0x24f: {  	_ =	swait.ge [sflag:s25], $0x4000  }
0x250: {  	[sflag:s25] =	ssyncset.done $0x0  }
0x251: {  	s2 =	simm.s32 $0x2780;
	[sflag:s25] =	ssyncadd.s32 $0xFFFFC000  }
0x252: {  	[tilespmem:s17], [sflag:$0x6] =	stream.indirect.gather.add.f32 [spmem:s5], $0x80, s2, s19, $0xb8;
	[tilespmem:$0x1FF40] =	vst v63  }
0x253: {  	_ =	swait.ge [sflag:s26], $0x4000  }
0x254: {  	s3 =	sld [smem:$0x7DF]  }
0x255: {  	[sflag:s26] =	ssyncset.done $0x0  }
0x256: {  	[sflag:s26] =	ssyncadd.s32 $0xFFFFC000  }
0x257: {  	[hbm4b:s3+s6] =	stream.linear.scatter [tilespmem:s20], [sflag:$0x8], $0x4000, $0x38;
	[tilespmem:$0x1FF40] =	vst v63  }
0x258: {  	_ =	swait.ge [sflag:s13], $0x4000  }
0x259: {  	[sflag:s13] =	ssyncset.done $0x0  }
0x25a: {  	s10 =	simm.s32 $0xC80;
	[sflag:s13] =	ssyncadd.s32 $0xFFFFC000  }
0x25b: {  	[tilespmem:s20], [sflag:$0x2] =	stream.indirect.gather [spmem:s4], $0x80, s10, s19, $0xb8;
	[tilespmem:$0x1FF40] =	vst v63  }
0x25c: {  	_ =	swait.ge [sflag:s21], $0x4000  }
0x25d: {  	[sflag:s21] =	ssyncset.done $0x0  }
0x25e: {  	s11 =	simm.s32 $0x2800;
	[sflag:s21] =	ssyncadd.s32 $0xFFFFC000  }
0x25f: {  	[tilespmem:s8], [sflag:$0x4] =	stream.indirect.gather.add.f32 [spmem:s5], $0x80, s11, s19, $0xb8;
	[tilespmem:$0x1FF40] =	vst v63  }
0x260: {  	_ =	swait.ge [sflag:s28], $0x4000  }
0x261: {  	s12 =	sld [smem:$0x7E0]  }
0x262: {  	[sflag:s28] =	ssyncset.done $0x0  }
0x263: {  	[sflag:s28] =	ssyncadd.s32 $0xFFFFC000  }
0x264: {  	[hbm4b:s12+s6] =	stream.linear.scatter [tilespmem:s17], [sflag:$0x9], $0x4000, $0x38;
	[tilespmem:$0x1FF40] =	vst v63  }
0x265: {  	_ =	swait.ge [sflag:s29], $0x4000  }
0x266: {  	[sflag:s29] =	ssyncset.done $0x0  }
0x267: {  	s14 =	simm.s32 $0xD00;
	[sflag:s29] =	ssyncadd.s32 $0xFFFFC000  }
0x268: {  	[tilespmem:s17], [sflag:$0x3] =	stream.indirect.gather [spmem:s4], $0x80, s14, s19, $0xb8;
	[tilespmem:$0x1FF40] =	vst v63  }
0x269: {  	_ =	swait.ge [sflag:s22], $0x4000  }
0x26a: {  	[sflag:s22] =	ssyncset.done $0x0  }
0x26b: {  	s15 =	simm.s32 $0x2880;
	[sflag:s22] =	ssyncadd.s32 $0xFFFFC000  }
0x26c: {  	[tilespmem:s20], [sflag:$0x5] =	stream.indirect.gather.add.f32 [spmem:s5], $0x80, s15, s19, $0xb8;
	[tilespmem:$0x1FF40] =	vst v63  }
0x26d: {  	_ =	swait.ge [sflag:s23], $0x4000  }
0x26e: {  	s16 =	sld [smem:$0x7E1]  }
0x26f: {  	[sflag:s23] =	ssyncset.done $0x0  }
0x270: {  	[sflag:s23] =	ssyncadd.s32 $0xFFFFC000  }
0x271: {  	[hbm4b:s16+s6] =	stream.linear.scatter [tilespmem:s8], [sflag:$0x7], $0x4000, $0x38;
	[tilespmem:$0x1FF40] =	vst v63  }
0x272: {  	_ =	swait.ge [sflag:s24], $0x4000  }
0x273: {  	[sflag:s24] =	ssyncset.done $0x0  }
0x274: {  	s31 =	simm.s32 $0xD80;
	[sflag:s24] =	ssyncadd.s32 $0xFFFFC000  }
0x275: {  	[tilespmem:s8], [sflag:$0x1] =	stream.indirect.gather [hbm4b:s0+s19], $0x80, s31, s19, $0xb8;
	[tilespmem:$0x1FF40] =	vst v63  }
0x276: {  	_ =	swait.ge [sflag:s25], $0x4000  }
0x277: {  	[sflag:s25] =	ssyncset.done $0x0  }
0x278: {  	s2 =	simm.s32 $0x2900;
	[sflag:s25] =	ssyncadd.s32 $0xFFFFC000  }
0x279: {  	[tilespmem:s17], [sflag:$0x6] =	stream.indirect.gather.add.f32 [spmem:s5], $0x80, s2, s19, $0xb8;
	[tilespmem:$0x1FF40] =	vst v63  }
0x27a: {  	_ =	swait.ge [sflag:s26], $0x4000  }
0x27b: {  	s3 =	sld [smem:$0x7E2]  }
0x27c: {  	[sflag:s26] =	ssyncset.done $0x0  }
0x27d: {  	[sflag:s26] =	ssyncadd.s32 $0xFFFFC000  }
0x27e: {  	[hbm4b:s3+s6] =	stream.linear.scatter [tilespmem:s20], [sflag:$0x8], $0x4000, $0x38;
	[tilespmem:$0x1FF40] =	vst v63  }
0x27f: {  	_ =	swait.ge [sflag:s13], $0x4000  }
0x280: {  	[sflag:s13] =	ssyncset.done $0x0  }
0x281: {  	s10 =	simm.s32 $0xE00;
	[sflag:s13] =	ssyncadd.s32 $0xFFFFC000  }
0x282: {  	[tilespmem:s20], [sflag:$0x2] =	stream.indirect.gather [spmem:s4], $0x80, s10, s19, $0xb8;
	[tilespmem:$0x1FF40] =	vst v63  }
0x283: {  	_ =	swait.ge [sflag:s21], $0x4000  }
0x284: {  	[sflag:s21] =	ssyncset.done $0x0  }
0x285: {  	s11 =	simm.s32 $0x2980;
	[sflag:s21] =	ssyncadd.s32 $0xFFFFC000  }
0x286: {  	[tilespmem:s8], [sflag:$0x4] =	stream.indirect.gather.add.f32 [spmem:s5], $0x80, s11, s19, $0xb8;
	[tilespmem:$0x1FF40] =	vst v63  }
0x287: {  	_ =	swait.ge [sflag:s28], $0x4000  }
0x288: {  	s12 =	sld [smem:$0x7E3]  }
0x289: {  	[sflag:s28] =	ssyncset.done $0x0  }
0x28a: {  	[sflag:s28] =	ssyncadd.s32 $0xFFFFC000  }
0x28b: {  	[hbm4b:s12+s6] =	stream.linear.scatter [tilespmem:s17], [sflag:$0x9], $0x4000, $0x38;
	[tilespmem:$0x1FF40] =	vst v63  }
0x28c: {  	_ =	swait.ge [sflag:s29], $0x4000  }
0x28d: {  	[sflag:s29] =	ssyncset.done $0x0  }
0x28e: {  	s14 =	simm.s32 $0xE80;
	[sflag:s29] =	ssyncadd.s32 $0xFFFFC000  }
0x28f: {  	[tilespmem:s17], [sflag:$0x3] =	stream.indirect.gather [spmem:s4], $0x80, s14, s19, $0xb8;
	[tilespmem:$0x1FF40] =	vst v63  }
0x290: {  	_ =	swait.ge [sflag:s22], $0x4000  }
0x291: {  	[sflag:s22] =	ssyncset.done $0x0  }
0x292: {  	s15 =	simm.s32 $0x2A00;
	[sflag:s22] =	ssyncadd.s32 $0xFFFFC000  }
0x293: {  	[tilespmem:s20], [sflag:$0x5] =	stream.indirect.gather.add.f32 [spmem:s5], $0x80, s15, s19, $0xb8;
	[tilespmem:$0x1FF40] =	vst v63  }
0x294: {  	_ =	swait.ge [sflag:s23], $0x4000  }
0x295: {  	s16 =	sld [smem:$0x7E4]  }
0x296: {  	[sflag:s23] =	ssyncset.done $0x0  }
0x297: {  	[sflag:s23] =	ssyncadd.s32 $0xFFFFC000  }
0x298: {  	[hbm4b:s16+s6] =	stream.linear.scatter [tilespmem:s8], [sflag:$0x7], $0x4000, $0x38;
	[tilespmem:$0x1FF40] =	vst v63  }
0x299: {  	_ =	swait.ge [sflag:s24], $0x4000  }
0x29a: {  	[sflag:s24] =	ssyncset.done $0x0  }
0x29b: {  	s31 =	simm.s32 $0xF00;
	[sflag:s24] =	ssyncadd.s32 $0xFFFFC000  }
0x29c: {  	[tilespmem:s8], [sflag:$0x1] =	stream.indirect.gather [spmem:s4], $0x80, s31, s19, $0xb8;
	[tilespmem:$0x1FF40] =	vst v63  }
0x29d: {  	_ =	swait.ge [sflag:s25], $0x4000  }
0x29e: {  	[sflag:s25] =	ssyncset.done $0x0  }
0x29f: {  	s2 =	simm.s32 $0x2A80;
	[sflag:s25] =	ssyncadd.s32 $0xFFFFC000  }
0x2a0: {  	[tilespmem:s17], [sflag:$0x6] =	stream.indirect.gather.add.f32 [spmem:s5], $0x80, s2, s19, $0xb8;
	[tilespmem:$0x1FF40] =	vst v63  }
0x2a1: {  	_ =	swait.ge [sflag:s26], $0x4000  }
0x2a2: {  	s3 =	sld [smem:$0x7E5]  }
0x2a3: {  	[sflag:s26] =	ssyncset.done $0x0  }
0x2a4: {  	[sflag:s26] =	ssyncadd.s32 $0xFFFFC000  }
0x2a5: {  	[hbm4b:s3+s6] =	stream.linear.scatter [tilespmem:s20], [sflag:$0x8], $0x4000, $0x38;
	[tilespmem:$0x1FF40] =	vst v63  }
0x2a6: {  	_ =	swait.ge [sflag:s13], $0x4000  }
0x2a7: {  	[sflag:s13] =	ssyncset.done $0x0  }
0x2a8: {  	s10 =	simm.s32 $0xF80;
	[sflag:s13] =	ssyncadd.s32 $0xFFFFC000  }
0x2a9: {  	[tilespmem:s20], [sflag:$0x2] =	stream.indirect.gather [hbm4b:s0+s19], $0x80, s10, s19, $0xb8;
	[tilespmem:$0x1FF40] =	vst v63  }
0x2aa: {  	_ =	swait.ge [sflag:s21], $0x4000  }
0x2ab: {  	[sflag:s21] =	ssyncset.done $0x0  }
0x2ac: {  	s11 =	simm.s32 $0x2B00;
	[sflag:s21] =	ssyncadd.s32 $0xFFFFC000  }
0x2ad: {  	[tilespmem:s8], [sflag:$0x4] =	stream.indirect.gather.add.f32 [spmem:s5], $0x80, s11, s19, $0xb8;
	[tilespmem:$0x1FF40] =	vst v63  }
0x2ae: {  	_ =	swait.ge [sflag:s28], $0x4000  }
0x2af: {  	s12 =	sld [smem:$0x7E6]  }
0x2b0: {  	[sflag:s28] =	ssyncset.done $0x0  }
0x2b1: {  	[sflag:s28] =	ssyncadd.s32 $0xFFFFC000  }
0x2b2: {  	[hbm4b:s12+s6] =	stream.linear.scatter [tilespmem:s17], [sflag:$0x9], $0x4000, $0x38;
	[tilespmem:$0x1FF40] =	vst v63  }
0x2b3: {  	_ =	swait.ge [sflag:s29], $0x4000  }
0x2b4: {  	[sflag:s29] =	ssyncset.done $0x0  }
0x2b5: {  	s14 =	simm.s32 $0x1000;
	[sflag:s29] =	ssyncadd.s32 $0xFFFFC000  }
0x2b6: {  	[tilespmem:s17], [sflag:$0x3] =	stream.indirect.gather [spmem:s4], $0x80, s14, s19, $0xb8;
	[tilespmem:$0x1FF40] =	vst v63  }
0x2b7: {  	_ =	swait.ge [sflag:s22], $0x4000  }
0x2b8: {  	[sflag:s22] =	ssyncset.done $0x0  }
0x2b9: {  	s15 =	simm.s32 $0x2B80;
	[sflag:s22] =	ssyncadd.s32 $0xFFFFC000  }
0x2ba: {  	[tilespmem:s20], [sflag:$0x5] =	stream.indirect.gather.add.f32 [spmem:s5], $0x80, s15, s19, $0xb8;
	[tilespmem:$0x1FF40] =	vst v63  }
0x2bb: {  	_ =	swait.ge [sflag:s23], $0x4000  }
0x2bc: {  	s16 =	sld [smem:$0x7E7]  }
0x2bd: {  	[sflag:s23] =	ssyncset.done $0x0  }
0x2be: {  	[sflag:s23] =	ssyncadd.s32 $0xFFFFC000  }
0x2bf: {  	[hbm4b:s16+s6] =	stream.linear.scatter [tilespmem:s8], [sflag:$0x7], $0x4000, $0x38;
	[tilespmem:$0x1FF40] =	vst v63  }
0x2c0: {  	_ =	swait.ge [sflag:s24], $0x4000  }
0x2c1: {  	[sflag:s24] =	ssyncset.done $0x0  }
0x2c2: {  	s31 =	simm.s32 $0x1080;
	[sflag:s24] =	ssyncadd.s32 $0xFFFFC000  }
0x2c3: {  	[tilespmem:s8], [sflag:$0x1] =	stream.indirect.gather [spmem:s4], $0x80, s31, s19, $0xb8;
	[tilespmem:$0x1FF40] =	vst v63  }
0x2c4: {  	_ =	swait.ge [sflag:s25], $0x4000  }
0x2c5: {  	[sflag:s25] =	ssyncset.done $0x0  }
0x2c6: {  	s2 =	simm.s32 $0x2C00;
	[sflag:s25] =	ssyncadd.s32 $0xFFFFC000  }
0x2c7: {  	[tilespmem:s17], [sflag:$0x6] =	stream.indirect.gather.add.f32 [spmem:s5], $0x80, s2, s19, $0xb8;
	[tilespmem:$0x1FF40] =	vst v63  }
0x2c8: {  	_ =	swait.ge [sflag:s26], $0x4000  }
0x2c9: {  	s3 =	sld [smem:$0x7E8]  }
0x2ca: {  	[sflag:s26] =	ssyncset.done $0x0  }
0x2cb: {  	[sflag:s26] =	ssyncadd.s32 $0xFFFFC000  }
0x2cc: {  	[hbm4b:s3+s6] =	stream.linear.scatter [tilespmem:s20], [sflag:$0x8], $0x4000, $0x38;
	[tilespmem:$0x1FF40] =	vst v63  }
0x2cd: {  	_ =	swait.ge [sflag:s13], $0x4000  }
0x2ce: {  	[sflag:s13] =	ssyncset.done $0x0  }
0x2cf: {  	s10 =	simm.s32 $0x1100;
	[sflag:s13] =	ssyncadd.s32 $0xFFFFC000  }
0x2d0: {  	[tilespmem:s20], [sflag:$0x2] =	stream.indirect.gather [spmem:s4], $0x80, s10, s19, $0xb8;
	[tilespmem:$0x1FF40] =	vst v63  }
0x2d1: {  	_ =	swait.ge [sflag:s21], $0x4000  }
0x2d2: {  	[sflag:s21] =	ssyncset.done $0x0  }
0x2d3: {  	s11 =	simm.s32 $0x2C80;
	[sflag:s21] =	ssyncadd.s32 $0xFFFFC000  }
0x2d4: {  	[tilespmem:s8], [sflag:$0x4] =	stream.indirect.gather.add.f32 [spmem:s5], $0x80, s11, s19, $0xb8;
	[tilespmem:$0x1FF40] =	vst v63  }
0x2d5: {  	_ =	swait.ge [sflag:s28], $0x4000  }
0x2d6: {  	s12 =	sld [smem:$0x7E9]  }
0x2d7: {  	[sflag:s28] =	ssyncset.done $0x0  }
0x2d8: {  	[sflag:s28] =	ssyncadd.s32 $0xFFFFC000  }
0x2d9: {  	[hbm4b:s12+s6] =	stream.linear.scatter [tilespmem:s17], [sflag:$0x9], $0x4000, $0x38;
	[tilespmem:$0x1FF40] =	vst v63  }
0x2da: {  	_ =	swait.ge [sflag:s29], $0x4000  }
0x2db: {  	[sflag:s29] =	ssyncset.done $0x0  }
0x2dc: {  	s14 =	simm.s32 $0x1180;
	[sflag:s29] =	ssyncadd.s32 $0xFFFFC000  }
0x2dd: {  	[tilespmem:s17], [sflag:$0x3] =	stream.indirect.gather [hbm4b:s0+s19], $0x80, s14, s19, $0xb8;
	[tilespmem:$0x1FF40] =	vst v63  }
0x2de: {  	_ =	swait.ge [sflag:s22], $0x4000  }
0x2df: {  	[sflag:s22] =	ssyncset.done $0x0  }
0x2e0: {  	s15 =	simm.s32 $0x2D00;
	[sflag:s22] =	ssyncadd.s32 $0xFFFFC000  }
0x2e1: {  	[tilespmem:s20], [sflag:$0x5] =	stream.indirect.gather.add.f32 [spmem:s5], $0x80, s15, s19, $0xb8;
	[tilespmem:$0x1FF40] =	vst v63  }
0x2e2: {  	_ =	swait.ge [sflag:s23], $0x4000  }
0x2e3: {  	s16 =	sld [smem:$0x7EA]  }
0x2e4: {  	[sflag:s23] =	ssyncset.done $0x0  }
0x2e5: {  	[sflag:s23] =	ssyncadd.s32 $0xFFFFC000  }
0x2e6: {  	[hbm4b:s16+s6] =	stream.linear.scatter [tilespmem:s8], [sflag:$0x7], $0x4000, $0x38;
	[tilespmem:$0x1FF40] =	vst v63  }
0x2e7: {  	_ =	swait.ge [sflag:s24], $0x4000  }
0x2e8: {  	[sflag:s24] =	ssyncset.done $0x0  }
0x2e9: {  	s31 =	simm.s32 $0x1200;
	[sflag:s24] =	ssyncadd.s32 $0xFFFFC000  }
0x2ea: {  	[tilespmem:s8], [sflag:$0x1] =	stream.indirect.gather [spmem:s4], $0x80, s31, s19, $0xb8;
	[tilespmem:$0x1FF40] =	vst v63  }
0x2eb: {  	_ =	swait.ge [sflag:s25], $0x4000  }
0x2ec: {  	[sflag:s25] =	ssyncset.done $0x0  }
0x2ed: {  	s2 =	simm.s32 $0x2D80;
	[sflag:s25] =	ssyncadd.s32 $0xFFFFC000  }
0x2ee: {  	[tilespmem:s17], [sflag:$0x6] =	stream.indirect.gather.add.f32 [spmem:s5], $0x80, s2, s19, $0xb8;
	[tilespmem:$0x1FF40] =	vst v63  }
0x2ef: {  	_ =	swait.ge [sflag:s26], $0x4000  }
0x2f0: {  	s3 =	sld [smem:$0x7EB]  }
0x2f1: {  	[sflag:s26] =	ssyncset.done $0x0  }
0x2f2: {  	[sflag:s26] =	ssyncadd.s32 $0xFFFFC000  }
0x2f3: {  	[hbm4b:s3+s6] =	stream.linear.scatter [tilespmem:s20], [sflag:$0x8], $0x4000, $0x38;
	[tilespmem:$0x1FF40] =	vst v63  }
0x2f4: {  	_ =	swait.ge [sflag:s13], $0x4000  }
0x2f5: {  	[sflag:s13] =	ssyncset.done $0x0  }
0x2f6: {  	s10 =	simm.s32 $0x1280;
	[sflag:s13] =	ssyncadd.s32 $0xFFFFC000  }
0x2f7: {  	[tilespmem:s20], [sflag:$0x2] =	stream.indirect.gather [spmem:s4], $0x80, s10, s19, $0xb8;
	[tilespmem:$0x1FF40] =	vst v63  }
0x2f8: {  	_ =	swait.ge [sflag:s21], $0x4000  }
0x2f9: {  	[sflag:s21] =	ssyncset.done $0x0  }
0x2fa: {  	s11 =	simm.s32 $0x2E00;
	[sflag:s21] =	ssyncadd.s32 $0xFFFFC000  }
0x2fb: {  	[tilespmem:s8], [sflag:$0x4] =	stream.indirect.gather.add.f32 [spmem:s5], $0x80, s11, s19, $0xb8;
	[tilespmem:$0x1FF40] =	vst v63  }
0x2fc: {  	_ =	swait.ge [sflag:s28], $0x4000  }
0x2fd: {  	s12 =	sld [smem:$0x7EC]  }
0x2fe: {  	[sflag:s28] =	ssyncset.done $0x0  }
0x2ff: {  	[sflag:s28] =	ssyncadd.s32 $0xFFFFC000  }
0x300: {  	[hbm4b:s12+s6] =	stream.linear.scatter [tilespmem:s17], [sflag:$0x9], $0x4000, $0x38;
	[tilespmem:$0x1FF40] =	vst v63  }
0x301: {  	_ =	swait.ge [sflag:s29], $0x4000  }
0x302: {  	[sflag:s29] =	ssyncset.done $0x0  }
0x303: {  	s14 =	simm.s32 $0x1300;
	[sflag:s29] =	ssyncadd.s32 $0xFFFFC000  }
0x304: {  	[tilespmem:s17], [sflag:$0x3] =	stream.indirect.gather [spmem:s4], $0x80, s14, s19, $0xb8;
	[tilespmem:$0x1FF40] =	vst v63  }
0x305: {  	_ =	swait.ge [sflag:s22], $0x4000  }
0x306: {  	[sflag:s22] =	ssyncset.done $0x0  }
0x307: {  	s15 =	simm.s32 $0x2E80;
	[sflag:s22] =	ssyncadd.s32 $0xFFFFC000  }
0x308: {  	[tilespmem:s20], [sflag:$0x5] =	stream.indirect.gather.add.f32 [spmem:s5], $0x80, s15, s19, $0xb8;
	[tilespmem:$0x1FF40] =	vst v63  }
0x309: {  	_ =	swait.ge [sflag:s23], $0x4000  }
0x30a: {  	s16 =	sld [smem:$0x7ED]  }
0x30b: {  	[sflag:s23] =	ssyncset.done $0x0  }
0x30c: {  	[sflag:s23] =	ssyncadd.s32 $0xFFFFC000  }
0x30d: {  	[hbm4b:s16+s6] =	stream.linear.scatter [tilespmem:s8], [sflag:$0x7], $0x4000, $0x38;
	[tilespmem:$0x1FF40] =	vst v63  }
0x30e: {  	_ =	swait.ge [sflag:s24], $0x4000  }
0x30f: {  	[sflag:s24] =	ssyncset.done $0x0  }
0x310: {  	s31 =	simm.s32 $0x1380;
	[sflag:s24] =	ssyncadd.s32 $0xFFFFC000  }
0x311: {  	[tilespmem:s8], [sflag:$0x1] =	stream.indirect.gather [hbm4b:s0+s19], $0x80, s31, s19, $0xb8;
	[tilespmem:$0x1FF40] =	vst v63  }
0x312: {  	_ =	swait.ge [sflag:s25], $0x4000  }
0x313: {  	[sflag:s25] =	ssyncset.done $0x0  }
0x314: {  	s2 =	simm.s32 $0x2F00;
	[sflag:s25] =	ssyncadd.s32 $0xFFFFC000  }
0x315: {  	[tilespmem:s17], [sflag:$0x6] =	stream.indirect.gather.add.f32 [spmem:s5], $0x80, s2, s19, $0xb8;
	[tilespmem:$0x1FF40] =	vst v63  }
0x316: {  	_ =	swait.ge [sflag:s26], $0x4000  }
0x317: {  	s3 =	sld [smem:$0x7EE]  }
0x318: {  	[sflag:s26] =	ssyncset.done $0x0  }
0x319: {  	[sflag:s26] =	ssyncadd.s32 $0xFFFFC000  }
0x31a: {  	[hbm4b:s3+s6] =	stream.linear.scatter [tilespmem:s20], [sflag:$0x8], $0x4000, $0x38;
	[tilespmem:$0x1FF40] =	vst v63  }
0x31b: {  	_ =	swait.ge [sflag:s13], $0x4000  }
0x31c: {  	[sflag:s13] =	ssyncset.done $0x0  }
0x31d: {  	s10 =	simm.s32 $0x1400;
	[sflag:s13] =	ssyncadd.s32 $0xFFFFC000  }
0x31e: {  	[tilespmem:s20], [sflag:$0x2] =	stream.indirect.gather [spmem:s4], $0x80, s10, s19, $0xb8;
	[tilespmem:$0x1FF40] =	vst v63  }
0x31f: {  	_ =	swait.ge [sflag:s21], $0x4000  }
0x320: {  	[sflag:s21] =	ssyncset.done $0x0  }
0x321: {  	s11 =	simm.s32 $0x2F80;
	[sflag:s21] =	ssyncadd.s32 $0xFFFFC000  }
0x322: {  	[tilespmem:s8], [sflag:$0x4] =	stream.indirect.gather.add.f32 [spmem:s5], $0x80, s11, s19, $0xb8;
	[tilespmem:$0x1FF40] =	vst v63  }
0x323: {  	_ =	swait.ge [sflag:s28], $0x4000  }
0x324: {  	s12 =	sld [smem:$0x7EF]  }
0x325: {  	[sflag:s28] =	ssyncset.done $0x0  }
0x326: {  	[sflag:s28] =	ssyncadd.s32 $0xFFFFC000  }
0x327: {  	[hbm4b:s12+s6] =	stream.linear.scatter [tilespmem:s17], [sflag:$0x9], $0x4000, $0x38;
	[tilespmem:$0x1FF40] =	vst v63  }
0x328: {  	_ =	swait.ge [sflag:s29], $0x4000  }
0x329: {  	[sflag:s29] =	ssyncset.done $0x0  }
0x32a: {  	s14 =	simm.s32 $0x1480;
	[sflag:s29] =	ssyncadd.s32 $0xFFFFC000  }
0x32b: {  	[tilespmem:s17], [sflag:$0x3] =	stream.indirect.gather [spmem:s4], $0x80, s14, s19, $0xb8;
	[tilespmem:$0x1FF40] =	vst v63  }
0x32c: {  	_ =	swait.ge [sflag:s22], $0x4000  }
0x32d: {  	[sflag:s22] =	ssyncset.done $0x0  }
0x32e: {  	s15 =	simm.s32 $0x3000;
	[sflag:s22] =	ssyncadd.s32 $0xFFFFC000  }
0x32f: {  	[tilespmem:s20], [sflag:$0x5] =	stream.indirect.gather.add.f32 [spmem:s5], $0x80, s15, s19, $0xb8;
	[tilespmem:$0x1FF40] =	vst v63  }
0x330: {  	_ =	swait.ge [sflag:s23], $0x4000  }
0x331: {  	s16 =	sld [smem:$0x7F0]  }
0x332: {  	[sflag:s23] =	ssyncset.done $0x0  }
0x333: {  	[sflag:s23] =	ssyncadd.s32 $0xFFFFC000  }
0x334: {  	[hbm4b:s16+s6] =	stream.linear.scatter [tilespmem:s8], [sflag:$0x7], $0x4000, $0x38;
	[tilespmem:$0x1FF40] =	vst v63  }
0x335: {  	_ =	swait.ge [sflag:s24], $0x4000  }
0x336: {  	[sflag:s24] =	ssyncset.done $0x0  }
0x337: {  	s31 =	simm.s32 $0x1500;
	[sflag:s24] =	ssyncadd.s32 $0xFFFFC000  }
0x338: {  	[tilespmem:s8], [sflag:$0x1] =	stream.indirect.gather [spmem:s4], $0x80, s31, s19, $0xb8;
	[tilespmem:$0x1FF40] =	vst v63  }
0x339: {  	_ =	swait.ge [sflag:s25], $0x4000  }
0x33a: {  	[sflag:s25] =	ssyncset.done $0x0  }
0x33b: {  	s2 =	simm.s32 $0x3080;
	[sflag:s25] =	ssyncadd.s32 $0xFFFFC000  }
0x33c: {  	[tilespmem:s17], [sflag:$0x6] =	stream.indirect.gather.add.f32 [spmem:s5], $0x80, s2, s19, $0xb8;
	[tilespmem:$0x1FF40] =	vst v63  }
0x33d: {  	_ =	swait.ge [sflag:s26], $0x4000  }
0x33e: {  	s3 =	sld [smem:$0x7F1]  }
0x33f: {  	[sflag:s26] =	ssyncset.done $0x0  }
0x340: {  	[sflag:s26] =	ssyncadd.s32 $0xFFFFC000  }
0x341: {  	[hbm4b:s3+s6] =	stream.linear.scatter [tilespmem:s20], [sflag:$0x8], $0x4000, $0x38;
	[tilespmem:$0x1FF40] =	vst v63  }
0x342: {  	_ =	swait.ge [sflag:s13], $0x4000  }
0x343: {  	[sflag:s13] =	ssyncset.done $0x0  }
0x344: {  	s10 =	simm.s32 $0x1580;
	[sflag:s13] =	ssyncadd.s32 $0xFFFFC000  }
0x345: {  	[tilespmem:s20], [sflag:$0x2] =	stream.indirect.gather [hbm4b:s0+s19], $0x80, s10, s19, $0xb8;
	[tilespmem:$0x1FF40] =	vst v63  }
0x346: {  	_ =	swait.ge [sflag:s21], $0x4000  }
0x347: {  	[sflag:s21] =	ssyncset.done $0x0  }
0x348: {  	s11 =	simm.s32 $0x3100;
	[sflag:s21] =	ssyncadd.s32 $0xFFFFC000  }
0x349: {  	[tilespmem:s8], [sflag:$0x4] =	stream.indirect.gather.add.f32 [spmem:s5], $0x80, s11, s19, $0xb8;
	[tilespmem:$0x1FF40] =	vst v63  }
0x34a: {  	_ =	swait.ge [sflag:s28], $0x4000  }
0x34b: {  	s12 =	sld [smem:$0x7F2]  }
0x34c: {  	[sflag:s28] =	ssyncset.done $0x0  }
0x34d: {  	[sflag:s28] =	ssyncadd.s32 $0xFFFFC000  }
0x34e: {  	[hbm4b:s12+s6] =	stream.linear.scatter [tilespmem:s17], [sflag:$0x9], $0x4000, $0x38;
	[tilespmem:$0x1FF40] =	vst v63  }
0x34f: {  	_ =	swait.ge [sflag:s29], $0x4000  }
0x350: {  	[sflag:s29] =	ssyncset.done $0x0  }
0x351: {  	s14 =	simm.s32 $0x1600;
	[sflag:s29] =	ssyncadd.s32 $0xFFFFC000  }
0x352: {  	[tilespmem:s17], [sflag:$0x3] =	stream.indirect.gather [spmem:s4], $0x80, s14, s19, $0xb8;
	[tilespmem:$0x1FF40] =	vst v63  }
0x353: {  	_ =	swait.ge [sflag:s22], $0x4000  }
0x354: {  	[sflag:s22] =	ssyncset.done $0x0  }
0x355: {  	s15 =	simm.s32 $0x3180;
	[sflag:s22] =	ssyncadd.s32 $0xFFFFC000  }
0x356: {  	[tilespmem:s20], [sflag:$0x5] =	stream.indirect.gather.add.f32 [spmem:s5], $0x80, s15, s19, $0xb8;
	[tilespmem:$0x1FF40] =	vst v63  }
0x357: {  	_ =	swait.ge [sflag:s23], $0x4000  }
0x358: {  	s16 =	sld [smem:$0x7F3]  }
0x359: {  	[sflag:s23] =	ssyncset.done $0x0  }
0x35a: {  	[sflag:s23] =	ssyncadd.s32 $0xFFFFC000  }
0x35b: {  	[hbm4b:s16+s6] =	stream.linear.scatter [tilespmem:s8], [sflag:$0x7], $0x4000, $0x38;
	[tilespmem:$0x1FF40] =	vst v63  }
0x35c: {  	_ =	swait.ge [sflag:s24], $0x4000  }
0x35d: {  	[sflag:s24] =	ssyncset.done $0x0  }
0x35e: {  	s31 =	simm.s32 $0x1680;
	[sflag:s24] =	ssyncadd.s32 $0xFFFFC000  }
0x35f: {  	[tilespmem:s8], [sflag:$0x1] =	stream.indirect.gather [spmem:s4], $0x80, s31, s19, $0xb8;
	[tilespmem:$0x1FF40] =	vst v63  }
0x360: {  	_ =	swait.ge [sflag:s25], $0x4000  }
0x361: {  	[sflag:s25] =	ssyncset.done $0x0  }
0x362: {  	s2 =	simm.s32 $0x3200;
	[sflag:s25] =	ssyncadd.s32 $0xFFFFC000  }
0x363: {  	[tilespmem:s17], [sflag:$0x6] =	stream.indirect.gather.add.f32 [spmem:s5], $0x80, s2, s19, $0xb8;
	[tilespmem:$0x1FF40] =	vst v63  }
0x364: {  	_ =	swait.ge [sflag:s26], $0x4000  }
0x365: {  	s3 =	sld [smem:$0x7F4]  }
0x366: {  	[sflag:s26] =	ssyncset.done $0x0  }
0x367: {  	[sflag:s26] =	ssyncadd.s32 $0xFFFFC000  }
0x368: {  	[hbm4b:s3+s6] =	stream.linear.scatter [tilespmem:s20], [sflag:$0x8], $0x4000, $0x38;
	[tilespmem:$0x1FF40] =	vst v63  }
0x369: {  	_ =	swait.ge [sflag:s13], $0x4000  }
0x36a: {  	[sflag:s13] =	ssyncset.done $0x0  }
0x36b: {  	s10 =	simm.s32 $0x1700;
	[sflag:s13] =	ssyncadd.s32 $0xFFFFC000  }
0x36c: {  	[tilespmem:s20], [sflag:$0x2] =	stream.indirect.gather [spmem:s4], $0x80, s10, s19, $0xb8;
	[tilespmem:$0x1FF40] =	vst v63  }
0x36d: {  	_ =	swait.ge [sflag:s21], $0x4000  }
0x36e: {  	[sflag:s21] =	ssyncset.done $0x0  }
0x36f: {  	s11 =	simm.s32 $0x3280;
	[sflag:s21] =	ssyncadd.s32 $0xFFFFC000  }
0x370: {  	[tilespmem:s8], [sflag:$0x4] =	stream.indirect.gather.add.f32 [spmem:s5], $0x80, s11, s19, $0xb8;
	[tilespmem:$0x1FF40] =	vst v63  }
0x371: {  	_ =	swait.ge [sflag:s28], $0x4000  }
0x372: {  	s12 =	sld [smem:$0x7F5]  }
0x373: {  	[sflag:s28] =	ssyncset.done $0x0  }
0x374: {  	[sflag:s28] =	ssyncadd.s32 $0xFFFFC000  }
0x375: {  	[hbm4b:s12+s6] =	stream.linear.scatter [tilespmem:s17], [sflag:$0x9], $0x4000, $0x38;
	[tilespmem:$0x1FF40] =	vst v63  }
0x376: {  	_ =	swait.ge [sflag:s29], $0x4000  }
0x377: {  	[sflag:s29] =	ssyncset.done $0x0  }
0x378: {  	s14 =	simm.s32 $0x1780;
	[sflag:s29] =	ssyncadd.s32 $0xFFFFC000  }
0x379: {  	[tilespmem:s17], [sflag:$0x3] =	stream.indirect.gather [hbm4b:s0+s19], $0x80, s14, s19, $0xb8;
	[tilespmem:$0x1FF40] =	vst v63  }
0x37a: {  	_ =	swait.ge [sflag:s22], $0x4000  }
0x37b: {  	[sflag:s22] =	ssyncset.done $0x0  }
0x37c: {  	s15 =	simm.s32 $0x3300;
	[sflag:s22] =	ssyncadd.s32 $0xFFFFC000  }
0x37d: {  	[tilespmem:s20], [sflag:$0x5] =	stream.indirect.gather.add.f32 [spmem:s5], $0x80, s15, s19, $0xb8;
	[tilespmem:$0x1FF40] =	vst v63  }
0x37e: {  	_ =	swait.ge [sflag:s23], $0x4000  }
0x37f: {  	s16 =	sld [smem:$0x7F6]  }
0x380: {  	[sflag:s23] =	ssyncset.done $0x0  }
0x381: {  	[sflag:s23] =	ssyncadd.s32 $0xFFFFC000  }
0x382: {  	[hbm4b:s16+s6] =	stream.linear.scatter [tilespmem:s8], [sflag:$0x7], $0x4000, $0x38;
	[tilespmem:$0x1FF40] =	vst v63  }
0x383: {  	_ =	swait.ge [sflag:s24], $0x4000  }
0x384: {  	[sflag:s24] =	ssyncset.done $0x0  }
0x385: {  	s31 =	simm.s32 $0x1800;
	[sflag:s24] =	ssyncadd.s32 $0xFFFFC000  }
0x386: {  	[tilespmem:s8], [sflag:$0x1] =	stream.indirect.gather [spmem:s4], $0x80, s31, s19, $0xb8;
	[tilespmem:$0x1FF40] =	vst v63  }
0x387: {  	_ =	swait.ge [sflag:s25], $0x4000  }
0x388: {  	[sflag:s25] =	ssyncset.done $0x0  }
0x389: {  	s2 =	simm.s32 $0x3380;
	[sflag:s25] =	ssyncadd.s32 $0xFFFFC000  }
0x38a: {  	[tilespmem:s17], [sflag:$0x6] =	stream.indirect.gather.add.f32 [spmem:s5], $0x80, s2, s19, $0xb8;
	[tilespmem:$0x1FF40] =	vst v63  }
0x38b: {  	_ =	swait.ge [sflag:s26], $0x4000  }
0x38c: {  	s3 =	sld [smem:$0x7F7]  }
0x38d: {  	[sflag:s26] =	ssyncset.done $0x0  }
0x38e: {  	[sflag:s26] =	ssyncadd.s32 $0xFFFFC000  }
0x38f: {  	[hbm4b:s3+s6] =	stream.linear.scatter [tilespmem:s20], [sflag:$0x8], $0x4000, $0x38;
	[tilespmem:$0x1FF40] =	vst v63  }
0x390: {  	_ =	swait.ge [sflag:s13], $0x4000  }
0x391: {  	[sflag:s13] =	ssyncset.done $0x0  }
0x392: {  	s10 =	simm.s32 $0x1880;
	[sflag:s13] =	ssyncadd.s32 $0xFFFFC000  }
0x393: {  	[tilespmem:s20], [sflag:$0x2] =	stream.indirect.gather [spmem:s4], $0x80, s10, s19, $0xb8;
	[tilespmem:$0x1FF40] =	vst v63  }
0x394: {  	_ =	swait.ge [sflag:s21], $0x4000  }
0x395: {  	[sflag:s21] =	ssyncset.done $0x0  }
0x396: {  	s11 =	simm.s32 $0x3400;
	[sflag:s21] =	ssyncadd.s32 $0xFFFFC000  }
0x397: {  	[tilespmem:s8], [sflag:$0x4] =	stream.indirect.gather.add.f32 [spmem:s5], $0x80, s11, s19, $0xb8;
	[tilespmem:$0x1FF40] =	vst v63  }
0x398: {  	_ =	swait.ge [sflag:s28], $0x4000  }
0x399: {  	s12 =	sld [smem:$0x7F8]  }
0x39a: {  	[sflag:s28] =	ssyncset.done $0x0  }
0x39b: {  	[sflag:s28] =	ssyncadd.s32 $0xFFFFC000  }
0x39c: {  	[hbm4b:s12+s6] =	stream.linear.scatter [tilespmem:s17], [sflag:$0x9], $0x4000, $0x38;
	[tilespmem:$0x1FF40] =	vst v63  }
0x39d: {  	_ =	swait.ge [sflag:s22], $0x4000  }
0x39e: {  	[sflag:s22] =	ssyncset.done $0x0  }
0x39f: {  	s14 =	simm.s32 $0x3480;
	[sflag:s22] =	ssyncadd.s32 $0xFFFFC000  }
0x3a0: {  	[tilespmem:s20], [sflag:$0x5] =	stream.indirect.gather.add.f32 [spmem:s5], $0x80, s14, s19, $0xb8;
	[tilespmem:$0x1FF40] =	vst v63  }
0x3a1: {  	_ =	swait.ge [sflag:s23], $0x4000  }
0x3a2: {  	s15 =	sld [smem:$0x7F9]  }
0x3a3: {  	[sflag:s23] =	ssyncset.done $0x0  }
0x3a4: {  	[sflag:s23] =	ssyncadd.s32 $0xFFFFC000  }
0x3a5: {  	[hbm4b:s15+s6] =	stream.linear.scatter [tilespmem:s8], [sflag:$0x7], $0x4000, $0x38;
	[tilespmem:$0x1FF40] =	vst v63  }
0x3a6: {  	_ =	swait.ge [sflag:s26], $0x4000  }
0x3a7: {  	s16 =	sld [smem:$0x7FA]  }
0x3a8: {  	[sflag:s26] =	ssyncset.done $0x0  }
0x3a9: {  	[sflag:s26] =	ssyncadd.s32 $0xFFFFC000  }
0x3aa: {  	[hbm4b:s16+s6] =	stream.linear.scatter [tilespmem:s20], [sflag:$0x8], $0x4000, $0x38;
	[tilespmem:$0x1FF40] =	vst v63  }
0x3ab: {  	_ =	swait.ge [sflag:s29], $0x4000  }
0x3ac: {  	[sflag:s29] =	ssyncset.done $0x0  }
0x3ad: {  	[sflag:s29] =	ssyncadd.s32 $0xFFFFC000  }
0x3ae: {  	_ =	swait.ge [sflag:s24], $0x4000  }
0x3af: {  	[sflag:s24] =	ssyncset.done $0x0  }
0x3b0: {  	[sflag:s24] =	ssyncadd.s32 $0xFFFFC000  }
0x3b1: {  	_ =	swait.ge [sflag:s13], $0x4000  }
0x3b2: {  	s31 =	sld [smem:$0x7FB];
	_ =	sdelay $0x1  }
0x3b3: {  	s30 =	sadd.s32 $0x1, s30  }
0x3b4: {  	p1 =	sne.s32 s30, s31  }
.Ltmp2:
0x3b5: {  	_ = 	snop;
	(pc) =	sbr.rel @p1 .LBB2_1-.Ltmp2, $3  }
0x3b6: {  	_ =	sdelay $0x1  }
0x3b7: {  	[sflag:s13] =	ssyncset.done $0x0  }
0x3b8: {  	[sflag:s13] =	ssyncadd.s32 $0xFFFFC000  }
0x3b9: {  	_ =	sfence.sel $0x180000  }
0x3ba: {  	[bflag:$0x0] =	sbarrier.arrive $0xFFFF  }
0x3bb: {  	_ =	strace $0x90000047  }
0x3bc: {  	[bflag:$0x2] =	sbarrier.arrive $0xFFFF  }
0x3bd: {  	s0 =	rddreg [dreg:$0x7]  }
0x3be: {  	s0 =	sadd.s32 @!p0 $0x100000, s0  }
0x3bf: {  	[sflag:s0] =	ssyncadd.tile.s32 @!p0 $0x1;
	_ =	shalt  }
.Lfunc_end2:
_tile_overlayer_lowered:
.L_overlay_start_2:
0x3c0: {  	(tag) =	ssettag $0x2  }
0x3c1: {  	s0 =	rddreg [dreg:$0x0];
	s2 =	stileid.u32  }
0x3c2: {  	s1 =	rddreg [dreg:$0x1];
	p0 =	sne.s32 s2, $0x0  }
0x3c3: {  	s3 =	rddreg [dreg:$0x2];
	[bflag:$0x3] =	sbarrier.arrive $0xFFFF;
	s2 =	simm.s32 @!p0 $0x1C0A  }
0x3c4: {  	[timem:s3], [sflag:s2] =	dma.local @!p0 [hbm:s0], s1  }
0x3c5: {  	s0 =	simm.s32 @!p0 $0xA  }
0x3c6: {  	_ =	swait.ge @!p0 [sflag:s0], s1  }
0x3c7: {  	s1 =	ssub.s32 @!p0 $0x0, s1;
	[sflag:s0] =	ssyncset.done @!p0 $0x0  }
0x3c8: {  	[sflag:s0] =	ssyncadd.s32 @!p0 s1  }
0x3c9: {  	[bflag:$0x3] =	sbarrier.arrive $0xFFFF  }
0x3ca: {  	_ =	shalt  }

</sc_bundles>
